<compile_context>
chip_gen: v7x
topology: tpu7x:2x2x1
jax: 0.10.2.dev20260603
libtpu: 0.0.44.dev20260713+nightly
codegen_flags: <defaults>
</compile_context>

<pallas_src>
import functools

import jax
import jax.numpy as jnp
from jax import lax
from jax.experimental import pallas as pl
from jax.experimental.pallas import tpu as pltpu
from jax.experimental.pallas import tpu_sc as plsc

N = 10000
E = 320000
G = 512
NP = 10240
BLK = 1280
NBLK = NP // BLK
NBE = 80
NBE2 = 160
EPW = NBE * 128
EP = 32 * EPW
NBB = 3
BP = 32 * NBB * 128
CNT_PAD = 640
ROWS_PER_TILE = NP // 16

_f32 = jnp.float32
_i32 = jnp.int32


def _mmw(a, w):
    return jnp.dot(a.astype(jnp.bfloat16), w.astype(jnp.bfloat16),
                   preferred_element_type=_f32)



def _tc1_body(bx, ts, x, tw, tb, w0, deg, g_o, o0_o):
    i = pl.program_id(0)
    rows = lax.broadcasted_iota(_i32, (BLK, 1), 0) + i * BLK
    m = (rows < N).astype(_f32)
    rt = jnp.cos(ts[...] * tw[...] + tb[...])
    r64 = lax.broadcasted_iota(_i32, (64, 128), 0)
    c64 = lax.broadcasted_iota(_i32, (64, 128), 1)
    p1 = (c64 == r64).astype(_f32)
    r32 = lax.broadcasted_iota(_i32, (32, 128), 0)
    c32 = lax.broadcasted_iota(_i32, (32, 128), 1)
    p2 = (c32 == r32 + 64).astype(_f32)
    p3 = (c32 == r32 + 96).astype(_f32)
    h = (jnp.dot(bx[...], p1, preferred_element_type=_f32, precision=lax.Precision.HIGHEST)
         + jnp.dot(rt, p2, preferred_element_type=_f32, precision=lax.Precision.HIGHEST)
         + jnp.dot(x[...], p3, preferred_element_type=_f32, precision=lax.Precision.HIGHEST))
    h = h * m
    d = deg[...]
    dis = jnp.where(d > 0, 1.0 / jnp.sqrt(jnp.maximum(d, 1e-12)), 0.0)
    g_o[...] = dis * h
    o0_o[...] = _mmw(h, w0[...])


def _tc1(bx, ts, x, tw, tb, w0, deg):
    return pl.pallas_call(
        _tc1_body,
        grid=(NBLK,),
        in_specs=[
            pl.BlockSpec((BLK, 64), lambda i: (i, 0)),
            pl.BlockSpec((BLK, 1), lambda i: (i, 0)),
            pl.BlockSpec((BLK, 32), lambda i: (i, 0)),
            pl.BlockSpec((1, 32), lambda i: (0, 0)),
            pl.BlockSpec((1, 32), lambda i: (0, 0)),
            pl.BlockSpec((128, 128), lambda i: (0, 0)),
            pl.BlockSpec((BLK, 1), lambda i: (i, 0)),
        ],
        out_specs=[pl.BlockSpec((BLK, 128), lambda i: (i, 0))] * 2,
        out_shape=[jax.ShapeDtypeStruct((NP, 128), _f32)] * 2,
    )(bx, ts, x, tw, tb, w0, deg)



def _tc2_body(s0, s1, deg, o0, w1, tb, wk, wq, wv, h1_o, k_o, q_o, v_o):
    i = pl.program_id(0)
    rows = lax.broadcasted_iota(_i32, (BLK, 1), 0) + i * BLK
    m = (rows < N).astype(_f32)
    d = deg[...]
    dis = jnp.where(d > 0, 1.0 / jnp.sqrt(jnp.maximum(d, 1e-12)), 0.0)
    sp = jnp.reshape(s0[...], (BLK, 128)) + jnp.reshape(s1[...], (BLK, 128))
    hp = dis * sp
    h1 = o0[...] + _mmw(hp, w1[...]) + tb[...]
    h1 = h1 * m
    h1_o[...] = h1
    k_o[...] = _mmw(h1, wk[...])
    q_o[...] = _mmw(h1, wq[...])
    v_o[...] = _mmw(h1, wv[...])


def _tc2(s_parts, deg, o0, w1, tb, wk, wq, wv):
    return pl.pallas_call(
        _tc2_body,
        grid=(NBLK,),
        in_specs=[
            pl.BlockSpec((1, BLK, 128), lambda i: (0, i, 0)),
            pl.BlockSpec((1, BLK, 128), lambda i: (1, i, 0)),
            pl.BlockSpec((BLK, 1), lambda i: (i, 0)),
            pl.BlockSpec((BLK, 128), lambda i: (i, 0)),
            pl.BlockSpec((128, 128), lambda i: (0, 0)),
            pl.BlockSpec((1, 128), lambda i: (0, 0)),
            pl.BlockSpec((128, 128), lambda i: (0, 0)),
            pl.BlockSpec((128, 128), lambda i: (0, 0)),
            pl.BlockSpec((128, 128), lambda i: (0, 0)),
        ],
        out_specs=[pl.BlockSpec((BLK, 128), lambda i: (i, 0))] * 4,
        out_shape=[jax.ShapeDtypeStruct((NP, 128), _f32)] * 4,
    )(s_parts, s_parts, deg, o0, w1, tb, wk, wq, wv)



def _tc3_body(cnt, a0, a1, h1b, ws, rgb, w1, b1, w2, b2, out, xa, xh):
    i = pl.program_id(0)

    @pl.when(i == 0)
    def _():
        xa[...] = jnp.zeros((G, 128), _f32)
        xh[...] = jnp.zeros((G, 128), _f32)

    rg = lax.broadcasted_iota(_i32, (G, G), 0)
    cg = lax.broadcasted_iota(_i32, (G, G), 1)
    tri = (cg < rg).astype(_f32)
    roots_f = jnp.dot(tri, cnt[...], preferred_element_type=_f32, precision=lax.Precision.HIGHEST)
    roots = jnp.minimum(roots_f.astype(_i32), N - 1)
    cols = lax.broadcasted_iota(_i32, (G, BLK), 1) + i * BLK
    oh = (cols == roots).astype(_f32)
    ab = jnp.reshape(a0[...], (BLK, 128)) + jnp.reshape(a1[...], (BLK, 128))
    xa[...] += jnp.dot(oh, ab, preferred_element_type=_f32, precision=lax.Precision.HIGHEST)
    xh[...] += jnp.dot(oh, h1b[...], preferred_element_type=_f32, precision=lax.Precision.HIGHEST)

    @pl.when(i == NBLK - 1)
    def _():
        h2r = xa[...] + _mmw(xh[...], ws[...]) + rgb[...]
        hid = jnp.maximum(_mmw(h2r, w1[...]) + b1[...], 0.0)
        out[...] = _mmw(hid, w2[...]) + b2[...]


def _tc3(cnt, agg_parts, h1, ws, rgb, w1, b1, w2, b2):
    return pl.pallas_call(
        _tc3_body,
        grid=(NBLK,),
        in_specs=[
            pl.BlockSpec((G, 1), lambda i: (0, 0)),
            pl.BlockSpec((1, BLK, 128), lambda i: (0, i, 0)),
            pl.BlockSpec((1, BLK, 128), lambda i: (1, i, 0)),
            pl.BlockSpec((BLK, 128), lambda i: (i, 0)),
            pl.BlockSpec((128, 128), lambda i: (0, 0)),
            pl.BlockSpec((1, 128), lambda i: (0, 0)),
            pl.BlockSpec((128, 128), lambda i: (0, 0)),
            pl.BlockSpec((1, 128), lambda i: (0, 0)),
            pl.BlockSpec((128, 1), lambda i: (0, 0)),
            pl.BlockSpec((1, 1), lambda i: (0, 0)),
        ],
        out_specs=pl.BlockSpec((G, 1), lambda i: (0, 0)),
        out_shape=jax.ShapeDtypeStruct((G, 1), _f32),
        scratch_shapes=[pltpu.VMEM((G, 128), _f32), pltpu.VMEM((G, 128), _f32)],
    )(cnt, agg_parts, agg_parts, h1, ws, rgb, w1, b1, w2, b2)



_MESH = plsc.VectorSubcoreMesh(core_axis_name="c", subcore_axis_name="s")


def _zero_vmem_2d(buf, rows):
    def zb(i, _):
        for t in range(8):
            buf[i, pl.ds(t * 16, 16)] = jnp.zeros((16,), _f32)
        return 0
    lax.fori_loop(0, rows, zb, 0)


def _sc_degcnt_body(dst_w, bv_w, deg_out, cnt_out, deg_sp, cnt_sp, idx_v,
                    bidx_v, ones_v, zbuf):
    c = lax.axis_index("c")
    s = lax.axis_index("s")
    for t in range(ROWS_PER_TILE // 16):
        zbuf[pl.ds(t * 16, 16)] = jnp.zeros((16,), _f32)
    for t in range(8):
        ones_v[pl.ds(t * 16, 16)] = jnp.full((16,), 1.0, _f32)
    pltpu.sync_copy(zbuf, deg_sp.at[pl.ds(s * ROWS_PER_TILE, ROWS_PER_TILE)])

    @pl.when(s == 0)
    def _():
        pltpu.sync_copy(zbuf.at[pl.ds(0, CNT_PAD)], cnt_sp)

    pltpu.sync_copy(dst_w.at[c, s], idx_v)
    pltpu.sync_copy(bv_w.at[c, s], bidx_v)
    plsc.subcore_barrier()

    def body(j, carry):
        pltpu.sync_copy(ones_v, deg_sp.at[idx_v.at[j]], add=True)
        return carry
    lax.fori_loop(0, NBE, body, 0)
    for j in range(NBB):
        pltpu.sync_copy(ones_v, cnt_sp.at[bidx_v.at[j]], add=True)
    plsc.subcore_barrier()

    pltpu.sync_copy(deg_sp.at[pl.ds(s * ROWS_PER_TILE, ROWS_PER_TILE)], zbuf)
    pltpu.sync_copy(zbuf, deg_out.at[c, pl.ds(s * ROWS_PER_TILE, ROWS_PER_TILE)])

    @pl.when(s == 0)
    def _():
        pltpu.sync_copy(cnt_sp, zbuf.at[pl.ds(0, CNT_PAD)])
        pltpu.sync_copy(zbuf.at[pl.ds(0, CNT_PAD)], cnt_out.at[c])


@functools.partial(
    pl.kernel,
    out_type=(jax.ShapeDtypeStruct((2, NP), _f32),
              jax.ShapeDtypeStruct((2, CNT_PAD), _f32)),
    mesh=_MESH,
    scratch_types=[
        pltpu.VMEM_SHARED((NP,), _f32),
        pltpu.VMEM_SHARED((CNT_PAD,), _f32),
        pltpu.VMEM((NBE, 128), _i32),
        pltpu.VMEM((NBB, 128), _i32),
        pltpu.VMEM((128,), _f32),
        pltpu.VMEM((ROWS_PER_TILE,), _f32),
    ],
)
def _sparse_degcnt(*args):
    _sc_degcnt_body(*args)


def _sc_round1_body(g_hbm, src_w, dst_w, s_out, acc_sp, sidx, didx, gbuf):
    c = lax.axis_index("c")
    s = lax.axis_index("s")
    _zero_vmem_2d(gbuf, 128)
    for t in range(ROWS_PER_TILE // 128):
        pltpu.sync_copy(gbuf, acc_sp.at[pl.ds(s * ROWS_PER_TILE + t * 128, 128)])
    plsc.subcore_barrier()

    def outer(jo, carry):
        pltpu.sync_copy(src_w.at[c, s, pl.ds(jo * 16, 16)], sidx)
        pltpu.sync_copy(dst_w.at[c, s, pl.ds(jo * 16, 16)], didx)

        def body(j, ic):
            pltpu.sync_copy(g_hbm.at[sidx.at[j]], gbuf)
            pltpu.sync_copy(gbuf, acc_sp.at[didx.at[j]], add=True)
            return ic
        lax.fori_loop(0, 16, body, 0)
        return carry
    lax.fori_loop(0, NBE // 16, outer, 0)
    plsc.subcore_barrier()

    for t in range(ROWS_PER_TILE // 128):
        r0 = s * ROWS_PER_TILE + t * 128
        pltpu.sync_copy(acc_sp.at[pl.ds(r0, 128)], gbuf)
        pltpu.sync_copy(gbuf, s_out.at[c, pl.ds(r0, 128)])


@functools.partial(
    pl.kernel,
    out_type=jax.ShapeDtypeStruct((2, NP, 128), _f32),
    mesh=_MESH,
    scratch_types=[
        pltpu.VMEM_SHARED((NP, 128), _f32),
        pltpu.VMEM((16, 128), _i32),
        pltpu.VMEM((16, 128), _i32),
        pltpu.VMEM((128, 128), _f32),
    ],
)
def _sparse_round1(*args):
    _sc_round1_body(*args)


def _sc_round2_body(k_hbm, q_hbm, v_hbm, src_w, dst_w, agg_out, acc_sp,
                    sidx, didx, kb, qb):
    c = lax.axis_index("c")
    s = lax.axis_index("s")
    _zero_vmem_2d(kb, 64)
    for t in range(ROWS_PER_TILE // 64):
        pltpu.sync_copy(kb, acc_sp.at[pl.ds(s * ROWS_PER_TILE + t * 64, 64)])
    plsc.subcore_barrier()

    def outer(jo, carry):
        pltpu.sync_copy(src_w.at[c, s, pl.ds(jo * 16, 16)], sidx)
        pltpu.sync_copy(dst_w.at[c, s, pl.ds(jo * 16, 16)], didx)

        def body(j, ic):
            pltpu.sync_copy(k_hbm.at[didx.at[j]], kb)
            pltpu.sync_copy(q_hbm.at[sidx.at[j]], qb)

            def rowf1(i, rc):
                for t in range(8):
                    slc = pl.ds(t * 16, 16)
                    xx = kb[i, slc] + qb[i, slc]
                    kb[i, slc] = 1.0 / (1.0 + jnp.exp(-xx))
                return rc
            lax.fori_loop(0, 64, rowf1, 0)
            pltpu.sync_copy(v_hbm.at[sidx.at[j]], qb)

            def rowf2(i, rc):
                for t in range(8):
                    slc = pl.ds(t * 16, 16)
                    kb[i, slc] = kb[i, slc] * qb[i, slc]
                return rc
            lax.fori_loop(0, 64, rowf2, 0)
            pltpu.sync_copy(kb, acc_sp.at[didx.at[j]], add=True)
            return ic
        lax.fori_loop(0, 16, body, 0)
        return carry
    lax.fori_loop(0, NBE2 // 16, outer, 0)
    plsc.subcore_barrier()

    for t in range(ROWS_PER_TILE // 64):
        r0 = s * ROWS_PER_TILE + t * 64
        pltpu.sync_copy(acc_sp.at[pl.ds(r0, 64)], kb)
        pltpu.sync_copy(kb, agg_out.at[c, pl.ds(r0, 64)])


@functools.partial(
    pl.kernel,
    out_type=jax.ShapeDtypeStruct((2, NP, 128), _f32),
    mesh=_MESH,
    scratch_types=[
        pltpu.VMEM_SHARED((NP, 128), _f32),
        pltpu.VMEM((16, 64), _i32),
        pltpu.VMEM((16, 64), _i32),
        pltpu.VMEM((64, 128), _f32),
        pltpu.VMEM((64, 128), _f32),
    ],
)
def _sparse_round2(*args):
    _sc_round2_body(*args)



def kernel(batch_x, ts, x, last_update, edge_index, batch_vec, time_w, time_b,
           tag_w0, tag_w1, tag_b, rg_wk, rg_wq, rg_wv, rg_ws, rg_b,
           lp_w1, lp_b1, lp_w2, lp_b2):
    del last_update
    pe = jnp.arange(EP - E, dtype=_i32)
    src_p = jnp.concatenate([edge_index[0], N + (pe % 240)])
    dst_p = jnp.concatenate([edge_index[1], N + (pe % 240)])
    src_w = src_p.reshape(2, 16, NBE, 128)
    dst_w = dst_p.reshape(2, 16, NBE, 128)
    src_w2 = src_p.reshape(2, 16, NBE2, 64)
    dst_w2 = dst_p.reshape(2, 16, NBE2, 64)
    pb = jnp.arange(BP - N, dtype=_i32)
    bv_w = jnp.concatenate([batch_vec, G + (pb % 16)]).reshape(2, 16, NBB, 128)

    bx_p = jnp.pad(batch_x, ((0, NP - N), (0, 0)))
    ts_p = jnp.pad(ts, (0, NP - N))[:, None]
    x_p = jnp.pad(x, ((0, NP - N), (0, 0)))
    tw = time_w[None, :]
    tbc = time_b[None, :]
    tagb = tag_b[None, :]
    rgb = rg_b[None, :]
    b1 = lp_b1[None, :]
    b2 = lp_b2[None, :]

    deg2, cnt2 = _sparse_degcnt(dst_w, bv_w)
    deg = (deg2[0] + deg2[1])[:, None]
    cnt = (cnt2[0, :G] + cnt2[1, :G])[:, None]

    g, out0 = _tc1(bx_p, ts_p, x_p, tw, tbc, tag_w0, deg)

    s_parts = _sparse_round1(g, src_w, dst_w)

    h1, k, q, v = _tc2(s_parts, deg, out0, tag_w1, tagb, rg_wk, rg_wq, rg_wv)

    agg_parts = _sparse_round2(k, q, v, src_w2, dst_w2)

    return _tc3(cnt, agg_parts, h1, rg_ws, rgb, lp_w1, b1, lp_w2, b2)

# --- scband reference (transcript-rebuilt; emitter-appended) ---
"""Pipeline reference for scband-e2-emodel-9560597201635 (READ-ONLY COPY).

The authoritative reference and input builder live on the scoring server;
editing this copy changes nothing except your own understanding.
"""

import jax, jax.numpy as jnp
import numpy as np

N = 10000
E = 320000
D_RAW = 64
T_DIM = 32
M_DIM = 32
IN_CH = 128
EMB = 128
G = 512


def setup_inputs(seed: int = 0) -> dict:
    key = jax.random.key(seed)
    ks = jax.random.split(key, 24)
    s = lambda d: 1.0 / np.sqrt(d)
    inp = {}
    inp["batch_x"] = jax.random.normal(ks[0], (N, D_RAW), jnp.float32)
    inp["ts"] = jax.random.uniform(ks[1], (N,), jnp.float32)
    inp["x"] = jax.random.normal(ks[2], (N, M_DIM), jnp.float32)
    inp["last_update"] = jnp.zeros((N,), jnp.float32)
    inp["edge_index"] = jax.random.randint(ks[3], (2, E), 0, N, dtype=jnp.int32)
    inp["batch_vec"] = jnp.sort(jax.random.randint(ks[4], (N,), 0, G, dtype=jnp.int32))
    inp["time_w"] = jax.random.normal(ks[5], (T_DIM,), jnp.float32)
    inp["time_b"] = jax.random.normal(ks[6], (T_DIM,), jnp.float32)
    inp["tag_w0"] = jax.random.normal(ks[7], (IN_CH, EMB), jnp.float32) * s(IN_CH)
    inp["tag_w1"] = jax.random.normal(ks[8], (IN_CH, EMB), jnp.float32) * s(IN_CH)
    inp["tag_b"] = jnp.zeros((EMB,), jnp.float32)
    inp["rg_wk"] = jax.random.normal(ks[9], (EMB, EMB), jnp.float32) * s(EMB)
    inp["rg_wq"] = jax.random.normal(ks[10], (EMB, EMB), jnp.float32) * s(EMB)
    inp["rg_wv"] = jax.random.normal(ks[11], (EMB, EMB), jnp.float32) * s(EMB)
    inp["rg_ws"] = jax.random.normal(ks[12], (EMB, EMB), jnp.float32) * s(EMB)
    inp["rg_b"] = jnp.zeros((EMB,), jnp.float32)
    inp["lp_w1"] = jax.random.normal(ks[13], (EMB, EMB), jnp.float32) * s(EMB)
    inp["lp_b1"] = jnp.zeros((EMB,), jnp.float32)
    inp["lp_w2"] = jax.random.normal(ks[14], (EMB, 1), jnp.float32) * s(EMB)
    inp["lp_b2"] = jnp.zeros((1,), jnp.float32)
    return inp


def reference(batch_x, ts, x, last_update, edge_index, batch_vec, time_w, time_b,
              tag_w0, tag_w1, tag_b, rg_wk, rg_wq, rg_wv, rg_ws, rg_b,
              lp_w1, lp_b1, lp_w2, lp_b2):
    # time encoder: cos(ts * w + b)  (TGN-style)
    rel_t = jnp.cos(ts[:, None] * time_w[None, :] + time_b[None, :])
    h = jnp.concatenate([batch_x, rel_t, x], axis=-1)  # [N, IN_CH]
    src = edge_index[0]
    dst = edge_index[1]
    # TAGConv (K=1), gcn sym norm without self loops
    deg = jnp.zeros((N,), h.dtype).at[dst].add(1.0)
    dis = jnp.where(deg > 0, 1.0 / jnp.sqrt(jnp.maximum(deg, 1e-12)), 0.0)
    norm = dis[src] * dis[dst]
    out0 = h @ tag_w0
    hp = jnp.zeros((N, IN_CH), h.dtype).at[dst].add(norm[:, None] * h[src])
    h1 = out0 + hp @ tag_w1 + tag_b[None, :]
    # ResGatedGraphConv: out_i = W_s x_i + sum_j sigmoid(K x_i + Q x_j) * (V x_j)
    k_ = h1 @ rg_wk
    q_ = h1 @ rg_wq
    v_ = h1 @ rg_wv
    eta = jax.nn.sigmoid(k_[dst] + q_[src])
    agg = jnp.zeros((N, EMB), h.dtype).at[dst].add(eta * v_[src])
    h2 = agg + h1 @ rg_ws + rg_b[None, :]
    # root node per graph = first index of each consecutive batch segment
    roots = jnp.searchsorted(batch_vec, jnp.arange(G, dtype=batch_vec.dtype))
    xr = h2[roots]
    # link predictor MLP
    hid = jax.nn.relu(xr @ lp_w1 + lp_b1[None, :])
    return hid @ lp_w2 + lp_b2[None, :]

if __name__ == "__main__":
    import jax
    _d = setup_inputs()
    print(jax.jit(kernel)(*tuple(_d.values())))

</pallas_src>

<mosaic_0001>
#map = affine_map<(d0, d1) -> (0, 0)>
#map1 = affine_map<(d0, d1) -> (0, 0, 0, 0)>
#map2 = affine_map<(d0, d1) -> (0, 0, 0)>
module attributes {stable_mosaic.version = 14 : i64} {
  func.func @_sparse_round2(%arg0: i32, %arg1: i32, %arg2: memref<10240x128xf32, #tpu.memory_space<hbm>>, %arg3: memref<10240x128xf32, #tpu.memory_space<hbm>>, %arg4: memref<10240x128xf32, #tpu.memory_space<hbm>>, %arg5: memref<2x16x160x64xi32, #tpu.memory_space<hbm>>, %arg6: memref<2x16x160x64xi32, #tpu.memory_space<hbm>>, %arg7: memref<2x10240x128xf32, #tpu.memory_space<hbm>>, %arg8: memref<10240x128xf32, #tpu.memory_space<vmem_shared>>, %arg9: memref<16x64xi32, #tpu.memory_space<vmem>>, %arg10: memref<16x64xi32, #tpu.memory_space<vmem>>, %arg11: memref<64x128xf32, #tpu.memory_space<vmem>>, %arg12: memref<64x128xf32, #tpu.memory_space<vmem>>) attributes {dimension_semantics = [#tpu.dimension_semantics<core_parallel>, #tpu.dimension_semantics<subcore_parallel>], iteration_bounds = array<i64: 2, 16>, scalar_prefetch = 0 : i64, scratch_operands = 5 : i64, tpu.core_type = #tpu.core_type<sc_vector_subcore>, window_params = [{transform_indices = #map}, {transform_indices = #map}, {transform_indices = #map}, {transform_indices = #map1}, {transform_indices = #map1}, {transform_indices = #map2}]} {
    %scan3A = arith.constant 0 : i32
    %scan3A_0 = arith.constant 0 : i32
    %scan3A_1 = arith.constant 64 : i32
    %scan3A_2 = arith.addi %scan3A_0, %scan3A_1 : i32
    %scan3A_3 = arith.constant 1 : i32
    %scan3A_4 = scf.for %scan3A_91 = %scan3A_0 to %scan3A_2 step %scan3A_3 iter_args(%scan3A_92 = %scan3A) -> (i32)  : i32 {
      %broadcast_in_dim3A = arith.constant 0.000000e+00 : f32
      %broadcast_in_dim3A_93 = vector.broadcast %broadcast_in_dim3A : f32 to vector<16xf32>
      %swap3A = arith.index_cast %scan3A_91 : i32 to index
      %swap3A_94 = arith.constant 0 : index
      %swap3A_95 = tpu.vector_load %arg11[%swap3A, %swap3A_94] {strides = array<i32>} : memref<64x128xf32, #tpu.memory_space<vmem>>, vector<1x16xf32>,
      %swap3A_96 = vector.shape_cast %swap3A_95 : vector<1x16xf32> to vector<16xf32>
      %swap3A_97 = vector.shape_cast %broadcast_in_dim3A_93 : vector<16xf32> to vector<1x16xf32>
      tpu.vector_store %arg11[%swap3A, %swap3A_94], %swap3A_97 {strides = array<i32>} : memref<64x128xf32, #tpu.memory_space<vmem>>, vector<1x16xf32>,
      %broadcast_in_dim3A_98 = arith.constant 0.000000e+00 : f32
      %broadcast_in_dim3A_99 = vector.broadcast %broadcast_in_dim3A_98 : f32 to vector<16xf32>
      %swap3A_100 = arith.index_cast %scan3A_91 : i32 to index
      %swap3A_101 = arith.constant 16 : index
      %swap3A_102 = tpu.vector_load %arg11[%swap3A_100, %swap3A_101] {strides = array<i32>} : memref<64x128xf32, #tpu.memory_space<vmem>>, vector<1x16xf32>,
      %swap3A_103 = vector.shape_cast %swap3A_102 : vector<1x16xf32> to vector<16xf32>
      %swap3A_104 = vector.shape_cast %broadcast_in_dim3A_99 : vector<16xf32> to vector<1x16xf32>
      tpu.vector_store %arg11[%swap3A_100, %swap3A_101], %swap3A_104 {strides = array<i32>} : memref<64x128xf32, #tpu.memory_space<vmem>>, vector<1x16xf32>,
      %broadcast_in_dim3A_105 = arith.constant 0.000000e+00 : f32
      %broadcast_in_dim3A_106 = vector.broadcast %broadcast_in_dim3A_105 : f32 to vector<16xf32>
      %swap3A_107 = arith.index_cast %scan3A_91 : i32 to index
      %swap3A_108 = arith.constant 32 : index
      %swap3A_109 = tpu.vector_load %arg11[%swap3A_107, %swap3A_108] {strides = array<i32>} : memref<64x128xf32, #tpu.memory_space<vmem>>, vector<1x16xf32>,
      %swap3A_110 = vector.shape_cast %swap3A_109 : vector<1x16xf32> to vector<16xf32>
      %swap3A_111 = vector.shape_cast %broadcast_in_dim3A_106 : vector<16xf32> to vector<1x16xf32>
      tpu.vector_store %arg11[%swap3A_107, %swap3A_108], %swap3A_111 {strides = array<i32>} : memref<64x128xf32, #tpu.memory_space<vmem>>, vector<1x16xf32>,
      %broadcast_in_dim3A_112 = arith.constant 0.000000e+00 : f32
      %broadcast_in_dim3A_113 = vector.broadcast %broadcast_in_dim3A_112 : f32 to vector<16xf32>
      %swap3A_114 = arith.index_cast %scan3A_91 : i32 to index
      %swap3A_115 = arith.constant 48 : index
      %swap3A_116 = tpu.vector_load %arg11[%swap3A_114, %swap3A_115] {strides = array<i32>} : memref<64x128xf32, #tpu.memory_space<vmem>>, vector<1x16xf32>,
      %swap3A_117 = vector.shape_cast %swap3A_116 : vector<1x16xf32> to vector<16xf32>
      %swap3A_118 = vector.shape_cast %broadcast_in_dim3A_113 : vector<16xf32> to vector<1x16xf32>
      tpu.vector_store %arg11[%swap3A_114, %swap3A_115], %swap3A_118 {strides = array<i32>} : memref<64x128xf32, #tpu.memory_space<vmem>>, vector<1x16xf32>,
      %broadcast_in_dim3A_119 = arith.constant 0.000000e+00 : f32
      %broadcast_in_dim3A_120 = vector.broadcast %broadcast_in_dim3A_119 : f32 to vector<16xf32>
      %swap3A_121 = arith.index_cast %scan3A_91 : i32 to index
      %swap3A_122 = arith.constant 64 : index
      %swap3A_123 = tpu.vector_load %arg11[%swap3A_121, %swap3A_122] {strides = array<i32>} : memref<64x128xf32, #tpu.memory_space<vmem>>, vector<1x16xf32>,
      %swap3A_124 = vector.shape_cast %swap3A_123 : vector<1x16xf32> to vector<16xf32>
      %swap3A_125 = vector.shape_cast %broadcast_in_dim3A_120 : vector<16xf32> to vector<1x16xf32>
      tpu.vector_store %arg11[%swap3A_121, %swap3A_122], %swap3A_125 {strides = array<i32>} : memref<64x128xf32, #tpu.memory_space<vmem>>, vector<1x16xf32>,
      %broadcast_in_dim3A_126 = arith.constant 0.000000e+00 : f32
      %broadcast_in_dim3A_127 = vector.broadcast %broadcast_in_dim3A_126 : f32 to vector<16xf32>
      %swap3A_128 = arith.index_cast %scan3A_91 : i32 to index
      %swap3A_129 = arith.constant 80 : index
      %swap3A_130 = tpu.vector_load %arg11[%swap3A_128, %swap3A_129] {strides = array<i32>} : memref<64x128xf32, #tpu.memory_space<vmem>>, vector<1x16xf32>,
      %swap3A_131 = vector.shape_cast %swap3A_130 : vector<1x16xf32> to vector<16xf32>
      %swap3A_132 = vector.shape_cast %broadcast_in_dim3A_127 : vector<16xf32> to vector<1x16xf32>
      tpu.vector_store %arg11[%swap3A_128, %swap3A_129], %swap3A_132 {strides = array<i32>} : memref<64x128xf32, #tpu.memory_space<vmem>>, vector<1x16xf32>,
      %broadcast_in_dim3A_133 = arith.constant 0.000000e+00 : f32
      %broadcast_in_dim3A_134 = vector.broadcast %broadcast_in_dim3A_133 : f32 to vector<16xf32>
      %swap3A_135 = arith.index_cast %scan3A_91 : i32 to index
      %swap3A_136 = arith.constant 96 : index
      %swap3A_137 = tpu.vector_load %arg11[%swap3A_135, %swap3A_136] {strides = array<i32>} : memref<64x128xf32, #tpu.memory_space<vmem>>, vector<1x16xf32>,
      %swap3A_138 = vector.shape_cast %swap3A_137 : vector<1x16xf32> to vector<16xf32>
      %swap3A_139 = vector.shape_cast %broadcast_in_dim3A_134 : vector<16xf32> to vector<1x16xf32>
      tpu.vector_store %arg11[%swap3A_135, %swap3A_136], %swap3A_139 {strides = array<i32>} : memref<64x128xf32, #tpu.memory_space<vmem>>, vector<1x16xf32>,
      %broadcast_in_dim3A_140 = arith.constant 0.000000e+00 : f32
      %broadcast_in_dim3A_141 = vector.broadcast %broadcast_in_dim3A_140 : f32 to vector<16xf32>
      %swap3A_142 = arith.index_cast %scan3A_91 : i32 to index
      %swap3A_143 = arith.constant 112 : index
      %swap3A_144 = tpu.vector_load %arg11[%swap3A_142, %swap3A_143] {strides = array<i32>} : memref<64x128xf32, #tpu.memory_space<vmem>>, vector<1x16xf32>,
      %swap3A_145 = vector.shape_cast %swap3A_144 : vector<1x16xf32> to vector<16xf32>
      %swap3A_146 = vector.shape_cast %broadcast_in_dim3A_141 : vector<16xf32> to vector<1x16xf32>
      tpu.vector_store %arg11[%swap3A_142, %swap3A_143], %swap3A_146 {strides = array<i32>} : memref<64x128xf32, #tpu.memory_space<vmem>>, vector<1x16xf32>,
      %scan3A_147 = arith.constant 0 : i32
      scf.yield %scan3A_147 : i32
    }
    %scan3A_5 = arith.constant 64 : i32
    %mul3A = arith.constant 640 : i32
    %mul3A_6 = arith.muli %arg1, %mul3A : i32
    %add3A = arith.constant 0 : i32
    %add3A_7 = arith.addi %mul3A_6, %add3A : i32
    "tpu.region"() ({
      %run_scoped3A = tpu.sem_alloc : memref<!tpu.dma_semaphore, #tpu.memory_space<semaphore_mem>>
      %dma_start3A = arith.constant 0 : i32
      %dma_start3A_91 = tpu.memref_slice %arg8[%add3A_7, %dma_start3A] : memref<10240x128xf32, #tpu.memory_space<vmem_shared>> -> memref<64x128xf32, #tpu.memory_space<vmem_shared>>
      %dma_start3A_92 = arith.constant 0 : i32
      %dma_start3A_93 = tpu.memref_slice %arg8[%add3A_7, %dma_start3A_92] : memref<10240x128xf32, #tpu.memory_space<vmem_shared>> -> memref<64x128xf32, #tpu.memory_space<vmem_shared>>
      tpu.enqueue_dma source(%arg11 : memref<64x128xf32, #tpu.memory_space<vmem>>) target(%dma_start3A_93 : memref<64x128xf32, #tpu.memory_space<vmem_shared>>) target_semaphore(%run_scoped3A : memref<!tpu.dma_semaphore, #tpu.memory_space<semaphore_mem>>)
      %dma_wait3A = arith.constant 0 : i32
      %dma_wait3A_94 = tpu.memref_slice %arg8[%add3A_7, %dma_wait3A] : memref<10240x128xf32, #tpu.memory_space<vmem_shared>> -> memref<64x128xf32, #tpu.memory_space<vmem_shared>>
      %dma_wait3A_95 = arith.constant 0 : i32
      %dma_wait3A_96 = tpu.memref_slice %arg8[%add3A_7, %dma_wait3A_95] : memref<10240x128xf32, #tpu.memory_space<vmem_shared>> -> memref<64x128xf32, #tpu.memory_space<vmem_shared>>
      tpu.wait_dma2 semaphore(%run_scoped3A : memref<!tpu.dma_semaphore, #tpu.memory_space<semaphore_mem>>) src(%arg11 : memref<64x128xf32, #tpu.memory_space<vmem>>) dst(%dma_wait3A_96 : memref<64x128xf32, #tpu.memory_space<vmem_shared>>)
      tpu.yield
    }) : () -> ()
    %mul3A_8 = arith.constant 640 : i32
    %mul3A_9 = arith.muli %arg1, %mul3A_8 : i32
    %add3A_10 = arith.constant 64 : i32
    %add3A_11 = arith.addi %mul3A_9, %add3A_10 : i32
    "tpu.region"() ({
      %run_scoped3A = tpu.sem_alloc : memref<!tpu.dma_semaphore, #tpu.memory_space<semaphore_mem>>
      %dma_start3A = arith.constant 0 : i32
      %dma_start3A_91 = tpu.memref_slice %arg8[%add3A_11, %dma_start3A] : memref<10240x128xf32, #tpu.memory_space<vmem_shared>> -> memref<64x128xf32, #tpu.memory_space<vmem_shared>>
      %dma_start3A_92 = arith.constant 0 : i32
      %dma_start3A_93 = tpu.memref_slice %arg8[%add3A_11, %dma_start3A_92] : memref<10240x128xf32, #tpu.memory_space<vmem_shared>> -> memref<64x128xf32, #tpu.memory_space<vmem_shared>>
      tpu.enqueue_dma source(%arg11 : memref<64x128xf32, #tpu.memory_space<vmem>>) target(%dma_start3A_93 : memref<64x128xf32, #tpu.memory_space<vmem_shared>>) target_semaphore(%run_scoped3A : memref<!tpu.dma_semaphore, #tpu.memory_space<semaphore_mem>>)
      %dma_wait3A = arith.constant 0 : i32
      %dma_wait3A_94 = tpu.memref_slice %arg8[%add3A_11, %dma_wait3A] : memref<10240x128xf32, #tpu.memory_space<vmem_shared>> -> memref<64x128xf32, #tpu.memory_space<vmem_shared>>
      %dma_wait3A_95 = arith.constant 0 : i32
      %dma_wait3A_96 = tpu.memref_slice %arg8[%add3A_11, %dma_wait3A_95] : memref<10240x128xf32, #tpu.memory_space<vmem_shared>> -> memref<64x128xf32, #tpu.memory_space<vmem_shared>>
      tpu.wait_dma2 semaphore(%run_scoped3A : memref<!tpu.dma_semaphore, #tpu.memory_space<semaphore_mem>>) src(%arg11 : memref<64x128xf32, #tpu.memory_space<vmem>>) dst(%dma_wait3A_96 : memref<64x128xf32, #tpu.memory_space<vmem_shared>>)
      tpu.yield
    }) : () -> ()
    %mul3A_12 = arith.constant 640 : i32
    %mul3A_13 = arith.muli %arg1, %mul3A_12 : i32
    %add3A_14 = arith.constant 128 : i32
    %add3A_15 = arith.addi %mul3A_13, %add3A_14 : i32
    "tpu.region"() ({
      %run_scoped3A = tpu.sem_alloc : memref<!tpu.dma_semaphore, #tpu.memory_space<semaphore_mem>>
      %dma_start3A = arith.constant 0 : i32
      %dma_start3A_91 = tpu.memref_slice %arg8[%add3A_15, %dma_start3A] : memref<10240x128xf32, #tpu.memory_space<vmem_shared>> -> memref<64x128xf32, #tpu.memory_space<vmem_shared>>
      %dma_start3A_92 = arith.constant 0 : i32
      %dma_start3A_93 = tpu.memref_slice %arg8[%add3A_15, %dma_start3A_92] : memref<10240x128xf32, #tpu.memory_space<vmem_shared>> -> memref<64x128xf32, #tpu.memory_space<vmem_shared>>
      tpu.enqueue_dma source(%arg11 : memref<64x128xf32, #tpu.memory_space<vmem>>) target(%dma_start3A_93 : memref<64x128xf32, #tpu.memory_space<vmem_shared>>) target_semaphore(%run_scoped3A : memref<!tpu.dma_semaphore, #tpu.memory_space<semaphore_mem>>)
      %dma_wait3A = arith.constant 0 : i32
      %dma_wait3A_94 = tpu.memref_slice %arg8[%add3A_15, %dma_wait3A] : memref<10240x128xf32, #tpu.memory_space<vmem_shared>> -> memref<64x128xf32, #tpu.memory_space<vmem_shared>>
      %dma_wait3A_95 = arith.constant 0 : i32
      %dma_wait3A_96 = tpu.memref_slice %arg8[%add3A_15, %dma_wait3A_95] : memref<10240x128xf32, #tpu.memory_space<vmem_shared>> -> memref<64x128xf32, #tpu.memory_space<vmem_shared>>
      tpu.wait_dma2 semaphore(%run_scoped3A : memref<!tpu.dma_semaphore, #tpu.memory_space<semaphore_mem>>) src(%arg11 : memref<64x128xf32, #tpu.memory_space<vmem>>) dst(%dma_wait3A_96 : memref<64x128xf32, #tpu.memory_space<vmem_shared>>)
      tpu.yield
    }) : () -> ()
    %mul3A_16 = arith.constant 640 : i32
    %mul3A_17 = arith.muli %arg1, %mul3A_16 : i32
    %add3A_18 = arith.constant 192 : i32
    %add3A_19 = arith.addi %mul3A_17, %add3A_18 : i32
    "tpu.region"() ({
      %run_scoped3A = tpu.sem_alloc : memref<!tpu.dma_semaphore, #tpu.memory_space<semaphore_mem>>
      %dma_start3A = arith.constant 0 : i32
      %dma_start3A_91 = tpu.memref_slice %arg8[%add3A_19, %dma_start3A] : memref<10240x128xf32, #tpu.memory_space<vmem_shared>> -> memref<64x128xf32, #tpu.memory_space<vmem_shared>>
      %dma_start3A_92 = arith.constant 0 : i32
      %dma_start3A_93 = tpu.memref_slice %arg8[%add3A_19, %dma_start3A_92] : memref<10240x128xf32, #tpu.memory_space<vmem_shared>> -> memref<64x128xf32, #tpu.memory_space<vmem_shared>>
      tpu.enqueue_dma source(%arg11 : memref<64x128xf32, #tpu.memory_space<vmem>>) target(%dma_start3A_93 : memref<64x128xf32, #tpu.memory_space<vmem_shared>>) target_semaphore(%run_scoped3A : memref<!tpu.dma_semaphore, #tpu.memory_space<semaphore_mem>>)
      %dma_wait3A = arith.constant 0 : i32
      %dma_wait3A_94 = tpu.memref_slice %arg8[%add3A_19, %dma_wait3A] : memref<10240x128xf32, #tpu.memory_space<vmem_shared>> -> memref<64x128xf32, #tpu.memory_space<vmem_shared>>
      %dma_wait3A_95 = arith.constant 0 : i32
      %dma_wait3A_96 = tpu.memref_slice %arg8[%add3A_19, %dma_wait3A_95] : memref<10240x128xf32, #tpu.memory_space<vmem_shared>> -> memref<64x128xf32, #tpu.memory_space<vmem_shared>>
      tpu.wait_dma2 semaphore(%run_scoped3A : memref<!tpu.dma_semaphore, #tpu.memory_space<semaphore_mem>>) src(%arg11 : memref<64x128xf32, #tpu.memory_space<vmem>>) dst(%dma_wait3A_96 : memref<64x128xf32, #tpu.memory_space<vmem_shared>>)
      tpu.yield
    }) : () -> ()
    %mul3A_20 = arith.constant 640 : i32
    %mul3A_21 = arith.muli %arg1, %mul3A_20 : i32
    %add3A_22 = arith.constant 256 : i32
    %add3A_23 = arith.addi %mul3A_21, %add3A_22 : i32
    "tpu.region"() ({
      %run_scoped3A = tpu.sem_alloc : memref<!tpu.dma_semaphore, #tpu.memory_space<semaphore_mem>>
      %dma_start3A = arith.constant 0 : i32
      %dma_start3A_91 = tpu.memref_slice %arg8[%add3A_23, %dma_start3A] : memref<10240x128xf32, #tpu.memory_space<vmem_shared>> -> memref<64x128xf32, #tpu.memory_space<vmem_shared>>
      %dma_start3A_92 = arith.constant 0 : i32
      %dma_start3A_93 = tpu.memref_slice %arg8[%add3A_23, %dma_start3A_92] : memref<10240x128xf32, #tpu.memory_space<vmem_shared>> -> memref<64x128xf32, #tpu.memory_space<vmem_shared>>
      tpu.enqueue_dma source(%arg11 : memref<64x128xf32, #tpu.memory_space<vmem>>) target(%dma_start3A_93 : memref<64x128xf32, #tpu.memory_space<vmem_shared>>) target_semaphore(%run_scoped3A : memref<!tpu.dma_semaphore, #tpu.memory_space<semaphore_mem>>)
      %dma_wait3A = arith.constant 0 : i32
      %dma_wait3A_94 = tpu.memref_slice %arg8[%add3A_23, %dma_wait3A] : memref<10240x128xf32, #tpu.memory_space<vmem_shared>> -> memref<64x128xf32, #tpu.memory_space<vmem_shared>>
      %dma_wait3A_95 = arith.constant 0 : i32
      %dma_wait3A_96 = tpu.memref_slice %arg8[%add3A_23, %dma_wait3A_95] : memref<10240x128xf32, #tpu.memory_space<vmem_shared>> -> memref<64x128xf32, #tpu.memory_space<vmem_shared>>
      tpu.wait_dma2 semaphore(%run_scoped3A : memref<!tpu.dma_semaphore, #tpu.memory_space<semaphore_mem>>) src(%arg11 : memref<64x128xf32, #tpu.memory_space<vmem>>) dst(%dma_wait3A_96 : memref<64x128xf32, #tpu.memory_space<vmem_shared>>)
      tpu.yield
    }) : () -> ()
    %mul3A_24 = arith.constant 640 : i32
    %mul3A_25 = arith.muli %arg1, %mul3A_24 : i32
    %add3A_26 = arith.constant 320 : i32
    %add3A_27 = arith.addi %mul3A_25, %add3A_26 : i32
    "tpu.region"() ({
      %run_scoped3A = tpu.sem_alloc : memref<!tpu.dma_semaphore, #tpu.memory_space<semaphore_mem>>
      %dma_start3A = arith.constant 0 : i32
      %dma_start3A_91 = tpu.memref_slice %arg8[%add3A_27, %dma_start3A] : memref<10240x128xf32, #tpu.memory_space<vmem_shared>> -> memref<64x128xf32, #tpu.memory_space<vmem_shared>>
      %dma_start3A_92 = arith.constant 0 : i32
      %dma_start3A_93 = tpu.memref_slice %arg8[%add3A_27, %dma_start3A_92] : memref<10240x128xf32, #tpu.memory_space<vmem_shared>> -> memref<64x128xf32, #tpu.memory_space<vmem_shared>>
      tpu.enqueue_dma source(%arg11 : memref<64x128xf32, #tpu.memory_space<vmem>>) target(%dma_start3A_93 : memref<64x128xf32, #tpu.memory_space<vmem_shared>>) target_semaphore(%run_scoped3A : memref<!tpu.dma_semaphore, #tpu.memory_space<semaphore_mem>>)
      %dma_wait3A = arith.constant 0 : i32
      %dma_wait3A_94 = tpu.memref_slice %arg8[%add3A_27, %dma_wait3A] : memref<10240x128xf32, #tpu.memory_space<vmem_shared>> -> memref<64x128xf32, #tpu.memory_space<vmem_shared>>
      %dma_wait3A_95 = arith.constant 0 : i32
      %dma_wait3A_96 = tpu.memref_slice %arg8[%add3A_27, %dma_wait3A_95] : memref<10240x128xf32, #tpu.memory_space<vmem_shared>> -> memref<64x128xf32, #tpu.memory_space<vmem_shared>>
      tpu.wait_dma2 semaphore(%run_scoped3A : memref<!tpu.dma_semaphore, #tpu.memory_space<semaphore_mem>>) src(%arg11 : memref<64x128xf32, #tpu.memory_space<vmem>>) dst(%dma_wait3A_96 : memref<64x128xf32, #tpu.memory_space<vmem_shared>>)
      tpu.yield
    }) : () -> ()
    %mul3A_28 = arith.constant 640 : i32
    %mul3A_29 = arith.muli %arg1, %mul3A_28 : i32
    %add3A_30 = arith.constant 384 : i32
    %add3A_31 = arith.addi %mul3A_29, %add3A_30 : i32
    "tpu.region"() ({
      %run_scoped3A = tpu.sem_alloc : memref<!tpu.dma_semaphore, #tpu.memory_space<semaphore_mem>>
      %dma_start3A = arith.constant 0 : i32
      %dma_start3A_91 = tpu.memref_slice %arg8[%add3A_31, %dma_start3A] : memref<10240x128xf32, #tpu.memory_space<vmem_shared>> -> memref<64x128xf32, #tpu.memory_space<vmem_shared>>
      %dma_start3A_92 = arith.constant 0 : i32
      %dma_start3A_93 = tpu.memref_slice %arg8[%add3A_31, %dma_start3A_92] : memref<10240x128xf32, #tpu.memory_space<vmem_shared>> -> memref<64x128xf32, #tpu.memory_space<vmem_shared>>
      tpu.enqueue_dma source(%arg11 : memref<64x128xf32, #tpu.memory_space<vmem>>) target(%dma_start3A_93 : memref<64x128xf32, #tpu.memory_space<vmem_shared>>) target_semaphore(%run_scoped3A : memref<!tpu.dma_semaphore, #tpu.memory_space<semaphore_mem>>)
      %dma_wait3A = arith.constant 0 : i32
      %dma_wait3A_94 = tpu.memref_slice %arg8[%add3A_31, %dma_wait3A] : memref<10240x128xf32, #tpu.memory_space<vmem_shared>> -> memref<64x128xf32, #tpu.memory_space<vmem_shared>>
      %dma_wait3A_95 = arith.constant 0 : i32
      %dma_wait3A_96 = tpu.memref_slice %arg8[%add3A_31, %dma_wait3A_95] : memref<10240x128xf32, #tpu.memory_space<vmem_shared>> -> memref<64x128xf32, #tpu.memory_space<vmem_shared>>
      tpu.wait_dma2 semaphore(%run_scoped3A : memref<!tpu.dma_semaphore, #tpu.memory_space<semaphore_mem>>) src(%arg11 : memref<64x128xf32, #tpu.memory_space<vmem>>) dst(%dma_wait3A_96 : memref<64x128xf32, #tpu.memory_space<vmem_shared>>)
      tpu.yield
    }) : () -> ()
    %mul3A_32 = arith.constant 640 : i32
    %mul3A_33 = arith.muli %arg1, %mul3A_32 : i32
    %add3A_34 = arith.constant 448 : i32
    %add3A_35 = arith.addi %mul3A_33, %add3A_34 : i32
    "tpu.region"() ({
      %run_scoped3A = tpu.sem_alloc : memref<!tpu.dma_semaphore, #tpu.memory_space<semaphore_mem>>
      %dma_start3A = arith.constant 0 : i32
      %dma_start3A_91 = tpu.memref_slice %arg8[%add3A_35, %dma_start3A] : memref<10240x128xf32, #tpu.memory_space<vmem_shared>> -> memref<64x128xf32, #tpu.memory_space<vmem_shared>>
      %dma_start3A_92 = arith.constant 0 : i32
      %dma_start3A_93 = tpu.memref_slice %arg8[%add3A_35, %dma_start3A_92] : memref<10240x128xf32, #tpu.memory_space<vmem_shared>> -> memref<64x128xf32, #tpu.memory_space<vmem_shared>>
      tpu.enqueue_dma source(%arg11 : memref<64x128xf32, #tpu.memory_space<vmem>>) target(%dma_start3A_93 : memref<64x128xf32, #tpu.memory_space<vmem_shared>>) target_semaphore(%run_scoped3A : memref<!tpu.dma_semaphore, #tpu.memory_space<semaphore_mem>>)
      %dma_wait3A = arith.constant 0 : i32
      %dma_wait3A_94 = tpu.memref_slice %arg8[%add3A_35, %dma_wait3A] : memref<10240x128xf32, #tpu.memory_space<vmem_shared>> -> memref<64x128xf32, #tpu.memory_space<vmem_shared>>
      %dma_wait3A_95 = arith.constant 0 : i32
      %dma_wait3A_96 = tpu.memref_slice %arg8[%add3A_35, %dma_wait3A_95] : memref<10240x128xf32, #tpu.memory_space<vmem_shared>> -> memref<64x128xf32, #tpu.memory_space<vmem_shared>>
      tpu.wait_dma2 semaphore(%run_scoped3A : memref<!tpu.dma_semaphore, #tpu.memory_space<semaphore_mem>>) src(%arg11 : memref<64x128xf32, #tpu.memory_space<vmem>>) dst(%dma_wait3A_96 : memref<64x128xf32, #tpu.memory_space<vmem_shared>>)
      tpu.yield
    }) : () -> ()
    %mul3A_36 = arith.constant 640 : i32
    %mul3A_37 = arith.muli %arg1, %mul3A_36 : i32
    %add3A_38 = arith.constant 512 : i32
    %add3A_39 = arith.addi %mul3A_37, %add3A_38 : i32
    "tpu.region"() ({
      %run_scoped3A = tpu.sem_alloc : memref<!tpu.dma_semaphore, #tpu.memory_space<semaphore_mem>>
      %dma_start3A = arith.constant 0 : i32
      %dma_start3A_91 = tpu.memref_slice %arg8[%add3A_39, %dma_start3A] : memref<10240x128xf32, #tpu.memory_space<vmem_shared>> -> memref<64x128xf32, #tpu.memory_space<vmem_shared>>
      %dma_start3A_92 = arith.constant 0 : i32
      %dma_start3A_93 = tpu.memref_slice %arg8[%add3A_39, %dma_start3A_92] : memref<10240x128xf32, #tpu.memory_space<vmem_shared>> -> memref<64x128xf32, #tpu.memory_space<vmem_shared>>
      tpu.enqueue_dma source(%arg11 : memref<64x128xf32, #tpu.memory_space<vmem>>) target(%dma_start3A_93 : memref<64x128xf32, #tpu.memory_space<vmem_shared>>) target_semaphore(%run_scoped3A : memref<!tpu.dma_semaphore, #tpu.memory_space<semaphore_mem>>)
      %dma_wait3A = arith.constant 0 : i32
      %dma_wait3A_94 = tpu.memref_slice %arg8[%add3A_39, %dma_wait3A] : memref<10240x128xf32, #tpu.memory_space<vmem_shared>> -> memref<64x128xf32, #tpu.memory_space<vmem_shared>>
      %dma_wait3A_95 = arith.constant 0 : i32
      %dma_wait3A_96 = tpu.memref_slice %arg8[%add3A_39, %dma_wait3A_95] : memref<10240x128xf32, #tpu.memory_space<vmem_shared>> -> memref<64x128xf32, #tpu.memory_space<vmem_shared>>
      tpu.wait_dma2 semaphore(%run_scoped3A : memref<!tpu.dma_semaphore, #tpu.memory_space<semaphore_mem>>) src(%arg11 : memref<64x128xf32, #tpu.memory_space<vmem>>) dst(%dma_wait3A_96 : memref<64x128xf32, #tpu.memory_space<vmem_shared>>)
      tpu.yield
    }) : () -> ()
    %mul3A_40 = arith.constant 640 : i32
    %mul3A_41 = arith.muli %arg1, %mul3A_40 : i32
    %add3A_42 = arith.constant 576 : i32
    %add3A_43 = arith.addi %mul3A_41, %add3A_42 : i32
    "tpu.region"() ({
      %run_scoped3A = tpu.sem_alloc : memref<!tpu.dma_semaphore, #tpu.memory_space<semaphore_mem>>
      %dma_start3A = arith.constant 0 : i32
      %dma_start3A_91 = tpu.memref_slice %arg8[%add3A_43, %dma_start3A] : memref<10240x128xf32, #tpu.memory_space<vmem_shared>> -> memref<64x128xf32, #tpu.memory_space<vmem_shared>>
      %dma_start3A_92 = arith.constant 0 : i32
      %dma_start3A_93 = tpu.memref_slice %arg8[%add3A_43, %dma_start3A_92] : memref<10240x128xf32, #tpu.memory_space<vmem_shared>> -> memref<64x128xf32, #tpu.memory_space<vmem_shared>>
      tpu.enqueue_dma source(%arg11 : memref<64x128xf32, #tpu.memory_space<vmem>>) target(%dma_start3A_93 : memref<64x128xf32, #tpu.memory_space<vmem_shared>>) target_semaphore(%run_scoped3A : memref<!tpu.dma_semaphore, #tpu.memory_space<semaphore_mem>>)
      %dma_wait3A = arith.constant 0 : i32
      %dma_wait3A_94 = tpu.memref_slice %arg8[%add3A_43, %dma_wait3A] : memref<10240x128xf32, #tpu.memory_space<vmem_shared>> -> memref<64x128xf32, #tpu.memory_space<vmem_shared>>
      %dma_wait3A_95 = arith.constant 0 : i32
      %dma_wait3A_96 = tpu.memref_slice %arg8[%add3A_43, %dma_wait3A_95] : memref<10240x128xf32, #tpu.memory_space<vmem_shared>> -> memref<64x128xf32, #tpu.memory_space<vmem_shared>>
      tpu.wait_dma2 semaphore(%run_scoped3A : memref<!tpu.dma_semaphore, #tpu.memory_space<semaphore_mem>>) src(%arg11 : memref<64x128xf32, #tpu.memory_space<vmem>>) dst(%dma_wait3A_96 : memref<64x128xf32, #tpu.memory_space<vmem_shared>>)
      tpu.yield
    }) : () -> ()
    %barrier3A = arith.constant 0 : index
    tpu.barrier barrier_id(%barrier3A)
    %scan3A_44 = arith.constant 0 : i32
    %scan3A_45 = arith.constant 0 : i32
    %scan3A_46 = arith.constant 10 : i32
    %scan3A_47 = arith.addi %scan3A_45, %scan3A_46 : i32
    %scan3A_48 = arith.constant 1 : i32
    scf.for %scan3A_91 = %scan3A_45 to %scan3A_47 step %scan3A_48  : i32 {
      %mul3A_92 = arith.constant 16 : i32
      %mul3A_93 = arith.muli %scan3A_91, %mul3A_92 : i32
      "tpu.region"() ({
        %run_scoped3A = tpu.sem_alloc : memref<!tpu.dma_semaphore, #tpu.memory_space<semaphore_mem>>
        %dma_start3A = arith.constant 0 : i32
        %dma_start3A_102 = tpu.memref_slice %arg5[%arg0, %arg1, %mul3A_93, %dma_start3A] : memref<2x16x160x64xi32, #tpu.memory_space<hbm>> -> memref<1x1x16x64xi32, #tpu.memory_space<hbm>>
        %dma_start3A_103 = tpu.memref_squeeze %dma_start3A_102 : memref<1x1x16x64xi32, #tpu.memory_space<hbm>> -> memref<16x64xi32, #tpu.memory_space<hbm>>
        %dma_start3A_104 = arith.constant 0 : i32
        %dma_start3A_105 = tpu.memref_slice %arg5[%arg0, %arg1, %mul3A_93, %dma_start3A_104] : memref<2x16x160x64xi32, #tpu.memory_space<hbm>> -> memref<1x1x16x64xi32, #tpu.memory_space<hbm>>
        %dma_start3A_106 = tpu.memref_squeeze %dma_start3A_105 : memref<1x1x16x64xi32, #tpu.memory_space<hbm>> -> memref<16x64xi32, #tpu.memory_space<hbm>>
        tpu.enqueue_dma source(%dma_start3A_106 : memref<16x64xi32, #tpu.memory_space<hbm>>) target(%arg9 : memref<16x64xi32, #tpu.memory_space<vmem>>) target_semaphore(%run_scoped3A : memref<!tpu.dma_semaphore, #tpu.memory_space<semaphore_mem>>)
        %dma_wait3A = arith.constant 0 : i32
        %dma_wait3A_107 = tpu.memref_slice %arg5[%arg0, %arg1, %mul3A_93, %dma_wait3A] : memref<2x16x160x64xi32, #tpu.memory_space<hbm>> -> memref<1x1x16x64xi32, #tpu.memory_space<hbm>>
        %dma_wait3A_108 = tpu.memref_squeeze %dma_wait3A_107 : memref<1x1x16x64xi32, #tpu.memory_space<hbm>> -> memref<16x64xi32, #tpu.memory_space<hbm>>
        %dma_wait3A_109 = arith.constant 0 : i32
        %dma_wait3A_110 = tpu.memref_slice %arg5[%arg0, %arg1, %mul3A_93, %dma_wait3A_109] : memref<2x16x160x64xi32, #tpu.memory_space<hbm>> -> memref<1x1x16x64xi32, #tpu.memory_space<hbm>>
        %dma_wait3A_111 = tpu.memref_squeeze %dma_wait3A_110 : memref<1x1x16x64xi32, #tpu.memory_space<hbm>> -> memref<16x64xi32, #tpu.memory_space<hbm>>
        tpu.wait_dma2 semaphore(%run_scoped3A : memref<!tpu.dma_semaphore, #tpu.memory_space<semaphore_mem>>) src(%dma_wait3A_111 : memref<16x64xi32, #tpu.memory_space<hbm>>) dst(%arg9 : memref<16x64xi32, #tpu.memory_space<vmem>>)
        tpu.yield
      }) : () -> ()
      %mul3A_94 = arith.constant 16 : i32
      %mul3A_95 = arith.muli %scan3A_91, %mul3A_94 : i32
      "tpu.region"() ({
        %run_scoped3A = tpu.sem_alloc : memref<!tpu.dma_semaphore, #tpu.memory_space<semaphore_mem>>
        %dma_start3A = arith.constant 0 : i32
        %dma_start3A_102 = tpu.memref_slice %arg6[%arg0, %arg1, %mul3A_95, %dma_start3A] : memref<2x16x160x64xi32, #tpu.memory_space<hbm>> -> memref<1x1x16x64xi32, #tpu.memory_space<hbm>>
        %dma_start3A_103 = tpu.memref_squeeze %dma_start3A_102 : memref<1x1x16x64xi32, #tpu.memory_space<hbm>> -> memref<16x64xi32, #tpu.memory_space<hbm>>
        %dma_start3A_104 = arith.constant 0 : i32
        %dma_start3A_105 = tpu.memref_slice %arg6[%arg0, %arg1, %mul3A_95, %dma_start3A_104] : memref<2x16x160x64xi32, #tpu.memory_space<hbm>> -> memref<1x1x16x64xi32, #tpu.memory_space<hbm>>
        %dma_start3A_106 = tpu.memref_squeeze %dma_start3A_105 : memref<1x1x16x64xi32, #tpu.memory_space<hbm>> -> memref<16x64xi32, #tpu.memory_space<hbm>>
        tpu.enqueue_dma source(%dma_start3A_106 : memref<16x64xi32, #tpu.memory_space<hbm>>) target(%arg10 : memref<16x64xi32, #tpu.memory_space<vmem>>) target_semaphore(%run_scoped3A : memref<!tpu.dma_semaphore, #tpu.memory_space<semaphore_mem>>)
        %dma_wait3A = arith.constant 0 : i32
        %dma_wait3A_107 = tpu.memref_slice %arg6[%arg0, %arg1, %mul3A_95, %dma_wait3A] : memref<2x16x160x64xi32, #tpu.memory_space<hbm>> -> memref<1x1x16x64xi32, #tpu.memory_space<hbm>>
        %dma_wait3A_108 = tpu.memref_squeeze %dma_wait3A_107 : memref<1x1x16x64xi32, #tpu.memory_space<hbm>> -> memref<16x64xi32, #tpu.memory_space<hbm>>
        %dma_wait3A_109 = arith.constant 0 : i32
        %dma_wait3A_110 = tpu.memref_slice %arg6[%arg0, %arg1, %mul3A_95, %dma_wait3A_109] : memref<2x16x160x64xi32, #tpu.memory_space<hbm>> -> memref<1x1x16x64xi32, #tpu.memory_space<hbm>>
        %dma_wait3A_111 = tpu.memref_squeeze %dma_wait3A_110 : memref<1x1x16x64xi32, #tpu.memory_space<hbm>> -> memref<16x64xi32, #tpu.memory_space<hbm>>
        tpu.wait_dma2 semaphore(%run_scoped3A : memref<!tpu.dma_semaphore, #tpu.memory_space<semaphore_mem>>) src(%dma_wait3A_111 : memref<16x64xi32, #tpu.memory_space<hbm>>) dst(%arg10 : memref<16x64xi32, #tpu.memory_space<vmem>>)
        tpu.yield
      }) : () -> ()
      %scan3A_96 = arith.constant 0 : i32
      %scan3A_97 = arith.constant 0 : i32
      %scan3A_98 = arith.constant 16 : i32
      %scan3A_99 = arith.addi %scan3A_97, %scan3A_98 : i32
      %scan3A_100 = arith.constant 1 : i32
      scf.for %scan3A_102 = %scan3A_97 to %scan3A_99 step %scan3A_100  : i32 {
        "tpu.region"() ({
          %run_scoped3A = tpu.sem_alloc : memref<!tpu.dma_semaphore, #tpu.memory_space<semaphore_mem>>
          %dma_start3A = arith.constant 0 : i32
          %dma_start3A_115 = tpu.memref_slice %arg10[%scan3A_102, %dma_start3A] : memref<16x64xi32, #tpu.memory_space<vmem>> -> memref<1x64xi32, #tpu.memory_space<vmem>>
          %dma_start3A_116 = tpu.memref_squeeze %dma_start3A_115 : memref<1x64xi32, #tpu.memory_space<vmem>> -> memref<64xi32, #tpu.memory_space<vmem>>
          %dma_start3A_117 = arith.constant 0 : i32
          %dma_start3A_118 = arith.constant 0 : i32
          %dma_start3A_119 = tpu.memref_slice %arg2[%dma_start3A_117, %dma_start3A_118] : memref<10240x128xf32, #tpu.memory_space<hbm>> -> memref<10240x128xf32, #tpu.memory_space<hbm>>
          tpu.enqueue_indirect_dma source(%dma_start3A_119 : memref<10240x128xf32, #tpu.memory_space<hbm>>) target(%arg11 : memref<64x128xf32, #tpu.memory_space<vmem>>) offsets(%dma_start3A_116 : memref<64xi32, #tpu.memory_space<vmem>>) semaphore(%run_scoped3A : memref<!tpu.dma_semaphore, #tpu.memory_space<semaphore_mem>>)
          %dma_wait3A = arith.constant 0 : i32
          %dma_wait3A_120 = tpu.memref_slice %arg10[%scan3A_102, %dma_wait3A] : memref<16x64xi32, #tpu.memory_space<vmem>> -> memref<1x64xi32, #tpu.memory_space<vmem>>
          %dma_wait3A_121 = tpu.memref_squeeze %dma_wait3A_120 : memref<1x64xi32, #tpu.memory_space<vmem>> -> memref<64xi32, #tpu.memory_space<vmem>>
          %dma_wait3A_122 = arith.constant 0 : i32
          %dma_wait3A_123 = arith.constant 0 : i32
          %dma_wait3A_124 = tpu.memref_slice %arg2[%dma_wait3A_122, %dma_wait3A_123] : memref<10240x128xf32, #tpu.memory_space<hbm>> -> memref<10240x128xf32, #tpu.memory_space<hbm>>
          tpu.wait_indirect_dma semaphore(%run_scoped3A : memref<!tpu.dma_semaphore, #tpu.memory_space<semaphore_mem>>) src(%dma_wait3A_124 : memref<10240x128xf32, #tpu.memory_space<hbm>>) dst(%arg11 : memref<64x128xf32, #tpu.memory_space<vmem>>)
          tpu.yield
        }) : () -> ()
        "tpu.region"() ({
          %run_scoped3A = tpu.sem_alloc : memref<!tpu.dma_semaphore, #tpu.memory_space<semaphore_mem>>
          %dma_start3A = arith.constant 0 : i32
          %dma_start3A_115 = tpu.memref_slice %arg9[%scan3A_102, %dma_start3A] : memref<16x64xi32, #tpu.memory_space<vmem>> -> memref<1x64xi32, #tpu.memory_space<vmem>>
          %dma_start3A_116 = tpu.memref_squeeze %dma_start3A_115 : memref<1x64xi32, #tpu.memory_space<vmem>> -> memref<64xi32, #tpu.memory_space<vmem>>
          %dma_start3A_117 = arith.constant 0 : i32
          %dma_start3A_118 = arith.constant 0 : i32
          %dma_start3A_119 = tpu.memref_slice %arg3[%dma_start3A_117, %dma_start3A_118] : memref<10240x128xf32, #tpu.memory_space<hbm>> -> memref<10240x128xf32, #tpu.memory_space<hbm>>
          tpu.enqueue_indirect_dma source(%dma_start3A_119 : memref<10240x128xf32, #tpu.memory_space<hbm>>) target(%arg12 : memref<64x128xf32, #tpu.memory_space<vmem>>) offsets(%dma_start3A_116 : memref<64xi32, #tpu.memory_space<vmem>>) semaphore(%run_scoped3A : memref<!tpu.dma_semaphore, #tpu.memory_space<semaphore_mem>>)
          %dma_wait3A = arith.constant 0 : i32
          %dma_wait3A_120 = tpu.memref_slice %arg9[%scan3A_102, %dma_wait3A] : memref<16x64xi32, #tpu.memory_space<vmem>> -> memref<1x64xi32, #tpu.memory_space<vmem>>
          %dma_wait3A_121 = tpu.memref_squeeze %dma_wait3A_120 : memref<1x64xi32, #tpu.memory_space<vmem>> -> memref<64xi32, #tpu.memory_space<vmem>>
          %dma_wait3A_122 = arith.constant 0 : i32
          %dma_wait3A_123 = arith.constant 0 : i32
          %dma_wait3A_124 = tpu.memref_slice %arg3[%dma_wait3A_122, %dma_wait3A_123] : memref<10240x128xf32, #tpu.memory_space<hbm>> -> memref<10240x128xf32, #tpu.memory_space<hbm>>
          tpu.wait_indirect_dma semaphore(%run_scoped3A : memref<!tpu.dma_semaphore, #tpu.memory_space<semaphore_mem>>) src(%dma_wait3A_124 : memref<10240x128xf32, #tpu.memory_space<hbm>>) dst(%arg12 : memref<64x128xf32, #tpu.memory_space<vmem>>)
          tpu.yield
        }) : () -> ()
        %scan3A_103 = arith.constant 0 : i32
        %scan3A_104 = arith.constant 0 : i32
        %scan3A_105 = arith.constant 64 : i32
        %scan3A_106 = arith.addi %scan3A_104, %scan3A_105 : i32
        %scan3A_107 = arith.constant 1 : i32
        scf.for %scan3A_115 = %scan3A_104 to %scan3A_106 step %scan3A_107  : i32 {
          %get3A = arith.index_cast %scan3A_115 : i32 to index
          %get3A_116 = arith.constant 0 : index
          %get3A_117 = tpu.vector_load %arg11[%get3A, %get3A_116] {strides = array<i32>} : memref<64x128xf32, #tpu.memory_space<vmem>>, vector<1x16xf32>,
          %get3A_118 = vector.shape_cast %get3A_117 : vector<1x16xf32> to vector<16xf32>
          %get3A_119 = arith.index_cast %scan3A_115 : i32 to index
          %get3A_120 = arith.constant 0 : index
          %get3A_121 = tpu.vector_load %arg12[%get3A_119, %get3A_120] {strides = array<i32>} : memref<64x128xf32, #tpu.memory_space<vmem>>, vector<1x16xf32>,
          %get3A_122 = vector.shape_cast %get3A_121 : vector<1x16xf32> to vector<16xf32>
          %add3A_123 = arith.addf %get3A_118, %get3A_122 : vector<16xf32>
          %neg3A = arith.constant 0.000000e+00 : f32
          %neg3A_124 = vector.broadcast %neg3A : f32 to vector<16xf32>
          %neg3A_125 = arith.subf %neg3A_124, %add3A_123 : vector<16xf32>
          %exp3A = math.exp %neg3A_125 : vector<16xf32>
          %add3A_126 = arith.constant 1.000000e+00 : f32
          %add3A_127 = vector.broadcast %add3A_126 : f32 to vector<16xf32>
          %add3A_128 = arith.addf %add3A_127, %exp3A : vector<16xf32>
          %div3A = arith.constant 1.000000e+00 : f32
          %div3A_129 = vector.broadcast %div3A : f32 to vector<16xf32>
          %div3A_130 = arith.divf %div3A_129, %add3A_128 : vector<16xf32>
          %swap3A = arith.index_cast %scan3A_115 : i32 to index
          %swap3A_131 = arith.constant 0 : index
          %swap3A_132 = tpu.vector_load %arg11[%swap3A, %swap3A_131] {strides = array<i32>} : memref<64x128xf32, #tpu.memory_space<vmem>>, vector<1x16xf32>,
          %swap3A_133 = vector.shape_cast %swap3A_132 : vector<1x16xf32> to vector<16xf32>
          %swap3A_134 = vector.shape_cast %div3A_130 : vector<16xf32> to vector<1x16xf32>
          tpu.vector_store %arg11[%swap3A, %swap3A_131], %swap3A_134 {strides = array<i32>} : memref<64x128xf32, #tpu.memory_space<vmem>>, vector<1x16xf32>,
          %get3A_135 = arith.index_cast %scan3A_115 : i32 to index
          %get3A_136 = arith.constant 16 : index
          %get3A_137 = tpu.vector_load %arg11[%get3A_135, %get3A_136] {strides = array<i32>} : memref<64x128xf32, #tpu.memory_space<vmem>>, vector<1x16xf32>,
          %get3A_138 = vector.shape_cast %get3A_137 : vector<1x16xf32> to vector<16xf32>
          %get3A_139 = arith.index_cast %scan3A_115 : i32 to index
          %get3A_140 = arith.constant 16 : index
          %get3A_141 = tpu.vector_load %arg12[%get3A_139, %get3A_140] {strides = array<i32>} : memref<64x128xf32, #tpu.memory_space<vmem>>, vector<1x16xf32>,
          %get3A_142 = vector.shape_cast %get3A_141 : vector<1x16xf32> to vector<16xf32>
          %add3A_143 = arith.addf %get3A_138, %get3A_142 : vector<16xf32>
          %neg3A_144 = arith.constant 0.000000e+00 : f32
          %neg3A_145 = vector.broadcast %neg3A_144 : f32 to vector<16xf32>
          %neg3A_146 = arith.subf %neg3A_145, %add3A_143 : vector<16xf32>
          %exp3A_147 = math.exp %neg3A_146 : vector<16xf32>
          %add3A_148 = arith.constant 1.000000e+00 : f32
          %add3A_149 = vector.broadcast %add3A_148 : f32 to vector<16xf32>
          %add3A_150 = arith.addf %add3A_149, %exp3A_147 : vector<16xf32>
          %div3A_151 = arith.constant 1.000000e+00 : f32
          %div3A_152 = vector.broadcast %div3A_151 : f32 to vector<16xf32>
          %div3A_153 = arith.divf %div3A_152, %add3A_150 : vector<16xf32>
          %swap3A_154 = arith.index_cast %scan3A_115 : i32 to index
          %swap3A_155 = arith.constant 16 : index
          %swap3A_156 = tpu.vector_load %arg11[%swap3A_154, %swap3A_155] {strides = array<i32>} : memref<64x128xf32, #tpu.memory_space<vmem>>, vector<1x16xf32>,
          %swap3A_157 = vector.shape_cast %swap3A_156 : vector<1x16xf32> to vector<16xf32>
          %swap3A_158 = vector.shape_cast %div3A_153 : vector<16xf32> to vector<1x16xf32>
          tpu.vector_store %arg11[%swap3A_154, %swap3A_155], %swap3A_158 {strides = array<i32>} : memref<64x128xf32, #tpu.memory_space<vmem>>, vector<1x16xf32>,
          %get3A_159 = arith.index_cast %scan3A_115 : i32 to index
          %get3A_160 = arith.constant 32 : index
          %get3A_161 = tpu.vector_load %arg11[%get3A_159, %get3A_160] {strides = array<i32>} : memref<64x128xf32, #tpu.memory_space<vmem>>, vector<1x16xf32>,
          %get3A_162 = vector.shape_cast %get3A_161 : vector<1x16xf32> to vector<16xf32>
          %get3A_163 = arith.index_cast %scan3A_115 : i32 to index
          %get3A_164 = arith.constant 32 : index
          %get3A_165 = tpu.vector_load %arg12[%get3A_163, %get3A_164] {strides = array<i32>} : memref<64x128xf32, #tpu.memory_space<vmem>>, vector<1x16xf32>,
          %get3A_166 = vector.shape_cast %get3A_165 : vector<1x16xf32> to vector<16xf32>
          %add3A_167 = arith.addf %get3A_162, %get3A_166 : vector<16xf32>
          %neg3A_168 = arith.constant 0.000000e+00 : f32
          %neg3A_169 = vector.broadcast %neg3A_168 : f32 to vector<16xf32>
          %neg3A_170 = arith.subf %neg3A_169, %add3A_167 : vector<16xf32>
          %exp3A_171 = math.exp %neg3A_170 : vector<16xf32>
          %add3A_172 = arith.constant 1.000000e+00 : f32
          %add3A_173 = vector.broadcast %add3A_172 : f32 to vector<16xf32>
          %add3A_174 = arith.addf %add3A_173, %exp3A_171 : vector<16xf32>
          %div3A_175 = arith.constant 1.000000e+00 : f32
          %div3A_176 = vector.broadcast %div3A_175 : f32 to vector<16xf32>
          %div3A_177 = arith.divf %div3A_176, %add3A_174 : vector<16xf32>
          %swap3A_178 = arith.index_cast %scan3A_115 : i32 to index
          %swap3A_179 = arith.constant 32 : index
          %swap3A_180 = tpu.vector_load %arg11[%swap3A_178, %swap3A_179] {strides = array<i32>} : memref<64x128xf32, #tpu.memory_space<vmem>>, vector<1x16xf32>,
          %swap3A_181 = vector.shape_cast %swap3A_180 : vector<1x16xf32> to vector<16xf32>
          %swap3A_182 = vector.shape_cast %div3A_177 : vector<16xf32> to vector<1x16xf32>
          tpu.vector_store %arg11[%swap3A_178, %swap3A_179], %swap3A_182 {strides = array<i32>} : memref<64x128xf32, #tpu.memory_space<vmem>>, vector<1x16xf32>,
          %get3A_183 = arith.index_cast %scan3A_115 : i32 to index
          %get3A_184 = arith.constant 48 : index
          %get3A_185 = tpu.vector_load %arg11[%get3A_183, %get3A_184] {strides = array<i32>} : memref<64x128xf32, #tpu.memory_space<vmem>>, vector<1x16xf32>,
          %get3A_186 = vector.shape_cast %get3A_185 : vector<1x16xf32> to vector<16xf32>
          %get3A_187 = arith.index_cast %scan3A_115 : i32 to index
          %get3A_188 = arith.constant 48 : index
          %get3A_189 = tpu.vector_load %arg12[%get3A_187, %get3A_188] {strides = array<i32>} : memref<64x128xf32, #tpu.memory_space<vmem>>, vector<1x16xf32>,
          %get3A_190 = vector.shape_cast %get3A_189 : vector<1x16xf32> to vector<16xf32>
          %add3A_191 = arith.addf %get3A_186, %get3A_190 : vector<16xf32>
          %neg3A_192 = arith.constant 0.000000e+00 : f32
          %neg3A_193 = vector.broadcast %neg3A_192 : f32 to vector<16xf32>
          %neg3A_194 = arith.subf %neg3A_193, %add3A_191 : vector<16xf32>
          %exp3A_195 = math.exp %neg3A_194 : vector<16xf32>
          %add3A_196 = arith.constant 1.000000e+00 : f32
          %add3A_197 = vector.broadcast %add3A_196 : f32 to vector<16xf32>
          %add3A_198 = arith.addf %add3A_197, %exp3A_195 : vector<16xf32>
          %div3A_199 = arith.constant 1.000000e+00 : f32
          %div3A_200 = vector.broadcast %div3A_199 : f32 to vector<16xf32>
          %div3A_201 = arith.divf %div3A_200, %add3A_198 : vector<16xf32>
          %swap3A_202 = arith.index_cast %scan3A_115 : i32 to index
          %swap3A_203 = arith.constant 48 : index
          %swap3A_204 = tpu.vector_load %arg11[%swap3A_202, %swap3A_203] {strides = array<i32>} : memref<64x128xf32, #tpu.memory_space<vmem>>, vector<1x16xf32>,
          %swap3A_205 = vector.shape_cast %swap3A_204 : vector<1x16xf32> to vector<16xf32>
          %swap3A_206 = vector.shape_cast %div3A_201 : vector<16xf32> to vector<1x16xf32>
          tpu.vector_store %arg11[%swap3A_202, %swap3A_203], %swap3A_206 {strides = array<i32>} : memref<64x128xf32, #tpu.memory_space<vmem>>, vector<1x16xf32>,
          %get3A_207 = arith.index_cast %scan3A_115 : i32 to index
          %get3A_208 = arith.constant 64 : index
          %get3A_209 = tpu.vector_load %arg11[%get3A_207, %get3A_208] {strides = array<i32>} : memref<64x128xf32, #tpu.memory_space<vmem>>, vector<1x16xf32>,
          %get3A_210 = vector.shape_cast %get3A_209 : vector<1x16xf32> to vector<16xf32>
          %get3A_211 = arith.index_cast %scan3A_115 : i32 to index
          %get3A_212 = arith.constant 64 : index
          %get3A_213 = tpu.vector_load %arg12[%get3A_211, %get3A_212] {strides = array<i32>} : memref<64x128xf32, #tpu.memory_space<vmem>>, vector<1x16xf32>,
          %get3A_214 = vector.shape_cast %get3A_213 : vector<1x16xf32> to vector<16xf32>
          %add3A_215 = arith.addf %get3A_210, %get3A_214 : vector<16xf32>
          %neg3A_216 = arith.constant 0.000000e+00 : f32
          %neg3A_217 = vector.broadcast %neg3A_216 : f32 to vector<16xf32>
          %neg3A_218 = arith.subf %neg3A_217, %add3A_215 : vector<16xf32>
          %exp3A_219 = math.exp %neg3A_218 : vector<16xf32>
          %add3A_220 = arith.constant 1.000000e+00 : f32
          %add3A_221 = vector.broadcast %add3A_220 : f32 to vector<16xf32>
          %add3A_222 = arith.addf %add3A_221, %exp3A_219 : vector<16xf32>
          %div3A_223 = arith.constant 1.000000e+00 : f32
          %div3A_224 = vector.broadcast %div3A_223 : f32 to vector<16xf32>
          %div3A_225 = arith.divf %div3A_224, %add3A_222 : vector<16xf32>
          %swap3A_226 = arith.index_cast %scan3A_115 : i32 to index
          %swap3A_227 = arith.constant 64 : index
          %swap3A_228 = tpu.vector_load %arg11[%swap3A_226, %swap3A_227] {strides = array<i32>} : memref<64x128xf32, #tpu.memory_space<vmem>>, vector<1x16xf32>,
          %swap3A_229 = vector.shape_cast %swap3A_228 : vector<1x16xf32> to vector<16xf32>
          %swap3A_230 = vector.shape_cast %div3A_225 : vector<16xf32> to vector<1x16xf32>
          tpu.vector_store %arg11[%swap3A_226, %swap3A_227], %swap3A_230 {strides = array<i32>} : memref<64x128xf32, #tpu.memory_space<vmem>>, vector<1x16xf32>,
          %get3A_231 = arith.index_cast %scan3A_115 : i32 to index
          %get3A_232 = arith.constant 80 : index
          %get3A_233 = tpu.vector_load %arg11[%get3A_231, %get3A_232] {strides = array<i32>} : memref<64x128xf32, #tpu.memory_space<vmem>>, vector<1x16xf32>,
          %get3A_234 = vector.shape_cast %get3A_233 : vector<1x16xf32> to vector<16xf32>
          %get3A_235 = arith.index_cast %scan3A_115 : i32 to index
          %get3A_236 = arith.constant 80 : index
          %get3A_237 = tpu.vector_load %arg12[%get3A_235, %get3A_236] {strides = array<i32>} : memref<64x128xf32, #tpu.memory_space<vmem>>, vector<1x16xf32>,
          %get3A_238 = vector.shape_cast %get3A_237 : vector<1x16xf32> to vector<16xf32>
          %add3A_239 = arith.addf %get3A_234, %get3A_238 : vector<16xf32>
          %neg3A_240 = arith.constant 0.000000e+00 : f32
          %neg3A_241 = vector.broadcast %neg3A_240 : f32 to vector<16xf32>
          %neg3A_242 = arith.subf %neg3A_241, %add3A_239 : vector<16xf32>
          %exp3A_243 = math.exp %neg3A_242 : vector<16xf32>
          %add3A_244 = arith.constant 1.000000e+00 : f32
          %add3A_245 = vector.broadcast %add3A_244 : f32 to vector<16xf32>
          %add3A_246 = arith.addf %add3A_245, %exp3A_243 : vector<16xf32>
          %div3A_247 = arith.constant 1.000000e+00 : f32
          %div3A_248 = vector.broadcast %div3A_247 : f32 to vector<16xf32>
          %div3A_249 = arith.divf %div3A_248, %add3A_246 : vector<16xf32>
          %swap3A_250 = arith.index_cast %scan3A_115 : i32 to index
          %swap3A_251 = arith.constant 80 : index
          %swap3A_252 = tpu.vector_load %arg11[%swap3A_250, %swap3A_251] {strides = array<i32>} : memref<64x128xf32, #tpu.memory_space<vmem>>, vector<1x16xf32>,
          %swap3A_253 = vector.shape_cast %swap3A_252 : vector<1x16xf32> to vector<16xf32>
          %swap3A_254 = vector.shape_cast %div3A_249 : vector<16xf32> to vector<1x16xf32>
          tpu.vector_store %arg11[%swap3A_250, %swap3A_251], %swap3A_254 {strides = array<i32>} : memref<64x128xf32, #tpu.memory_space<vmem>>, vector<1x16xf32>,
          %get3A_255 = arith.index_cast %scan3A_115 : i32 to index
          %get3A_256 = arith.constant 96 : index
          %get3A_257 = tpu.vector_load %arg11[%get3A_255, %get3A_256] {strides = array<i32>} : memref<64x128xf32, #tpu.memory_space<vmem>>, vector<1x16xf32>,
          %get3A_258 = vector.shape_cast %get3A_257 : vector<1x16xf32> to vector<16xf32>
          %get3A_259 = arith.index_cast %scan3A_115 : i32 to index
          %get3A_260 = arith.constant 96 : index
          %get3A_261 = tpu.vector_load %arg12[%get3A_259, %get3A_260] {strides = array<i32>} : memref<64x128xf32, #tpu.memory_space<vmem>>, vector<1x16xf32>,
          %get3A_262 = vector.shape_cast %get3A_261 : vector<1x16xf32> to vector<16xf32>
          %add3A_263 = arith.addf %get3A_258, %get3A_262 : vector<16xf32>
          %neg3A_264 = arith.constant 0.000000e+00 : f32
          %neg3A_265 = vector.broadcast %neg3A_264 : f32 to vector<16xf32>
          %neg3A_266 = arith.subf %neg3A_265, %add3A_263 : vector<16xf32>
          %exp3A_267 = math.exp %neg3A_266 : vector<16xf32>
          %add3A_268 = arith.constant 1.000000e+00 : f32
          %add3A_269 = vector.broadcast %add3A_268 : f32 to vector<16xf32>
          %add3A_270 = arith.addf %add3A_269, %exp3A_267 : vector<16xf32>
          %div3A_271 = arith.constant 1.000000e+00 : f32
          %div3A_272 = vector.broadcast %div3A_271 : f32 to vector<16xf32>
          %div3A_273 = arith.divf %div3A_272, %add3A_270 : vector<16xf32>
          %swap3A_274 = arith.index_cast %scan3A_115 : i32 to index
          %swap3A_275 = arith.constant 96 : index
          %swap3A_276 = tpu.vector_load %arg11[%swap3A_274, %swap3A_275] {strides = array<i32>} : memref<64x128xf32, #tpu.memory_space<vmem>>, vector<1x16xf32>,
          %swap3A_277 = vector.shape_cast %swap3A_276 : vector<1x16xf32> to vector<16xf32>
          %swap3A_278 = vector.shape_cast %div3A_273 : vector<16xf32> to vector<1x16xf32>
          tpu.vector_store %arg11[%swap3A_274, %swap3A_275], %swap3A_278 {strides = array<i32>} : memref<64x128xf32, #tpu.memory_space<vmem>>, vector<1x16xf32>,
          %get3A_279 = arith.index_cast %scan3A_115 : i32 to index
          %get3A_280 = arith.constant 112 : index
          %get3A_281 = tpu.vector_load %arg11[%get3A_279, %get3A_280] {strides = array<i32>} : memref<64x128xf32, #tpu.memory_space<vmem>>, vector<1x16xf32>,
          %get3A_282 = vector.shape_cast %get3A_281 : vector<1x16xf32> to vector<16xf32>
          %get3A_283 = arith.index_cast %scan3A_115 : i32 to index
          %get3A_284 = arith.constant 112 : index
          %get3A_285 = tpu.vector_load %arg12[%get3A_283, %get3A_284] {strides = array<i32>} : memref<64x128xf32, #tpu.memory_space<vmem>>, vector<1x16xf32>,
          %get3A_286 = vector.shape_cast %get3A_285 : vector<1x16xf32> to vector<16xf32>
          %add3A_287 = arith.addf %get3A_282, %get3A_286 : vector<16xf32>
          %neg3A_288 = arith.constant 0.000000e+00 : f32
          %neg3A_289 = vector.broadcast %neg3A_288 : f32 to vector<16xf32>
          %neg3A_290 = arith.subf %neg3A_289, %add3A_287 : vector<16xf32>
          %exp3A_291 = math.exp %neg3A_290 : vector<16xf32>
          %add3A_292 = arith.constant 1.000000e+00 : f32
          %add3A_293 = vector.broadcast %add3A_292 : f32 to vector<16xf32>
          %add3A_294 = arith.addf %add3A_293, %exp3A_291 : vector<16xf32>
          %div3A_295 = arith.constant 1.000000e+00 : f32
          %div3A_296 = vector.broadcast %div3A_295 : f32 to vector<16xf32>
          %div3A_297 = arith.divf %div3A_296, %add3A_294 : vector<16xf32>
          %swap3A_298 = arith.index_cast %scan3A_115 : i32 to index
          %swap3A_299 = arith.constant 112 : index
          %swap3A_300 = tpu.vector_load %arg11[%swap3A_298, %swap3A_299] {strides = array<i32>} : memref<64x128xf32, #tpu.memory_space<vmem>>, vector<1x16xf32>,
          %swap3A_301 = vector.shape_cast %swap3A_300 : vector<1x16xf32> to vector<16xf32>
          %swap3A_302 = vector.shape_cast %div3A_297 : vector<16xf32> to vector<1x16xf32>
          tpu.vector_store %arg11[%swap3A_298, %swap3A_299], %swap3A_302 {strides = array<i32>} : memref<64x128xf32, #tpu.memory_space<vmem>>, vector<1x16xf32>,
        }
        %scan3A_108 = arith.constant 64 : i32
        "tpu.region"() ({
          %run_scoped3A = tpu.sem_alloc : memref<!tpu.dma_semaphore, #tpu.memory_space<semaphore_mem>>
          %dma_start3A = arith.constant 0 : i32
          %dma_start3A_115 = tpu.memref_slice %arg9[%scan3A_102, %dma_start3A] : memref<16x64xi32, #tpu.memory_space<vmem>> -> memref<1x64xi32, #tpu.memory_space<vmem>>
          %dma_start3A_116 = tpu.memref_squeeze %dma_start3A_115 : memref<1x64xi32, #tpu.memory_space<vmem>> -> memref<64xi32, #tpu.memory_space<vmem>>
          %dma_start3A_117 = arith.constant 0 : i32
          %dma_start3A_118 = arith.constant 0 : i32
          %dma_start3A_119 = tpu.memref_slice %arg4[%dma_start3A_117, %dma_start3A_118] : memref<10240x128xf32, #tpu.memory_space<hbm>> -> memref<10240x128xf32, #tpu.memory_space<hbm>>
          tpu.enqueue_indirect_dma source(%dma_start3A_119 : memref<10240x128xf32, #tpu.memory_space<hbm>>) target(%arg12 : memref<64x128xf32, #tpu.memory_space<vmem>>) offsets(%dma_start3A_116 : memref<64xi32, #tpu.memory_space<vmem>>) semaphore(%run_scoped3A : memref<!tpu.dma_semaphore, #tpu.memory_space<semaphore_mem>>)
          %dma_wait3A = arith.constant 0 : i32
          %dma_wait3A_120 = tpu.memref_slice %arg9[%scan3A_102, %dma_wait3A] : memref<16x64xi32, #tpu.memory_space<vmem>> -> memref<1x64xi32, #tpu.memory_space<vmem>>
          %dma_wait3A_121 = tpu.memref_squeeze %dma_wait3A_120 : memref<1x64xi32, #tpu.memory_space<vmem>> -> memref<64xi32, #tpu.memory_space<vmem>>
          %dma_wait3A_122 = arith.constant 0 : i32
          %dma_wait3A_123 = arith.constant 0 : i32
          %dma_wait3A_124 = tpu.memref_slice %arg4[%dma_wait3A_122, %dma_wait3A_123] : memref<10240x128xf32, #tpu.memory_space<hbm>> -> memref<10240x128xf32, #tpu.memory_space<hbm>>
          tpu.wait_indirect_dma semaphore(%run_scoped3A : memref<!tpu.dma_semaphore, #tpu.memory_space<semaphore_mem>>) src(%dma_wait3A_124 : memref<10240x128xf32, #tpu.memory_space<hbm>>) dst(%arg12 : memref<64x128xf32, #tpu.memory_space<vmem>>)
          tpu.yield
        }) : () -> ()
        %scan3A_109 = arith.constant 0 : i32
        %scan3A_110 = arith.constant 0 : i32
        %scan3A_111 = arith.constant 64 : i32
        %scan3A_112 = arith.addi %scan3A_110, %scan3A_111 : i32
        %scan3A_113 = arith.constant 1 : i32
        scf.for %scan3A_115 = %scan3A_110 to %scan3A_112 step %scan3A_113  : i32 {
          %get3A = arith.index_cast %scan3A_115 : i32 to index
          %get3A_116 = arith.constant 0 : index
          %get3A_117 = tpu.vector_load %arg11[%get3A, %get3A_116] {strides = array<i32>} : memref<64x128xf32, #tpu.memory_space<vmem>>, vector<1x16xf32>,
          %get3A_118 = vector.shape_cast %get3A_117 : vector<1x16xf32> to vector<16xf32>
          %get3A_119 = arith.index_cast %scan3A_115 : i32 to index
          %get3A_120 = arith.constant 0 : index
          %get3A_121 = tpu.vector_load %arg12[%get3A_119, %get3A_120] {strides = array<i32>} : memref<64x128xf32, #tpu.memory_space<vmem>>, vector<1x16xf32>,
          %get3A_122 = vector.shape_cast %get3A_121 : vector<1x16xf32> to vector<16xf32>
          %mul3A_123 = arith.mulf %get3A_118, %get3A_122 : vector<16xf32>
          %swap3A = arith.index_cast %scan3A_115 : i32 to index
          %swap3A_124 = arith.constant 0 : index
          %swap3A_125 = tpu.vector_load %arg11[%swap3A, %swap3A_124] {strides = array<i32>} : memref<64x128xf32, #tpu.memory_space<vmem>>, vector<1x16xf32>,
          %swap3A_126 = vector.shape_cast %swap3A_125 : vector<1x16xf32> to vector<16xf32>
          %swap3A_127 = vector.shape_cast %mul3A_123 : vector<16xf32> to vector<1x16xf32>
          tpu.vector_store %arg11[%swap3A, %swap3A_124], %swap3A_127 {strides = array<i32>} : memref<64x128xf32, #tpu.memory_space<vmem>>, vector<1x16xf32>,
          %get3A_128 = arith.index_cast %scan3A_115 : i32 to index
          %get3A_129 = arith.constant 16 : index
          %get3A_130 = tpu.vector_load %arg11[%get3A_128, %get3A_129] {strides = array<i32>} : memref<64x128xf32, #tpu.memory_space<vmem>>, vector<1x16xf32>,
          %get3A_131 = vector.shape_cast %get3A_130 : vector<1x16xf32> to vector<16xf32>
          %get3A_132 = arith.index_cast %scan3A_115 : i32 to index
          %get3A_133 = arith.constant 16 : index
          %get3A_134 = tpu.vector_load %arg12[%get3A_132, %get3A_133] {strides = array<i32>} : memref<64x128xf32, #tpu.memory_space<vmem>>, vector<1x16xf32>,
          %get3A_135 = vector.shape_cast %get3A_134 : vector<1x16xf32> to vector<16xf32>
          %mul3A_136 = arith.mulf %get3A_131, %get3A_135 : vector<16xf32>
          %swap3A_137 = arith.index_cast %scan3A_115 : i32 to index
          %swap3A_138 = arith.constant 16 : index
          %swap3A_139 = tpu.vector_load %arg11[%swap3A_137, %swap3A_138] {strides = array<i32>} : memref<64x128xf32, #tpu.memory_space<vmem>>, vector<1x16xf32>,
          %swap3A_140 = vector.shape_cast %swap3A_139 : vector<1x16xf32> to vector<16xf32>
          %swap3A_141 = vector.shape_cast %mul3A_136 : vector<16xf32> to vector<1x16xf32>
          tpu.vector_store %arg11[%swap3A_137, %swap3A_138], %swap3A_141 {strides = array<i32>} : memref<64x128xf32, #tpu.memory_space<vmem>>, vector<1x16xf32>,
          %get3A_142 = arith.index_cast %scan3A_115 : i32 to index
          %get3A_143 = arith.constant 32 : index
          %get3A_144 = tpu.vector_load %arg11[%get3A_142, %get3A_143] {strides = array<i32>} : memref<64x128xf32, #tpu.memory_space<vmem>>, vector<1x16xf32>,
          %get3A_145 = vector.shape_cast %get3A_144 : vector<1x16xf32> to vector<16xf32>
          %get3A_146 = arith.index_cast %scan3A_115 : i32 to index
          %get3A_147 = arith.constant 32 : index
          %get3A_148 = tpu.vector_load %arg12[%get3A_146, %get3A_147] {strides = array<i32>} : memref<64x128xf32, #tpu.memory_space<vmem>>, vector<1x16xf32>,
          %get3A_149 = vector.shape_cast %get3A_148 : vector<1x16xf32> to vector<16xf32>
          %mul3A_150 = arith.mulf %get3A_145, %get3A_149 : vector<16xf32>
          %swap3A_151 = arith.index_cast %scan3A_115 : i32 to index
          %swap3A_152 = arith.constant 32 : index
          %swap3A_153 = tpu.vector_load %arg11[%swap3A_151, %swap3A_152] {strides = array<i32>} : memref<64x128xf32, #tpu.memory_space<vmem>>, vector<1x16xf32>,
          %swap3A_154 = vector.shape_cast %swap3A_153 : vector<1x16xf32> to vector<16xf32>
          %swap3A_155 = vector.shape_cast %mul3A_150 : vector<16xf32> to vector<1x16xf32>
          tpu.vector_store %arg11[%swap3A_151, %swap3A_152], %swap3A_155 {strides = array<i32>} : memref<64x128xf32, #tpu.memory_space<vmem>>, vector<1x16xf32>,
          %get3A_156 = arith.index_cast %scan3A_115 : i32 to index
          %get3A_157 = arith.constant 48 : index
          %get3A_158 = tpu.vector_load %arg11[%get3A_156, %get3A_157] {strides = array<i32>} : memref<64x128xf32, #tpu.memory_space<vmem>>, vector<1x16xf32>,
          %get3A_159 = vector.shape_cast %get3A_158 : vector<1x16xf32> to vector<16xf32>
          %get3A_160 = arith.index_cast %scan3A_115 : i32 to index
          %get3A_161 = arith.constant 48 : index
          %get3A_162 = tpu.vector_load %arg12[%get3A_160, %get3A_161] {strides = array<i32>} : memref<64x128xf32, #tpu.memory_space<vmem>>, vector<1x16xf32>,
          %get3A_163 = vector.shape_cast %get3A_162 : vector<1x16xf32> to vector<16xf32>
          %mul3A_164 = arith.mulf %get3A_159, %get3A_163 : vector<16xf32>
          %swap3A_165 = arith.index_cast %scan3A_115 : i32 to index
          %swap3A_166 = arith.constant 48 : index
          %swap3A_167 = tpu.vector_load %arg11[%swap3A_165, %swap3A_166] {strides = array<i32>} : memref<64x128xf32, #tpu.memory_space<vmem>>, vector<1x16xf32>,
          %swap3A_168 = vector.shape_cast %swap3A_167 : vector<1x16xf32> to vector<16xf32>
          %swap3A_169 = vector.shape_cast %mul3A_164 : vector<16xf32> to vector<1x16xf32>
          tpu.vector_store %arg11[%swap3A_165, %swap3A_166], %swap3A_169 {strides = array<i32>} : memref<64x128xf32, #tpu.memory_space<vmem>>, vector<1x16xf32>,
          %get3A_170 = arith.index_cast %scan3A_115 : i32 to index
          %get3A_171 = arith.constant 64 : index
          %get3A_172 = tpu.vector_load %arg11[%get3A_170, %get3A_171] {strides = array<i32>} : memref<64x128xf32, #tpu.memory_space<vmem>>, vector<1x16xf32>,
          %get3A_173 = vector.shape_cast %get3A_172 : vector<1x16xf32> to vector<16xf32>
          %get3A_174 = arith.index_cast %scan3A_115 : i32 to index
          %get3A_175 = arith.constant 64 : index
          %get3A_176 = tpu.vector_load %arg12[%get3A_174, %get3A_175] {strides = array<i32>} : memref<64x128xf32, #tpu.memory_space<vmem>>, vector<1x16xf32>,
          %get3A_177 = vector.shape_cast %get3A_176 : vector<1x16xf32> to vector<16xf32>
          %mul3A_178 = arith.mulf %get3A_173, %get3A_177 : vector<16xf32>
          %swap3A_179 = arith.index_cast %scan3A_115 : i32 to index
          %swap3A_180 = arith.constant 64 : index
          %swap3A_181 = tpu.vector_load %arg11[%swap3A_179, %swap3A_180] {strides = array<i32>} : memref<64x128xf32, #tpu.memory_space<vmem>>, vector<1x16xf32>,
          %swap3A_182 = vector.shape_cast %swap3A_181 : vector<1x16xf32> to vector<16xf32>
          %swap3A_183 = vector.shape_cast %mul3A_178 : vector<16xf32> to vector<1x16xf32>
          tpu.vector_store %arg11[%swap3A_179, %swap3A_180], %swap3A_183 {strides = array<i32>} : memref<64x128xf32, #tpu.memory_space<vmem>>, vector<1x16xf32>,
          %get3A_184 = arith.index_cast %scan3A_115 : i32 to index
          %get3A_185 = arith.constant 80 : index
          %get3A_186 = tpu.vector_load %arg11[%get3A_184, %get3A_185] {strides = array<i32>} : memref<64x128xf32, #tpu.memory_space<vmem>>, vector<1x16xf32>,
          %get3A_187 = vector.shape_cast %get3A_186 : vector<1x16xf32> to vector<16xf32>
          %get3A_188 = arith.index_cast %scan3A_115 : i32 to index
          %get3A_189 = arith.constant 80 : index
          %get3A_190 = tpu.vector_load %arg12[%get3A_188, %get3A_189] {strides = array<i32>} : memref<64x128xf32, #tpu.memory_space<vmem>>, vector<1x16xf32>,
          %get3A_191 = vector.shape_cast %get3A_190 : vector<1x16xf32> to vector<16xf32>
          %mul3A_192 = arith.mulf %get3A_187, %get3A_191 : vector<16xf32>
          %swap3A_193 = arith.index_cast %scan3A_115 : i32 to index
          %swap3A_194 = arith.constant 80 : index
          %swap3A_195 = tpu.vector_load %arg11[%swap3A_193, %swap3A_194] {strides = array<i32>} : memref<64x128xf32, #tpu.memory_space<vmem>>, vector<1x16xf32>,
          %swap3A_196 = vector.shape_cast %swap3A_195 : vector<1x16xf32> to vector<16xf32>
          %swap3A_197 = vector.shape_cast %mul3A_192 : vector<16xf32> to vector<1x16xf32>
          tpu.vector_store %arg11[%swap3A_193, %swap3A_194], %swap3A_197 {strides = array<i32>} : memref<64x128xf32, #tpu.memory_space<vmem>>, vector<1x16xf32>,
          %get3A_198 = arith.index_cast %scan3A_115 : i32 to index
          %get3A_199 = arith.constant 96 : index
          %get3A_200 = tpu.vector_load %arg11[%get3A_198, %get3A_199] {strides = array<i32>} : memref<64x128xf32, #tpu.memory_space<vmem>>, vector<1x16xf32>,
          %get3A_201 = vector.shape_cast %get3A_200 : vector<1x16xf32> to vector<16xf32>
          %get3A_202 = arith.index_cast %scan3A_115 : i32 to index
          %get3A_203 = arith.constant 96 : index
          %get3A_204 = tpu.vector_load %arg12[%get3A_202, %get3A_203] {strides = array<i32>} : memref<64x128xf32, #tpu.memory_space<vmem>>, vector<1x16xf32>,
          %get3A_205 = vector.shape_cast %get3A_204 : vector<1x16xf32> to vector<16xf32>
          %mul3A_206 = arith.mulf %get3A_201, %get3A_205 : vector<16xf32>
          %swap3A_207 = arith.index_cast %scan3A_115 : i32 to index
          %swap3A_208 = arith.constant 96 : index
          %swap3A_209 = tpu.vector_load %arg11[%swap3A_207, %swap3A_208] {strides = array<i32>} : memref<64x128xf32, #tpu.memory_space<vmem>>, vector<1x16xf32>,
          %swap3A_210 = vector.shape_cast %swap3A_209 : vector<1x16xf32> to vector<16xf32>
          %swap3A_211 = vector.shape_cast %mul3A_206 : vector<16xf32> to vector<1x16xf32>
          tpu.vector_store %arg11[%swap3A_207, %swap3A_208], %swap3A_211 {strides = array<i32>} : memref<64x128xf32, #tpu.memory_space<vmem>>, vector<1x16xf32>,
          %get3A_212 = arith.index_cast %scan3A_115 : i32 to index
          %get3A_213 = arith.constant 112 : index
          %get3A_214 = tpu.vector_load %arg11[%get3A_212, %get3A_213] {strides = array<i32>} : memref<64x128xf32, #tpu.memory_space<vmem>>, vector<1x16xf32>,
          %get3A_215 = vector.shape_cast %get3A_214 : vector<1x16xf32> to vector<16xf32>
          %get3A_216 = arith.index_cast %scan3A_115 : i32 to index
          %get3A_217 = arith.constant 112 : index
          %get3A_218 = tpu.vector_load %arg12[%get3A_216, %get3A_217] {strides = array<i32>} : memref<64x128xf32, #tpu.memory_space<vmem>>, vector<1x16xf32>,
          %get3A_219 = vector.shape_cast %get3A_218 : vector<1x16xf32> to vector<16xf32>
          %mul3A_220 = arith.mulf %get3A_215, %get3A_219 : vector<16xf32>
          %swap3A_221 = arith.index_cast %scan3A_115 : i32 to index
          %swap3A_222 = arith.constant 112 : index
          %swap3A_223 = tpu.vector_load %arg11[%swap3A_221, %swap3A_222] {strides = array<i32>} : memref<64x128xf32, #tpu.memory_space<vmem>>, vector<1x16xf32>,
          %swap3A_224 = vector.shape_cast %swap3A_223 : vector<1x16xf32> to vector<16xf32>
          %swap3A_225 = vector.shape_cast %mul3A_220 : vector<16xf32> to vector<1x16xf32>
          tpu.vector_store %arg11[%swap3A_221, %swap3A_222], %swap3A_225 {strides = array<i32>} : memref<64x128xf32, #tpu.memory_space<vmem>>, vector<1x16xf32>,
        }
        %scan3A_114 = arith.constant 64 : i32
        "tpu.region"() ({
          %run_scoped3A = tpu.sem_alloc : memref<!tpu.dma_semaphore, #tpu.memory_space<semaphore_mem>>
          %dma_start3A = arith.constant 0 : i32
          %dma_start3A_115 = tpu.memref_slice %arg10[%scan3A_102, %dma_start3A] : memref<16x64xi32, #tpu.memory_space<vmem>> -> memref<1x64xi32, #tpu.memory_space<vmem>>
          %dma_start3A_116 = tpu.memref_squeeze %dma_start3A_115 : memref<1x64xi32, #tpu.memory_space<vmem>> -> memref<64xi32, #tpu.memory_space<vmem>>
          %dma_start3A_117 = arith.constant 0 : i32
          %dma_start3A_118 = arith.constant 0 : i32
          %dma_start3A_119 = tpu.memref_slice %arg8[%dma_start3A_117, %dma_start3A_118] : memref<10240x128xf32, #tpu.memory_space<vmem_shared>> -> memref<10240x128xf32, #tpu.memory_space<vmem_shared>>
          tpu.enqueue_indirect_dma source(%arg11 : memref<64x128xf32, #tpu.memory_space<vmem>>) target(%dma_start3A_119 : memref<10240x128xf32, #tpu.memory_space<vmem_shared>>) offsets(%dma_start3A_116 : memref<64xi32, #tpu.memory_space<vmem>>) semaphore(%run_scoped3A : memref<!tpu.dma_semaphore, #tpu.memory_space<semaphore_mem>>) {add = true}
          %dma_wait3A = arith.constant 0 : i32
          %dma_wait3A_120 = tpu.memref_slice %arg10[%scan3A_102, %dma_wait3A] : memref<16x64xi32, #tpu.memory_space<vmem>> -> memref<1x64xi32, #tpu.memory_space<vmem>>
          %dma_wait3A_121 = tpu.memref_squeeze %dma_wait3A_120 : memref<1x64xi32, #tpu.memory_space<vmem>> -> memref<64xi32, #tpu.memory_space<vmem>>
          %dma_wait3A_122 = arith.constant 0 : i32
          %dma_wait3A_123 = arith.constant 0 : i32
          %dma_wait3A_124 = tpu.memref_slice %arg8[%dma_wait3A_122, %dma_wait3A_123] : memref<10240x128xf32, #tpu.memory_space<vmem_shared>> -> memref<10240x128xf32, #tpu.memory_space<vmem_shared>>
          tpu.wait_indirect_dma semaphore(%run_scoped3A : memref<!tpu.dma_semaphore, #tpu.memory_space<semaphore_mem>>) src(%arg11 : memref<64x128xf32, #tpu.memory_space<vmem>>) dst(%dma_wait3A_124 : memref<10240x128xf32, #tpu.memory_space<vmem_shared>>)
          tpu.yield
        }) : () -> ()
      }
      %scan3A_101 = arith.constant 16 : i32
    }
    %scan3A_49 = arith.constant 10 : i32
    %barrier3A_50 = arith.constant 0 : index
    tpu.barrier barrier_id(%barrier3A_50)
    %mul3A_51 = arith.constant 640 : i32
    %mul3A_52 = arith.muli %arg1, %mul3A_51 : i32
    %add3A_53 = arith.constant 0 : i32
    %add3A_54 = arith.addi %mul3A_52, %add3A_53 : i32
    "tpu.region"() ({
      %run_scoped3A = tpu.sem_alloc : memref<!tpu.dma_semaphore, #tpu.memory_space<semaphore_mem>>
      %dma_start3A = arith.constant 0 : i32
      %dma_start3A_91 = tpu.memref_slice %arg8[%add3A_54, %dma_start3A] : memref<10240x128xf32, #tpu.memory_space<vmem_shared>> -> memref<64x128xf32, #tpu.memory_space<vmem_shared>>
      %dma_start3A_92 = arith.constant 0 : i32
      %dma_start3A_93 = tpu.memref_slice %arg8[%add3A_54, %dma_start3A_92] : memref<10240x128xf32, #tpu.memory_space<vmem_shared>> -> memref<64x128xf32, #tpu.memory_space<vmem_shared>>
      tpu.enqueue_dma source(%dma_start3A_93 : memref<64x128xf32, #tpu.memory_space<vmem_shared>>) target(%arg11 : memref<64x128xf32, #tpu.memory_space<vmem>>) target_semaphore(%run_scoped3A : memref<!tpu.dma_semaphore, #tpu.memory_space<semaphore_mem>>)
      %dma_wait3A = arith.constant 0 : i32
      %dma_wait3A_94 = tpu.memref_slice %arg8[%add3A_54, %dma_wait3A] : memref<10240x128xf32, #tpu.memory_space<vmem_shared>> -> memref<64x128xf32, #tpu.memory_space<vmem_shared>>
      %dma_wait3A_95 = arith.constant 0 : i32
      %dma_wait3A_96 = tpu.memref_slice %arg8[%add3A_54, %dma_wait3A_95] : memref<10240x128xf32, #tpu.memory_space<vmem_shared>> -> memref<64x128xf32, #tpu.memory_space<vmem_shared>>
      tpu.wait_dma2 semaphore(%run_scoped3A : memref<!tpu.dma_semaphore, #tpu.memory_space<semaphore_mem>>) src(%dma_wait3A_96 : memref<64x128xf32, #tpu.memory_space<vmem_shared>>) dst(%arg11 : memref<64x128xf32, #tpu.memory_space<vmem>>)
      tpu.yield
    }) : () -> ()
    "tpu.region"() ({
      %run_scoped3A = tpu.sem_alloc : memref<!tpu.dma_semaphore, #tpu.memory_space<semaphore_mem>>
      %dma_start3A = arith.constant 0 : i32
      %dma_start3A_91 = tpu.memref_slice %arg7[%arg0, %add3A_54, %dma_start3A] : memref<2x10240x128xf32, #tpu.memory_space<hbm>> -> memref<1x64x128xf32, #tpu.memory_space<hbm>>
      %dma_start3A_92 = tpu.memref_squeeze %dma_start3A_91 : memref<1x64x128xf32, #tpu.memory_space<hbm>> -> memref<64x128xf32, #tpu.memory_space<hbm>>
      %dma_start3A_93 = arith.constant 0 : i32
      %dma_start3A_94 = tpu.memref_slice %arg7[%arg0, %add3A_54, %dma_start3A_93] : memref<2x10240x128xf32, #tpu.memory_space<hbm>> -> memref<1x64x128xf32, #tpu.memory_space<hbm>>
      %dma_start3A_95 = tpu.memref_squeeze %dma_start3A_94 : memref<1x64x128xf32, #tpu.memory_space<hbm>> -> memref<64x128xf32, #tpu.memory_space<hbm>>
      tpu.enqueue_dma source(%arg11 : memref<64x128xf32, #tpu.memory_space<vmem>>) target(%dma_start3A_95 : memref<64x128xf32, #tpu.memory_space<hbm>>) target_semaphore(%run_scoped3A : memref<!tpu.dma_semaphore, #tpu.memory_space<semaphore_mem>>)
      %dma_wait3A = arith.constant 0 : i32
      %dma_wait3A_96 = tpu.memref_slice %arg7[%arg0, %add3A_54, %dma_wait3A] : memref<2x10240x128xf32, #tpu.memory_space<hbm>> -> memref<1x64x128xf32, #tpu.memory_space<hbm>>
      %dma_wait3A_97 = tpu.memref_squeeze %dma_wait3A_96 : memref<1x64x128xf32, #tpu.memory_space<hbm>> -> memref<64x128xf32, #tpu.memory_space<hbm>>
      %dma_wait3A_98 = arith.constant 0 : i32
      %dma_wait3A_99 = tpu.memref_slice %arg7[%arg0, %add3A_54, %dma_wait3A_98] : memref<2x10240x128xf32, #tpu.memory_space<hbm>> -> memref<1x64x128xf32, #tpu.memory_space<hbm>>
      %dma_wait3A_100 = tpu.memref_squeeze %dma_wait3A_99 : memref<1x64x128xf32, #tpu.memory_space<hbm>> -> memref<64x128xf32, #tpu.memory_space<hbm>>
      tpu.wait_dma2 semaphore(%run_scoped3A : memref<!tpu.dma_semaphore, #tpu.memory_space<semaphore_mem>>) src(%arg11 : memref<64x128xf32, #tpu.memory_space<vmem>>) dst(%dma_wait3A_100 : memref<64x128xf32, #tpu.memory_space<hbm>>)
      tpu.yield
    }) : () -> ()
    %mul3A_55 = arith.constant 640 : i32
    %mul3A_56 = arith.muli %arg1, %mul3A_55 : i32
    %add3A_57 = arith.constant 64 : i32
    %add3A_58 = arith.addi %mul3A_56, %add3A_57 : i32
    "tpu.region"() ({
      %run_scoped3A = tpu.sem_alloc : memref<!tpu.dma_semaphore, #tpu.memory_space<semaphore_mem>>
      %dma_start3A = arith.constant 0 : i32
      %dma_start3A_91 = tpu.memref_slice %arg8[%add3A_58, %dma_start3A] : memref<10240x128xf32, #tpu.memory_space<vmem_shared>> -> memref<64x128xf32, #tpu.memory_space<vmem_shared>>
      %dma_start3A_92 = arith.constant 0 : i32
      %dma_start3A_93 = tpu.memref_slice %arg8[%add3A_58, %dma_start3A_92] : memref<10240x128xf32, #tpu.memory_space<vmem_shared>> -> memref<64x128xf32, #tpu.memory_space<vmem_shared>>
      tpu.enqueue_dma source(%dma_start3A_93 : memref<64x128xf32, #tpu.memory_space<vmem_shared>>) target(%arg11 : memref<64x128xf32, #tpu.memory_space<vmem>>) target_semaphore(%run_scoped3A : memref<!tpu.dma_semaphore, #tpu.memory_space<semaphore_mem>>)
      %dma_wait3A = arith.constant 0 : i32
      %dma_wait3A_94 = tpu.memref_slice %arg8[%add3A_58, %dma_wait3A] : memref<10240x128xf32, #tpu.memory_space<vmem_shared>> -> memref<64x128xf32, #tpu.memory_space<vmem_shared>>
      %dma_wait3A_95 = arith.constant 0 : i32
      %dma_wait3A_96 = tpu.memref_slice %arg8[%add3A_58, %dma_wait3A_95] : memref<10240x128xf32, #tpu.memory_space<vmem_shared>> -> memref<64x128xf32, #tpu.memory_space<vmem_shared>>
      tpu.wait_dma2 semaphore(%run_scoped3A : memref<!tpu.dma_semaphore, #tpu.memory_space<semaphore_mem>>) src(%dma_wait3A_96 : memref<64x128xf32, #tpu.memory_space<vmem_shared>>) dst(%arg11 : memref<64x128xf32, #tpu.memory_space<vmem>>)
      tpu.yield
    }) : () -> ()
    "tpu.region"() ({
      %run_scoped3A = tpu.sem_alloc : memref<!tpu.dma_semaphore, #tpu.memory_space<semaphore_mem>>
      %dma_start3A = arith.constant 0 : i32
      %dma_start3A_91 = tpu.memref_slice %arg7[%arg0, %add3A_58, %dma_start3A] : memref<2x10240x128xf32, #tpu.memory_space<hbm>> -> memref<1x64x128xf32, #tpu.memory_space<hbm>>
      %dma_start3A_92 = tpu.memref_squeeze %dma_start3A_91 : memref<1x64x128xf32, #tpu.memory_space<hbm>> -> memref<64x128xf32, #tpu.memory_space<hbm>>
      %dma_start3A_93 = arith.constant 0 : i32
      %dma_start3A_94 = tpu.memref_slice %arg7[%arg0, %add3A_58, %dma_start3A_93] : memref<2x10240x128xf32, #tpu.memory_space<hbm>> -> memref<1x64x128xf32, #tpu.memory_space<hbm>>
      %dma_start3A_95 = tpu.memref_squeeze %dma_start3A_94 : memref<1x64x128xf32, #tpu.memory_space<hbm>> -> memref<64x128xf32, #tpu.memory_space<hbm>>
      tpu.enqueue_dma source(%arg11 : memref<64x128xf32, #tpu.memory_space<vmem>>) target(%dma_start3A_95 : memref<64x128xf32, #tpu.memory_space<hbm>>) target_semaphore(%run_scoped3A : memref<!tpu.dma_semaphore, #tpu.memory_space<semaphore_mem>>)
      %dma_wait3A = arith.constant 0 : i32
      %dma_wait3A_96 = tpu.memref_slice %arg7[%arg0, %add3A_58, %dma_wait3A] : memref<2x10240x128xf32, #tpu.memory_space<hbm>> -> memref<1x64x128xf32, #tpu.memory_space<hbm>>
      %dma_wait3A_97 = tpu.memref_squeeze %dma_wait3A_96 : memref<1x64x128xf32, #tpu.memory_space<hbm>> -> memref<64x128xf32, #tpu.memory_space<hbm>>
      %dma_wait3A_98 = arith.constant 0 : i32
      %dma_wait3A_99 = tpu.memref_slice %arg7[%arg0, %add3A_58, %dma_wait3A_98] : memref<2x10240x128xf32, #tpu.memory_space<hbm>> -> memref<1x64x128xf32, #tpu.memory_space<hbm>>
      %dma_wait3A_100 = tpu.memref_squeeze %dma_wait3A_99 : memref<1x64x128xf32, #tpu.memory_space<hbm>> -> memref<64x128xf32, #tpu.memory_space<hbm>>
      tpu.wait_dma2 semaphore(%run_scoped3A : memref<!tpu.dma_semaphore, #tpu.memory_space<semaphore_mem>>) src(%arg11 : memref<64x128xf32, #tpu.memory_space<vmem>>) dst(%dma_wait3A_100 : memref<64x128xf32, #tpu.memory_space<hbm>>)
      tpu.yield
    }) : () -> ()
    %mul3A_59 = arith.constant 640 : i32
    %mul3A_60 = arith.muli %arg1, %mul3A_59 : i32
    %add3A_61 = arith.constant 128 : i32
    %add3A_62 = arith.addi %mul3A_60, %add3A_61 : i32
    "tpu.region"() ({
      %run_scoped3A = tpu.sem_alloc : memref<!tpu.dma_semaphore, #tpu.memory_space<semaphore_mem>>
      %dma_start3A = arith.constant 0 : i32
      %dma_start3A_91 = tpu.memref_slice %arg8[%add3A_62, %dma_start3A] : memref<10240x128xf32, #tpu.memory_space<vmem_shared>> -> memref<64x128xf32, #tpu.memory_space<vmem_shared>>
      %dma_start3A_92 = arith.constant 0 : i32
      %dma_start3A_93 = tpu.memref_slice %arg8[%add3A_62, %dma_start3A_92] : memref<10240x128xf32, #tpu.memory_space<vmem_shared>> -> memref<64x128xf32, #tpu.memory_space<vmem_shared>>
      tpu.enqueue_dma source(%dma_start3A_93 : memref<64x128xf32, #tpu.memory_space<vmem_shared>>) target(%arg11 : memref<64x128xf32, #tpu.memory_space<vmem>>) target_semaphore(%run_scoped3A : memref<!tpu.dma_semaphore, #tpu.memory_space<semaphore_mem>>)
      %dma_wait3A = arith.constant 0 : i32
      %dma_wait3A_94 = tpu.memref_slice %arg8[%add3A_62, %dma_wait3A] : memref<10240x128xf32, #tpu.memory_space<vmem_shared>> -> memref<64x128xf32, #tpu.memory_space<vmem_shared>>
      %dma_wait3A_95 = arith.constant 0 : i32
      %dma_wait3A_96 = tpu.memref_slice %arg8[%add3A_62, %dma_wait3A_95] : memref<10240x128xf32, #tpu.memory_space<vmem_shared>> -> memref<64x128xf32, #tpu.memory_space<vmem_shared>>
      tpu.wait_dma2 semaphore(%run_scoped3A : memref<!tpu.dma_semaphore, #tpu.memory_space<semaphore_mem>>) src(%dma_wait3A_96 : memref<64x128xf32, #tpu.memory_space<vmem_shared>>) dst(%arg11 : memref<64x128xf32, #tpu.memory_space<vmem>>)
      tpu.yield
    }) : () -> ()
    "tpu.region"() ({
      %run_scoped3A = tpu.sem_alloc : memref<!tpu.dma_semaphore, #tpu.memory_space<semaphore_mem>>
      %dma_start3A = arith.constant 0 : i32
      %dma_start3A_91 = tpu.memref_slice %arg7[%arg0, %add3A_62, %dma_start3A] : memref<2x10240x128xf32, #tpu.memory_space<hbm>> -> memref<1x64x128xf32, #tpu.memory_space<hbm>>
      %dma_start3A_92 = tpu.memref_squeeze %dma_start3A_91 : memref<1x64x128xf32, #tpu.memory_space<hbm>> -> memref<64x128xf32, #tpu.memory_space<hbm>>
      %dma_start3A_93 = arith.constant 0 : i32
      %dma_start3A_94 = tpu.memref_slice %arg7[%arg0, %add3A_62, %dma_start3A_93] : memref<2x10240x128xf32, #tpu.memory_space<hbm>> -> memref<1x64x128xf32, #tpu.memory_space<hbm>>
      %dma_start3A_95 = tpu.memref_squeeze %dma_start3A_94 : memref<1x64x128xf32, #tpu.memory_space<hbm>> -> memref<64x128xf32, #tpu.memory_space<hbm>>
      tpu.enqueue_dma source(%arg11 : memref<64x128xf32, #tpu.memory_space<vmem>>) target(%dma_start3A_95 : memref<64x128xf32, #tpu.memory_space<hbm>>) target_semaphore(%run_scoped3A : memref<!tpu.dma_semaphore, #tpu.memory_space<semaphore_mem>>)
      %dma_wait3A = arith.constant 0 : i32
      %dma_wait3A_96 = tpu.memref_slice %arg7[%arg0, %add3A_62, %dma_wait3A] : memref<2x10240x128xf32, #tpu.memory_space<hbm>> -> memref<1x64x128xf32, #tpu.memory_space<hbm>>
      %dma_wait3A_97 = tpu.memref_squeeze %dma_wait3A_96 : memref<1x64x128xf32, #tpu.memory_space<hbm>> -> memref<64x128xf32, #tpu.memory_space<hbm>>
      %dma_wait3A_98 = arith.constant 0 : i32
      %dma_wait3A_99 = tpu.memref_slice %arg7[%arg0, %add3A_62, %dma_wait3A_98] : memref<2x10240x128xf32, #tpu.memory_space<hbm>> -> memref<1x64x128xf32, #tpu.memory_space<hbm>>
      %dma_wait3A_100 = tpu.memref_squeeze %dma_wait3A_99 : memref<1x64x128xf32, #tpu.memory_space<hbm>> -> memref<64x128xf32, #tpu.memory_space<hbm>>
      tpu.wait_dma2 semaphore(%run_scoped3A : memref<!tpu.dma_semaphore, #tpu.memory_space<semaphore_mem>>) src(%arg11 : memref<64x128xf32, #tpu.memory_space<vmem>>) dst(%dma_wait3A_100 : memref<64x128xf32, #tpu.memory_space<hbm>>)
      tpu.yield
    }) : () -> ()
    %mul3A_63 = arith.constant 640 : i32
    %mul3A_64 = arith.muli %arg1, %mul3A_63 : i32
    %add3A_65 = arith.constant 192 : i32
    %add3A_66 = arith.addi %mul3A_64, %add3A_65 : i32
    "tpu.region"() ({
      %run_scoped3A = tpu.sem_alloc : memref<!tpu.dma_semaphore, #tpu.memory_space<semaphore_mem>>
      %dma_start3A = arith.constant 0 : i32
      %dma_start3A_91 = tpu.memref_slice %arg8[%add3A_66, %dma_start3A] : memref<10240x128xf32, #tpu.memory_space<vmem_shared>> -> memref<64x128xf32, #tpu.memory_space<vmem_shared>>
      %dma_start3A_92 = arith.constant 0 : i32
      %dma_start3A_93 = tpu.memref_slice %arg8[%add3A_66, %dma_start3A_92] : memref<10240x128xf32, #tpu.memory_space<vmem_shared>> -> memref<64x128xf32, #tpu.memory_space<vmem_shared>>
      tpu.enqueue_dma source(%dma_start3A_93 : memref<64x128xf32, #tpu.memory_space<vmem_shared>>) target(%arg11 : memref<64x128xf32, #tpu.memory_space<vmem>>) target_semaphore(%run_scoped3A : memref<!tpu.dma_semaphore, #tpu.memory_space<semaphore_mem>>)
      %dma_wait3A = arith.constant 0 : i32
      %dma_wait3A_94 = tpu.memref_slice %arg8[%add3A_66, %dma_wait3A] : memref<10240x128xf32, #tpu.memory_space<vmem_shared>> -> memref<64x128xf32, #tpu.memory_space<vmem_shared>>
      %dma_wait3A_95 = arith.constant 0 : i32
      %dma_wait3A_96 = tpu.memref_slice %arg8[%add3A_66, %dma_wait3A_95] : memref<10240x128xf32, #tpu.memory_space<vmem_shared>> -> memref<64x128xf32, #tpu.memory_space<vmem_shared>>
      tpu.wait_dma2 semaphore(%run_scoped3A : memref<!tpu.dma_semaphore, #tpu.memory_space<semaphore_mem>>) src(%dma_wait3A_96 : memref<64x128xf32, #tpu.memory_space<vmem_shared>>) dst(%arg11 : memref<64x128xf32, #tpu.memory_space<vmem>>)
      tpu.yield
    }) : () -> ()
    "tpu.region"() ({
      %run_scoped3A = tpu.sem_alloc : memref<!tpu.dma_semaphore, #tpu.memory_space<semaphore_mem>>
      %dma_start3A = arith.constant 0 : i32
      %dma_start3A_91 = tpu.memref_slice %arg7[%arg0, %add3A_66, %dma_start3A] : memref<2x10240x128xf32, #tpu.memory_space<hbm>> -> memref<1x64x128xf32, #tpu.memory_space<hbm>>
      %dma_start3A_92 = tpu.memref_squeeze %dma_start3A_91 : memref<1x64x128xf32, #tpu.memory_space<hbm>> -> memref<64x128xf32, #tpu.memory_space<hbm>>
      %dma_start3A_93 = arith.constant 0 : i32
      %dma_start3A_94 = tpu.memref_slice %arg7[%arg0, %add3A_66, %dma_start3A_93] : memref<2x10240x128xf32, #tpu.memory_space<hbm>> -> memref<1x64x128xf32, #tpu.memory_space<hbm>>
      %dma_start3A_95 = tpu.memref_squeeze %dma_start3A_94 : memref<1x64x128xf32, #tpu.memory_space<hbm>> -> memref<64x128xf32, #tpu.memory_space<hbm>>
      tpu.enqueue_dma source(%arg11 : memref<64x128xf32, #tpu.memory_space<vmem>>) target(%dma_start3A_95 : memref<64x128xf32, #tpu.memory_space<hbm>>) target_semaphore(%run_scoped3A : memref<!tpu.dma_semaphore, #tpu.memory_space<semaphore_mem>>)
      %dma_wait3A = arith.constant 0 : i32
      %dma_wait3A_96 = tpu.memref_slice %arg7[%arg0, %add3A_66, %dma_wait3A] : memref<2x10240x128xf32, #tpu.memory_space<hbm>> -> memref<1x64x128xf32, #tpu.memory_space<hbm>>
      %dma_wait3A_97 = tpu.memref_squeeze %dma_wait3A_96 : memref<1x64x128xf32, #tpu.memory_space<hbm>> -> memref<64x128xf32, #tpu.memory_space<hbm>>
      %dma_wait3A_98 = arith.constant 0 : i32
      %dma_wait3A_99 = tpu.memref_slice %arg7[%arg0, %add3A_66, %dma_wait3A_98] : memref<2x10240x128xf32, #tpu.memory_space<hbm>> -> memref<1x64x128xf32, #tpu.memory_space<hbm>>
      %dma_wait3A_100 = tpu.memref_squeeze %dma_wait3A_99 : memref<1x64x128xf32, #tpu.memory_space<hbm>> -> memref<64x128xf32, #tpu.memory_space<hbm>>
      tpu.wait_dma2 semaphore(%run_scoped3A : memref<!tpu.dma_semaphore, #tpu.memory_space<semaphore_mem>>) src(%arg11 : memref<64x128xf32, #tpu.memory_space<vmem>>) dst(%dma_wait3A_100 : memref<64x128xf32, #tpu.memory_space<hbm>>)
      tpu.yield
    }) : () -> ()
    %mul3A_67 = arith.constant 640 : i32
    %mul3A_68 = arith.muli %arg1, %mul3A_67 : i32
    %add3A_69 = arith.constant 256 : i32
    %add3A_70 = arith.addi %mul3A_68, %add3A_69 : i32
    "tpu.region"() ({
      %run_scoped3A = tpu.sem_alloc : memref<!tpu.dma_semaphore, #tpu.memory_space<semaphore_mem>>
      %dma_start3A = arith.constant 0 : i32
      %dma_start3A_91 = tpu.memref_slice %arg8[%add3A_70, %dma_start3A] : memref<10240x128xf32, #tpu.memory_space<vmem_shared>> -> memref<64x128xf32, #tpu.memory_space<vmem_shared>>
      %dma_start3A_92 = arith.constant 0 : i32
      %dma_start3A_93 = tpu.memref_slice %arg8[%add3A_70, %dma_start3A_92] : memref<10240x128xf32, #tpu.memory_space<vmem_shared>> -> memref<64x128xf32, #tpu.memory_space<vmem_shared>>
      tpu.enqueue_dma source(%dma_start3A_93 : memref<64x128xf32, #tpu.memory_space<vmem_shared>>) target(%arg11 : memref<64x128xf32, #tpu.memory_space<vmem>>) target_semaphore(%run_scoped3A : memref<!tpu.dma_semaphore, #tpu.memory_space<semaphore_mem>>)
      %dma_wait3A = arith.constant 0 : i32
      %dma_wait3A_94 = tpu.memref_slice %arg8[%add3A_70, %dma_wait3A] : memref<10240x128xf32, #tpu.memory_space<vmem_shared>> -> memref<64x128xf32, #tpu.memory_space<vmem_shared>>
      %dma_wait3A_95 = arith.constant 0 : i32
      %dma_wait3A_96 = tpu.memref_slice %arg8[%add3A_70, %dma_wait3A_95] : memref<10240x128xf32, #tpu.memory_space<vmem_shared>> -> memref<64x128xf32, #tpu.memory_space<vmem_shared>>
      tpu.wait_dma2 semaphore(%run_scoped3A : memref<!tpu.dma_semaphore, #tpu.memory_space<semaphore_mem>>) src(%dma_wait3A_96 : memref<64x128xf32, #tpu.memory_space<vmem_shared>>) dst(%arg11 : memref<64x128xf32, #tpu.memory_space<vmem>>)
      tpu.yield
    }) : () -> ()
    "tpu.region"() ({
      %run_scoped3A = tpu.sem_alloc : memref<!tpu.dma_semaphore, #tpu.memory_space<semaphore_mem>>
      %dma_start3A = arith.constant 0 : i32
      %dma_start3A_91 = tpu.memref_slice %arg7[%arg0, %add3A_70, %dma_start3A] : memref<2x10240x128xf32, #tpu.memory_space<hbm>> -> memref<1x64x128xf32, #tpu.memory_space<hbm>>
      %dma_start3A_92 = tpu.memref_squeeze %dma_start3A_91 : memref<1x64x128xf32, #tpu.memory_space<hbm>> -> memref<64x128xf32, #tpu.memory_space<hbm>>
      %dma_start3A_93 = arith.constant 0 : i32
      %dma_start3A_94 = tpu.memref_slice %arg7[%arg0, %add3A_70, %dma_start3A_93] : memref<2x10240x128xf32, #tpu.memory_space<hbm>> -> memref<1x64x128xf32, #tpu.memory_space<hbm>>
      %dma_start3A_95 = tpu.memref_squeeze %dma_start3A_94 : memref<1x64x128xf32, #tpu.memory_space<hbm>> -> memref<64x128xf32, #tpu.memory_space<hbm>>
      tpu.enqueue_dma source(%arg11 : memref<64x128xf32, #tpu.memory_space<vmem>>) target(%dma_start3A_95 : memref<64x128xf32, #tpu.memory_space<hbm>>) target_semaphore(%run_scoped3A : memref<!tpu.dma_semaphore, #tpu.memory_space<semaphore_mem>>)
      %dma_wait3A = arith.constant 0 : i32
      %dma_wait3A_96 = tpu.memref_slice %arg7[%arg0, %add3A_70, %dma_wait3A] : memref<2x10240x128xf32, #tpu.memory_space<hbm>> -> memref<1x64x128xf32, #tpu.memory_space<hbm>>
      %dma_wait3A_97 = tpu.memref_squeeze %dma_wait3A_96 : memref<1x64x128xf32, #tpu.memory_space<hbm>> -> memref<64x128xf32, #tpu.memory_space<hbm>>
      %dma_wait3A_98 = arith.constant 0 : i32
      %dma_wait3A_99 = tpu.memref_slice %arg7[%arg0, %add3A_70, %dma_wait3A_98] : memref<2x10240x128xf32, #tpu.memory_space<hbm>> -> memref<1x64x128xf32, #tpu.memory_space<hbm>>
      %dma_wait3A_100 = tpu.memref_squeeze %dma_wait3A_99 : memref<1x64x128xf32, #tpu.memory_space<hbm>> -> memref<64x128xf32, #tpu.memory_space<hbm>>
      tpu.wait_dma2 semaphore(%run_scoped3A : memref<!tpu.dma_semaphore, #tpu.memory_space<semaphore_mem>>) src(%arg11 : memref<64x128xf32, #tpu.memory_space<vmem>>) dst(%dma_wait3A_100 : memref<64x128xf32, #tpu.memory_space<hbm>>)
      tpu.yield
    }) : () -> ()
    %mul3A_71 = arith.constant 640 : i32
    %mul3A_72 = arith.muli %arg1, %mul3A_71 : i32
    %add3A_73 = arith.constant 320 : i32
    %add3A_74 = arith.addi %mul3A_72, %add3A_73 : i32
    "tpu.region"() ({
      %run_scoped3A = tpu.sem_alloc : memref<!tpu.dma_semaphore, #tpu.memory_space<semaphore_mem>>
      %dma_start3A = arith.constant 0 : i32
      %dma_start3A_91 = tpu.memref_slice %arg8[%add3A_74, %dma_start3A] : memref<10240x128xf32, #tpu.memory_space<vmem_shared>> -> memref<64x128xf32, #tpu.memory_space<vmem_shared>>
      %dma_start3A_92 = arith.constant 0 : i32
      %dma_start3A_93 = tpu.memref_slice %arg8[%add3A_74, %dma_start3A_92] : memref<10240x128xf32, #tpu.memory_space<vmem_shared>> -> memref<64x128xf32, #tpu.memory_space<vmem_shared>>
      tpu.enqueue_dma source(%dma_start3A_93 : memref<64x128xf32, #tpu.memory_space<vmem_shared>>) target(%arg11 : memref<64x128xf32, #tpu.memory_space<vmem>>) target_semaphore(%run_scoped3A : memref<!tpu.dma_semaphore, #tpu.memory_space<semaphore_mem>>)
      %dma_wait3A = arith.constant 0 : i32
      %dma_wait3A_94 = tpu.memref_slice %arg8[%add3A_74, %dma_wait3A] : memref<10240x128xf32, #tpu.memory_space<vmem_shared>> -> memref<64x128xf32, #tpu.memory_space<vmem_shared>>
      %dma_wait3A_95 = arith.constant 0 : i32
      %dma_wait3A_96 = tpu.memref_slice %arg8[%add3A_74, %dma_wait3A_95] : memref<10240x128xf32, #tpu.memory_space<vmem_shared>> -> memref<64x128xf32, #tpu.memory_space<vmem_shared>>
      tpu.wait_dma2 semaphore(%run_scoped3A : memref<!tpu.dma_semaphore, #tpu.memory_space<semaphore_mem>>) src(%dma_wait3A_96 : memref<64x128xf32, #tpu.memory_space<vmem_shared>>) dst(%arg11 : memref<64x128xf32, #tpu.memory_space<vmem>>)
      tpu.yield
    }) : () -> ()
    "tpu.region"() ({
      %run_scoped3A = tpu.sem_alloc : memref<!tpu.dma_semaphore, #tpu.memory_space<semaphore_mem>>
      %dma_start3A = arith.constant 0 : i32
      %dma_start3A_91 = tpu.memref_slice %arg7[%arg0, %add3A_74, %dma_start3A] : memref<2x10240x128xf32, #tpu.memory_space<hbm>> -> memref<1x64x128xf32, #tpu.memory_space<hbm>>
      %dma_start3A_92 = tpu.memref_squeeze %dma_start3A_91 : memref<1x64x128xf32, #tpu.memory_space<hbm>> -> memref<64x128xf32, #tpu.memory_space<hbm>>
      %dma_start3A_93 = arith.constant 0 : i32
      %dma_start3A_94 = tpu.memref_slice %arg7[%arg0, %add3A_74, %dma_start3A_93] : memref<2x10240x128xf32, #tpu.memory_space<hbm>> -> memref<1x64x128xf32, #tpu.memory_space<hbm>>
      %dma_start3A_95 = tpu.memref_squeeze %dma_start3A_94 : memref<1x64x128xf32, #tpu.memory_space<hbm>> -> memref<64x128xf32, #tpu.memory_space<hbm>>
      tpu.enqueue_dma source(%arg11 : memref<64x128xf32, #tpu.memory_space<vmem>>) target(%dma_start3A_95 : memref<64x128xf32, #tpu.memory_space<hbm>>) target_semaphore(%run_scoped3A : memref<!tpu.dma_semaphore, #tpu.memory_space<semaphore_mem>>)
      %dma_wait3A = arith.constant 0 : i32
      %dma_wait3A_96 = tpu.memref_slice %arg7[%arg0, %add3A_74, %dma_wait3A] : memref<2x10240x128xf32, #tpu.memory_space<hbm>> -> memref<1x64x128xf32, #tpu.memory_space<hbm>>
      %dma_wait3A_97 = tpu.memref_squeeze %dma_wait3A_96 : memref<1x64x128xf32, #tpu.memory_space<hbm>> -> memref<64x128xf32, #tpu.memory_space<hbm>>
      %dma_wait3A_98 = arith.constant 0 : i32
      %dma_wait3A_99 = tpu.memref_slice %arg7[%arg0, %add3A_74, %dma_wait3A_98] : memref<2x10240x128xf32, #tpu.memory_space<hbm>> -> memref<1x64x128xf32, #tpu.memory_space<hbm>>
      %dma_wait3A_100 = tpu.memref_squeeze %dma_wait3A_99 : memref<1x64x128xf32, #tpu.memory_space<hbm>> -> memref<64x128xf32, #tpu.memory_space<hbm>>
      tpu.wait_dma2 semaphore(%run_scoped3A : memref<!tpu.dma_semaphore, #tpu.memory_space<semaphore_mem>>) src(%arg11 : memref<64x128xf32, #tpu.memory_space<vmem>>) dst(%dma_wait3A_100 : memref<64x128xf32, #tpu.memory_space<hbm>>)
      tpu.yield
    }) : () -> ()
    %mul3A_75 = arith.constant 640 : i32
    %mul3A_76 = arith.muli %arg1, %mul3A_75 : i32
    %add3A_77 = arith.constant 384 : i32
    %add3A_78 = arith.addi %mul3A_76, %add3A_77 : i32
    "tpu.region"() ({
      %run_scoped3A = tpu.sem_alloc : memref<!tpu.dma_semaphore, #tpu.memory_space<semaphore_mem>>
      %dma_start3A = arith.constant 0 : i32
      %dma_start3A_91 = tpu.memref_slice %arg8[%add3A_78, %dma_start3A] : memref<10240x128xf32, #tpu.memory_space<vmem_shared>> -> memref<64x128xf32, #tpu.memory_space<vmem_shared>>
      %dma_start3A_92 = arith.constant 0 : i32
      %dma_start3A_93 = tpu.memref_slice %arg8[%add3A_78, %dma_start3A_92] : memref<10240x128xf32, #tpu.memory_space<vmem_shared>> -> memref<64x128xf32, #tpu.memory_space<vmem_shared>>
      tpu.enqueue_dma source(%dma_start3A_93 : memref<64x128xf32, #tpu.memory_space<vmem_shared>>) target(%arg11 : memref<64x128xf32, #tpu.memory_space<vmem>>) target_semaphore(%run_scoped3A : memref<!tpu.dma_semaphore, #tpu.memory_space<semaphore_mem>>)
      %dma_wait3A = arith.constant 0 : i32
      %dma_wait3A_94 = tpu.memref_slice %arg8[%add3A_78, %dma_wait3A] : memref<10240x128xf32, #tpu.memory_space<vmem_shared>> -> memref<64x128xf32, #tpu.memory_space<vmem_shared>>
      %dma_wait3A_95 = arith.constant 0 : i32
      %dma_wait3A_96 = tpu.memref_slice %arg8[%add3A_78, %dma_wait3A_95] : memref<10240x128xf32, #tpu.memory_space<vmem_shared>> -> memref<64x128xf32, #tpu.memory_space<vmem_shared>>
      tpu.wait_dma2 semaphore(%run_scoped3A : memref<!tpu.dma_semaphore, #tpu.memory_space<semaphore_mem>>) src(%dma_wait3A_96 : memref<64x128xf32, #tpu.memory_space<vmem_shared>>) dst(%arg11 : memref<64x128xf32, #tpu.memory_space<vmem>>)
      tpu.yield
    }) : () -> ()
    "tpu.region"() ({
      %run_scoped3A = tpu.sem_alloc : memref<!tpu.dma_semaphore, #tpu.memory_space<semaphore_mem>>
      %dma_start3A = arith.constant 0 : i32
      %dma_start3A_91 = tpu.memref_slice %arg7[%arg0, %add3A_78, %dma_start3A] : memref<2x10240x128xf32, #tpu.memory_space<hbm>> -> memref<1x64x128xf32, #tpu.memory_space<hbm>>
      %dma_start3A_92 = tpu.memref_squeeze %dma_start3A_91 : memref<1x64x128xf32, #tpu.memory_space<hbm>> -> memref<64x128xf32, #tpu.memory_space<hbm>>
      %dma_start3A_93 = arith.constant 0 : i32
      %dma_start3A_94 = tpu.memref_slice %arg7[%arg0, %add3A_78, %dma_start3A_93] : memref<2x10240x128xf32, #tpu.memory_space<hbm>> -> memref<1x64x128xf32, #tpu.memory_space<hbm>>
      %dma_start3A_95 = tpu.memref_squeeze %dma_start3A_94 : memref<1x64x128xf32, #tpu.memory_space<hbm>> -> memref<64x128xf32, #tpu.memory_space<hbm>>
      tpu.enqueue_dma source(%arg11 : memref<64x128xf32, #tpu.memory_space<vmem>>) target(%dma_start3A_95 : memref<64x128xf32, #tpu.memory_space<hbm>>) target_semaphore(%run_scoped3A : memref<!tpu.dma_semaphore, #tpu.memory_space<semaphore_mem>>)
      %dma_wait3A = arith.constant 0 : i32
      %dma_wait3A_96 = tpu.memref_slice %arg7[%arg0, %add3A_78, %dma_wait3A] : memref<2x10240x128xf32, #tpu.memory_space<hbm>> -> memref<1x64x128xf32, #tpu.memory_space<hbm>>
      %dma_wait3A_97 = tpu.memref_squeeze %dma_wait3A_96 : memref<1x64x128xf32, #tpu.memory_space<hbm>> -> memref<64x128xf32, #tpu.memory_space<hbm>>
      %dma_wait3A_98 = arith.constant 0 : i32
      %dma_wait3A_99 = tpu.memref_slice %arg7[%arg0, %add3A_78, %dma_wait3A_98] : memref<2x10240x128xf32, #tpu.memory_space<hbm>> -> memref<1x64x128xf32, #tpu.memory_space<hbm>>
      %dma_wait3A_100 = tpu.memref_squeeze %dma_wait3A_99 : memref<1x64x128xf32, #tpu.memory_space<hbm>> -> memref<64x128xf32, #tpu.memory_space<hbm>>
      tpu.wait_dma2 semaphore(%run_scoped3A : memref<!tpu.dma_semaphore, #tpu.memory_space<semaphore_mem>>) src(%arg11 : memref<64x128xf32, #tpu.memory_space<vmem>>) dst(%dma_wait3A_100 : memref<64x128xf32, #tpu.memory_space<hbm>>)
      tpu.yield
    }) : () -> ()
    %mul3A_79 = arith.constant 640 : i32
    %mul3A_80 = arith.muli %arg1, %mul3A_79 : i32
    %add3A_81 = arith.constant 448 : i32
    %add3A_82 = arith.addi %mul3A_80, %add3A_81 : i32
    "tpu.region"() ({
      %run_scoped3A = tpu.sem_alloc : memref<!tpu.dma_semaphore, #tpu.memory_space<semaphore_mem>>
      %dma_start3A = arith.constant 0 : i32
      %dma_start3A_91 = tpu.memref_slice %arg8[%add3A_82, %dma_start3A] : memref<10240x128xf32, #tpu.memory_space<vmem_shared>> -> memref<64x128xf32, #tpu.memory_space<vmem_shared>>
      %dma_start3A_92 = arith.constant 0 : i32
      %dma_start3A_93 = tpu.memref_slice %arg8[%add3A_82, %dma_start3A_92] : memref<10240x128xf32, #tpu.memory_space<vmem_shared>> -> memref<64x128xf32, #tpu.memory_space<vmem_shared>>
      tpu.enqueue_dma source(%dma_start3A_93 : memref<64x128xf32, #tpu.memory_space<vmem_shared>>) target(%arg11 : memref<64x128xf32, #tpu.memory_space<vmem>>) target_semaphore(%run_scoped3A : memref<!tpu.dma_semaphore, #tpu.memory_space<semaphore_mem>>)
      %dma_wait3A = arith.constant 0 : i32
      %dma_wait3A_94 = tpu.memref_slice %arg8[%add3A_82, %dma_wait3A] : memref<10240x128xf32, #tpu.memory_space<vmem_shared>> -> memref<64x128xf32, #tpu.memory_space<vmem_shared>>
      %dma_wait3A_95 = arith.constant 0 : i32
      %dma_wait3A_96 = tpu.memref_slice %arg8[%add3A_82, %dma_wait3A_95] : memref<10240x128xf32, #tpu.memory_space<vmem_shared>> -> memref<64x128xf32, #tpu.memory_space<vmem_shared>>
      tpu.wait_dma2 semaphore(%run_scoped3A : memref<!tpu.dma_semaphore, #tpu.memory_space<semaphore_mem>>) src(%dma_wait3A_96 : memref<64x128xf32, #tpu.memory_space<vmem_shared>>) dst(%arg11 : memref<64x128xf32, #tpu.memory_space<vmem>>)
      tpu.yield
    }) : () -> ()
    "tpu.region"() ({
      %run_scoped3A = tpu.sem_alloc : memref<!tpu.dma_semaphore, #tpu.memory_space<semaphore_mem>>
      %dma_start3A = arith.constant 0 : i32
      %dma_start3A_91 = tpu.memref_slice %arg7[%arg0, %add3A_82, %dma_start3A] : memref<2x10240x128xf32, #tpu.memory_space<hbm>> -> memref<1x64x128xf32, #tpu.memory_space<hbm>>
      %dma_start3A_92 = tpu.memref_squeeze %dma_start3A_91 : memref<1x64x128xf32, #tpu.memory_space<hbm>> -> memref<64x128xf32, #tpu.memory_space<hbm>>
      %dma_start3A_93 = arith.constant 0 : i32
      %dma_start3A_94 = tpu.memref_slice %arg7[%arg0, %add3A_82, %dma_start3A_93] : memref<2x10240x128xf32, #tpu.memory_space<hbm>> -> memref<1x64x128xf32, #tpu.memory_space<hbm>>
      %dma_start3A_95 = tpu.memref_squeeze %dma_start3A_94 : memref<1x64x128xf32, #tpu.memory_space<hbm>> -> memref<64x128xf32, #tpu.memory_space<hbm>>
      tpu.enqueue_dma source(%arg11 : memref<64x128xf32, #tpu.memory_space<vmem>>) target(%dma_start3A_95 : memref<64x128xf32, #tpu.memory_space<hbm>>) target_semaphore(%run_scoped3A : memref<!tpu.dma_semaphore, #tpu.memory_space<semaphore_mem>>)
      %dma_wait3A = arith.constant 0 : i32
      %dma_wait3A_96 = tpu.memref_slice %arg7[%arg0, %add3A_82, %dma_wait3A] : memref<2x10240x128xf32, #tpu.memory_space<hbm>> -> memref<1x64x128xf32, #tpu.memory_space<hbm>>
      %dma_wait3A_97 = tpu.memref_squeeze %dma_wait3A_96 : memref<1x64x128xf32, #tpu.memory_space<hbm>> -> memref<64x128xf32, #tpu.memory_space<hbm>>
      %dma_wait3A_98 = arith.constant 0 : i32
      %dma_wait3A_99 = tpu.memref_slice %arg7[%arg0, %add3A_82, %dma_wait3A_98] : memref<2x10240x128xf32, #tpu.memory_space<hbm>> -> memref<1x64x128xf32, #tpu.memory_space<hbm>>
      %dma_wait3A_100 = tpu.memref_squeeze %dma_wait3A_99 : memref<1x64x128xf32, #tpu.memory_space<hbm>> -> memref<64x128xf32, #tpu.memory_space<hbm>>
      tpu.wait_dma2 semaphore(%run_scoped3A : memref<!tpu.dma_semaphore, #tpu.memory_space<semaphore_mem>>) src(%arg11 : memref<64x128xf32, #tpu.memory_space<vmem>>) dst(%dma_wait3A_100 : memref<64x128xf32, #tpu.memory_space<hbm>>)
      tpu.yield
    }) : () -> ()
    %mul3A_83 = arith.constant 640 : i32
    %mul3A_84 = arith.muli %arg1, %mul3A_83 : i32
    %add3A_85 = arith.constant 512 : i32
    %add3A_86 = arith.addi %mul3A_84, %add3A_85 : i32
    "tpu.region"() ({
      %run_scoped3A = tpu.sem_alloc : memref<!tpu.dma_semaphore, #tpu.memory_space<semaphore_mem>>
      %dma_start3A = arith.constant 0 : i32
      %dma_start3A_91 = tpu.memref_slice %arg8[%add3A_86, %dma_start3A] : memref<10240x128xf32, #tpu.memory_space<vmem_shared>> -> memref<64x128xf32, #tpu.memory_space<vmem_shared>>
      %dma_start3A_92 = arith.constant 0 : i32
      %dma_start3A_93 = tpu.memref_slice %arg8[%add3A_86, %dma_start3A_92] : memref<10240x128xf32, #tpu.memory_space<vmem_shared>> -> memref<64x128xf32, #tpu.memory_space<vmem_shared>>
      tpu.enqueue_dma source(%dma_start3A_93 : memref<64x128xf32, #tpu.memory_space<vmem_shared>>) target(%arg11 : memref<64x128xf32, #tpu.memory_space<vmem>>) target_semaphore(%run_scoped3A : memref<!tpu.dma_semaphore, #tpu.memory_space<semaphore_mem>>)
      %dma_wait3A = arith.constant 0 : i32
      %dma_wait3A_94 = tpu.memref_slice %arg8[%add3A_86, %dma_wait3A] : memref<10240x128xf32, #tpu.memory_space<vmem_shared>> -> memref<64x128xf32, #tpu.memory_space<vmem_shared>>
      %dma_wait3A_95 = arith.constant 0 : i32
      %dma_wait3A_96 = tpu.memref_slice %arg8[%add3A_86, %dma_wait3A_95] : memref<10240x128xf32, #tpu.memory_space<vmem_shared>> -> memref<64x128xf32, #tpu.memory_space<vmem_shared>>
      tpu.wait_dma2 semaphore(%run_scoped3A : memref<!tpu.dma_semaphore, #tpu.memory_space<semaphore_mem>>) src(%dma_wait3A_96 : memref<64x128xf32, #tpu.memory_space<vmem_shared>>) dst(%arg11 : memref<64x128xf32, #tpu.memory_space<vmem>>)
      tpu.yield
    }) : () -> ()
    "tpu.region"() ({
      %run_scoped3A = tpu.sem_alloc : memref<!tpu.dma_semaphore, #tpu.memory_space<semaphore_mem>>
      %dma_start3A = arith.constant 0 : i32
      %dma_start3A_91 = tpu.memref_slice %arg7[%arg0, %add3A_86, %dma_start3A] : memref<2x10240x128xf32, #tpu.memory_space<hbm>> -> memref<1x64x128xf32, #tpu.memory_space<hbm>>
      %dma_start3A_92 = tpu.memref_squeeze %dma_start3A_91 : memref<1x64x128xf32, #tpu.memory_space<hbm>> -> memref<64x128xf32, #tpu.memory_space<hbm>>
      %dma_start3A_93 = arith.constant 0 : i32
      %dma_start3A_94 = tpu.memref_slice %arg7[%arg0, %add3A_86, %dma_start3A_93] : memref<2x10240x128xf32, #tpu.memory_space<hbm>> -> memref<1x64x128xf32, #tpu.memory_space<hbm>>
      %dma_start3A_95 = tpu.memref_squeeze %dma_start3A_94 : memref<1x64x128xf32, #tpu.memory_space<hbm>> -> memref<64x128xf32, #tpu.memory_space<hbm>>
      tpu.enqueue_dma source(%arg11 : memref<64x128xf32, #tpu.memory_space<vmem>>) target(%dma_start3A_95 : memref<64x128xf32, #tpu.memory_space<hbm>>) target_semaphore(%run_scoped3A : memref<!tpu.dma_semaphore, #tpu.memory_space<semaphore_mem>>)
      %dma_wait3A = arith.constant 0 : i32
      %dma_wait3A_96 = tpu.memref_slice %arg7[%arg0, %add3A_86, %dma_wait3A] : memref<2x10240x128xf32, #tpu.memory_space<hbm>> -> memref<1x64x128xf32, #tpu.memory_space<hbm>>
      %dma_wait3A_97 = tpu.memref_squeeze %dma_wait3A_96 : memref<1x64x128xf32, #tpu.memory_space<hbm>> -> memref<64x128xf32, #tpu.memory_space<hbm>>
      %dma_wait3A_98 = arith.constant 0 : i32
      %dma_wait3A_99 = tpu.memref_slice %arg7[%arg0, %add3A_86, %dma_wait3A_98] : memref<2x10240x128xf32, #tpu.memory_space<hbm>> -> memref<1x64x128xf32, #tpu.memory_space<hbm>>
      %dma_wait3A_100 = tpu.memref_squeeze %dma_wait3A_99 : memref<1x64x128xf32, #tpu.memory_space<hbm>> -> memref<64x128xf32, #tpu.memory_space<hbm>>
      tpu.wait_dma2 semaphore(%run_scoped3A : memref<!tpu.dma_semaphore, #tpu.memory_space<semaphore_mem>>) src(%arg11 : memref<64x128xf32, #tpu.memory_space<vmem>>) dst(%dma_wait3A_100 : memref<64x128xf32, #tpu.memory_space<hbm>>)
      tpu.yield
    }) : () -> ()
    %mul3A_87 = arith.constant 640 : i32
    %mul3A_88 = arith.muli %arg1, %mul3A_87 : i32
    %add3A_89 = arith.constant 576 : i32
    %add3A_90 = arith.addi %mul3A_88, %add3A_89 : i32
    "tpu.region"() ({
      %run_scoped3A = tpu.sem_alloc : memref<!tpu.dma_semaphore, #tpu.memory_space<semaphore_mem>>
      %dma_start3A = arith.constant 0 : i32
      %dma_start3A_91 = tpu.memref_slice %arg8[%add3A_90, %dma_start3A] : memref<10240x128xf32, #tpu.memory_space<vmem_shared>> -> memref<64x128xf32, #tpu.memory_space<vmem_shared>>
      %dma_start3A_92 = arith.constant 0 : i32
      %dma_start3A_93 = tpu.memref_slice %arg8[%add3A_90, %dma_start3A_92] : memref<10240x128xf32, #tpu.memory_space<vmem_shared>> -> memref<64x128xf32, #tpu.memory_space<vmem_shared>>
      tpu.enqueue_dma source(%dma_start3A_93 : memref<64x128xf32, #tpu.memory_space<vmem_shared>>) target(%arg11 : memref<64x128xf32, #tpu.memory_space<vmem>>) target_semaphore(%run_scoped3A : memref<!tpu.dma_semaphore, #tpu.memory_space<semaphore_mem>>)
      %dma_wait3A = arith.constant 0 : i32
      %dma_wait3A_94 = tpu.memref_slice %arg8[%add3A_90, %dma_wait3A] : memref<10240x128xf32, #tpu.memory_space<vmem_shared>> -> memref<64x128xf32, #tpu.memory_space<vmem_shared>>
      %dma_wait3A_95 = arith.constant 0 : i32
      %dma_wait3A_96 = tpu.memref_slice %arg8[%add3A_90, %dma_wait3A_95] : memref<10240x128xf32, #tpu.memory_space<vmem_shared>> -> memref<64x128xf32, #tpu.memory_space<vmem_shared>>
      tpu.wait_dma2 semaphore(%run_scoped3A : memref<!tpu.dma_semaphore, #tpu.memory_space<semaphore_mem>>) src(%dma_wait3A_96 : memref<64x128xf32, #tpu.memory_space<vmem_shared>>) dst(%arg11 : memref<64x128xf32, #tpu.memory_space<vmem>>)
      tpu.yield
    }) : () -> ()
    "tpu.region"() ({
      %run_scoped3A = tpu.sem_alloc : memref<!tpu.dma_semaphore, #tpu.memory_space<semaphore_mem>>
      %dma_start3A = arith.constant 0 : i32
      %dma_start3A_91 = tpu.memref_slice %arg7[%arg0, %add3A_90, %dma_start3A] : memref<2x10240x128xf32, #tpu.memory_space<hbm>> -> memref<1x64x128xf32, #tpu.memory_space<hbm>>
      %dma_start3A_92 = tpu.memref_squeeze %dma_start3A_91 : memref<1x64x128xf32, #tpu.memory_space<hbm>> -> memref<64x128xf32, #tpu.memory_space<hbm>>
      %dma_start3A_93 = arith.constant 0 : i32
      %dma_start3A_94 = tpu.memref_slice %arg7[%arg0, %add3A_90, %dma_start3A_93] : memref<2x10240x128xf32, #tpu.memory_space<hbm>> -> memref<1x64x128xf32, #tpu.memory_space<hbm>>
      %dma_start3A_95 = tpu.memref_squeeze %dma_start3A_94 : memref<1x64x128xf32, #tpu.memory_space<hbm>> -> memref<64x128xf32, #tpu.memory_space<hbm>>
      tpu.enqueue_dma source(%arg11 : memref<64x128xf32, #tpu.memory_space<vmem>>) target(%dma_start3A_95 : memref<64x128xf32, #tpu.memory_space<hbm>>) target_semaphore(%run_scoped3A : memref<!tpu.dma_semaphore, #tpu.memory_space<semaphore_mem>>)
      %dma_wait3A = arith.constant 0 : i32
      %dma_wait3A_96 = tpu.memref_slice %arg7[%arg0, %add3A_90, %dma_wait3A] : memref<2x10240x128xf32, #tpu.memory_space<hbm>> -> memref<1x64x128xf32, #tpu.memory_space<hbm>>
      %dma_wait3A_97 = tpu.memref_squeeze %dma_wait3A_96 : memref<1x64x128xf32, #tpu.memory_space<hbm>> -> memref<64x128xf32, #tpu.memory_space<hbm>>
      %dma_wait3A_98 = arith.constant 0 : i32
      %dma_wait3A_99 = tpu.memref_slice %arg7[%arg0, %add3A_90, %dma_wait3A_98] : memref<2x10240x128xf32, #tpu.memory_space<hbm>> -> memref<1x64x128xf32, #tpu.memory_space<hbm>>
      %dma_wait3A_100 = tpu.memref_squeeze %dma_wait3A_99 : memref<1x64x128xf32, #tpu.memory_space<hbm>> -> memref<64x128xf32, #tpu.memory_space<hbm>>
      tpu.wait_dma2 semaphore(%run_scoped3A : memref<!tpu.dma_semaphore, #tpu.memory_space<semaphore_mem>>) src(%arg11 : memref<64x128xf32, #tpu.memory_space<vmem>>) dst(%dma_wait3A_100 : memref<64x128xf32, #tpu.memory_space<hbm>>)
      tpu.yield
    }) : () -> ()
    return
  }
}

#map = affine_map<(d0, d1) -> (0, 0)>
#map1 = affine_map<(d0, d1) -> (0, 0, 0, 0)>
#map2 = affine_map<(d0, d1) -> (0, 0, 0)>
module attributes {stable_mosaic.version = 14 : i64} {
  func.func @_sparse_round1(%arg0: i32, %arg1: i32, %arg2: memref<10240x128xf32, #tpu.memory_space<hbm>>, %arg3: memref<2x16x80x128xi32, #tpu.memory_space<hbm>>, %arg4: memref<2x16x80x128xi32, #tpu.memory_space<hbm>>, %arg5: memref<2x10240x128xf32, #tpu.memory_space<hbm>>, %arg6: memref<10240x128xf32, #tpu.memory_space<vmem_shared>>, %arg7: memref<16x128xi32, #tpu.memory_space<vmem>>, %arg8: memref<16x128xi32, #tpu.memory_space<vmem>>, %arg9: memref<128x128xf32, #tpu.memory_space<vmem>>) attributes {dimension_semantics = [#tpu.dimension_semantics<core_parallel>, #tpu.dimension_semantics<subcore_parallel>], iteration_bounds = array<i64: 2, 16>, scalar_prefetch = 0 : i64, scratch_operands = 4 : i64, tpu.core_type = #tpu.core_type<sc_vector_subcore>, window_params = [{transform_indices = #map}, {transform_indices = #map1}, {transform_indices = #map1}, {transform_indices = #map2}]} {
    %scan3A = arith.constant 0 : i32
    %scan3A_0 = arith.constant 0 : i32
    %scan3A_1 = arith.constant 128 : i32
    %scan3A_2 = arith.addi %scan3A_0, %scan3A_1 : i32
    %scan3A_3 = arith.constant 1 : i32
    %scan3A_4 = scf.for %scan3A_51 = %scan3A_0 to %scan3A_2 step %scan3A_3 iter_args(%scan3A_52 = %scan3A) -> (i32)  : i32 {
      %broadcast_in_dim3A = arith.constant 0.000000e+00 : f32
      %broadcast_in_dim3A_53 = vector.broadcast %broadcast_in_dim3A : f32 to vector<16xf32>
      %swap3A = arith.index_cast %scan3A_51 : i32 to index
      %swap3A_54 = arith.constant 0 : index
      %swap3A_55 = tpu.vector_load %arg9[%swap3A, %swap3A_54] {strides = array<i32>} : memref<128x128xf32, #tpu.memory_space<vmem>>, vector<1x16xf32>,
      %swap3A_56 = vector.shape_cast %swap3A_55 : vector<1x16xf32> to vector<16xf32>
      %swap3A_57 = vector.shape_cast %broadcast_in_dim3A_53 : vector<16xf32> to vector<1x16xf32>
      tpu.vector_store %arg9[%swap3A, %swap3A_54], %swap3A_57 {strides = array<i32>} : memref<128x128xf32, #tpu.memory_space<vmem>>, vector<1x16xf32>,
      %broadcast_in_dim3A_58 = arith.constant 0.000000e+00 : f32
      %broadcast_in_dim3A_59 = vector.broadcast %broadcast_in_dim3A_58 : f32 to vector<16xf32>
      %swap3A_60 = arith.index_cast %scan3A_51 : i32 to index
      %swap3A_61 = arith.constant 16 : index
      %swap3A_62 = tpu.vector_load %arg9[%swap3A_60, %swap3A_61] {strides = array<i32>} : memref<128x128xf32, #tpu.memory_space<vmem>>, vector<1x16xf32>,
      %swap3A_63 = vector.shape_cast %swap3A_62 : vector<1x16xf32> to vector<16xf32>
      %swap3A_64 = vector.shape_cast %broadcast_in_dim3A_59 : vector<16xf32> to vector<1x16xf32>
      tpu.vector_store %arg9[%swap3A_60, %swap3A_61], %swap3A_64 {strides = array<i32>} : memref<128x128xf32, #tpu.memory_space<vmem>>, vector<1x16xf32>,
      %broadcast_in_dim3A_65 = arith.constant 0.000000e+00 : f32
      %broadcast_in_dim3A_66 = vector.broadcast %broadcast_in_dim3A_65 : f32 to vector<16xf32>
      %swap3A_67 = arith.index_cast %scan3A_51 : i32 to index
      %swap3A_68 = arith.constant 32 : index
      %swap3A_69 = tpu.vector_load %arg9[%swap3A_67, %swap3A_68] {strides = array<i32>} : memref<128x128xf32, #tpu.memory_space<vmem>>, vector<1x16xf32>,
      %swap3A_70 = vector.shape_cast %swap3A_69 : vector<1x16xf32> to vector<16xf32>
      %swap3A_71 = vector.shape_cast %broadcast_in_dim3A_66 : vector<16xf32> to vector<1x16xf32>
      tpu.vector_store %arg9[%swap3A_67, %swap3A_68], %swap3A_71 {strides = array<i32>} : memref<128x128xf32, #tpu.memory_space<vmem>>, vector<1x16xf32>,
      %broadcast_in_dim3A_72 = arith.constant 0.000000e+00 : f32
      %broadcast_in_dim3A_73 = vector.broadcast %broadcast_in_dim3A_72 : f32 to vector<16xf32>
      %swap3A_74 = arith.index_cast %scan3A_51 : i32 to index
      %swap3A_75 = arith.constant 48 : index
      %swap3A_76 = tpu.vector_load %arg9[%swap3A_74, %swap3A_75] {strides = array<i32>} : memref<128x128xf32, #tpu.memory_space<vmem>>, vector<1x16xf32>,
      %swap3A_77 = vector.shape_cast %swap3A_76 : vector<1x16xf32> to vector<16xf32>
      %swap3A_78 = vector.shape_cast %broadcast_in_dim3A_73 : vector<16xf32> to vector<1x16xf32>
      tpu.vector_store %arg9[%swap3A_74, %swap3A_75], %swap3A_78 {strides = array<i32>} : memref<128x128xf32, #tpu.memory_space<vmem>>, vector<1x16xf32>,
      %broadcast_in_dim3A_79 = arith.constant 0.000000e+00 : f32
      %broadcast_in_dim3A_80 = vector.broadcast %broadcast_in_dim3A_79 : f32 to vector<16xf32>
      %swap3A_81 = arith.index_cast %scan3A_51 : i32 to index
      %swap3A_82 = arith.constant 64 : index
      %swap3A_83 = tpu.vector_load %arg9[%swap3A_81, %swap3A_82] {strides = array<i32>} : memref<128x128xf32, #tpu.memory_space<vmem>>, vector<1x16xf32>,
      %swap3A_84 = vector.shape_cast %swap3A_83 : vector<1x16xf32> to vector<16xf32>
      %swap3A_85 = vector.shape_cast %broadcast_in_dim3A_80 : vector<16xf32> to vector<1x16xf32>
      tpu.vector_store %arg9[%swap3A_81, %swap3A_82], %swap3A_85 {strides = array<i32>} : memref<128x128xf32, #tpu.memory_space<vmem>>, vector<1x16xf32>,
      %broadcast_in_dim3A_86 = arith.constant 0.000000e+00 : f32
      %broadcast_in_dim3A_87 = vector.broadcast %broadcast_in_dim3A_86 : f32 to vector<16xf32>
      %swap3A_88 = arith.index_cast %scan3A_51 : i32 to index
      %swap3A_89 = arith.constant 80 : index
      %swap3A_90 = tpu.vector_load %arg9[%swap3A_88, %swap3A_89] {strides = array<i32>} : memref<128x128xf32, #tpu.memory_space<vmem>>, vector<1x16xf32>,
      %swap3A_91 = vector.shape_cast %swap3A_90 : vector<1x16xf32> to vector<16xf32>
      %swap3A_92 = vector.shape_cast %broadcast_in_dim3A_87 : vector<16xf32> to vector<1x16xf32>
      tpu.vector_store %arg9[%swap3A_88, %swap3A_89], %swap3A_92 {strides = array<i32>} : memref<128x128xf32, #tpu.memory_space<vmem>>, vector<1x16xf32>,
      %broadcast_in_dim3A_93 = arith.constant 0.000000e+00 : f32
      %broadcast_in_dim3A_94 = vector.broadcast %broadcast_in_dim3A_93 : f32 to vector<16xf32>
      %swap3A_95 = arith.index_cast %scan3A_51 : i32 to index
      %swap3A_96 = arith.constant 96 : index
      %swap3A_97 = tpu.vector_load %arg9[%swap3A_95, %swap3A_96] {strides = array<i32>} : memref<128x128xf32, #tpu.memory_space<vmem>>, vector<1x16xf32>,
      %swap3A_98 = vector.shape_cast %swap3A_97 : vector<1x16xf32> to vector<16xf32>
      %swap3A_99 = vector.shape_cast %broadcast_in_dim3A_94 : vector<16xf32> to vector<1x16xf32>
      tpu.vector_store %arg9[%swap3A_95, %swap3A_96], %swap3A_99 {strides = array<i32>} : memref<128x128xf32, #tpu.memory_space<vmem>>, vector<1x16xf32>,
      %broadcast_in_dim3A_100 = arith.constant 0.000000e+00 : f32
      %broadcast_in_dim3A_101 = vector.broadcast %broadcast_in_dim3A_100 : f32 to vector<16xf32>
      %swap3A_102 = arith.index_cast %scan3A_51 : i32 to index
      %swap3A_103 = arith.constant 112 : index
      %swap3A_104 = tpu.vector_load %arg9[%swap3A_102, %swap3A_103] {strides = array<i32>} : memref<128x128xf32, #tpu.memory_space<vmem>>, vector<1x16xf32>,
      %swap3A_105 = vector.shape_cast %swap3A_104 : vector<1x16xf32> to vector<16xf32>
      %swap3A_106 = vector.shape_cast %broadcast_in_dim3A_101 : vector<16xf32> to vector<1x16xf32>
      tpu.vector_store %arg9[%swap3A_102, %swap3A_103], %swap3A_106 {strides = array<i32>} : memref<128x128xf32, #tpu.memory_space<vmem>>, vector<1x16xf32>,
      %scan3A_107 = arith.constant 0 : i32
      scf.yield %scan3A_107 : i32
    }
    %scan3A_5 = arith.constant 128 : i32
    %mul3A = arith.constant 640 : i32
    %mul3A_6 = arith.muli %arg1, %mul3A : i32
    %add3A = arith.constant 0 : i32
    %add3A_7 = arith.addi %mul3A_6, %add3A : i32
    "tpu.region"() ({
      %run_scoped3A = tpu.sem_alloc : memref<!tpu.dma_semaphore, #tpu.memory_space<semaphore_mem>>
      %dma_start3A = arith.constant 0 : i32
      %dma_start3A_51 = tpu.memref_slice %arg6[%add3A_7, %dma_start3A] : memref<10240x128xf32, #tpu.memory_space<vmem_shared>> -> memref<128x128xf32, #tpu.memory_space<vmem_shared>>
      %dma_start3A_52 = arith.constant 0 : i32
      %dma_start3A_53 = tpu.memref_slice %arg6[%add3A_7, %dma_start3A_52] : memref<10240x128xf32, #tpu.memory_space<vmem_shared>> -> memref<128x128xf32, #tpu.memory_space<vmem_shared>>
      tpu.enqueue_dma source(%arg9 : memref<128x128xf32, #tpu.memory_space<vmem>>) target(%dma_start3A_53 : memref<128x128xf32, #tpu.memory_space<vmem_shared>>) target_semaphore(%run_scoped3A : memref<!tpu.dma_semaphore, #tpu.memory_space<semaphore_mem>>)
      %dma_wait3A = arith.constant 0 : i32
      %dma_wait3A_54 = tpu.memref_slice %arg6[%add3A_7, %dma_wait3A] : memref<10240x128xf32, #tpu.memory_space<vmem_shared>> -> memref<128x128xf32, #tpu.memory_space<vmem_shared>>
      %dma_wait3A_55 = arith.constant 0 : i32
      %dma_wait3A_56 = tpu.memref_slice %arg6[%add3A_7, %dma_wait3A_55] : memref<10240x128xf32, #tpu.memory_space<vmem_shared>> -> memref<128x128xf32, #tpu.memory_space<vmem_shared>>
      tpu.wait_dma2 semaphore(%run_scoped3A : memref<!tpu.dma_semaphore, #tpu.memory_space<semaphore_mem>>) src(%arg9 : memref<128x128xf32, #tpu.memory_space<vmem>>) dst(%dma_wait3A_56 : memref<128x128xf32, #tpu.memory_space<vmem_shared>>)
      tpu.yield
    }) : () -> ()
    %mul3A_8 = arith.constant 640 : i32
    %mul3A_9 = arith.muli %arg1, %mul3A_8 : i32
    %add3A_10 = arith.constant 128 : i32
    %add3A_11 = arith.addi %mul3A_9, %add3A_10 : i32
    "tpu.region"() ({
      %run_scoped3A = tpu.sem_alloc : memref<!tpu.dma_semaphore, #tpu.memory_space<semaphore_mem>>
      %dma_start3A = arith.constant 0 : i32
      %dma_start3A_51 = tpu.memref_slice %arg6[%add3A_11, %dma_start3A] : memref<10240x128xf32, #tpu.memory_space<vmem_shared>> -> memref<128x128xf32, #tpu.memory_space<vmem_shared>>
      %dma_start3A_52 = arith.constant 0 : i32
      %dma_start3A_53 = tpu.memref_slice %arg6[%add3A_11, %dma_start3A_52] : memref<10240x128xf32, #tpu.memory_space<vmem_shared>> -> memref<128x128xf32, #tpu.memory_space<vmem_shared>>
      tpu.enqueue_dma source(%arg9 : memref<128x128xf32, #tpu.memory_space<vmem>>) target(%dma_start3A_53 : memref<128x128xf32, #tpu.memory_space<vmem_shared>>) target_semaphore(%run_scoped3A : memref<!tpu.dma_semaphore, #tpu.memory_space<semaphore_mem>>)
      %dma_wait3A = arith.constant 0 : i32
      %dma_wait3A_54 = tpu.memref_slice %arg6[%add3A_11, %dma_wait3A] : memref<10240x128xf32, #tpu.memory_space<vmem_shared>> -> memref<128x128xf32, #tpu.memory_space<vmem_shared>>
      %dma_wait3A_55 = arith.constant 0 : i32
      %dma_wait3A_56 = tpu.memref_slice %arg6[%add3A_11, %dma_wait3A_55] : memref<10240x128xf32, #tpu.memory_space<vmem_shared>> -> memref<128x128xf32, #tpu.memory_space<vmem_shared>>
      tpu.wait_dma2 semaphore(%run_scoped3A : memref<!tpu.dma_semaphore, #tpu.memory_space<semaphore_mem>>) src(%arg9 : memref<128x128xf32, #tpu.memory_space<vmem>>) dst(%dma_wait3A_56 : memref<128x128xf32, #tpu.memory_space<vmem_shared>>)
      tpu.yield
    }) : () -> ()
    %mul3A_12 = arith.constant 640 : i32
    %mul3A_13 = arith.muli %arg1, %mul3A_12 : i32
    %add3A_14 = arith.constant 256 : i32
    %add3A_15 = arith.addi %mul3A_13, %add3A_14 : i32
    "tpu.region"() ({
      %run_scoped3A = tpu.sem_alloc : memref<!tpu.dma_semaphore, #tpu.memory_space<semaphore_mem>>
      %dma_start3A = arith.constant 0 : i32
      %dma_start3A_51 = tpu.memref_slice %arg6[%add3A_15, %dma_start3A] : memref<10240x128xf32, #tpu.memory_space<vmem_shared>> -> memref<128x128xf32, #tpu.memory_space<vmem_shared>>
      %dma_start3A_52 = arith.constant 0 : i32
      %dma_start3A_53 = tpu.memref_slice %arg6[%add3A_15, %dma_start3A_52] : memref<10240x128xf32, #tpu.memory_space<vmem_shared>> -> memref<128x128xf32, #tpu.memory_space<vmem_shared>>
      tpu.enqueue_dma source(%arg9 : memref<128x128xf32, #tpu.memory_space<vmem>>) target(%dma_start3A_53 : memref<128x128xf32, #tpu.memory_space<vmem_shared>>) target_semaphore(%run_scoped3A : memref<!tpu.dma_semaphore, #tpu.memory_space<semaphore_mem>>)
      %dma_wait3A = arith.constant 0 : i32
      %dma_wait3A_54 = tpu.memref_slice %arg6[%add3A_15, %dma_wait3A] : memref<10240x128xf32, #tpu.memory_space<vmem_shared>> -> memref<128x128xf32, #tpu.memory_space<vmem_shared>>
      %dma_wait3A_55 = arith.constant 0 : i32
      %dma_wait3A_56 = tpu.memref_slice %arg6[%add3A_15, %dma_wait3A_55] : memref<10240x128xf32, #tpu.memory_space<vmem_shared>> -> memref<128x128xf32, #tpu.memory_space<vmem_shared>>
      tpu.wait_dma2 semaphore(%run_scoped3A : memref<!tpu.dma_semaphore, #tpu.memory_space<semaphore_mem>>) src(%arg9 : memref<128x128xf32, #tpu.memory_space<vmem>>) dst(%dma_wait3A_56 : memref<128x128xf32, #tpu.memory_space<vmem_shared>>)
      tpu.yield
    }) : () -> ()
    %mul3A_16 = arith.constant 640 : i32
    %mul3A_17 = arith.muli %arg1, %mul3A_16 : i32
    %add3A_18 = arith.constant 384 : i32
    %add3A_19 = arith.addi %mul3A_17, %add3A_18 : i32
    "tpu.region"() ({
      %run_scoped3A = tpu.sem_alloc : memref<!tpu.dma_semaphore, #tpu.memory_space<semaphore_mem>>
      %dma_start3A = arith.constant 0 : i32
      %dma_start3A_51 = tpu.memref_slice %arg6[%add3A_19, %dma_start3A] : memref<10240x128xf32, #tpu.memory_space<vmem_shared>> -> memref<128x128xf32, #tpu.memory_space<vmem_shared>>
      %dma_start3A_52 = arith.constant 0 : i32
      %dma_start3A_53 = tpu.memref_slice %arg6[%add3A_19, %dma_start3A_52] : memref<10240x128xf32, #tpu.memory_space<vmem_shared>> -> memref<128x128xf32, #tpu.memory_space<vmem_shared>>
      tpu.enqueue_dma source(%arg9 : memref<128x128xf32, #tpu.memory_space<vmem>>) target(%dma_start3A_53 : memref<128x128xf32, #tpu.memory_space<vmem_shared>>) target_semaphore(%run_scoped3A : memref<!tpu.dma_semaphore, #tpu.memory_space<semaphore_mem>>)
      %dma_wait3A = arith.constant 0 : i32
      %dma_wait3A_54 = tpu.memref_slice %arg6[%add3A_19, %dma_wait3A] : memref<10240x128xf32, #tpu.memory_space<vmem_shared>> -> memref<128x128xf32, #tpu.memory_space<vmem_shared>>
      %dma_wait3A_55 = arith.constant 0 : i32
      %dma_wait3A_56 = tpu.memref_slice %arg6[%add3A_19, %dma_wait3A_55] : memref<10240x128xf32, #tpu.memory_space<vmem_shared>> -> memref<128x128xf32, #tpu.memory_space<vmem_shared>>
      tpu.wait_dma2 semaphore(%run_scoped3A : memref<!tpu.dma_semaphore, #tpu.memory_space<semaphore_mem>>) src(%arg9 : memref<128x128xf32, #tpu.memory_space<vmem>>) dst(%dma_wait3A_56 : memref<128x128xf32, #tpu.memory_space<vmem_shared>>)
      tpu.yield
    }) : () -> ()
    %mul3A_20 = arith.constant 640 : i32
    %mul3A_21 = arith.muli %arg1, %mul3A_20 : i32
    %add3A_22 = arith.constant 512 : i32
    %add3A_23 = arith.addi %mul3A_21, %add3A_22 : i32
    "tpu.region"() ({
      %run_scoped3A = tpu.sem_alloc : memref<!tpu.dma_semaphore, #tpu.memory_space<semaphore_mem>>
      %dma_start3A = arith.constant 0 : i32
      %dma_start3A_51 = tpu.memref_slice %arg6[%add3A_23, %dma_start3A] : memref<10240x128xf32, #tpu.memory_space<vmem_shared>> -> memref<128x128xf32, #tpu.memory_space<vmem_shared>>
      %dma_start3A_52 = arith.constant 0 : i32
      %dma_start3A_53 = tpu.memref_slice %arg6[%add3A_23, %dma_start3A_52] : memref<10240x128xf32, #tpu.memory_space<vmem_shared>> -> memref<128x128xf32, #tpu.memory_space<vmem_shared>>
      tpu.enqueue_dma source(%arg9 : memref<128x128xf32, #tpu.memory_space<vmem>>) target(%dma_start3A_53 : memref<128x128xf32, #tpu.memory_space<vmem_shared>>) target_semaphore(%run_scoped3A : memref<!tpu.dma_semaphore, #tpu.memory_space<semaphore_mem>>)
      %dma_wait3A = arith.constant 0 : i32
      %dma_wait3A_54 = tpu.memref_slice %arg6[%add3A_23, %dma_wait3A] : memref<10240x128xf32, #tpu.memory_space<vmem_shared>> -> memref<128x128xf32, #tpu.memory_space<vmem_shared>>
      %dma_wait3A_55 = arith.constant 0 : i32
      %dma_wait3A_56 = tpu.memref_slice %arg6[%add3A_23, %dma_wait3A_55] : memref<10240x128xf32, #tpu.memory_space<vmem_shared>> -> memref<128x128xf32, #tpu.memory_space<vmem_shared>>
      tpu.wait_dma2 semaphore(%run_scoped3A : memref<!tpu.dma_semaphore, #tpu.memory_space<semaphore_mem>>) src(%arg9 : memref<128x128xf32, #tpu.memory_space<vmem>>) dst(%dma_wait3A_56 : memref<128x128xf32, #tpu.memory_space<vmem_shared>>)
      tpu.yield
    }) : () -> ()
    %barrier3A = arith.constant 0 : index
    tpu.barrier barrier_id(%barrier3A)
    %scan3A_24 = arith.constant 0 : i32
    %scan3A_25 = arith.constant 0 : i32
    %scan3A_26 = arith.constant 5 : i32
    %scan3A_27 = arith.addi %scan3A_25, %scan3A_26 : i32
    %scan3A_28 = arith.constant 1 : i32
    scf.for %scan3A_51 = %scan3A_25 to %scan3A_27 step %scan3A_28  : i32 {
      %mul3A_52 = arith.constant 16 : i32
      %mul3A_53 = arith.muli %scan3A_51, %mul3A_52 : i32
      "tpu.region"() ({
        %run_scoped3A = tpu.sem_alloc : memref<!tpu.dma_semaphore, #tpu.memory_space<semaphore_mem>>
        %dma_start3A = arith.constant 0 : i32
        %dma_start3A_62 = tpu.memref_slice %arg3[%arg0, %arg1, %mul3A_53, %dma_start3A] : memref<2x16x80x128xi32, #tpu.memory_space<hbm>> -> memref<1x1x16x128xi32, #tpu.memory_space<hbm>>
        %dma_start3A_63 = tpu.memref_squeeze %dma_start3A_62 : memref<1x1x16x128xi32, #tpu.memory_space<hbm>> -> memref<16x128xi32, #tpu.memory_space<hbm>>
        %dma_start3A_64 = arith.constant 0 : i32
        %dma_start3A_65 = tpu.memref_slice %arg3[%arg0, %arg1, %mul3A_53, %dma_start3A_64] : memref<2x16x80x128xi32, #tpu.memory_space<hbm>> -> memref<1x1x16x128xi32, #tpu.memory_space<hbm>>
        %dma_start3A_66 = tpu.memref_squeeze %dma_start3A_65 : memref<1x1x16x128xi32, #tpu.memory_space<hbm>> -> memref<16x128xi32, #tpu.memory_space<hbm>>
        tpu.enqueue_dma source(%dma_start3A_66 : memref<16x128xi32, #tpu.memory_space<hbm>>) target(%arg7 : memref<16x128xi32, #tpu.memory_space<vmem>>) target_semaphore(%run_scoped3A : memref<!tpu.dma_semaphore, #tpu.memory_space<semaphore_mem>>)
        %dma_wait3A = arith.constant 0 : i32
        %dma_wait3A_67 = tpu.memref_slice %arg3[%arg0, %arg1, %mul3A_53, %dma_wait3A] : memref<2x16x80x128xi32, #tpu.memory_space<hbm>> -> memref<1x1x16x128xi32, #tpu.memory_space<hbm>>
        %dma_wait3A_68 = tpu.memref_squeeze %dma_wait3A_67 : memref<1x1x16x128xi32, #tpu.memory_space<hbm>> -> memref<16x128xi32, #tpu.memory_space<hbm>>
        %dma_wait3A_69 = arith.constant 0 : i32
        %dma_wait3A_70 = tpu.memref_slice %arg3[%arg0, %arg1, %mul3A_53, %dma_wait3A_69] : memref<2x16x80x128xi32, #tpu.memory_space<hbm>> -> memref<1x1x16x128xi32, #tpu.memory_space<hbm>>
        %dma_wait3A_71 = tpu.memref_squeeze %dma_wait3A_70 : memref<1x1x16x128xi32, #tpu.memory_space<hbm>> -> memref<16x128xi32, #tpu.memory_space<hbm>>
        tpu.wait_dma2 semaphore(%run_scoped3A : memref<!tpu.dma_semaphore, #tpu.memory_space<semaphore_mem>>) src(%dma_wait3A_71 : memref<16x128xi32, #tpu.memory_space<hbm>>) dst(%arg7 : memref<16x128xi32, #tpu.memory_space<vmem>>)
        tpu.yield
      }) : () -> ()
      %mul3A_54 = arith.constant 16 : i32
      %mul3A_55 = arith.muli %scan3A_51, %mul3A_54 : i32
      "tpu.region"() ({
        %run_scoped3A = tpu.sem_alloc : memref<!tpu.dma_semaphore, #tpu.memory_space<semaphore_mem>>
        %dma_start3A = arith.constant 0 : i32
        %dma_start3A_62 = tpu.memref_slice %arg4[%arg0, %arg1, %mul3A_55, %dma_start3A] : memref<2x16x80x128xi32, #tpu.memory_space<hbm>> -> memref<1x1x16x128xi32, #tpu.memory_space<hbm>>
        %dma_start3A_63 = tpu.memref_squeeze %dma_start3A_62 : memref<1x1x16x128xi32, #tpu.memory_space<hbm>> -> memref<16x128xi32, #tpu.memory_space<hbm>>
        %dma_start3A_64 = arith.constant 0 : i32
        %dma_start3A_65 = tpu.memref_slice %arg4[%arg0, %arg1, %mul3A_55, %dma_start3A_64] : memref<2x16x80x128xi32, #tpu.memory_space<hbm>> -> memref<1x1x16x128xi32, #tpu.memory_space<hbm>>
        %dma_start3A_66 = tpu.memref_squeeze %dma_start3A_65 : memref<1x1x16x128xi32, #tpu.memory_space<hbm>> -> memref<16x128xi32, #tpu.memory_space<hbm>>
        tpu.enqueue_dma source(%dma_start3A_66 : memref<16x128xi32, #tpu.memory_space<hbm>>) target(%arg8 : memref<16x128xi32, #tpu.memory_space<vmem>>) target_semaphore(%run_scoped3A : memref<!tpu.dma_semaphore, #tpu.memory_space<semaphore_mem>>)
        %dma_wait3A = arith.constant 0 : i32
        %dma_wait3A_67 = tpu.memref_slice %arg4[%arg0, %arg1, %mul3A_55, %dma_wait3A] : memref<2x16x80x128xi32, #tpu.memory_space<hbm>> -> memref<1x1x16x128xi32, #tpu.memory_space<hbm>>
        %dma_wait3A_68 = tpu.memref_squeeze %dma_wait3A_67 : memref<1x1x16x128xi32, #tpu.memory_space<hbm>> -> memref<16x128xi32, #tpu.memory_space<hbm>>
        %dma_wait3A_69 = arith.constant 0 : i32
        %dma_wait3A_70 = tpu.memref_slice %arg4[%arg0, %arg1, %mul3A_55, %dma_wait3A_69] : memref<2x16x80x128xi32, #tpu.memory_space<hbm>> -> memref<1x1x16x128xi32, #tpu.memory_space<hbm>>
        %dma_wait3A_71 = tpu.memref_squeeze %dma_wait3A_70 : memref<1x1x16x128xi32, #tpu.memory_space<hbm>> -> memref<16x128xi32, #tpu.memory_space<hbm>>
        tpu.wait_dma2 semaphore(%run_scoped3A : memref<!tpu.dma_semaphore, #tpu.memory_space<semaphore_mem>>) src(%dma_wait3A_71 : memref<16x128xi32, #tpu.memory_space<hbm>>) dst(%arg8 : memref<16x128xi32, #tpu.memory_space<vmem>>)
        tpu.yield
      }) : () -> ()
      %scan3A_56 = arith.constant 0 : i32
      %scan3A_57 = arith.constant 0 : i32
      %scan3A_58 = arith.constant 16 : i32
      %scan3A_59 = arith.addi %scan3A_57, %scan3A_58 : i32
      %scan3A_60 = arith.constant 1 : i32
      scf.for %scan3A_62 = %scan3A_57 to %scan3A_59 step %scan3A_60  : i32 {
        "tpu.region"() ({
          %run_scoped3A = tpu.sem_alloc : memref<!tpu.dma_semaphore, #tpu.memory_space<semaphore_mem>>
          %dma_start3A = arith.constant 0 : i32
          %dma_start3A_63 = tpu.memref_slice %arg7[%scan3A_62, %dma_start3A] : memref<16x128xi32, #tpu.memory_space<vmem>> -> memref<1x128xi32, #tpu.memory_space<vmem>>
          %dma_start3A_64 = tpu.memref_squeeze %dma_start3A_63 : memref<1x128xi32, #tpu.memory_space<vmem>> -> memref<128xi32, #tpu.memory_space<vmem>>
          %dma_start3A_65 = arith.constant 0 : i32
          %dma_start3A_66 = arith.constant 0 : i32
          %dma_start3A_67 = tpu.memref_slice %arg2[%dma_start3A_65, %dma_start3A_66] : memref<10240x128xf32, #tpu.memory_space<hbm>> -> memref<10240x128xf32, #tpu.memory_space<hbm>>
          tpu.enqueue_indirect_dma source(%dma_start3A_67 : memref<10240x128xf32, #tpu.memory_space<hbm>>) target(%arg9 : memref<128x128xf32, #tpu.memory_space<vmem>>) offsets(%dma_start3A_64 : memref<128xi32, #tpu.memory_space<vmem>>) semaphore(%run_scoped3A : memref<!tpu.dma_semaphore, #tpu.memory_space<semaphore_mem>>)
          %dma_wait3A = arith.constant 0 : i32
          %dma_wait3A_68 = tpu.memref_slice %arg7[%scan3A_62, %dma_wait3A] : memref<16x128xi32, #tpu.memory_space<vmem>> -> memref<1x128xi32, #tpu.memory_space<vmem>>
          %dma_wait3A_69 = tpu.memref_squeeze %dma_wait3A_68 : memref<1x128xi32, #tpu.memory_space<vmem>> -> memref<128xi32, #tpu.memory_space<vmem>>
          %dma_wait3A_70 = arith.constant 0 : i32
          %dma_wait3A_71 = arith.constant 0 : i32
          %dma_wait3A_72 = tpu.memref_slice %arg2[%dma_wait3A_70, %dma_wait3A_71] : memref<10240x128xf32, #tpu.memory_space<hbm>> -> memref<10240x128xf32, #tpu.memory_space<hbm>>
          tpu.wait_indirect_dma semaphore(%run_scoped3A : memref<!tpu.dma_semaphore, #tpu.memory_space<semaphore_mem>>) src(%dma_wait3A_72 : memref<10240x128xf32, #tpu.memory_space<hbm>>) dst(%arg9 : memref<128x128xf32, #tpu.memory_space<vmem>>)
          tpu.yield
        }) : () -> ()
        "tpu.region"() ({
          %run_scoped3A = tpu.sem_alloc : memref<!tpu.dma_semaphore, #tpu.memory_space<semaphore_mem>>
          %dma_start3A = arith.constant 0 : i32
          %dma_start3A_63 = tpu.memref_slice %arg8[%scan3A_62, %dma_start3A] : memref<16x128xi32, #tpu.memory_space<vmem>> -> memref<1x128xi32, #tpu.memory_space<vmem>>
          %dma_start3A_64 = tpu.memref_squeeze %dma_start3A_63 : memref<1x128xi32, #tpu.memory_space<vmem>> -> memref<128xi32, #tpu.memory_space<vmem>>
          %dma_start3A_65 = arith.constant 0 : i32
          %dma_start3A_66 = arith.constant 0 : i32
          %dma_start3A_67 = tpu.memref_slice %arg6[%dma_start3A_65, %dma_start3A_66] : memref<10240x128xf32, #tpu.memory_space<vmem_shared>> -> memref<10240x128xf32, #tpu.memory_space<vmem_shared>>
          tpu.enqueue_indirect_dma source(%arg9 : memref<128x128xf32, #tpu.memory_space<vmem>>) target(%dma_start3A_67 : memref<10240x128xf32, #tpu.memory_space<vmem_shared>>) offsets(%dma_start3A_64 : memref<128xi32, #tpu.memory_space<vmem>>) semaphore(%run_scoped3A : memref<!tpu.dma_semaphore, #tpu.memory_space<semaphore_mem>>) {add = true}
          %dma_wait3A = arith.constant 0 : i32
          %dma_wait3A_68 = tpu.memref_slice %arg8[%scan3A_62, %dma_wait3A] : memref<16x128xi32, #tpu.memory_space<vmem>> -> memref<1x128xi32, #tpu.memory_space<vmem>>
          %dma_wait3A_69 = tpu.memref_squeeze %dma_wait3A_68 : memref<1x128xi32, #tpu.memory_space<vmem>> -> memref<128xi32, #tpu.memory_space<vmem>>
          %dma_wait3A_70 = arith.constant 0 : i32
          %dma_wait3A_71 = arith.constant 0 : i32
          %dma_wait3A_72 = tpu.memref_slice %arg6[%dma_wait3A_70, %dma_wait3A_71] : memref<10240x128xf32, #tpu.memory_space<vmem_shared>> -> memref<10240x128xf32, #tpu.memory_space<vmem_shared>>
          tpu.wait_indirect_dma semaphore(%run_scoped3A : memref<!tpu.dma_semaphore, #tpu.memory_space<semaphore_mem>>) src(%arg9 : memref<128x128xf32, #tpu.memory_space<vmem>>) dst(%dma_wait3A_72 : memref<10240x128xf32, #tpu.memory_space<vmem_shared>>)
          tpu.yield
        }) : () -> ()
      }
      %scan3A_61 = arith.constant 16 : i32
    }
    %scan3A_29 = arith.constant 5 : i32
    %barrier3A_30 = arith.constant 0 : index
    tpu.barrier barrier_id(%barrier3A_30)
    %mul3A_31 = arith.constant 640 : i32
    %mul3A_32 = arith.muli %arg1, %mul3A_31 : i32
    %add3A_33 = arith.constant 0 : i32
    %add3A_34 = arith.addi %mul3A_32, %add3A_33 : i32
    "tpu.region"() ({
      %run_scoped3A = tpu.sem_alloc : memref<!tpu.dma_semaphore, #tpu.memory_space<semaphore_mem>>
      %dma_start3A = arith.constant 0 : i32
      %dma_start3A_51 = tpu.memref_slice %arg6[%add3A_34, %dma_start3A] : memref<10240x128xf32, #tpu.memory_space<vmem_shared>> -> memref<128x128xf32, #tpu.memory_space<vmem_shared>>
      %dma_start3A_52 = arith.constant 0 : i32
      %dma_start3A_53 = tpu.memref_slice %arg6[%add3A_34, %dma_start3A_52] : memref<10240x128xf32, #tpu.memory_space<vmem_shared>> -> memref<128x128xf32, #tpu.memory_space<vmem_shared>>
      tpu.enqueue_dma source(%dma_start3A_53 : memref<128x128xf32, #tpu.memory_space<vmem_shared>>) target(%arg9 : memref<128x128xf32, #tpu.memory_space<vmem>>) target_semaphore(%run_scoped3A : memref<!tpu.dma_semaphore, #tpu.memory_space<semaphore_mem>>)
      %dma_wait3A = arith.constant 0 : i32
      %dma_wait3A_54 = tpu.memref_slice %arg6[%add3A_34, %dma_wait3A] : memref<10240x128xf32, #tpu.memory_space<vmem_shared>> -> memref<128x128xf32, #tpu.memory_space<vmem_shared>>
      %dma_wait3A_55 = arith.constant 0 : i32
      %dma_wait3A_56 = tpu.memref_slice %arg6[%add3A_34, %dma_wait3A_55] : memref<10240x128xf32, #tpu.memory_space<vmem_shared>> -> memref<128x128xf32, #tpu.memory_space<vmem_shared>>
      tpu.wait_dma2 semaphore(%run_scoped3A : memref<!tpu.dma_semaphore, #tpu.memory_space<semaphore_mem>>) src(%dma_wait3A_56 : memref<128x128xf32, #tpu.memory_space<vmem_shared>>) dst(%arg9 : memref<128x128xf32, #tpu.memory_space<vmem>>)
      tpu.yield
    }) : () -> ()
    "tpu.region"() ({
      %run_scoped3A = tpu.sem_alloc : memref<!tpu.dma_semaphore, #tpu.memory_space<semaphore_mem>>
      %dma_start3A = arith.constant 0 : i32
      %dma_start3A_51 = tpu.memref_slice %arg5[%arg0, %add3A_34, %dma_start3A] : memref<2x10240x128xf32, #tpu.memory_space<hbm>> -> memref<1x128x128xf32, #tpu.memory_space<hbm>>
      %dma_start3A_52 = tpu.memref_squeeze %dma_start3A_51 : memref<1x128x128xf32, #tpu.memory_space<hbm>> -> memref<128x128xf32, #tpu.memory_space<hbm>>
      %dma_start3A_53 = arith.constant 0 : i32
      %dma_start3A_54 = tpu.memref_slice %arg5[%arg0, %add3A_34, %dma_start3A_53] : memref<2x10240x128xf32, #tpu.memory_space<hbm>> -> memref<1x128x128xf32, #tpu.memory_space<hbm>>
      %dma_start3A_55 = tpu.memref_squeeze %dma_start3A_54 : memref<1x128x128xf32, #tpu.memory_space<hbm>> -> memref<128x128xf32, #tpu.memory_space<hbm>>
      tpu.enqueue_dma source(%arg9 : memref<128x128xf32, #tpu.memory_space<vmem>>) target(%dma_start3A_55 : memref<128x128xf32, #tpu.memory_space<hbm>>) target_semaphore(%run_scoped3A : memref<!tpu.dma_semaphore, #tpu.memory_space<semaphore_mem>>)
      %dma_wait3A = arith.constant 0 : i32
      %dma_wait3A_56 = tpu.memref_slice %arg5[%arg0, %add3A_34, %dma_wait3A] : memref<2x10240x128xf32, #tpu.memory_space<hbm>> -> memref<1x128x128xf32, #tpu.memory_space<hbm>>
      %dma_wait3A_57 = tpu.memref_squeeze %dma_wait3A_56 : memref<1x128x128xf32, #tpu.memory_space<hbm>> -> memref<128x128xf32, #tpu.memory_space<hbm>>
      %dma_wait3A_58 = arith.constant 0 : i32
      %dma_wait3A_59 = tpu.memref_slice %arg5[%arg0, %add3A_34, %dma_wait3A_58] : memref<2x10240x128xf32, #tpu.memory_space<hbm>> -> memref<1x128x128xf32, #tpu.memory_space<hbm>>
      %dma_wait3A_60 = tpu.memref_squeeze %dma_wait3A_59 : memref<1x128x128xf32, #tpu.memory_space<hbm>> -> memref<128x128xf32, #tpu.memory_space<hbm>>
      tpu.wait_dma2 semaphore(%run_scoped3A : memref<!tpu.dma_semaphore, #tpu.memory_space<semaphore_mem>>) src(%arg9 : memref<128x128xf32, #tpu.memory_space<vmem>>) dst(%dma_wait3A_60 : memref<128x128xf32, #tpu.memory_space<hbm>>)
      tpu.yield
    }) : () -> ()
    %mul3A_35 = arith.constant 640 : i32
    %mul3A_36 = arith.muli %arg1, %mul3A_35 : i32
    %add3A_37 = arith.constant 128 : i32
    %add3A_38 = arith.addi %mul3A_36, %add3A_37 : i32
    "tpu.region"() ({
      %run_scoped3A = tpu.sem_alloc : memref<!tpu.dma_semaphore, #tpu.memory_space<semaphore_mem>>
      %dma_start3A = arith.constant 0 : i32
      %dma_start3A_51 = tpu.memref_slice %arg6[%add3A_38, %dma_start3A] : memref<10240x128xf32, #tpu.memory_space<vmem_shared>> -> memref<128x128xf32, #tpu.memory_space<vmem_shared>>
      %dma_start3A_52 = arith.constant 0 : i32
      %dma_start3A_53 = tpu.memref_slice %arg6[%add3A_38, %dma_start3A_52] : memref<10240x128xf32, #tpu.memory_space<vmem_shared>> -> memref<128x128xf32, #tpu.memory_space<vmem_shared>>
      tpu.enqueue_dma source(%dma_start3A_53 : memref<128x128xf32, #tpu.memory_space<vmem_shared>>) target(%arg9 : memref<128x128xf32, #tpu.memory_space<vmem>>) target_semaphore(%run_scoped3A : memref<!tpu.dma_semaphore, #tpu.memory_space<semaphore_mem>>)
      %dma_wait3A = arith.constant 0 : i32
      %dma_wait3A_54 = tpu.memref_slice %arg6[%add3A_38, %dma_wait3A] : memref<10240x128xf32, #tpu.memory_space<vmem_shared>> -> memref<128x128xf32, #tpu.memory_space<vmem_shared>>
      %dma_wait3A_55 = arith.constant 0 : i32
      %dma_wait3A_56 = tpu.memref_slice %arg6[%add3A_38, %dma_wait3A_55] : memref<10240x128xf32, #tpu.memory_space<vmem_shared>> -> memref<128x128xf32, #tpu.memory_space<vmem_shared>>
      tpu.wait_dma2 semaphore(%run_scoped3A : memref<!tpu.dma_semaphore, #tpu.memory_space<semaphore_mem>>) src(%dma_wait3A_56 : memref<128x128xf32, #tpu.memory_space<vmem_shared>>) dst(%arg9 : memref<128x128xf32, #tpu.memory_space<vmem>>)
      tpu.yield
    }) : () -> ()
    "tpu.region"() ({
      %run_scoped3A = tpu.sem_alloc : memref<!tpu.dma_semaphore, #tpu.memory_space<semaphore_mem>>
      %dma_start3A = arith.constant 0 : i32
      %dma_start3A_51 = tpu.memref_slice %arg5[%arg0, %add3A_38, %dma_start3A] : memref<2x10240x128xf32, #tpu.memory_space<hbm>> -> memref<1x128x128xf32, #tpu.memory_space<hbm>>
      %dma_start3A_52 = tpu.memref_squeeze %dma_start3A_51 : memref<1x128x128xf32, #tpu.memory_space<hbm>> -> memref<128x128xf32, #tpu.memory_space<hbm>>
      %dma_start3A_53 = arith.constant 0 : i32
      %dma_start3A_54 = tpu.memref_slice %arg5[%arg0, %add3A_38, %dma_start3A_53] : memref<2x10240x128xf32, #tpu.memory_space<hbm>> -> memref<1x128x128xf32, #tpu.memory_space<hbm>>
      %dma_start3A_55 = tpu.memref_squeeze %dma_start3A_54 : memref<1x128x128xf32, #tpu.memory_space<hbm>> -> memref<128x128xf32, #tpu.memory_space<hbm>>
      tpu.enqueue_dma source(%arg9 : memref<128x128xf32, #tpu.memory_space<vmem>>) target(%dma_start3A_55 : memref<128x128xf32, #tpu.memory_space<hbm>>) target_semaphore(%run_scoped3A : memref<!tpu.dma_semaphore, #tpu.memory_space<semaphore_mem>>)
      %dma_wait3A = arith.constant 0 : i32
      %dma_wait3A_56 = tpu.memref_slice %arg5[%arg0, %add3A_38, %dma_wait3A] : memref<2x10240x128xf32, #tpu.memory_space<hbm>> -> memref<1x128x128xf32, #tpu.memory_space<hbm>>
      %dma_wait3A_57 = tpu.memref_squeeze %dma_wait3A_56 : memref<1x128x128xf32, #tpu.memory_space<hbm>> -> memref<128x128xf32, #tpu.memory_space<hbm>>
      %dma_wait3A_58 = arith.constant 0 : i32
      %dma_wait3A_59 = tpu.memref_slice %arg5[%arg0, %add3A_38, %dma_wait3A_58] : memref<2x10240x128xf32, #tpu.memory_space<hbm>> -> memref<1x128x128xf32, #tpu.memory_space<hbm>>
      %dma_wait3A_60 = tpu.memref_squeeze %dma_wait3A_59 : memref<1x128x128xf32, #tpu.memory_space<hbm>> -> memref<128x128xf32, #tpu.memory_space<hbm>>
      tpu.wait_dma2 semaphore(%run_scoped3A : memref<!tpu.dma_semaphore, #tpu.memory_space<semaphore_mem>>) src(%arg9 : memref<128x128xf32, #tpu.memory_space<vmem>>) dst(%dma_wait3A_60 : memref<128x128xf32, #tpu.memory_space<hbm>>)
      tpu.yield
    }) : () -> ()
    %mul3A_39 = arith.constant 640 : i32
    %mul3A_40 = arith.muli %arg1, %mul3A_39 : i32
    %add3A_41 = arith.constant 256 : i32
    %add3A_42 = arith.addi %mul3A_40, %add3A_41 : i32
    "tpu.region"() ({
      %run_scoped3A = tpu.sem_alloc : memref<!tpu.dma_semaphore, #tpu.memory_space<semaphore_mem>>
      %dma_start3A = arith.constant 0 : i32
      %dma_start3A_51 = tpu.memref_slice %arg6[%add3A_42, %dma_start3A] : memref<10240x128xf32, #tpu.memory_space<vmem_shared>> -> memref<128x128xf32, #tpu.memory_space<vmem_shared>>
      %dma_start3A_52 = arith.constant 0 : i32
      %dma_start3A_53 = tpu.memref_slice %arg6[%add3A_42, %dma_start3A_52] : memref<10240x128xf32, #tpu.memory_space<vmem_shared>> -> memref<128x128xf32, #tpu.memory_space<vmem_shared>>
      tpu.enqueue_dma source(%dma_start3A_53 : memref<128x128xf32, #tpu.memory_space<vmem_shared>>) target(%arg9 : memref<128x128xf32, #tpu.memory_space<vmem>>) target_semaphore(%run_scoped3A : memref<!tpu.dma_semaphore, #tpu.memory_space<semaphore_mem>>)
      %dma_wait3A = arith.constant 0 : i32
      %dma_wait3A_54 = tpu.memref_slice %arg6[%add3A_42, %dma_wait3A] : memref<10240x128xf32, #tpu.memory_space<vmem_shared>> -> memref<128x128xf32, #tpu.memory_space<vmem_shared>>
      %dma_wait3A_55 = arith.constant 0 : i32
      %dma_wait3A_56 = tpu.memref_slice %arg6[%add3A_42, %dma_wait3A_55] : memref<10240x128xf32, #tpu.memory_space<vmem_shared>> -> memref<128x128xf32, #tpu.memory_space<vmem_shared>>
      tpu.wait_dma2 semaphore(%run_scoped3A : memref<!tpu.dma_semaphore, #tpu.memory_space<semaphore_mem>>) src(%dma_wait3A_56 : memref<128x128xf32, #tpu.memory_space<vmem_shared>>) dst(%arg9 : memref<128x128xf32, #tpu.memory_space<vmem>>)
      tpu.yield
    }) : () -> ()
    "tpu.region"() ({
      %run_scoped3A = tpu.sem_alloc : memref<!tpu.dma_semaphore, #tpu.memory_space<semaphore_mem>>
      %dma_start3A = arith.constant 0 : i32
      %dma_start3A_51 = tpu.memref_slice %arg5[%arg0, %add3A_42, %dma_start3A] : memref<2x10240x128xf32, #tpu.memory_space<hbm>> -> memref<1x128x128xf32, #tpu.memory_space<hbm>>
      %dma_start3A_52 = tpu.memref_squeeze %dma_start3A_51 : memref<1x128x128xf32, #tpu.memory_space<hbm>> -> memref<128x128xf32, #tpu.memory_space<hbm>>
      %dma_start3A_53 = arith.constant 0 : i32
      %dma_start3A_54 = tpu.memref_slice %arg5[%arg0, %add3A_42, %dma_start3A_53] : memref<2x10240x128xf32, #tpu.memory_space<hbm>> -> memref<1x128x128xf32, #tpu.memory_space<hbm>>
      %dma_start3A_55 = tpu.memref_squeeze %dma_start3A_54 : memref<1x128x128xf32, #tpu.memory_space<hbm>> -> memref<128x128xf32, #tpu.memory_space<hbm>>
      tpu.enqueue_dma source(%arg9 : memref<128x128xf32, #tpu.memory_space<vmem>>) target(%dma_start3A_55 : memref<128x128xf32, #tpu.memory_space<hbm>>) target_semaphore(%run_scoped3A : memref<!tpu.dma_semaphore, #tpu.memory_space<semaphore_mem>>)
      %dma_wait3A = arith.constant 0 : i32
      %dma_wait3A_56 = tpu.memref_slice %arg5[%arg0, %add3A_42, %dma_wait3A] : memref<2x10240x128xf32, #tpu.memory_space<hbm>> -> memref<1x128x128xf32, #tpu.memory_space<hbm>>
      %dma_wait3A_57 = tpu.memref_squeeze %dma_wait3A_56 : memref<1x128x128xf32, #tpu.memory_space<hbm>> -> memref<128x128xf32, #tpu.memory_space<hbm>>
      %dma_wait3A_58 = arith.constant 0 : i32
      %dma_wait3A_59 = tpu.memref_slice %arg5[%arg0, %add3A_42, %dma_wait3A_58] : memref<2x10240x128xf32, #tpu.memory_space<hbm>> -> memref<1x128x128xf32, #tpu.memory_space<hbm>>
      %dma_wait3A_60 = tpu.memref_squeeze %dma_wait3A_59 : memref<1x128x128xf32, #tpu.memory_space<hbm>> -> memref<128x128xf32, #tpu.memory_space<hbm>>
      tpu.wait_dma2 semaphore(%run_scoped3A : memref<!tpu.dma_semaphore, #tpu.memory_space<semaphore_mem>>) src(%arg9 : memref<128x128xf32, #tpu.memory_space<vmem>>) dst(%dma_wait3A_60 : memref<128x128xf32, #tpu.memory_space<hbm>>)
      tpu.yield
    }) : () -> ()
    %mul3A_43 = arith.constant 640 : i32
    %mul3A_44 = arith.muli %arg1, %mul3A_43 : i32
    %add3A_45 = arith.constant 384 : i32
    %add3A_46 = arith.addi %mul3A_44, %add3A_45 : i32
    "tpu.region"() ({
      %run_scoped3A = tpu.sem_alloc : memref<!tpu.dma_semaphore, #tpu.memory_space<semaphore_mem>>
      %dma_start3A = arith.constant 0 : i32
      %dma_start3A_51 = tpu.memref_slice %arg6[%add3A_46, %dma_start3A] : memref<10240x128xf32, #tpu.memory_space<vmem_shared>> -> memref<128x128xf32, #tpu.memory_space<vmem_shared>>
      %dma_start3A_52 = arith.constant 0 : i32
      %dma_start3A_53 = tpu.memref_slice %arg6[%add3A_46, %dma_start3A_52] : memref<10240x128xf32, #tpu.memory_space<vmem_shared>> -> memref<128x128xf32, #tpu.memory_space<vmem_shared>>
      tpu.enqueue_dma source(%dma_start3A_53 : memref<128x128xf32, #tpu.memory_space<vmem_shared>>) target(%arg9 : memref<128x128xf32, #tpu.memory_space<vmem>>) target_semaphore(%run_scoped3A : memref<!tpu.dma_semaphore, #tpu.memory_space<semaphore_mem>>)
      %dma_wait3A = arith.constant 0 : i32
      %dma_wait3A_54 = tpu.memref_slice %arg6[%add3A_46, %dma_wait3A] : memref<10240x128xf32, #tpu.memory_space<vmem_shared>> -> memref<128x128xf32, #tpu.memory_space<vmem_shared>>
      %dma_wait3A_55 = arith.constant 0 : i32
      %dma_wait3A_56 = tpu.memref_slice %arg6[%add3A_46, %dma_wait3A_55] : memref<10240x128xf32, #tpu.memory_space<vmem_shared>> -> memref<128x128xf32, #tpu.memory_space<vmem_shared>>
      tpu.wait_dma2 semaphore(%run_scoped3A : memref<!tpu.dma_semaphore, #tpu.memory_space<semaphore_mem>>) src(%dma_wait3A_56 : memref<128x128xf32, #tpu.memory_space<vmem_shared>>) dst(%arg9 : memref<128x128xf32, #tpu.memory_space<vmem>>)
      tpu.yield
    }) : () -> ()
    "tpu.region"() ({
      %run_scoped3A = tpu.sem_alloc : memref<!tpu.dma_semaphore, #tpu.memory_space<semaphore_mem>>
      %dma_start3A = arith.constant 0 : i32
      %dma_start3A_51 = tpu.memref_slice %arg5[%arg0, %add3A_46, %dma_start3A] : memref<2x10240x128xf32, #tpu.memory_space<hbm>> -> memref<1x128x128xf32, #tpu.memory_space<hbm>>
      %dma_start3A_52 = tpu.memref_squeeze %dma_start3A_51 : memref<1x128x128xf32, #tpu.memory_space<hbm>> -> memref<128x128xf32, #tpu.memory_space<hbm>>
      %dma_start3A_53 = arith.constant 0 : i32
      %dma_start3A_54 = tpu.memref_slice %arg5[%arg0, %add3A_46, %dma_start3A_53] : memref<2x10240x128xf32, #tpu.memory_space<hbm>> -> memref<1x128x128xf32, #tpu.memory_space<hbm>>
      %dma_start3A_55 = tpu.memref_squeeze %dma_start3A_54 : memref<1x128x128xf32, #tpu.memory_space<hbm>> -> memref<128x128xf32, #tpu.memory_space<hbm>>
      tpu.enqueue_dma source(%arg9 : memref<128x128xf32, #tpu.memory_space<vmem>>) target(%dma_start3A_55 : memref<128x128xf32, #tpu.memory_space<hbm>>) target_semaphore(%run_scoped3A : memref<!tpu.dma_semaphore, #tpu.memory_space<semaphore_mem>>)
      %dma_wait3A = arith.constant 0 : i32
      %dma_wait3A_56 = tpu.memref_slice %arg5[%arg0, %add3A_46, %dma_wait3A] : memref<2x10240x128xf32, #tpu.memory_space<hbm>> -> memref<1x128x128xf32, #tpu.memory_space<hbm>>
      %dma_wait3A_57 = tpu.memref_squeeze %dma_wait3A_56 : memref<1x128x128xf32, #tpu.memory_space<hbm>> -> memref<128x128xf32, #tpu.memory_space<hbm>>
      %dma_wait3A_58 = arith.constant 0 : i32
      %dma_wait3A_59 = tpu.memref_slice %arg5[%arg0, %add3A_46, %dma_wait3A_58] : memref<2x10240x128xf32, #tpu.memory_space<hbm>> -> memref<1x128x128xf32, #tpu.memory_space<hbm>>
      %dma_wait3A_60 = tpu.memref_squeeze %dma_wait3A_59 : memref<1x128x128xf32, #tpu.memory_space<hbm>> -> memref<128x128xf32, #tpu.memory_space<hbm>>
      tpu.wait_dma2 semaphore(%run_scoped3A : memref<!tpu.dma_semaphore, #tpu.memory_space<semaphore_mem>>) src(%arg9 : memref<128x128xf32, #tpu.memory_space<vmem>>) dst(%dma_wait3A_60 : memref<128x128xf32, #tpu.memory_space<hbm>>)
      tpu.yield
    }) : () -> ()
    %mul3A_47 = arith.constant 640 : i32
    %mul3A_48 = arith.muli %arg1, %mul3A_47 : i32
    %add3A_49 = arith.constant 512 : i32
    %add3A_50 = arith.addi %mul3A_48, %add3A_49 : i32
    "tpu.region"() ({
      %run_scoped3A = tpu.sem_alloc : memref<!tpu.dma_semaphore, #tpu.memory_space<semaphore_mem>>
      %dma_start3A = arith.constant 0 : i32
      %dma_start3A_51 = tpu.memref_slice %arg6[%add3A_50, %dma_start3A] : memref<10240x128xf32, #tpu.memory_space<vmem_shared>> -> memref<128x128xf32, #tpu.memory_space<vmem_shared>>
      %dma_start3A_52 = arith.constant 0 : i32
      %dma_start3A_53 = tpu.memref_slice %arg6[%add3A_50, %dma_start3A_52] : memref<10240x128xf32, #tpu.memory_space<vmem_shared>> -> memref<128x128xf32, #tpu.memory_space<vmem_shared>>
      tpu.enqueue_dma source(%dma_start3A_53 : memref<128x128xf32, #tpu.memory_space<vmem_shared>>) target(%arg9 : memref<128x128xf32, #tpu.memory_space<vmem>>) target_semaphore(%run_scoped3A : memref<!tpu.dma_semaphore, #tpu.memory_space<semaphore_mem>>)
      %dma_wait3A = arith.constant 0 : i32
      %dma_wait3A_54 = tpu.memref_slice %arg6[%add3A_50, %dma_wait3A] : memref<10240x128xf32, #tpu.memory_space<vmem_shared>> -> memref<128x128xf32, #tpu.memory_space<vmem_shared>>
      %dma_wait3A_55 = arith.constant 0 : i32
      %dma_wait3A_56 = tpu.memref_slice %arg6[%add3A_50, %dma_wait3A_55] : memref<10240x128xf32, #tpu.memory_space<vmem_shared>> -> memref<128x128xf32, #tpu.memory_space<vmem_shared>>
      tpu.wait_dma2 semaphore(%run_scoped3A : memref<!tpu.dma_semaphore, #tpu.memory_space<semaphore_mem>>) src(%dma_wait3A_56 : memref<128x128xf32, #tpu.memory_space<vmem_shared>>) dst(%arg9 : memref<128x128xf32, #tpu.memory_space<vmem>>)
      tpu.yield
    }) : () -> ()
    "tpu.region"() ({
      %run_scoped3A = tpu.sem_alloc : memref<!tpu.dma_semaphore, #tpu.memory_space<semaphore_mem>>
      %dma_start3A = arith.constant 0 : i32
      %dma_start3A_51 = tpu.memref_slice %arg5[%arg0, %add3A_50, %dma_start3A] : memref<2x10240x128xf32, #tpu.memory_space<hbm>> -> memref<1x128x128xf32, #tpu.memory_space<hbm>>
      %dma_start3A_52 = tpu.memref_squeeze %dma_start3A_51 : memref<1x128x128xf32, #tpu.memory_space<hbm>> -> memref<128x128xf32, #tpu.memory_space<hbm>>
      %dma_start3A_53 = arith.constant 0 : i32
      %dma_start3A_54 = tpu.memref_slice %arg5[%arg0, %add3A_50, %dma_start3A_53] : memref<2x10240x128xf32, #tpu.memory_space<hbm>> -> memref<1x128x128xf32, #tpu.memory_space<hbm>>
      %dma_start3A_55 = tpu.memref_squeeze %dma_start3A_54 : memref<1x128x128xf32, #tpu.memory_space<hbm>> -> memref<128x128xf32, #tpu.memory_space<hbm>>
      tpu.enqueue_dma source(%arg9 : memref<128x128xf32, #tpu.memory_space<vmem>>) target(%dma_start3A_55 : memref<128x128xf32, #tpu.memory_space<hbm>>) target_semaphore(%run_scoped3A : memref<!tpu.dma_semaphore, #tpu.memory_space<semaphore_mem>>)
      %dma_wait3A = arith.constant 0 : i32
      %dma_wait3A_56 = tpu.memref_slice %arg5[%arg0, %add3A_50, %dma_wait3A] : memref<2x10240x128xf32, #tpu.memory_space<hbm>> -> memref<1x128x128xf32, #tpu.memory_space<hbm>>
      %dma_wait3A_57 = tpu.memref_squeeze %dma_wait3A_56 : memref<1x128x128xf32, #tpu.memory_space<hbm>> -> memref<128x128xf32, #tpu.memory_space<hbm>>
      %dma_wait3A_58 = arith.constant 0 : i32
      %dma_wait3A_59 = tpu.memref_slice %arg5[%arg0, %add3A_50, %dma_wait3A_58] : memref<2x10240x128xf32, #tpu.memory_space<hbm>> -> memref<1x128x128xf32, #tpu.memory_space<hbm>>
      %dma_wait3A_60 = tpu.memref_squeeze %dma_wait3A_59 : memref<1x128x128xf32, #tpu.memory_space<hbm>> -> memref<128x128xf32, #tpu.memory_space<hbm>>
      tpu.wait_dma2 semaphore(%run_scoped3A : memref<!tpu.dma_semaphore, #tpu.memory_space<semaphore_mem>>) src(%arg9 : memref<128x128xf32, #tpu.memory_space<vmem>>) dst(%dma_wait3A_60 : memref<128x128xf32, #tpu.memory_space<hbm>>)
      tpu.yield
    }) : () -> ()
    return
  }
}

#map = affine_map<(d0, d1) -> (0, 0, 0, 0)>
#map1 = affine_map<(d0, d1) -> (0, 0)>
module attributes {stable_mosaic.version = 14 : i64} {
  func.func @_sparse_degcnt(%arg0: i32, %arg1: i32, %arg2: memref<2x16x80x128xi32, #tpu.memory_space<hbm>>, %arg3: memref<2x16x3x128xi32, #tpu.memory_space<hbm>>, %arg4: memref<2x10240xf32, #tpu.memory_space<hbm>>, %arg5: memref<2x640xf32, #tpu.memory_space<hbm>>, %arg6: memref<10240xf32, #tpu.memory_space<vmem_shared>>, %arg7: memref<640xf32, #tpu.memory_space<vmem_shared>>, %arg8: memref<80x128xi32, #tpu.memory_space<vmem>>, %arg9: memref<3x128xi32, #tpu.memory_space<vmem>>, %arg10: memref<128xf32, #tpu.memory_space<vmem>>, %arg11: memref<640xf32, #tpu.memory_space<vmem>>) attributes {dimension_semantics = [#tpu.dimension_semantics<core_parallel>, #tpu.dimension_semantics<subcore_parallel>], iteration_bounds = array<i64: 2, 16>, scalar_prefetch = 0 : i64, scratch_operands = 6 : i64, tpu.core_type = #tpu.core_type<sc_vector_subcore>, window_params = [{transform_indices = #map}, {transform_indices = #map}, {transform_indices = #map1}, {transform_indices = #map1}]} {
    %broadcast_in_dim3A = arith.constant 0.000000e+00 : f32
    %broadcast_in_dim3A_0 = vector.broadcast %broadcast_in_dim3A : f32 to vector<16xf32>
    %swap3A = arith.constant 0 : index
    %swap3A_1 = tpu.vector_load %arg11[%swap3A] {strides = array<i32>} : memref<640xf32, #tpu.memory_space<vmem>>, vector<16xf32>,
    %swap3A_2 = vector.shape_cast %swap3A_1 : vector<16xf32> to vector<16xf32>
    %swap3A_3 = vector.shape_cast %broadcast_in_dim3A_0 : vector<16xf32> to vector<16xf32>
    tpu.vector_store %arg11[%swap3A], %swap3A_3 {strides = array<i32>} : memref<640xf32, #tpu.memory_space<vmem>>, vector<16xf32>,
    %broadcast_in_dim3A_4 = arith.constant 0.000000e+00 : f32
    %broadcast_in_dim3A_5 = vector.broadcast %broadcast_in_dim3A_4 : f32 to vector<16xf32>
    %swap3A_6 = arith.constant 16 : index
    %swap3A_7 = tpu.vector_load %arg11[%swap3A_6] {strides = array<i32>} : memref<640xf32, #tpu.memory_space<vmem>>, vector<16xf32>,
    %swap3A_8 = vector.shape_cast %swap3A_7 : vector<16xf32> to vector<16xf32>
    %swap3A_9 = vector.shape_cast %broadcast_in_dim3A_5 : vector<16xf32> to vector<16xf32>
    tpu.vector_store %arg11[%swap3A_6], %swap3A_9 {strides = array<i32>} : memref<640xf32, #tpu.memory_space<vmem>>, vector<16xf32>,
    %broadcast_in_dim3A_10 = arith.constant 0.000000e+00 : f32
    %broadcast_in_dim3A_11 = vector.broadcast %broadcast_in_dim3A_10 : f32 to vector<16xf32>
    %swap3A_12 = arith.constant 32 : index
    %swap3A_13 = tpu.vector_load %arg11[%swap3A_12] {strides = array<i32>} : memref<640xf32, #tpu.memory_space<vmem>>, vector<16xf32>,
    %swap3A_14 = vector.shape_cast %swap3A_13 : vector<16xf32> to vector<16xf32>
    %swap3A_15 = vector.shape_cast %broadcast_in_dim3A_11 : vector<16xf32> to vector<16xf32>
    tpu.vector_store %arg11[%swap3A_12], %swap3A_15 {strides = array<i32>} : memref<640xf32, #tpu.memory_space<vmem>>, vector<16xf32>,
    %broadcast_in_dim3A_16 = arith.constant 0.000000e+00 : f32
    %broadcast_in_dim3A_17 = vector.broadcast %broadcast_in_dim3A_16 : f32 to vector<16xf32>
    %swap3A_18 = arith.constant 48 : index
    %swap3A_19 = tpu.vector_load %arg11[%swap3A_18] {strides = array<i32>} : memref<640xf32, #tpu.memory_space<vmem>>, vector<16xf32>,
    %swap3A_20 = vector.shape_cast %swap3A_19 : vector<16xf32> to vector<16xf32>
    %swap3A_21 = vector.shape_cast %broadcast_in_dim3A_17 : vector<16xf32> to vector<16xf32>
    tpu.vector_store %arg11[%swap3A_18], %swap3A_21 {strides = array<i32>} : memref<640xf32, #tpu.memory_space<vmem>>, vector<16xf32>,
    %broadcast_in_dim3A_22 = arith.constant 0.000000e+00 : f32
    %broadcast_in_dim3A_23 = vector.broadcast %broadcast_in_dim3A_22 : f32 to vector<16xf32>
    %swap3A_24 = arith.constant 64 : index
    %swap3A_25 = tpu.vector_load %arg11[%swap3A_24] {strides = array<i32>} : memref<640xf32, #tpu.memory_space<vmem>>, vector<16xf32>,
    %swap3A_26 = vector.shape_cast %swap3A_25 : vector<16xf32> to vector<16xf32>
    %swap3A_27 = vector.shape_cast %broadcast_in_dim3A_23 : vector<16xf32> to vector<16xf32>
    tpu.vector_store %arg11[%swap3A_24], %swap3A_27 {strides = array<i32>} : memref<640xf32, #tpu.memory_space<vmem>>, vector<16xf32>,
    %broadcast_in_dim3A_28 = arith.constant 0.000000e+00 : f32
    %broadcast_in_dim3A_29 = vector.broadcast %broadcast_in_dim3A_28 : f32 to vector<16xf32>
    %swap3A_30 = arith.constant 80 : index
    %swap3A_31 = tpu.vector_load %arg11[%swap3A_30] {strides = array<i32>} : memref<640xf32, #tpu.memory_space<vmem>>, vector<16xf32>,
    %swap3A_32 = vector.shape_cast %swap3A_31 : vector<16xf32> to vector<16xf32>
    %swap3A_33 = vector.shape_cast %broadcast_in_dim3A_29 : vector<16xf32> to vector<16xf32>
    tpu.vector_store %arg11[%swap3A_30], %swap3A_33 {strides = array<i32>} : memref<640xf32, #tpu.memory_space<vmem>>, vector<16xf32>,
    %broadcast_in_dim3A_34 = arith.constant 0.000000e+00 : f32
    %broadcast_in_dim3A_35 = vector.broadcast %broadcast_in_dim3A_34 : f32 to vector<16xf32>
    %swap3A_36 = arith.constant 96 : index
    %swap3A_37 = tpu.vector_load %arg11[%swap3A_36] {strides = array<i32>} : memref<640xf32, #tpu.memory_space<vmem>>, vector<16xf32>,
    %swap3A_38 = vector.shape_cast %swap3A_37 : vector<16xf32> to vector<16xf32>
    %swap3A_39 = vector.shape_cast %broadcast_in_dim3A_35 : vector<16xf32> to vector<16xf32>
    tpu.vector_store %arg11[%swap3A_36], %swap3A_39 {strides = array<i32>} : memref<640xf32, #tpu.memory_space<vmem>>, vector<16xf32>,
    %broadcast_in_dim3A_40 = arith.constant 0.000000e+00 : f32
    %broadcast_in_dim3A_41 = vector.broadcast %broadcast_in_dim3A_40 : f32 to vector<16xf32>
    %swap3A_42 = arith.constant 112 : index
    %swap3A_43 = tpu.vector_load %arg11[%swap3A_42] {strides = array<i32>} : memref<640xf32, #tpu.memory_space<vmem>>, vector<16xf32>,
    %swap3A_44 = vector.shape_cast %swap3A_43 : vector<16xf32> to vector<16xf32>
    %swap3A_45 = vector.shape_cast %broadcast_in_dim3A_41 : vector<16xf32> to vector<16xf32>
    tpu.vector_store %arg11[%swap3A_42], %swap3A_45 {strides = array<i32>} : memref<640xf32, #tpu.memory_space<vmem>>, vector<16xf32>,
    %broadcast_in_dim3A_46 = arith.constant 0.000000e+00 : f32
    %broadcast_in_dim3A_47 = vector.broadcast %broadcast_in_dim3A_46 : f32 to vector<16xf32>
    %swap3A_48 = arith.constant 128 : index
    %swap3A_49 = tpu.vector_load %arg11[%swap3A_48] {strides = array<i32>} : memref<640xf32, #tpu.memory_space<vmem>>, vector<16xf32>,
    %swap3A_50 = vector.shape_cast %swap3A_49 : vector<16xf32> to vector<16xf32>
    %swap3A_51 = vector.shape_cast %broadcast_in_dim3A_47 : vector<16xf32> to vector<16xf32>
    tpu.vector_store %arg11[%swap3A_48], %swap3A_51 {strides = array<i32>} : memref<640xf32, #tpu.memory_space<vmem>>, vector<16xf32>,
    %broadcast_in_dim3A_52 = arith.constant 0.000000e+00 : f32
    %broadcast_in_dim3A_53 = vector.broadcast %broadcast_in_dim3A_52 : f32 to vector<16xf32>
    %swap3A_54 = arith.constant 144 : index
    %swap3A_55 = tpu.vector_load %arg11[%swap3A_54] {strides = array<i32>} : memref<640xf32, #tpu.memory_space<vmem>>, vector<16xf32>,
    %swap3A_56 = vector.shape_cast %swap3A_55 : vector<16xf32> to vector<16xf32>
    %swap3A_57 = vector.shape_cast %broadcast_in_dim3A_53 : vector<16xf32> to vector<16xf32>
    tpu.vector_store %arg11[%swap3A_54], %swap3A_57 {strides = array<i32>} : memref<640xf32, #tpu.memory_space<vmem>>, vector<16xf32>,
    %broadcast_in_dim3A_58 = arith.constant 0.000000e+00 : f32
    %broadcast_in_dim3A_59 = vector.broadcast %broadcast_in_dim3A_58 : f32 to vector<16xf32>
    %swap3A_60 = arith.constant 160 : index
    %swap3A_61 = tpu.vector_load %arg11[%swap3A_60] {strides = array<i32>} : memref<640xf32, #tpu.memory_space<vmem>>, vector<16xf32>,
    %swap3A_62 = vector.shape_cast %swap3A_61 : vector<16xf32> to vector<16xf32>
    %swap3A_63 = vector.shape_cast %broadcast_in_dim3A_59 : vector<16xf32> to vector<16xf32>
    tpu.vector_store %arg11[%swap3A_60], %swap3A_63 {strides = array<i32>} : memref<640xf32, #tpu.memory_space<vmem>>, vector<16xf32>,
    %broadcast_in_dim3A_64 = arith.constant 0.000000e+00 : f32
    %broadcast_in_dim3A_65 = vector.broadcast %broadcast_in_dim3A_64 : f32 to vector<16xf32>
    %swap3A_66 = arith.constant 176 : index
    %swap3A_67 = tpu.vector_load %arg11[%swap3A_66] {strides = array<i32>} : memref<640xf32, #tpu.memory_space<vmem>>, vector<16xf32>,
    %swap3A_68 = vector.shape_cast %swap3A_67 : vector<16xf32> to vector<16xf32>
    %swap3A_69 = vector.shape_cast %broadcast_in_dim3A_65 : vector<16xf32> to vector<16xf32>
    tpu.vector_store %arg11[%swap3A_66], %swap3A_69 {strides = array<i32>} : memref<640xf32, #tpu.memory_space<vmem>>, vector<16xf32>,
    %broadcast_in_dim3A_70 = arith.constant 0.000000e+00 : f32
    %broadcast_in_dim3A_71 = vector.broadcast %broadcast_in_dim3A_70 : f32 to vector<16xf32>
    %swap3A_72 = arith.constant 192 : index
    %swap3A_73 = tpu.vector_load %arg11[%swap3A_72] {strides = array<i32>} : memref<640xf32, #tpu.memory_space<vmem>>, vector<16xf32>,
    %swap3A_74 = vector.shape_cast %swap3A_73 : vector<16xf32> to vector<16xf32>
    %swap3A_75 = vector.shape_cast %broadcast_in_dim3A_71 : vector<16xf32> to vector<16xf32>
    tpu.vector_store %arg11[%swap3A_72], %swap3A_75 {strides = array<i32>} : memref<640xf32, #tpu.memory_space<vmem>>, vector<16xf32>,
    %broadcast_in_dim3A_76 = arith.constant 0.000000e+00 : f32
    %broadcast_in_dim3A_77 = vector.broadcast %broadcast_in_dim3A_76 : f32 to vector<16xf32>
    %swap3A_78 = arith.constant 208 : index
    %swap3A_79 = tpu.vector_load %arg11[%swap3A_78] {strides = array<i32>} : memref<640xf32, #tpu.memory_space<vmem>>, vector<16xf32>,
    %swap3A_80 = vector.shape_cast %swap3A_79 : vector<16xf32> to vector<16xf32>
    %swap3A_81 = vector.shape_cast %broadcast_in_dim3A_77 : vector<16xf32> to vector<16xf32>
    tpu.vector_store %arg11[%swap3A_78], %swap3A_81 {strides = array<i32>} : memref<640xf32, #tpu.memory_space<vmem>>, vector<16xf32>,
    %broadcast_in_dim3A_82 = arith.constant 0.000000e+00 : f32
    %broadcast_in_dim3A_83 = vector.broadcast %broadcast_in_dim3A_82 : f32 to vector<16xf32>
    %swap3A_84 = arith.constant 224 : index
    %swap3A_85 = tpu.vector_load %arg11[%swap3A_84] {strides = array<i32>} : memref<640xf32, #tpu.memory_space<vmem>>, vector<16xf32>,
    %swap3A_86 = vector.shape_cast %swap3A_85 : vector<16xf32> to vector<16xf32>
    %swap3A_87 = vector.shape_cast %broadcast_in_dim3A_83 : vector<16xf32> to vector<16xf32>
    tpu.vector_store %arg11[%swap3A_84], %swap3A_87 {strides = array<i32>} : memref<640xf32, #tpu.memory_space<vmem>>, vector<16xf32>,
    %broadcast_in_dim3A_88 = arith.constant 0.000000e+00 : f32
    %broadcast_in_dim3A_89 = vector.broadcast %broadcast_in_dim3A_88 : f32 to vector<16xf32>
    %swap3A_90 = arith.constant 240 : index
    %swap3A_91 = tpu.vector_load %arg11[%swap3A_90] {strides = array<i32>} : memref<640xf32, #tpu.memory_space<vmem>>, vector<16xf32>,
    %swap3A_92 = vector.shape_cast %swap3A_91 : vector<16xf32> to vector<16xf32>
    %swap3A_93 = vector.shape_cast %broadcast_in_dim3A_89 : vector<16xf32> to vector<16xf32>
    tpu.vector_store %arg11[%swap3A_90], %swap3A_93 {strides = array<i32>} : memref<640xf32, #tpu.memory_space<vmem>>, vector<16xf32>,
    %broadcast_in_dim3A_94 = arith.constant 0.000000e+00 : f32
    %broadcast_in_dim3A_95 = vector.broadcast %broadcast_in_dim3A_94 : f32 to vector<16xf32>
    %swap3A_96 = arith.constant 256 : index
    %swap3A_97 = tpu.vector_load %arg11[%swap3A_96] {strides = array<i32>} : memref<640xf32, #tpu.memory_space<vmem>>, vector<16xf32>,
    %swap3A_98 = vector.shape_cast %swap3A_97 : vector<16xf32> to vector<16xf32>
    %swap3A_99 = vector.shape_cast %broadcast_in_dim3A_95 : vector<16xf32> to vector<16xf32>
    tpu.vector_store %arg11[%swap3A_96], %swap3A_99 {strides = array<i32>} : memref<640xf32, #tpu.memory_space<vmem>>, vector<16xf32>,
    %broadcast_in_dim3A_100 = arith.constant 0.000000e+00 : f32
    %broadcast_in_dim3A_101 = vector.broadcast %broadcast_in_dim3A_100 : f32 to vector<16xf32>
    %swap3A_102 = arith.constant 272 : index
    %swap3A_103 = tpu.vector_load %arg11[%swap3A_102] {strides = array<i32>} : memref<640xf32, #tpu.memory_space<vmem>>, vector<16xf32>,
    %swap3A_104 = vector.shape_cast %swap3A_103 : vector<16xf32> to vector<16xf32>
    %swap3A_105 = vector.shape_cast %broadcast_in_dim3A_101 : vector<16xf32> to vector<16xf32>
    tpu.vector_store %arg11[%swap3A_102], %swap3A_105 {strides = array<i32>} : memref<640xf32, #tpu.memory_space<vmem>>, vector<16xf32>,
    %broadcast_in_dim3A_106 = arith.constant 0.000000e+00 : f32
    %broadcast_in_dim3A_107 = vector.broadcast %broadcast_in_dim3A_106 : f32 to vector<16xf32>
    %swap3A_108 = arith.constant 288 : index
    %swap3A_109 = tpu.vector_load %arg11[%swap3A_108] {strides = array<i32>} : memref<640xf32, #tpu.memory_space<vmem>>, vector<16xf32>,
    %swap3A_110 = vector.shape_cast %swap3A_109 : vector<16xf32> to vector<16xf32>
    %swap3A_111 = vector.shape_cast %broadcast_in_dim3A_107 : vector<16xf32> to vector<16xf32>
    tpu.vector_store %arg11[%swap3A_108], %swap3A_111 {strides = array<i32>} : memref<640xf32, #tpu.memory_space<vmem>>, vector<16xf32>,
    %broadcast_in_dim3A_112 = arith.constant 0.000000e+00 : f32
    %broadcast_in_dim3A_113 = vector.broadcast %broadcast_in_dim3A_112 : f32 to vector<16xf32>
    %swap3A_114 = arith.constant 304 : index
    %swap3A_115 = tpu.vector_load %arg11[%swap3A_114] {strides = array<i32>} : memref<640xf32, #tpu.memory_space<vmem>>, vector<16xf32>,
    %swap3A_116 = vector.shape_cast %swap3A_115 : vector<16xf32> to vector<16xf32>
    %swap3A_117 = vector.shape_cast %broadcast_in_dim3A_113 : vector<16xf32> to vector<16xf32>
    tpu.vector_store %arg11[%swap3A_114], %swap3A_117 {strides = array<i32>} : memref<640xf32, #tpu.memory_space<vmem>>, vector<16xf32>,
    %broadcast_in_dim3A_118 = arith.constant 0.000000e+00 : f32
    %broadcast_in_dim3A_119 = vector.broadcast %broadcast_in_dim3A_118 : f32 to vector<16xf32>
    %swap3A_120 = arith.constant 320 : index
    %swap3A_121 = tpu.vector_load %arg11[%swap3A_120] {strides = array<i32>} : memref<640xf32, #tpu.memory_space<vmem>>, vector<16xf32>,
    %swap3A_122 = vector.shape_cast %swap3A_121 : vector<16xf32> to vector<16xf32>
    %swap3A_123 = vector.shape_cast %broadcast_in_dim3A_119 : vector<16xf32> to vector<16xf32>
    tpu.vector_store %arg11[%swap3A_120], %swap3A_123 {strides = array<i32>} : memref<640xf32, #tpu.memory_space<vmem>>, vector<16xf32>,
    %broadcast_in_dim3A_124 = arith.constant 0.000000e+00 : f32
    %broadcast_in_dim3A_125 = vector.broadcast %broadcast_in_dim3A_124 : f32 to vector<16xf32>
    %swap3A_126 = arith.constant 336 : index
    %swap3A_127 = tpu.vector_load %arg11[%swap3A_126] {strides = array<i32>} : memref<640xf32, #tpu.memory_space<vmem>>, vector<16xf32>,
    %swap3A_128 = vector.shape_cast %swap3A_127 : vector<16xf32> to vector<16xf32>
    %swap3A_129 = vector.shape_cast %broadcast_in_dim3A_125 : vector<16xf32> to vector<16xf32>
    tpu.vector_store %arg11[%swap3A_126], %swap3A_129 {strides = array<i32>} : memref<640xf32, #tpu.memory_space<vmem>>, vector<16xf32>,
    %broadcast_in_dim3A_130 = arith.constant 0.000000e+00 : f32
    %broadcast_in_dim3A_131 = vector.broadcast %broadcast_in_dim3A_130 : f32 to vector<16xf32>
    %swap3A_132 = arith.constant 352 : index
    %swap3A_133 = tpu.vector_load %arg11[%swap3A_132] {strides = array<i32>} : memref<640xf32, #tpu.memory_space<vmem>>, vector<16xf32>,
    %swap3A_134 = vector.shape_cast %swap3A_133 : vector<16xf32> to vector<16xf32>
    %swap3A_135 = vector.shape_cast %broadcast_in_dim3A_131 : vector<16xf32> to vector<16xf32>
    tpu.vector_store %arg11[%swap3A_132], %swap3A_135 {strides = array<i32>} : memref<640xf32, #tpu.memory_space<vmem>>, vector<16xf32>,
    %broadcast_in_dim3A_136 = arith.constant 0.000000e+00 : f32
    %broadcast_in_dim3A_137 = vector.broadcast %broadcast_in_dim3A_136 : f32 to vector<16xf32>
    %swap3A_138 = arith.constant 368 : index
    %swap3A_139 = tpu.vector_load %arg11[%swap3A_138] {strides = array<i32>} : memref<640xf32, #tpu.memory_space<vmem>>, vector<16xf32>,
    %swap3A_140 = vector.shape_cast %swap3A_139 : vector<16xf32> to vector<16xf32>
    %swap3A_141 = vector.shape_cast %broadcast_in_dim3A_137 : vector<16xf32> to vector<16xf32>
    tpu.vector_store %arg11[%swap3A_138], %swap3A_141 {strides = array<i32>} : memref<640xf32, #tpu.memory_space<vmem>>, vector<16xf32>,
    %broadcast_in_dim3A_142 = arith.constant 0.000000e+00 : f32
    %broadcast_in_dim3A_143 = vector.broadcast %broadcast_in_dim3A_142 : f32 to vector<16xf32>
    %swap3A_144 = arith.constant 384 : index
    %swap3A_145 = tpu.vector_load %arg11[%swap3A_144] {strides = array<i32>} : memref<640xf32, #tpu.memory_space<vmem>>, vector<16xf32>,
    %swap3A_146 = vector.shape_cast %swap3A_145 : vector<16xf32> to vector<16xf32>
    %swap3A_147 = vector.shape_cast %broadcast_in_dim3A_143 : vector<16xf32> to vector<16xf32>
    tpu.vector_store %arg11[%swap3A_144], %swap3A_147 {strides = array<i32>} : memref<640xf32, #tpu.memory_space<vmem>>, vector<16xf32>,
    %broadcast_in_dim3A_148 = arith.constant 0.000000e+00 : f32
    %broadcast_in_dim3A_149 = vector.broadcast %broadcast_in_dim3A_148 : f32 to vector<16xf32>
    %swap3A_150 = arith.constant 400 : index
    %swap3A_151 = tpu.vector_load %arg11[%swap3A_150] {strides = array<i32>} : memref<640xf32, #tpu.memory_space<vmem>>, vector<16xf32>,
    %swap3A_152 = vector.shape_cast %swap3A_151 : vector<16xf32> to vector<16xf32>
    %swap3A_153 = vector.shape_cast %broadcast_in_dim3A_149 : vector<16xf32> to vector<16xf32>
    tpu.vector_store %arg11[%swap3A_150], %swap3A_153 {strides = array<i32>} : memref<640xf32, #tpu.memory_space<vmem>>, vector<16xf32>,
    %broadcast_in_dim3A_154 = arith.constant 0.000000e+00 : f32
    %broadcast_in_dim3A_155 = vector.broadcast %broadcast_in_dim3A_154 : f32 to vector<16xf32>
    %swap3A_156 = arith.constant 416 : index
    %swap3A_157 = tpu.vector_load %arg11[%swap3A_156] {strides = array<i32>} : memref<640xf32, #tpu.memory_space<vmem>>, vector<16xf32>,
    %swap3A_158 = vector.shape_cast %swap3A_157 : vector<16xf32> to vector<16xf32>
    %swap3A_159 = vector.shape_cast %broadcast_in_dim3A_155 : vector<16xf32> to vector<16xf32>
    tpu.vector_store %arg11[%swap3A_156], %swap3A_159 {strides = array<i32>} : memref<640xf32, #tpu.memory_space<vmem>>, vector<16xf32>,
    %broadcast_in_dim3A_160 = arith.constant 0.000000e+00 : f32
    %broadcast_in_dim3A_161 = vector.broadcast %broadcast_in_dim3A_160 : f32 to vector<16xf32>
    %swap3A_162 = arith.constant 432 : index
    %swap3A_163 = tpu.vector_load %arg11[%swap3A_162] {strides = array<i32>} : memref<640xf32, #tpu.memory_space<vmem>>, vector<16xf32>,
    %swap3A_164 = vector.shape_cast %swap3A_163 : vector<16xf32> to vector<16xf32>
    %swap3A_165 = vector.shape_cast %broadcast_in_dim3A_161 : vector<16xf32> to vector<16xf32>
    tpu.vector_store %arg11[%swap3A_162], %swap3A_165 {strides = array<i32>} : memref<640xf32, #tpu.memory_space<vmem>>, vector<16xf32>,
    %broadcast_in_dim3A_166 = arith.constant 0.000000e+00 : f32
    %broadcast_in_dim3A_167 = vector.broadcast %broadcast_in_dim3A_166 : f32 to vector<16xf32>
    %swap3A_168 = arith.constant 448 : index
    %swap3A_169 = tpu.vector_load %arg11[%swap3A_168] {strides = array<i32>} : memref<640xf32, #tpu.memory_space<vmem>>, vector<16xf32>,
    %swap3A_170 = vector.shape_cast %swap3A_169 : vector<16xf32> to vector<16xf32>
    %swap3A_171 = vector.shape_cast %broadcast_in_dim3A_167 : vector<16xf32> to vector<16xf32>
    tpu.vector_store %arg11[%swap3A_168], %swap3A_171 {strides = array<i32>} : memref<640xf32, #tpu.memory_space<vmem>>, vector<16xf32>,
    %broadcast_in_dim3A_172 = arith.constant 0.000000e+00 : f32
    %broadcast_in_dim3A_173 = vector.broadcast %broadcast_in_dim3A_172 : f32 to vector<16xf32>
    %swap3A_174 = arith.constant 464 : index
    %swap3A_175 = tpu.vector_load %arg11[%swap3A_174] {strides = array<i32>} : memref<640xf32, #tpu.memory_space<vmem>>, vector<16xf32>,
    %swap3A_176 = vector.shape_cast %swap3A_175 : vector<16xf32> to vector<16xf32>
    %swap3A_177 = vector.shape_cast %broadcast_in_dim3A_173 : vector<16xf32> to vector<16xf32>
    tpu.vector_store %arg11[%swap3A_174], %swap3A_177 {strides = array<i32>} : memref<640xf32, #tpu.memory_space<vmem>>, vector<16xf32>,
    %broadcast_in_dim3A_178 = arith.constant 0.000000e+00 : f32
    %broadcast_in_dim3A_179 = vector.broadcast %broadcast_in_dim3A_178 : f32 to vector<16xf32>
    %swap3A_180 = arith.constant 480 : index
    %swap3A_181 = tpu.vector_load %arg11[%swap3A_180] {strides = array<i32>} : memref<640xf32, #tpu.memory_space<vmem>>, vector<16xf32>,
    %swap3A_182 = vector.shape_cast %swap3A_181 : vector<16xf32> to vector<16xf32>
    %swap3A_183 = vector.shape_cast %broadcast_in_dim3A_179 : vector<16xf32> to vector<16xf32>
    tpu.vector_store %arg11[%swap3A_180], %swap3A_183 {strides = array<i32>} : memref<640xf32, #tpu.memory_space<vmem>>, vector<16xf32>,
    %broadcast_in_dim3A_184 = arith.constant 0.000000e+00 : f32
    %broadcast_in_dim3A_185 = vector.broadcast %broadcast_in_dim3A_184 : f32 to vector<16xf32>
    %swap3A_186 = arith.constant 496 : index
    %swap3A_187 = tpu.vector_load %arg11[%swap3A_186] {strides = array<i32>} : memref<640xf32, #tpu.memory_space<vmem>>, vector<16xf32>,
    %swap3A_188 = vector.shape_cast %swap3A_187 : vector<16xf32> to vector<16xf32>
    %swap3A_189 = vector.shape_cast %broadcast_in_dim3A_185 : vector<16xf32> to vector<16xf32>
    tpu.vector_store %arg11[%swap3A_186], %swap3A_189 {strides = array<i32>} : memref<640xf32, #tpu.memory_space<vmem>>, vector<16xf32>,
    %broadcast_in_dim3A_190 = arith.constant 0.000000e+00 : f32
    %broadcast_in_dim3A_191 = vector.broadcast %broadcast_in_dim3A_190 : f32 to vector<16xf32>
    %swap3A_192 = arith.constant 512 : index
    %swap3A_193 = tpu.vector_load %arg11[%swap3A_192] {strides = array<i32>} : memref<640xf32, #tpu.memory_space<vmem>>, vector<16xf32>,
    %swap3A_194 = vector.shape_cast %swap3A_193 : vector<16xf32> to vector<16xf32>
    %swap3A_195 = vector.shape_cast %broadcast_in_dim3A_191 : vector<16xf32> to vector<16xf32>
    tpu.vector_store %arg11[%swap3A_192], %swap3A_195 {strides = array<i32>} : memref<640xf32, #tpu.memory_space<vmem>>, vector<16xf32>,
    %broadcast_in_dim3A_196 = arith.constant 0.000000e+00 : f32
    %broadcast_in_dim3A_197 = vector.broadcast %broadcast_in_dim3A_196 : f32 to vector<16xf32>
    %swap3A_198 = arith.constant 528 : index
    %swap3A_199 = tpu.vector_load %arg11[%swap3A_198] {strides = array<i32>} : memref<640xf32, #tpu.memory_space<vmem>>, vector<16xf32>,
    %swap3A_200 = vector.shape_cast %swap3A_199 : vector<16xf32> to vector<16xf32>
    %swap3A_201 = vector.shape_cast %broadcast_in_dim3A_197 : vector<16xf32> to vector<16xf32>
    tpu.vector_store %arg11[%swap3A_198], %swap3A_201 {strides = array<i32>} : memref<640xf32, #tpu.memory_space<vmem>>, vector<16xf32>,
    %broadcast_in_dim3A_202 = arith.constant 0.000000e+00 : f32
    %broadcast_in_dim3A_203 = vector.broadcast %broadcast_in_dim3A_202 : f32 to vector<16xf32>
    %swap3A_204 = arith.constant 544 : index
    %swap3A_205 = tpu.vector_load %arg11[%swap3A_204] {strides = array<i32>} : memref<640xf32, #tpu.memory_space<vmem>>, vector<16xf32>,
    %swap3A_206 = vector.shape_cast %swap3A_205 : vector<16xf32> to vector<16xf32>
    %swap3A_207 = vector.shape_cast %broadcast_in_dim3A_203 : vector<16xf32> to vector<16xf32>
    tpu.vector_store %arg11[%swap3A_204], %swap3A_207 {strides = array<i32>} : memref<640xf32, #tpu.memory_space<vmem>>, vector<16xf32>,
    %broadcast_in_dim3A_208 = arith.constant 0.000000e+00 : f32
    %broadcast_in_dim3A_209 = vector.broadcast %broadcast_in_dim3A_208 : f32 to vector<16xf32>
    %swap3A_210 = arith.constant 560 : index
    %swap3A_211 = tpu.vector_load %arg11[%swap3A_210] {strides = array<i32>} : memref<640xf32, #tpu.memory_space<vmem>>, vector<16xf32>,
    %swap3A_212 = vector.shape_cast %swap3A_211 : vector<16xf32> to vector<16xf32>
    %swap3A_213 = vector.shape_cast %broadcast_in_dim3A_209 : vector<16xf32> to vector<16xf32>
    tpu.vector_store %arg11[%swap3A_210], %swap3A_213 {strides = array<i32>} : memref<640xf32, #tpu.memory_space<vmem>>, vector<16xf32>,
    %broadcast_in_dim3A_214 = arith.constant 0.000000e+00 : f32
    %broadcast_in_dim3A_215 = vector.broadcast %broadcast_in_dim3A_214 : f32 to vector<16xf32>
    %swap3A_216 = arith.constant 576 : index
    %swap3A_217 = tpu.vector_load %arg11[%swap3A_216] {strides = array<i32>} : memref<640xf32, #tpu.memory_space<vmem>>, vector<16xf32>,
    %swap3A_218 = vector.shape_cast %swap3A_217 : vector<16xf32> to vector<16xf32>
    %swap3A_219 = vector.shape_cast %broadcast_in_dim3A_215 : vector<16xf32> to vector<16xf32>
    tpu.vector_store %arg11[%swap3A_216], %swap3A_219 {strides = array<i32>} : memref<640xf32, #tpu.memory_space<vmem>>, vector<16xf32>,
    %broadcast_in_dim3A_220 = arith.constant 0.000000e+00 : f32
    %broadcast_in_dim3A_221 = vector.broadcast %broadcast_in_dim3A_220 : f32 to vector<16xf32>
    %swap3A_222 = arith.constant 592 : index
    %swap3A_223 = tpu.vector_load %arg11[%swap3A_222] {strides = array<i32>} : memref<640xf32, #tpu.memory_space<vmem>>, vector<16xf32>,
    %swap3A_224 = vector.shape_cast %swap3A_223 : vector<16xf32> to vector<16xf32>
    %swap3A_225 = vector.shape_cast %broadcast_in_dim3A_221 : vector<16xf32> to vector<16xf32>
    tpu.vector_store %arg11[%swap3A_222], %swap3A_225 {strides = array<i32>} : memref<640xf32, #tpu.memory_space<vmem>>, vector<16xf32>,
    %broadcast_in_dim3A_226 = arith.constant 0.000000e+00 : f32
    %broadcast_in_dim3A_227 = vector.broadcast %broadcast_in_dim3A_226 : f32 to vector<16xf32>
    %swap3A_228 = arith.constant 608 : index
    %swap3A_229 = tpu.vector_load %arg11[%swap3A_228] {strides = array<i32>} : memref<640xf32, #tpu.memory_space<vmem>>, vector<16xf32>,
    %swap3A_230 = vector.shape_cast %swap3A_229 : vector<16xf32> to vector<16xf32>
    %swap3A_231 = vector.shape_cast %broadcast_in_dim3A_227 : vector<16xf32> to vector<16xf32>
    tpu.vector_store %arg11[%swap3A_228], %swap3A_231 {strides = array<i32>} : memref<640xf32, #tpu.memory_space<vmem>>, vector<16xf32>,
    %broadcast_in_dim3A_232 = arith.constant 0.000000e+00 : f32
    %broadcast_in_dim3A_233 = vector.broadcast %broadcast_in_dim3A_232 : f32 to vector<16xf32>
    %swap3A_234 = arith.constant 624 : index
    %swap3A_235 = tpu.vector_load %arg11[%swap3A_234] {strides = array<i32>} : memref<640xf32, #tpu.memory_space<vmem>>, vector<16xf32>,
    %swap3A_236 = vector.shape_cast %swap3A_235 : vector<16xf32> to vector<16xf32>
    %swap3A_237 = vector.shape_cast %broadcast_in_dim3A_233 : vector<16xf32> to vector<16xf32>
    tpu.vector_store %arg11[%swap3A_234], %swap3A_237 {strides = array<i32>} : memref<640xf32, #tpu.memory_space<vmem>>, vector<16xf32>,
    %broadcast_in_dim3A_238 = arith.constant 1.000000e+00 : f32
    %broadcast_in_dim3A_239 = vector.broadcast %broadcast_in_dim3A_238 : f32 to vector<16xf32>
    %swap3A_240 = arith.constant 0 : index
    %swap3A_241 = tpu.vector_load %arg10[%swap3A_240] {strides = array<i32>} : memref<128xf32, #tpu.memory_space<vmem>>, vector<16xf32>,
    %swap3A_242 = vector.shape_cast %swap3A_241 : vector<16xf32> to vector<16xf32>
    %swap3A_243 = vector.shape_cast %broadcast_in_dim3A_239 : vector<16xf32> to vector<16xf32>
    tpu.vector_store %arg10[%swap3A_240], %swap3A_243 {strides = array<i32>} : memref<128xf32, #tpu.memory_space<vmem>>, vector<16xf32>,
    %broadcast_in_dim3A_244 = arith.constant 1.000000e+00 : f32
    %broadcast_in_dim3A_245 = vector.broadcast %broadcast_in_dim3A_244 : f32 to vector<16xf32>
    %swap3A_246 = arith.constant 16 : index
    %swap3A_247 = tpu.vector_load %arg10[%swap3A_246] {strides = array<i32>} : memref<128xf32, #tpu.memory_space<vmem>>, vector<16xf32>,
    %swap3A_248 = vector.shape_cast %swap3A_247 : vector<16xf32> to vector<16xf32>
    %swap3A_249 = vector.shape_cast %broadcast_in_dim3A_245 : vector<16xf32> to vector<16xf32>
    tpu.vector_store %arg10[%swap3A_246], %swap3A_249 {strides = array<i32>} : memref<128xf32, #tpu.memory_space<vmem>>, vector<16xf32>,
    %broadcast_in_dim3A_250 = arith.constant 1.000000e+00 : f32
    %broadcast_in_dim3A_251 = vector.broadcast %broadcast_in_dim3A_250 : f32 to vector<16xf32>
    %swap3A_252 = arith.constant 32 : index
    %swap3A_253 = tpu.vector_load %arg10[%swap3A_252] {strides = array<i32>} : memref<128xf32, #tpu.memory_space<vmem>>, vector<16xf32>,
    %swap3A_254 = vector.shape_cast %swap3A_253 : vector<16xf32> to vector<16xf32>
    %swap3A_255 = vector.shape_cast %broadcast_in_dim3A_251 : vector<16xf32> to vector<16xf32>
    tpu.vector_store %arg10[%swap3A_252], %swap3A_255 {strides = array<i32>} : memref<128xf32, #tpu.memory_space<vmem>>, vector<16xf32>,
    %broadcast_in_dim3A_256 = arith.constant 1.000000e+00 : f32
    %broadcast_in_dim3A_257 = vector.broadcast %broadcast_in_dim3A_256 : f32 to vector<16xf32>
    %swap3A_258 = arith.constant 48 : index
    %swap3A_259 = tpu.vector_load %arg10[%swap3A_258] {strides = array<i32>} : memref<128xf32, #tpu.memory_space<vmem>>, vector<16xf32>,
    %swap3A_260 = vector.shape_cast %swap3A_259 : vector<16xf32> to vector<16xf32>
    %swap3A_261 = vector.shape_cast %broadcast_in_dim3A_257 : vector<16xf32> to vector<16xf32>
    tpu.vector_store %arg10[%swap3A_258], %swap3A_261 {strides = array<i32>} : memref<128xf32, #tpu.memory_space<vmem>>, vector<16xf32>,
    %broadcast_in_dim3A_262 = arith.constant 1.000000e+00 : f32
    %broadcast_in_dim3A_263 = vector.broadcast %broadcast_in_dim3A_262 : f32 to vector<16xf32>
    %swap3A_264 = arith.constant 64 : index
    %swap3A_265 = tpu.vector_load %arg10[%swap3A_264] {strides = array<i32>} : memref<128xf32, #tpu.memory_space<vmem>>, vector<16xf32>,
    %swap3A_266 = vector.shape_cast %swap3A_265 : vector<16xf32> to vector<16xf32>
    %swap3A_267 = vector.shape_cast %broadcast_in_dim3A_263 : vector<16xf32> to vector<16xf32>
    tpu.vector_store %arg10[%swap3A_264], %swap3A_267 {strides = array<i32>} : memref<128xf32, #tpu.memory_space<vmem>>, vector<16xf32>,
    %broadcast_in_dim3A_268 = arith.constant 1.000000e+00 : f32
    %broadcast_in_dim3A_269 = vector.broadcast %broadcast_in_dim3A_268 : f32 to vector<16xf32>
    %swap3A_270 = arith.constant 80 : index
    %swap3A_271 = tpu.vector_load %arg10[%swap3A_270] {strides = array<i32>} : memref<128xf32, #tpu.memory_space<vmem>>, vector<16xf32>,
    %swap3A_272 = vector.shape_cast %swap3A_271 : vector<16xf32> to vector<16xf32>
    %swap3A_273 = vector.shape_cast %broadcast_in_dim3A_269 : vector<16xf32> to vector<16xf32>
    tpu.vector_store %arg10[%swap3A_270], %swap3A_273 {strides = array<i32>} : memref<128xf32, #tpu.memory_space<vmem>>, vector<16xf32>,
    %broadcast_in_dim3A_274 = arith.constant 1.000000e+00 : f32
    %broadcast_in_dim3A_275 = vector.broadcast %broadcast_in_dim3A_274 : f32 to vector<16xf32>
    %swap3A_276 = arith.constant 96 : index
    %swap3A_277 = tpu.vector_load %arg10[%swap3A_276] {strides = array<i32>} : memref<128xf32, #tpu.memory_space<vmem>>, vector<16xf32>,
    %swap3A_278 = vector.shape_cast %swap3A_277 : vector<16xf32> to vector<16xf32>
    %swap3A_279 = vector.shape_cast %broadcast_in_dim3A_275 : vector<16xf32> to vector<16xf32>
    tpu.vector_store %arg10[%swap3A_276], %swap3A_279 {strides = array<i32>} : memref<128xf32, #tpu.memory_space<vmem>>, vector<16xf32>,
    %broadcast_in_dim3A_280 = arith.constant 1.000000e+00 : f32
    %broadcast_in_dim3A_281 = vector.broadcast %broadcast_in_dim3A_280 : f32 to vector<16xf32>
    %swap3A_282 = arith.constant 112 : index
    %swap3A_283 = tpu.vector_load %arg10[%swap3A_282] {strides = array<i32>} : memref<128xf32, #tpu.memory_space<vmem>>, vector<16xf32>,
    %swap3A_284 = vector.shape_cast %swap3A_283 : vector<16xf32> to vector<16xf32>
    %swap3A_285 = vector.shape_cast %broadcast_in_dim3A_281 : vector<16xf32> to vector<16xf32>
    tpu.vector_store %arg10[%swap3A_282], %swap3A_285 {strides = array<i32>} : memref<128xf32, #tpu.memory_space<vmem>>, vector<16xf32>,
    %mul3A = arith.constant 640 : i32
    %mul3A_286 = arith.muli %arg1, %mul3A : i32
    "tpu.region"() ({
      %run_scoped3A_306 = tpu.sem_alloc : memref<!tpu.dma_semaphore, #tpu.memory_space<semaphore_mem>>
      %dma_start3A = tpu.memref_slice %arg6[%mul3A_286] : memref<10240xf32, #tpu.memory_space<vmem_shared>> -> memref<640xf32, #tpu.memory_space<vmem_shared>>
      %dma_start3A_307 = tpu.memref_slice %arg6[%mul3A_286] : memref<10240xf32, #tpu.memory_space<vmem_shared>> -> memref<640xf32, #tpu.memory_space<vmem_shared>>
      tpu.enqueue_dma source(%arg11 : memref<640xf32, #tpu.memory_space<vmem>>) target(%dma_start3A_307 : memref<640xf32, #tpu.memory_space<vmem_shared>>) target_semaphore(%run_scoped3A_306 : memref<!tpu.dma_semaphore, #tpu.memory_space<semaphore_mem>>)
      %dma_wait3A = tpu.memref_slice %arg6[%mul3A_286] : memref<10240xf32, #tpu.memory_space<vmem_shared>> -> memref<640xf32, #tpu.memory_space<vmem_shared>>
      %dma_wait3A_308 = tpu.memref_slice %arg6[%mul3A_286] : memref<10240xf32, #tpu.memory_space<vmem_shared>> -> memref<640xf32, #tpu.memory_space<vmem_shared>>
      tpu.wait_dma2 semaphore(%run_scoped3A_306 : memref<!tpu.dma_semaphore, #tpu.memory_space<semaphore_mem>>) src(%arg11 : memref<640xf32, #tpu.memory_space<vmem>>) dst(%dma_wait3A_308 : memref<640xf32, #tpu.memory_space<vmem_shared>>)
      tpu.yield
    }) : () -> ()
    %eq3A = arith.constant 0 : i32
    %eq3A_287 = arith.cmpi eq, %arg1, %eq3A : i32
    %convert_element_type3A = arith.extui %eq3A_287 : i1 to i32
    %cond3A = arith.constant 0 : i32
    %cond3A_288 = arith.cmpi ne, %convert_element_type3A, %cond3A : i32
    scf.if %cond3A_288 {
      "tpu.region"() ({
        %run_scoped3A_306 = tpu.sem_alloc : memref<!tpu.dma_semaphore, #tpu.memory_space<semaphore_mem>>
        %dma_start3A = arith.constant 0 : i32
        %dma_start3A_307 = tpu.memref_slice %arg11[%dma_start3A] : memref<640xf32, #tpu.memory_space<vmem>> -> memref<640xf32, #tpu.memory_space<vmem>>
        %dma_start3A_308 = arith.constant 0 : i32
        %dma_start3A_309 = tpu.memref_slice %arg11[%dma_start3A_308] : memref<640xf32, #tpu.memory_space<vmem>> -> memref<640xf32, #tpu.memory_space<vmem>>
        tpu.enqueue_dma source(%dma_start3A_309 : memref<640xf32, #tpu.memory_space<vmem>>) target(%arg7 : memref<640xf32, #tpu.memory_space<vmem_shared>>) target_semaphore(%run_scoped3A_306 : memref<!tpu.dma_semaphore, #tpu.memory_space<semaphore_mem>>)
        %dma_wait3A = arith.constant 0 : i32
        %dma_wait3A_310 = tpu.memref_slice %arg11[%dma_wait3A] : memref<640xf32, #tpu.memory_space<vmem>> -> memref<640xf32, #tpu.memory_space<vmem>>
        %dma_wait3A_311 = arith.constant 0 : i32
        %dma_wait3A_312 = tpu.memref_slice %arg11[%dma_wait3A_311] : memref<640xf32, #tpu.memory_space<vmem>> -> memref<640xf32, #tpu.memory_space<vmem>>
        tpu.wait_dma2 semaphore(%run_scoped3A_306 : memref<!tpu.dma_semaphore, #tpu.memory_space<semaphore_mem>>) src(%dma_wait3A_312 : memref<640xf32, #tpu.memory_space<vmem>>) dst(%arg7 : memref<640xf32, #tpu.memory_space<vmem_shared>>)
        tpu.yield
      }) : () -> ()
    } else {
    }
    "tpu.region"() ({
      %run_scoped3A_306 = tpu.sem_alloc : memref<!tpu.dma_semaphore, #tpu.memory_space<semaphore_mem>>
      %dma_start3A = arith.constant 0 : i32
      %dma_start3A_307 = arith.constant 0 : i32
      %dma_start3A_308 = tpu.memref_slice %arg2[%arg0, %arg1, %dma_start3A, %dma_start3A_307] : memref<2x16x80x128xi32, #tpu.memory_space<hbm>> -> memref<1x1x80x128xi32, #tpu.memory_space<hbm>>
      %dma_start3A_309 = tpu.memref_squeeze %dma_start3A_308 : memref<1x1x80x128xi32, #tpu.memory_space<hbm>> -> memref<80x128xi32, #tpu.memory_space<hbm>>
      %dma_start3A_310 = arith.constant 0 : i32
      %dma_start3A_311 = arith.constant 0 : i32
      %dma_start3A_312 = tpu.memref_slice %arg2[%arg0, %arg1, %dma_start3A_310, %dma_start3A_311] : memref<2x16x80x128xi32, #tpu.memory_space<hbm>> -> memref<1x1x80x128xi32, #tpu.memory_space<hbm>>
      %dma_start3A_313 = tpu.memref_squeeze %dma_start3A_312 : memref<1x1x80x128xi32, #tpu.memory_space<hbm>> -> memref<80x128xi32, #tpu.memory_space<hbm>>
      tpu.enqueue_dma source(%dma_start3A_313 : memref<80x128xi32, #tpu.memory_space<hbm>>) target(%arg8 : memref<80x128xi32, #tpu.memory_space<vmem>>) target_semaphore(%run_scoped3A_306 : memref<!tpu.dma_semaphore, #tpu.memory_space<semaphore_mem>>)
      %dma_wait3A = arith.constant 0 : i32
      %dma_wait3A_314 = arith.constant 0 : i32
      %dma_wait3A_315 = tpu.memref_slice %arg2[%arg0, %arg1, %dma_wait3A, %dma_wait3A_314] : memref<2x16x80x128xi32, #tpu.memory_space<hbm>> -> memref<1x1x80x128xi32, #tpu.memory_space<hbm>>
      %dma_wait3A_316 = tpu.memref_squeeze %dma_wait3A_315 : memref<1x1x80x128xi32, #tpu.memory_space<hbm>> -> memref<80x128xi32, #tpu.memory_space<hbm>>
      %dma_wait3A_317 = arith.constant 0 : i32
      %dma_wait3A_318 = arith.constant 0 : i32
      %dma_wait3A_319 = tpu.memref_slice %arg2[%arg0, %arg1, %dma_wait3A_317, %dma_wait3A_318] : memref<2x16x80x128xi32, #tpu.memory_space<hbm>> -> memref<1x1x80x128xi32, #tpu.memory_space<hbm>>
      %dma_wait3A_320 = tpu.memref_squeeze %dma_wait3A_319 : memref<1x1x80x128xi32, #tpu.memory_space<hbm>> -> memref<80x128xi32, #tpu.memory_space<hbm>>
      tpu.wait_dma2 semaphore(%run_scoped3A_306 : memref<!tpu.dma_semaphore, #tpu.memory_space<semaphore_mem>>) src(%dma_wait3A_320 : memref<80x128xi32, #tpu.memory_space<hbm>>) dst(%arg8 : memref<80x128xi32, #tpu.memory_space<vmem>>)
      tpu.yield
    }) : () -> ()
    "tpu.region"() ({
      %run_scoped3A_306 = tpu.sem_alloc : memref<!tpu.dma_semaphore, #tpu.memory_space<semaphore_mem>>
      %dma_start3A = arith.constant 0 : i32
      %dma_start3A_307 = arith.constant 0 : i32
      %dma_start3A_308 = tpu.memref_slice %arg3[%arg0, %arg1, %dma_start3A, %dma_start3A_307] : memref<2x16x3x128xi32, #tpu.memory_space<hbm>> -> memref<1x1x3x128xi32, #tpu.memory_space<hbm>>
      %dma_start3A_309 = tpu.memref_squeeze %dma_start3A_308 : memref<1x1x3x128xi32, #tpu.memory_space<hbm>> -> memref<3x128xi32, #tpu.memory_space<hbm>>
      %dma_start3A_310 = arith.constant 0 : i32
      %dma_start3A_311 = arith.constant 0 : i32
      %dma_start3A_312 = tpu.memref_slice %arg3[%arg0, %arg1, %dma_start3A_310, %dma_start3A_311] : memref<2x16x3x128xi32, #tpu.memory_space<hbm>> -> memref<1x1x3x128xi32, #tpu.memory_space<hbm>>
      %dma_start3A_313 = tpu.memref_squeeze %dma_start3A_312 : memref<1x1x3x128xi32, #tpu.memory_space<hbm>> -> memref<3x128xi32, #tpu.memory_space<hbm>>
      tpu.enqueue_dma source(%dma_start3A_313 : memref<3x128xi32, #tpu.memory_space<hbm>>) target(%arg9 : memref<3x128xi32, #tpu.memory_space<vmem>>) target_semaphore(%run_scoped3A_306 : memref<!tpu.dma_semaphore, #tpu.memory_space<semaphore_mem>>)
      %dma_wait3A = arith.constant 0 : i32
      %dma_wait3A_314 = arith.constant 0 : i32
      %dma_wait3A_315 = tpu.memref_slice %arg3[%arg0, %arg1, %dma_wait3A, %dma_wait3A_314] : memref<2x16x3x128xi32, #tpu.memory_space<hbm>> -> memref<1x1x3x128xi32, #tpu.memory_space<hbm>>
      %dma_wait3A_316 = tpu.memref_squeeze %dma_wait3A_315 : memref<1x1x3x128xi32, #tpu.memory_space<hbm>> -> memref<3x128xi32, #tpu.memory_space<hbm>>
      %dma_wait3A_317 = arith.constant 0 : i32
      %dma_wait3A_318 = arith.constant 0 : i32
      %dma_wait3A_319 = tpu.memref_slice %arg3[%arg0, %arg1, %dma_wait3A_317, %dma_wait3A_318] : memref<2x16x3x128xi32, #tpu.memory_space<hbm>> -> memref<1x1x3x128xi32, #tpu.memory_space<hbm>>
      %dma_wait3A_320 = tpu.memref_squeeze %dma_wait3A_319 : memref<1x1x3x128xi32, #tpu.memory_space<hbm>> -> memref<3x128xi32, #tpu.memory_space<hbm>>
      tpu.wait_dma2 semaphore(%run_scoped3A_306 : memref<!tpu.dma_semaphore, #tpu.memory_space<semaphore_mem>>) src(%dma_wait3A_320 : memref<3x128xi32, #tpu.memory_space<hbm>>) dst(%arg9 : memref<3x128xi32, #tpu.memory_space<vmem>>)
      tpu.yield
    }) : () -> ()
    %barrier3A = arith.constant 0 : index
    tpu.barrier barrier_id(%barrier3A)
    %scan3A = arith.constant 0 : i32
    %scan3A_289 = arith.constant 0 : i32
    %scan3A_290 = arith.constant 80 : i32
    %scan3A_291 = arith.addi %scan3A_289, %scan3A_290 : i32
    %scan3A_292 = arith.constant 1 : i32
    scf.for %scan3A_306 = %scan3A_289 to %scan3A_291 step %scan3A_292  : i32 {
      "tpu.region"() ({
        %run_scoped3A_307 = tpu.sem_alloc : memref<!tpu.dma_semaphore, #tpu.memory_space<semaphore_mem>>
        %dma_start3A = arith.constant 0 : i32
        %dma_start3A_308 = tpu.memref_slice %arg8[%scan3A_306, %dma_start3A] : memref<80x128xi32, #tpu.memory_space<vmem>> -> memref<1x128xi32, #tpu.memory_space<vmem>>
        %dma_start3A_309 = tpu.memref_squeeze %dma_start3A_308 : memref<1x128xi32, #tpu.memory_space<vmem>> -> memref<128xi32, #tpu.memory_space<vmem>>
        %dma_start3A_310 = arith.constant 0 : i32
        %dma_start3A_311 = tpu.memref_slice %arg6[%dma_start3A_310] : memref<10240xf32, #tpu.memory_space<vmem_shared>> -> memref<10240xf32, #tpu.memory_space<vmem_shared>>
        tpu.enqueue_indirect_dma source(%arg10 : memref<128xf32, #tpu.memory_space<vmem>>) target(%dma_start3A_311 : memref<10240xf32, #tpu.memory_space<vmem_shared>>) offsets(%dma_start3A_309 : memref<128xi32, #tpu.memory_space<vmem>>) semaphore(%run_scoped3A_307 : memref<!tpu.dma_semaphore, #tpu.memory_space<semaphore_mem>>) {add = true}
        %dma_wait3A = arith.constant 0 : i32
        %dma_wait3A_312 = tpu.memref_slice %arg8[%scan3A_306, %dma_wait3A] : memref<80x128xi32, #tpu.memory_space<vmem>> -> memref<1x128xi32, #tpu.memory_space<vmem>>
        %dma_wait3A_313 = tpu.memref_squeeze %dma_wait3A_312 : memref<1x128xi32, #tpu.memory_space<vmem>> -> memref<128xi32, #tpu.memory_space<vmem>>
        %dma_wait3A_314 = arith.constant 0 : i32
        %dma_wait3A_315 = tpu.memref_slice %arg6[%dma_wait3A_314] : memref<10240xf32, #tpu.memory_space<vmem_shared>> -> memref<10240xf32, #tpu.memory_space<vmem_shared>>
        tpu.wait_indirect_dma semaphore(%run_scoped3A_307 : memref<!tpu.dma_semaphore, #tpu.memory_space<semaphore_mem>>) src(%arg10 : memref<128xf32, #tpu.memory_space<vmem>>) dst(%dma_wait3A_315 : memref<10240xf32, #tpu.memory_space<vmem_shared>>)
        tpu.yield
      }) : () -> ()
    }
    %scan3A_293 = arith.constant 80 : i32
    %run_scoped3A = arith.constant 0 : i32
    "tpu.region"() ({
      %run_scoped3A_306 = tpu.sem_alloc : memref<!tpu.dma_semaphore, #tpu.memory_space<semaphore_mem>>
      %dma_start3A = arith.constant 0 : i32
      %dma_start3A_307 = tpu.memref_slice %arg9[%run_scoped3A, %dma_start3A] : memref<3x128xi32, #tpu.memory_space<vmem>> -> memref<1x128xi32, #tpu.memory_space<vmem>>
      %dma_start3A_308 = tpu.memref_squeeze %dma_start3A_307 : memref<1x128xi32, #tpu.memory_space<vmem>> -> memref<128xi32, #tpu.memory_space<vmem>>
      %dma_start3A_309 = arith.constant 0 : i32
      %dma_start3A_310 = tpu.memref_slice %arg7[%dma_start3A_309] : memref<640xf32, #tpu.memory_space<vmem_shared>> -> memref<640xf32, #tpu.memory_space<vmem_shared>>
      tpu.enqueue_indirect_dma source(%arg10 : memref<128xf32, #tpu.memory_space<vmem>>) target(%dma_start3A_310 : memref<640xf32, #tpu.memory_space<vmem_shared>>) offsets(%dma_start3A_308 : memref<128xi32, #tpu.memory_space<vmem>>) semaphore(%run_scoped3A_306 : memref<!tpu.dma_semaphore, #tpu.memory_space<semaphore_mem>>) {add = true}
      %dma_wait3A = arith.constant 0 : i32
      %dma_wait3A_311 = tpu.memref_slice %arg9[%run_scoped3A, %dma_wait3A] : memref<3x128xi32, #tpu.memory_space<vmem>> -> memref<1x128xi32, #tpu.memory_space<vmem>>
      %dma_wait3A_312 = tpu.memref_squeeze %dma_wait3A_311 : memref<1x128xi32, #tpu.memory_space<vmem>> -> memref<128xi32, #tpu.memory_space<vmem>>
      %dma_wait3A_313 = arith.constant 0 : i32
      %dma_wait3A_314 = tpu.memref_slice %arg7[%dma_wait3A_313] : memref<640xf32, #tpu.memory_space<vmem_shared>> -> memref<640xf32, #tpu.memory_space<vmem_shared>>
      tpu.wait_indirect_dma semaphore(%run_scoped3A_306 : memref<!tpu.dma_semaphore, #tpu.memory_space<semaphore_mem>>) src(%arg10 : memref<128xf32, #tpu.memory_space<vmem>>) dst(%dma_wait3A_314 : memref<640xf32, #tpu.memory_space<vmem_shared>>)
      tpu.yield
    }) : () -> ()
    %run_scoped3A_294 = arith.constant 1 : i32
    "tpu.region"() ({
      %run_scoped3A_306 = tpu.sem_alloc : memref<!tpu.dma_semaphore, #tpu.memory_space<semaphore_mem>>
      %dma_start3A = arith.constant 0 : i32
      %dma_start3A_307 = tpu.memref_slice %arg9[%run_scoped3A_294, %dma_start3A] : memref<3x128xi32, #tpu.memory_space<vmem>> -> memref<1x128xi32, #tpu.memory_space<vmem>>
      %dma_start3A_308 = tpu.memref_squeeze %dma_start3A_307 : memref<1x128xi32, #tpu.memory_space<vmem>> -> memref<128xi32, #tpu.memory_space<vmem>>
      %dma_start3A_309 = arith.constant 0 : i32
      %dma_start3A_310 = tpu.memref_slice %arg7[%dma_start3A_309] : memref<640xf32, #tpu.memory_space<vmem_shared>> -> memref<640xf32, #tpu.memory_space<vmem_shared>>
      tpu.enqueue_indirect_dma source(%arg10 : memref<128xf32, #tpu.memory_space<vmem>>) target(%dma_start3A_310 : memref<640xf32, #tpu.memory_space<vmem_shared>>) offsets(%dma_start3A_308 : memref<128xi32, #tpu.memory_space<vmem>>) semaphore(%run_scoped3A_306 : memref<!tpu.dma_semaphore, #tpu.memory_space<semaphore_mem>>) {add = true}
      %dma_wait3A = arith.constant 0 : i32
      %dma_wait3A_311 = tpu.memref_slice %arg9[%run_scoped3A_294, %dma_wait3A] : memref<3x128xi32, #tpu.memory_space<vmem>> -> memref<1x128xi32, #tpu.memory_space<vmem>>
      %dma_wait3A_312 = tpu.memref_squeeze %dma_wait3A_311 : memref<1x128xi32, #tpu.memory_space<vmem>> -> memref<128xi32, #tpu.memory_space<vmem>>
      %dma_wait3A_313 = arith.constant 0 : i32
      %dma_wait3A_314 = tpu.memref_slice %arg7[%dma_wait3A_313] : memref<640xf32, #tpu.memory_space<vmem_shared>> -> memref<640xf32, #tpu.memory_space<vmem_shared>>
      tpu.wait_indirect_dma semaphore(%run_scoped3A_306 : memref<!tpu.dma_semaphore, #tpu.memory_space<semaphore_mem>>) src(%arg10 : memref<128xf32, #tpu.memory_space<vmem>>) dst(%dma_wait3A_314 : memref<640xf32, #tpu.memory_space<vmem_shared>>)
      tpu.yield
    }) : () -> ()
    %run_scoped3A_295 = arith.constant 2 : i32
    "tpu.region"() ({
      %run_scoped3A_306 = tpu.sem_alloc : memref<!tpu.dma_semaphore, #tpu.memory_space<semaphore_mem>>
      %dma_start3A = arith.constant 0 : i32
      %dma_start3A_307 = tpu.memref_slice %arg9[%run_scoped3A_295, %dma_start3A] : memref<3x128xi32, #tpu.memory_space<vmem>> -> memref<1x128xi32, #tpu.memory_space<vmem>>
      %dma_start3A_308 = tpu.memref_squeeze %dma_start3A_307 : memref<1x128xi32, #tpu.memory_space<vmem>> -> memref<128xi32, #tpu.memory_space<vmem>>
      %dma_start3A_309 = arith.constant 0 : i32
      %dma_start3A_310 = tpu.memref_slice %arg7[%dma_start3A_309] : memref<640xf32, #tpu.memory_space<vmem_shared>> -> memref<640xf32, #tpu.memory_space<vmem_shared>>
      tpu.enqueue_indirect_dma source(%arg10 : memref<128xf32, #tpu.memory_space<vmem>>) target(%dma_start3A_310 : memref<640xf32, #tpu.memory_space<vmem_shared>>) offsets(%dma_start3A_308 : memref<128xi32, #tpu.memory_space<vmem>>) semaphore(%run_scoped3A_306 : memref<!tpu.dma_semaphore, #tpu.memory_space<semaphore_mem>>) {add = true}
      %dma_wait3A = arith.constant 0 : i32
      %dma_wait3A_311 = tpu.memref_slice %arg9[%run_scoped3A_295, %dma_wait3A] : memref<3x128xi32, #tpu.memory_space<vmem>> -> memref<1x128xi32, #tpu.memory_space<vmem>>
      %dma_wait3A_312 = tpu.memref_squeeze %dma_wait3A_311 : memref<1x128xi32, #tpu.memory_space<vmem>> -> memref<128xi32, #tpu.memory_space<vmem>>
      %dma_wait3A_313 = arith.constant 0 : i32
      %dma_wait3A_314 = tpu.memref_slice %arg7[%dma_wait3A_313] : memref<640xf32, #tpu.memory_space<vmem_shared>> -> memref<640xf32, #tpu.memory_space<vmem_shared>>
      tpu.wait_indirect_dma semaphore(%run_scoped3A_306 : memref<!tpu.dma_semaphore, #tpu.memory_space<semaphore_mem>>) src(%arg10 : memref<128xf32, #tpu.memory_space<vmem>>) dst(%dma_wait3A_314 : memref<640xf32, #tpu.memory_space<vmem_shared>>)
      tpu.yield
    }) : () -> ()
    %barrier3A_296 = arith.constant 0 : index
    tpu.barrier barrier_id(%barrier3A_296)
    %mul3A_297 = arith.constant 640 : i32
    %mul3A_298 = arith.muli %arg1, %mul3A_297 : i32
    "tpu.region"() ({
      %run_scoped3A_306 = tpu.sem_alloc : memref<!tpu.dma_semaphore, #tpu.memory_space<semaphore_mem>>
      %dma_start3A = tpu.memref_slice %arg6[%mul3A_298] : memref<10240xf32, #tpu.memory_space<vmem_shared>> -> memref<640xf32, #tpu.memory_space<vmem_shared>>
      %dma_start3A_307 = tpu.memref_slice %arg6[%mul3A_298] : memref<10240xf32, #tpu.memory_space<vmem_shared>> -> memref<640xf32, #tpu.memory_space<vmem_shared>>
      tpu.enqueue_dma source(%dma_start3A_307 : memref<640xf32, #tpu.memory_space<vmem_shared>>) target(%arg11 : memref<640xf32, #tpu.memory_space<vmem>>) target_semaphore(%run_scoped3A_306 : memref<!tpu.dma_semaphore, #tpu.memory_space<semaphore_mem>>)
      %dma_wait3A = tpu.memref_slice %arg6[%mul3A_298] : memref<10240xf32, #tpu.memory_space<vmem_shared>> -> memref<640xf32, #tpu.memory_space<vmem_shared>>
      %dma_wait3A_308 = tpu.memref_slice %arg6[%mul3A_298] : memref<10240xf32, #tpu.memory_space<vmem_shared>> -> memref<640xf32, #tpu.memory_space<vmem_shared>>
      tpu.wait_dma2 semaphore(%run_scoped3A_306 : memref<!tpu.dma_semaphore, #tpu.memory_space<semaphore_mem>>) src(%dma_wait3A_308 : memref<640xf32, #tpu.memory_space<vmem_shared>>) dst(%arg11 : memref<640xf32, #tpu.memory_space<vmem>>)
      tpu.yield
    }) : () -> ()
    %mul3A_299 = arith.constant 640 : i32
    %mul3A_300 = arith.muli %arg1, %mul3A_299 : i32
    "tpu.region"() ({
      %run_scoped3A_306 = tpu.sem_alloc : memref<!tpu.dma_semaphore, #tpu.memory_space<semaphore_mem>>
      %dma_start3A = tpu.memref_slice %arg4[%arg0, %mul3A_300] : memref<2x10240xf32, #tpu.memory_space<hbm>> -> memref<1x640xf32, #tpu.memory_space<hbm>>
      %dma_start3A_307 = tpu.memref_squeeze %dma_start3A : memref<1x640xf32, #tpu.memory_space<hbm>> -> memref<640xf32, #tpu.memory_space<hbm>>
      %dma_start3A_308 = tpu.memref_slice %arg4[%arg0, %mul3A_300] : memref<2x10240xf32, #tpu.memory_space<hbm>> -> memref<1x640xf32, #tpu.memory_space<hbm>>
      %dma_start3A_309 = tpu.memref_squeeze %dma_start3A_308 : memref<1x640xf32, #tpu.memory_space<hbm>> -> memref<640xf32, #tpu.memory_space<hbm>>
      tpu.enqueue_dma source(%arg11 : memref<640xf32, #tpu.memory_space<vmem>>) target(%dma_start3A_309 : memref<640xf32, #tpu.memory_space<hbm>>) target_semaphore(%run_scoped3A_306 : memref<!tpu.dma_semaphore, #tpu.memory_space<semaphore_mem>>)
      %dma_wait3A = tpu.memref_slice %arg4[%arg0, %mul3A_300] : memref<2x10240xf32, #tpu.memory_space<hbm>> -> memref<1x640xf32, #tpu.memory_space<hbm>>
      %dma_wait3A_310 = tpu.memref_squeeze %dma_wait3A : memref<1x640xf32, #tpu.memory_space<hbm>> -> memref<640xf32, #tpu.memory_space<hbm>>
      %dma_wait3A_311 = tpu.memref_slice %arg4[%arg0, %mul3A_300] : memref<2x10240xf32, #tpu.memory_space<hbm>> -> memref<1x640xf32, #tpu.memory_space<hbm>>
      %dma_wait3A_312 = tpu.memref_squeeze %dma_wait3A_311 : memref<1x640xf32, #tpu.memory_space<hbm>> -> memref<640xf32, #tpu.memory_space<hbm>>
      tpu.wait_dma2 semaphore(%run_scoped3A_306 : memref<!tpu.dma_semaphore, #tpu.memory_space<semaphore_mem>>) src(%arg11 : memref<640xf32, #tpu.memory_space<vmem>>) dst(%dma_wait3A_312 : memref<640xf32, #tpu.memory_space<hbm>>)
      tpu.yield
    }) : () -> ()
    %eq3A_301 = arith.constant 0 : i32
    %eq3A_302 = arith.cmpi eq, %arg1, %eq3A_301 : i32
    %convert_element_type3A_303 = arith.extui %eq3A_302 : i1 to i32
    %cond3A_304 = arith.constant 0 : i32
    %cond3A_305 = arith.cmpi ne, %convert_element_type3A_303, %cond3A_304 : i32
    scf.if %cond3A_305 {
      "tpu.region"() ({
        %run_scoped3A_306 = tpu.sem_alloc : memref<!tpu.dma_semaphore, #tpu.memory_space<semaphore_mem>>
        %dma_start3A = arith.constant 0 : i32
        %dma_start3A_307 = tpu.memref_slice %arg11[%dma_start3A] : memref<640xf32, #tpu.memory_space<vmem>> -> memref<640xf32, #tpu.memory_space<vmem>>
        %dma_start3A_308 = arith.constant 0 : i32
        %dma_start3A_309 = tpu.memref_slice %arg11[%dma_start3A_308] : memref<640xf32, #tpu.memory_space<vmem>> -> memref<640xf32, #tpu.memory_space<vmem>>
        tpu.enqueue_dma source(%arg7 : memref<640xf32, #tpu.memory_space<vmem_shared>>) target(%dma_start3A_309 : memref<640xf32, #tpu.memory_space<vmem>>) target_semaphore(%run_scoped3A_306 : memref<!tpu.dma_semaphore, #tpu.memory_space<semaphore_mem>>)
        %dma_wait3A = arith.constant 0 : i32
        %dma_wait3A_310 = tpu.memref_slice %arg11[%dma_wait3A] : memref<640xf32, #tpu.memory_space<vmem>> -> memref<640xf32, #tpu.memory_space<vmem>>
        %dma_wait3A_311 = arith.constant 0 : i32
        %dma_wait3A_312 = tpu.memref_slice %arg11[%dma_wait3A_311] : memref<640xf32, #tpu.memory_space<vmem>> -> memref<640xf32, #tpu.memory_space<vmem>>
        tpu.wait_dma2 semaphore(%run_scoped3A_306 : memref<!tpu.dma_semaphore, #tpu.memory_space<semaphore_mem>>) src(%arg7 : memref<640xf32, #tpu.memory_space<vmem_shared>>) dst(%dma_wait3A_312 : memref<640xf32, #tpu.memory_space<vmem>>)
        tpu.yield
      }) : () -> ()
      "tpu.region"() ({
        %run_scoped3A_306 = tpu.sem_alloc : memref<!tpu.dma_semaphore, #tpu.memory_space<semaphore_mem>>
        %dma_start3A = arith.constant 0 : i32
        %dma_start3A_307 = tpu.memref_slice %arg11[%dma_start3A] : memref<640xf32, #tpu.memory_space<vmem>> -> memref<640xf32, #tpu.memory_space<vmem>>
        %dma_start3A_308 = arith.constant 0 : i32
        %dma_start3A_309 = tpu.memref_slice %arg5[%arg0, %dma_start3A_308] : memref<2x640xf32, #tpu.memory_space<hbm>> -> memref<1x640xf32, #tpu.memory_space<hbm>>
        %dma_start3A_310 = tpu.memref_squeeze %dma_start3A_309 : memref<1x640xf32, #tpu.memory_space<hbm>> -> memref<640xf32, #tpu.memory_space<hbm>>
        %dma_start3A_311 = arith.constant 0 : i32
        %dma_start3A_312 = tpu.memref_slice %arg5[%arg0, %dma_start3A_311] : memref<2x640xf32, #tpu.memory_space<hbm>> -> memref<1x640xf32, #tpu.memory_space<hbm>>
        %dma_start3A_313 = tpu.memref_squeeze %dma_start3A_312 : memref<1x640xf32, #tpu.memory_space<hbm>> -> memref<640xf32, #tpu.memory_space<hbm>>
        %dma_start3A_314 = arith.constant 0 : i32
        %dma_start3A_315 = tpu.memref_slice %arg11[%dma_start3A_314] : memref<640xf32, #tpu.memory_space<vmem>> -> memref<640xf32, #tpu.memory_space<vmem>>
        tpu.enqueue_dma source(%dma_start3A_315 : memref<640xf32, #tpu.memory_space<vmem>>) target(%dma_start3A_313 : memref<640xf32, #tpu.memory_space<hbm>>) target_semaphore(%run_scoped3A_306 : memref<!tpu.dma_semaphore, #tpu.memory_space<semaphore_mem>>)
        %dma_wait3A = arith.constant 0 : i32
        %dma_wait3A_316 = tpu.memref_slice %arg11[%dma_wait3A] : memref<640xf32, #tpu.memory_space<vmem>> -> memref<640xf32, #tpu.memory_space<vmem>>
        %dma_wait3A_317 = arith.constant 0 : i32
        %dma_wait3A_318 = tpu.memref_slice %arg5[%arg0, %dma_wait3A_317] : memref<2x640xf32, #tpu.memory_space<hbm>> -> memref<1x640xf32, #tpu.memory_space<hbm>>
        %dma_wait3A_319 = tpu.memref_squeeze %dma_wait3A_318 : memref<1x640xf32, #tpu.memory_space<hbm>> -> memref<640xf32, #tpu.memory_space<hbm>>
        %dma_wait3A_320 = arith.constant 0 : i32
        %dma_wait3A_321 = tpu.memref_slice %arg5[%arg0, %dma_wait3A_320] : memref<2x640xf32, #tpu.memory_space<hbm>> -> memref<1x640xf32, #tpu.memory_space<hbm>>
        %dma_wait3A_322 = tpu.memref_squeeze %dma_wait3A_321 : memref<1x640xf32, #tpu.memory_space<hbm>> -> memref<640xf32, #tpu.memory_space<hbm>>
        %dma_wait3A_323 = arith.constant 0 : i32
        %dma_wait3A_324 = tpu.memref_slice %arg11[%dma_wait3A_323] : memref<640xf32, #tpu.memory_space<vmem>> -> memref<640xf32, #tpu.memory_space<vmem>>
        tpu.wait_dma2 semaphore(%run_scoped3A_306 : memref<!tpu.dma_semaphore, #tpu.memory_space<semaphore_mem>>) src(%dma_wait3A_324 : memref<640xf32, #tpu.memory_space<vmem>>) dst(%dma_wait3A_322 : memref<640xf32, #tpu.memory_space<hbm>>)
        tpu.yield
      }) : () -> ()
    } else {
    }
    return
  }
}

module attributes {stable_mosaic.version = 14 : i64} {
  func.func @_tc1_body(%arg0: i32, %arg1: memref<1280x64xf32, #tpu.memory_space<vmem>>, %arg2: memref<1280x1xf32, #tpu.memory_space<vmem>>, %arg3: memref<1280x32xf32, #tpu.memory_space<vmem>>, %arg4: memref<1x32xf32, #tpu.memory_space<vmem>>, %arg5: memref<1x32xf32, #tpu.memory_space<vmem>>, %arg6: memref<128x128xf32, #tpu.memory_space<vmem>>, %arg7: memref<1280x1xf32, #tpu.memory_space<vmem>>, %arg8: memref<1280x128xf32, #tpu.memory_space<vmem>>, %arg9: memref<1280x128xf32, #tpu.memory_space<vmem>>) attributes {dimension_semantics = [#tpu.dimension_semantics<arbitrary>], iteration_bounds = array<i64: 8>, scalar_prefetch = 0 : i64, scratch_operands = 0 : i64, tpu.core_type = #tpu.core_type<tc>, window_params = [{transform_indices = @transform_0, window_bounds = array<i64: 1280, 64>}, {transform_indices = @transform_1, window_bounds = array<i64: 1280, 1>}, {transform_indices = @transform_2, window_bounds = array<i64: 1280, 32>}, {pipeline_mode = #tpu.pipeline_mode<synchronous>, transform_indices = @transform_3, window_bounds = array<i64: 1, 32>}, {pipeline_mode = #tpu.pipeline_mode<synchronous>, transform_indices = @transform_4, window_bounds = array<i64: 1, 32>}, {pipeline_mode = #tpu.pipeline_mode<synchronous>, transform_indices = @transform_5, window_bounds = array<i64: 128, 128>}, {transform_indices = @transform_6, window_bounds = array<i64: 1280, 1>}, {transform_indices = @transform_7, window_bounds = array<i64: 1280, 128>}, {transform_indices = @transform_8, window_bounds = array<i64: 1280, 128>}]} {
    %iota3A = tpu.iota {dimensions = array<i32: 0>} : vector<1280x1xi32>
    %mul3A = arith.constant 1280 : i32
    %mul3A_0 = arith.muli %arg0, %mul3A : i32
    %add3A = vector.broadcast %mul3A_0 : i32 to vector<1280x1xi32>
    %add3A_1 = arith.addi %iota3A, %add3A : vector<1280x1xi32>
    %lt3A = arith.constant 10000 : i32
    %lt3A_2 = vector.broadcast %lt3A : i32 to vector<1280x1xi32>
    %lt3A_3 = arith.cmpi slt, %add3A_1, %lt3A_2 : vector<1280x1xi32>
    %convert_element_type3A = arith.extui %lt3A_3 : vector<1280x1xi1> to vector<1280x1xi32>
    %convert_element_type3A_4 = arith.sitofp %convert_element_type3A : vector<1280x1xi32> to vector<1280x1xf32>
    %get3A = arith.constant 0 : index
    %get3A_5 = arith.constant 0 : index
    %get3A_6 = vector.load %arg2[%get3A, %get3A_5] : memref<1280x1xf32, #tpu.memory_space<vmem>>, vector<1280x1xf32>
    %get3A_7 = arith.constant 0 : index
    %get3A_8 = arith.constant 0 : index
    %get3A_9 = vector.load %arg4[%get3A_7, %get3A_8] : memref<1x32xf32, #tpu.memory_space<vmem>>, vector<1x32xf32>
    %mul3A_10 = vector.broadcast %get3A_6 : vector<1280x1xf32> to vector<1280x32xf32>
    %mul3A_11 = vector.broadcast %get3A_9 : vector<1x32xf32> to vector<1280x32xf32>
    %mul3A_12 = arith.mulf %mul3A_10, %mul3A_11 : vector<1280x32xf32>
    %get3A_13 = arith.constant 0 : index
    %get3A_14 = arith.constant 0 : index
    %get3A_15 = vector.load %arg5[%get3A_13, %get3A_14] : memref<1x32xf32, #tpu.memory_space<vmem>>, vector<1x32xf32>
    %add3A_16 = vector.broadcast %get3A_15 : vector<1x32xf32> to vector<1280x32xf32>
    %add3A_17 = arith.addf %mul3A_12, %add3A_16 : vector<1280x32xf32>
    %cos3A = math.cos %add3A_17 : vector<1280x32xf32>
    %iota3A_18 = tpu.iota {dimensions = array<i32: 0>} : vector<64x128xi32>
    %iota3A_19 = tpu.iota {dimensions = array<i32: 1>} : vector<64x128xi32>
    %eq3A = arith.cmpi eq, %iota3A_19, %iota3A_18 : vector<64x128xi32>
    %convert_element_type3A_20 = arith.extui %eq3A : vector<64x128xi1> to vector<64x128xi32>
    %convert_element_type3A_21 = arith.sitofp %convert_element_type3A_20 : vector<64x128xi32> to vector<64x128xf32>
    %iota3A_22 = tpu.iota {dimensions = array<i32: 0>} : vector<32x128xi32>
    %iota3A_23 = tpu.iota {dimensions = array<i32: 1>} : vector<32x128xi32>
    %add3A_24 = arith.constant 64 : i32
    %add3A_25 = vector.broadcast %add3A_24 : i32 to vector<32x128xi32>
    %add3A_26 = arith.addi %iota3A_22, %add3A_25 : vector<32x128xi32>
    %eq3A_27 = arith.cmpi eq, %iota3A_23, %add3A_26 : vector<32x128xi32>
    %convert_element_type3A_28 = arith.extui %eq3A_27 : vector<32x128xi1> to vector<32x128xi32>
    %convert_element_type3A_29 = arith.sitofp %convert_element_type3A_28 : vector<32x128xi32> to vector<32x128xf32>
    %add3A_30 = arith.constant 96 : i32
    %add3A_31 = vector.broadcast %add3A_30 : i32 to vector<32x128xi32>
    %add3A_32 = arith.addi %iota3A_22, %add3A_31 : vector<32x128xi32>
    %eq3A_33 = arith.cmpi eq, %iota3A_23, %add3A_32 : vector<32x128xi32>
    %convert_element_type3A_34 = arith.extui %eq3A_33 : vector<32x128xi1> to vector<32x128xi32>
    %convert_element_type3A_35 = arith.sitofp %convert_element_type3A_34 : vector<32x128xi32> to vector<32x128xf32>
    %get3A_36 = arith.constant 0 : index
    %get3A_37 = arith.constant 0 : index
    %get3A_38 = vector.load %arg1[%get3A_36, %get3A_37] : memref<1280x64xf32, #tpu.memory_space<vmem>>, vector<1280x64xf32>
    %dot_general3A = arith.constant dense<0.000000e+00> : vector<1280x128xf32>
    %dot_general3A_39 = tpu.matmul %get3A_38, %convert_element_type3A_21, %dot_general3A {dimension_numbers = #tpu.dot_dimension_numbers<[1], [0], [0], [1], [0, 0, 1, 1], [], []>, precision = #tpu.contract_precision<fp32>, transpose_lhs_hint = false} : vector<1280x64xf32>, vector<64x128xf32>, vector<1280x128xf32> -> vector<1280x128xf32>
    %dot_general3A_40 = arith.constant dense<0.000000e+00> : vector<1280x128xf32>
    %dot_general3A_41 = tpu.matmul %cos3A, %convert_element_type3A_29, %dot_general3A_40 {dimension_numbers = #tpu.dot_dimension_numbers<[1], [0], [0], [1], [0, 0, 1, 1], [], []>, precision = #tpu.contract_precision<fp32>, transpose_lhs_hint = false} : vector<1280x32xf32>, vector<32x128xf32>, vector<1280x128xf32> -> vector<1280x128xf32>
    %add3A_42 = arith.addf %dot_general3A_39, %dot_general3A_41 : vector<1280x128xf32>
    %get3A_43 = arith.constant 0 : index
    %get3A_44 = arith.constant 0 : index
    %get3A_45 = vector.load %arg3[%get3A_43, %get3A_44] : memref<1280x32xf32, #tpu.memory_space<vmem>>, vector<1280x32xf32>
    %dot_general3A_46 = arith.constant dense<0.000000e+00> : vector<1280x128xf32>
    %dot_general3A_47 = tpu.matmul %get3A_45, %convert_element_type3A_35, %dot_general3A_46 {dimension_numbers = #tpu.dot_dimension_numbers<[1], [0], [0], [1], [0, 0, 1, 1], [], []>, precision = #tpu.contract_precision<fp32>, transpose_lhs_hint = false} : vector<1280x32xf32>, vector<32x128xf32>, vector<1280x128xf32> -> vector<1280x128xf32>
    %add3A_48 = arith.addf %add3A_42, %dot_general3A_47 : vector<1280x128xf32>
    %mul3A_49 = vector.broadcast %convert_element_type3A_4 : vector<1280x1xf32> to vector<1280x128xf32>
    %mul3A_50 = arith.mulf %add3A_48, %mul3A_49 : vector<1280x128xf32>
    %get3A_51 = arith.constant 0 : index
    %get3A_52 = arith.constant 0 : index
    %get3A_53 = vector.load %arg7[%get3A_51, %get3A_52] : memref<1280x1xf32, #tpu.memory_space<vmem>>, vector<1280x1xf32>
    %gt3A = arith.constant 0.000000e+00 : f32
    %gt3A_54 = vector.broadcast %gt3A : f32 to vector<1280x1xf32>
    %gt3A_55 = arith.cmpf ogt, %get3A_53, %gt3A_54 : vector<1280x1xf32>
    %max3A = arith.constant 9.99999996E-13 : f32
    %max3A_56 = vector.broadcast %max3A : f32 to vector<1280x1xf32>
    %max3A_57 = arith.maximumf %get3A_53, %max3A_56 : vector<1280x1xf32>
    %sqrt3A = math.sqrt %max3A_57 : vector<1280x1xf32>
    %div3A = arith.constant 1.000000e+00 : f32
    %div3A_58 = vector.broadcast %div3A : f32 to vector<1280x1xf32>
    %div3A_59 = arith.divf %div3A_58, %sqrt3A : vector<1280x1xf32>
    %jit3A = arith.constant 0.000000e+00 : f32
    %broadcast_in_dim3A = vector.broadcast %jit3A : f32 to vector<1280x1xf32>
    %select_n3A = arith.select %gt3A_55, %div3A_59, %broadcast_in_dim3A : vector<1280x1xi1>, vector<1280x1xf32>
    %mul3A_60 = vector.broadcast %select_n3A : vector<1280x1xf32> to vector<1280x128xf32>
    %mul3A_61 = arith.mulf %mul3A_60, %mul3A_50 : vector<1280x128xf32>
    %swap3A = arith.constant 0 : index
    %swap3A_62 = arith.constant 0 : index
    %swap3A_63 = vector.load %arg8[%swap3A, %swap3A_62] : memref<1280x128xf32, #tpu.memory_space<vmem>>, vector<1280x128xf32>
    tpu.vector_store %arg8[%swap3A, %swap3A_62], %mul3A_61 {strides = array<i32>} : memref<1280x128xf32, #tpu.memory_space<vmem>>, vector<1280x128xf32>,
    %get3A_64 = arith.constant 0 : index
    %get3A_65 = arith.constant 0 : index
    %get3A_66 = vector.load %arg6[%get3A_64, %get3A_65] : memref<128x128xf32, #tpu.memory_space<vmem>>, vector<128x128xf32>
    %convert_element_type3A_67 = arith.truncf %mul3A_50 : vector<1280x128xf32> to vector<1280x128xbf16>
    %convert_element_type3A_68 = arith.truncf %get3A_66 : vector<128x128xf32> to vector<128x128xbf16>
    %dot_general3A_69 = arith.constant dense<0.000000e+00> : vector<1280x128xf32>
    %dot_general3A_70 = tpu.matmul %convert_element_type3A_67, %convert_element_type3A_68, %dot_general3A_69 {dimension_numbers = #tpu.dot_dimension_numbers<[1], [0], [0], [1], [0, 0, 1, 1], [], []>, transpose_lhs_hint = false} : vector<1280x128xbf16>, vector<128x128xbf16>, vector<1280x128xf32> -> vector<1280x128xf32>
    %swap3A_71 = arith.constant 0 : index
    %swap3A_72 = arith.constant 0 : index
    %swap3A_73 = vector.load %arg9[%swap3A_71, %swap3A_72] : memref<1280x128xf32, #tpu.memory_space<vmem>>, vector<1280x128xf32>
    tpu.vector_store %arg9[%swap3A_71, %swap3A_72], %dot_general3A_70 {strides = array<i32>} : memref<1280x128xf32, #tpu.memory_space<vmem>>, vector<1280x128xf32>,
    return
  }
  func.func @transform_0(%arg0: i32) -> (i32, i32) {
    %c0_i32 = arith.constant 0 : i32
    %c0_i32_0 = arith.constant 0 : i32
    return %arg0, %c0_i32 : i32, i32
  }
  func.func @transform_1(%arg0: i32) -> (i32, i32) {
    %c0_i32 = arith.constant 0 : i32
    %c0_i32_0 = arith.constant 0 : i32
    return %arg0, %c0_i32 : i32, i32
  }
  func.func @transform_2(%arg0: i32) -> (i32, i32) {
    %c0_i32 = arith.constant 0 : i32
    %c0_i32_0 = arith.constant 0 : i32
    return %arg0, %c0_i32 : i32, i32
  }
  func.func @transform_3(%arg0: i32) -> (i32, i32) {
    %c0_i32 = arith.constant 0 : i32
    %c0_i32_0 = arith.constant 0 : i32
    %c0_i32_1 = arith.constant 0 : i32
    return %c0_i32, %c0_i32_0 : i32, i32
  }
  func.func @transform_4(%arg0: i32) -> (i32, i32) {
    %c0_i32 = arith.constant 0 : i32
    %c0_i32_0 = arith.constant 0 : i32
    %c0_i32_1 = arith.constant 0 : i32
    return %c0_i32, %c0_i32_0 : i32, i32
  }
  func.func @transform_5(%arg0: i32) -> (i32, i32) {
    %c0_i32 = arith.constant 0 : i32
    %c0_i32_0 = arith.constant 0 : i32
    %c0_i32_1 = arith.constant 0 : i32
    return %c0_i32, %c0_i32_0 : i32, i32
  }
  func.func @transform_6(%arg0: i32) -> (i32, i32) {
    %c0_i32 = arith.constant 0 : i32
    %c0_i32_0 = arith.constant 0 : i32
    return %arg0, %c0_i32 : i32, i32
  }
  func.func @transform_7(%arg0: i32) -> (i32, i32) {
    %c0_i32 = arith.constant 0 : i32
    %c0_i32_0 = arith.constant 0 : i32
    return %arg0, %c0_i32 : i32, i32
  }
  func.func @transform_8(%arg0: i32) -> (i32, i32) {
    %c0_i32 = arith.constant 0 : i32
    %c0_i32_0 = arith.constant 0 : i32
    return %arg0, %c0_i32 : i32, i32
  }
}

module attributes {stable_mosaic.version = 14 : i64} {
  func.func @_tc2_body(%arg0: i32, %arg1: memref<1x1280x128xf32, #tpu.memory_space<vmem>>, %arg2: memref<1x1280x128xf32, #tpu.memory_space<vmem>>, %arg3: memref<1280x1xf32, #tpu.memory_space<vmem>>, %arg4: memref<1280x128xf32, #tpu.memory_space<vmem>>, %arg5: memref<128x128xf32, #tpu.memory_space<vmem>>, %arg6: memref<1x128xf32, #tpu.memory_space<vmem>>, %arg7: memref<128x128xf32, #tpu.memory_space<vmem>>, %arg8: memref<128x128xf32, #tpu.memory_space<vmem>>, %arg9: memref<128x128xf32, #tpu.memory_space<vmem>>, %arg10: memref<1280x128xf32, #tpu.memory_space<vmem>>, %arg11: memref<1280x128xf32, #tpu.memory_space<vmem>>, %arg12: memref<1280x128xf32, #tpu.memory_space<vmem>>, %arg13: memref<1280x128xf32, #tpu.memory_space<vmem>>) attributes {dimension_semantics = [#tpu.dimension_semantics<arbitrary>], iteration_bounds = array<i64: 8>, scalar_prefetch = 0 : i64, scratch_operands = 0 : i64, tpu.core_type = #tpu.core_type<tc>, window_params = [{transform_indices = @transform_0, window_bounds = array<i64: 1, 1280, 128>}, {transform_indices = @transform_1, window_bounds = array<i64: 1, 1280, 128>}, {transform_indices = @transform_2, window_bounds = array<i64: 1280, 1>}, {transform_indices = @transform_3, window_bounds = array<i64: 1280, 128>}, {pipeline_mode = #tpu.pipeline_mode<synchronous>, transform_indices = @transform_4, window_bounds = array<i64: 128, 128>}, {pipeline_mode = #tpu.pipeline_mode<synchronous>, transform_indices = @transform_5, window_bounds = array<i64: 1, 128>}, {pipeline_mode = #tpu.pipeline_mode<synchronous>, transform_indices = @transform_6, window_bounds = array<i64: 128, 128>}, {pipeline_mode = #tpu.pipeline_mode<synchronous>, transform_indices = @transform_7, window_bounds = array<i64: 128, 128>}, {pipeline_mode = #tpu.pipeline_mode<synchronous>, transform_indices = @transform_8, window_bounds = array<i64: 128, 128>}, {transform_indices = @transform_9, window_bounds = array<i64: 1280, 128>}, {transform_indices = @transform_10, window_bounds = array<i64: 1280, 128>}, {transform_indices = @transform_11, window_bounds = array<i64: 1280, 128>}, {transform_indices = @transform_12, window_bounds = array<i64: 1280, 128>}]} {
    %iota3A = tpu.iota {dimensions = array<i32: 0>} : vector<1280x1xi32>
    %mul3A = arith.constant 1280 : i32
    %mul3A_0 = arith.muli %arg0, %mul3A : i32
    %add3A = vector.broadcast %mul3A_0 : i32 to vector<1280x1xi32>
    %add3A_1 = arith.addi %iota3A, %add3A : vector<1280x1xi32>
    %lt3A = arith.constant 10000 : i32
    %lt3A_2 = vector.broadcast %lt3A : i32 to vector<1280x1xi32>
    %lt3A_3 = arith.cmpi slt, %add3A_1, %lt3A_2 : vector<1280x1xi32>
    %convert_element_type3A = arith.extui %lt3A_3 : vector<1280x1xi1> to vector<1280x1xi32>
    %convert_element_type3A_4 = arith.sitofp %convert_element_type3A : vector<1280x1xi32> to vector<1280x1xf32>
    %get3A = arith.constant 0 : index
    %get3A_5 = arith.constant 0 : index
    %get3A_6 = vector.load %arg3[%get3A, %get3A_5] : memref<1280x1xf32, #tpu.memory_space<vmem>>, vector<1280x1xf32>
    %gt3A = arith.constant 0.000000e+00 : f32
    %gt3A_7 = vector.broadcast %gt3A : f32 to vector<1280x1xf32>
    %gt3A_8 = arith.cmpf ogt, %get3A_6, %gt3A_7 : vector<1280x1xf32>
    %max3A = arith.constant 9.99999996E-13 : f32
    %max3A_9 = vector.broadcast %max3A : f32 to vector<1280x1xf32>
    %max3A_10 = arith.maximumf %get3A_6, %max3A_9 : vector<1280x1xf32>
    %sqrt3A = math.sqrt %max3A_10 : vector<1280x1xf32>
    %div3A = arith.constant 1.000000e+00 : f32
    %div3A_11 = vector.broadcast %div3A : f32 to vector<1280x1xf32>
    %div3A_12 = arith.divf %div3A_11, %sqrt3A : vector<1280x1xf32>
    %jit3A = arith.constant 0.000000e+00 : f32
    %broadcast_in_dim3A = vector.broadcast %jit3A : f32 to vector<1280x1xf32>
    %select_n3A = arith.select %gt3A_8, %div3A_12, %broadcast_in_dim3A : vector<1280x1xi1>, vector<1280x1xf32>
    %get3A_13 = arith.constant 0 : index
    %get3A_14 = arith.constant 0 : index
    %get3A_15 = arith.constant 0 : index
    %get3A_16 = vector.load %arg1[%get3A_13, %get3A_14, %get3A_15] : memref<1x1280x128xf32, #tpu.memory_space<vmem>>, vector<1x1280x128xf32>
    %reshape3A = vector.shape_cast %get3A_16 : vector<1x1280x128xf32> to vector<1280x128xf32>
    %get3A_17 = arith.constant 0 : index
    %get3A_18 = arith.constant 0 : index
    %get3A_19 = arith.constant 0 : index
    %get3A_20 = vector.load %arg2[%get3A_17, %get3A_18, %get3A_19] : memref<1x1280x128xf32, #tpu.memory_space<vmem>>, vector<1x1280x128xf32>
    %reshape3A_21 = vector.shape_cast %get3A_20 : vector<1x1280x128xf32> to vector<1280x128xf32>
    %add3A_22 = arith.addf %reshape3A, %reshape3A_21 : vector<1280x128xf32>
    %mul3A_23 = vector.broadcast %select_n3A : vector<1280x1xf32> to vector<1280x128xf32>
    %mul3A_24 = arith.mulf %mul3A_23, %add3A_22 : vector<1280x128xf32>
    %get3A_25 = arith.constant 0 : index
    %get3A_26 = arith.constant 0 : index
    %get3A_27 = vector.load %arg4[%get3A_25, %get3A_26] : memref<1280x128xf32, #tpu.memory_space<vmem>>, vector<1280x128xf32>
    %get3A_28 = arith.constant 0 : index
    %get3A_29 = arith.constant 0 : index
    %get3A_30 = vector.load %arg5[%get3A_28, %get3A_29] : memref<128x128xf32, #tpu.memory_space<vmem>>, vector<128x128xf32>
    %convert_element_type3A_31 = arith.truncf %mul3A_24 : vector<1280x128xf32> to vector<1280x128xbf16>
    %convert_element_type3A_32 = arith.truncf %get3A_30 : vector<128x128xf32> to vector<128x128xbf16>
    %dot_general3A = arith.constant dense<0.000000e+00> : vector<1280x128xf32>
    %dot_general3A_33 = tpu.matmul %convert_element_type3A_31, %convert_element_type3A_32, %dot_general3A {dimension_numbers = #tpu.dot_dimension_numbers<[1], [0], [0], [1], [0, 0, 1, 1], [], []>, transpose_lhs_hint = false} : vector<1280x128xbf16>, vector<128x128xbf16>, vector<1280x128xf32> -> vector<1280x128xf32>
    %add3A_34 = arith.addf %get3A_27, %dot_general3A_33 : vector<1280x128xf32>
    %get3A_35 = arith.constant 0 : index
    %get3A_36 = arith.constant 0 : index
    %get3A_37 = vector.load %arg6[%get3A_35, %get3A_36] : memref<1x128xf32, #tpu.memory_space<vmem>>, vector<1x128xf32>
    %add3A_38 = vector.broadcast %get3A_37 : vector<1x128xf32> to vector<1280x128xf32>
    %add3A_39 = arith.addf %add3A_34, %add3A_38 : vector<1280x128xf32>
    %mul3A_40 = vector.broadcast %convert_element_type3A_4 : vector<1280x1xf32> to vector<1280x128xf32>
    %mul3A_41 = arith.mulf %add3A_39, %mul3A_40 : vector<1280x128xf32>
    %swap3A = arith.constant 0 : index
    %swap3A_42 = arith.constant 0 : index
    %swap3A_43 = vector.load %arg10[%swap3A, %swap3A_42] : memref<1280x128xf32, #tpu.memory_space<vmem>>, vector<1280x128xf32>
    tpu.vector_store %arg10[%swap3A, %swap3A_42], %mul3A_41 {strides = array<i32>} : memref<1280x128xf32, #tpu.memory_space<vmem>>, vector<1280x128xf32>,
    %get3A_44 = arith.constant 0 : index
    %get3A_45 = arith.constant 0 : index
    %get3A_46 = vector.load %arg7[%get3A_44, %get3A_45] : memref<128x128xf32, #tpu.memory_space<vmem>>, vector<128x128xf32>
    %convert_element_type3A_47 = arith.truncf %mul3A_41 : vector<1280x128xf32> to vector<1280x128xbf16>
    %convert_element_type3A_48 = arith.truncf %get3A_46 : vector<128x128xf32> to vector<128x128xbf16>
    %dot_general3A_49 = arith.constant dense<0.000000e+00> : vector<1280x128xf32>
    %dot_general3A_50 = tpu.matmul %convert_element_type3A_47, %convert_element_type3A_48, %dot_general3A_49 {dimension_numbers = #tpu.dot_dimension_numbers<[1], [0], [0], [1], [0, 0, 1, 1], [], []>, transpose_lhs_hint = false} : vector<1280x128xbf16>, vector<128x128xbf16>, vector<1280x128xf32> -> vector<1280x128xf32>
    %swap3A_51 = arith.constant 0 : index
    %swap3A_52 = arith.constant 0 : index
    %swap3A_53 = vector.load %arg11[%swap3A_51, %swap3A_52] : memref<1280x128xf32, #tpu.memory_space<vmem>>, vector<1280x128xf32>
    tpu.vector_store %arg11[%swap3A_51, %swap3A_52], %dot_general3A_50 {strides = array<i32>} : memref<1280x128xf32, #tpu.memory_space<vmem>>, vector<1280x128xf32>,
    %get3A_54 = arith.constant 0 : index
    %get3A_55 = arith.constant 0 : index
    %get3A_56 = vector.load %arg8[%get3A_54, %get3A_55] : memref<128x128xf32, #tpu.memory_space<vmem>>, vector<128x128xf32>
    %convert_element_type3A_57 = arith.truncf %mul3A_41 : vector<1280x128xf32> to vector<1280x128xbf16>
    %convert_element_type3A_58 = arith.truncf %get3A_56 : vector<128x128xf32> to vector<128x128xbf16>
    %dot_general3A_59 = arith.constant dense<0.000000e+00> : vector<1280x128xf32>
    %dot_general3A_60 = tpu.matmul %convert_element_type3A_57, %convert_element_type3A_58, %dot_general3A_59 {dimension_numbers = #tpu.dot_dimension_numbers<[1], [0], [0], [1], [0, 0, 1, 1], [], []>, transpose_lhs_hint = false} : vector<1280x128xbf16>, vector<128x128xbf16>, vector<1280x128xf32> -> vector<1280x128xf32>
    %swap3A_61 = arith.constant 0 : index
    %swap3A_62 = arith.constant 0 : index
    %swap3A_63 = vector.load %arg12[%swap3A_61, %swap3A_62] : memref<1280x128xf32, #tpu.memory_space<vmem>>, vector<1280x128xf32>
    tpu.vector_store %arg12[%swap3A_61, %swap3A_62], %dot_general3A_60 {strides = array<i32>} : memref<1280x128xf32, #tpu.memory_space<vmem>>, vector<1280x128xf32>,
    %get3A_64 = arith.constant 0 : index
    %get3A_65 = arith.constant 0 : index
    %get3A_66 = vector.load %arg9[%get3A_64, %get3A_65] : memref<128x128xf32, #tpu.memory_space<vmem>>, vector<128x128xf32>
    %convert_element_type3A_67 = arith.truncf %mul3A_41 : vector<1280x128xf32> to vector<1280x128xbf16>
    %convert_element_type3A_68 = arith.truncf %get3A_66 : vector<128x128xf32> to vector<128x128xbf16>
    %dot_general3A_69 = arith.constant dense<0.000000e+00> : vector<1280x128xf32>
    %dot_general3A_70 = tpu.matmul %convert_element_type3A_67, %convert_element_type3A_68, %dot_general3A_69 {dimension_numbers = #tpu.dot_dimension_numbers<[1], [0], [0], [1], [0, 0, 1, 1], [], []>, transpose_lhs_hint = false} : vector<1280x128xbf16>, vector<128x128xbf16>, vector<1280x128xf32> -> vector<1280x128xf32>
    %swap3A_71 = arith.constant 0 : index
    %swap3A_72 = arith.constant 0 : index
    %swap3A_73 = vector.load %arg13[%swap3A_71, %swap3A_72] : memref<1280x128xf32, #tpu.memory_space<vmem>>, vector<1280x128xf32>
    tpu.vector_store %arg13[%swap3A_71, %swap3A_72], %dot_general3A_70 {strides = array<i32>} : memref<1280x128xf32, #tpu.memory_space<vmem>>, vector<1280x128xf32>,
    return
  }
  func.func @transform_0(%arg0: i32) -> (i32, i32, i32) {
    %c0_i32 = arith.constant 0 : i32
    %c0_i32_0 = arith.constant 0 : i32
    %c0_i32_1 = arith.constant 0 : i32
    return %c0_i32, %arg0, %c0_i32_0 : i32, i32, i32
  }
  func.func @transform_1(%arg0: i32) -> (i32, i32, i32) {
    %c1_i32 = arith.constant 1 : i32
    %c0_i32 = arith.constant 0 : i32
    %c0_i32_0 = arith.constant 0 : i32
    return %c1_i32, %arg0, %c0_i32 : i32, i32, i32
  }
  func.func @transform_2(%arg0: i32) -> (i32, i32) {
    %c0_i32 = arith.constant 0 : i32
    %c0_i32_0 = arith.constant 0 : i32
    return %arg0, %c0_i32 : i32, i32
  }
  func.func @transform_3(%arg0: i32) -> (i32, i32) {
    %c0_i32 = arith.constant 0 : i32
    %c0_i32_0 = arith.constant 0 : i32
    return %arg0, %c0_i32 : i32, i32
  }
  func.func @transform_4(%arg0: i32) -> (i32, i32) {
    %c0_i32 = arith.constant 0 : i32
    %c0_i32_0 = arith.constant 0 : i32
    %c0_i32_1 = arith.constant 0 : i32
    return %c0_i32, %c0_i32_0 : i32, i32
  }
  func.func @transform_5(%arg0: i32) -> (i32, i32) {
    %c0_i32 = arith.constant 0 : i32
    %c0_i32_0 = arith.constant 0 : i32
    %c0_i32_1 = arith.constant 0 : i32
    return %c0_i32, %c0_i32_0 : i32, i32
  }
  func.func @transform_6(%arg0: i32) -> (i32, i32) {
    %c0_i32 = arith.constant 0 : i32
    %c0_i32_0 = arith.constant 0 : i32
    %c0_i32_1 = arith.constant 0 : i32
    return %c0_i32, %c0_i32_0 : i32, i32
  }
  func.func @transform_7(%arg0: i32) -> (i32, i32) {
    %c0_i32 = arith.constant 0 : i32
    %c0_i32_0 = arith.constant 0 : i32
    %c0_i32_1 = arith.constant 0 : i32
    return %c0_i32, %c0_i32_0 : i32, i32
  }
  func.func @transform_8(%arg0: i32) -> (i32, i32) {
    %c0_i32 = arith.constant 0 : i32
    %c0_i32_0 = arith.constant 0 : i32
    %c0_i32_1 = arith.constant 0 : i32
    return %c0_i32, %c0_i32_0 : i32, i32
  }
  func.func @transform_9(%arg0: i32) -> (i32, i32) {
    %c0_i32 = arith.constant 0 : i32
    %c0_i32_0 = arith.constant 0 : i32
    return %arg0, %c0_i32 : i32, i32
  }
  func.func @transform_10(%arg0: i32) -> (i32, i32) {
    %c0_i32 = arith.constant 0 : i32
    %c0_i32_0 = arith.constant 0 : i32
    return %arg0, %c0_i32 : i32, i32
  }
  func.func @transform_11(%arg0: i32) -> (i32, i32) {
    %c0_i32 = arith.constant 0 : i32
    %c0_i32_0 = arith.constant 0 : i32
    return %arg0, %c0_i32 : i32, i32
  }
  func.func @transform_12(%arg0: i32) -> (i32, i32) {
    %c0_i32 = arith.constant 0 : i32
    %c0_i32_0 = arith.constant 0 : i32
    return %arg0, %c0_i32 : i32, i32
  }
}

module attributes {stable_mosaic.version = 14 : i64} {
  func.func @_tc3_body(%arg0: i32, %arg1: memref<512x1xf32, #tpu.memory_space<vmem>>, %arg2: memref<1x1280x128xf32, #tpu.memory_space<vmem>>, %arg3: memref<1x1280x128xf32, #tpu.memory_space<vmem>>, %arg4: memref<1280x128xf32, #tpu.memory_space<vmem>>, %arg5: memref<128x128xf32, #tpu.memory_space<vmem>>, %arg6: memref<1x128xf32, #tpu.memory_space<vmem>>, %arg7: memref<128x128xf32, #tpu.memory_space<vmem>>, %arg8: memref<1x128xf32, #tpu.memory_space<vmem>>, %arg9: memref<128x1xf32, #tpu.memory_space<vmem>>, %arg10: memref<1x1xf32, #tpu.memory_space<vmem>>, %arg11: memref<512x1xf32, #tpu.memory_space<vmem>>, %arg12: memref<512x128xf32, #tpu.memory_space<vmem>>, %arg13: memref<512x128xf32, #tpu.memory_space<vmem>>) attributes {dimension_semantics = [#tpu.dimension_semantics<arbitrary>], iteration_bounds = array<i64: 8>, scalar_prefetch = 0 : i64, scratch_operands = 2 : i64, tpu.core_type = #tpu.core_type<tc>, window_params = [{pipeline_mode = #tpu.pipeline_mode<synchronous>, transform_indices = @transform_0, window_bounds = array<i64: 512, 1>}, {transform_indices = @transform_1, window_bounds = array<i64: 1, 1280, 128>}, {transform_indices = @transform_2, window_bounds = array<i64: 1, 1280, 128>}, {transform_indices = @transform_3, window_bounds = array<i64: 1280, 128>}, {pipeline_mode = #tpu.pipeline_mode<synchronous>, transform_indices = @transform_4, window_bounds = array<i64: 128, 128>}, {pipeline_mode = #tpu.pipeline_mode<synchronous>, transform_indices = @transform_5, window_bounds = array<i64: 1, 128>}, {pipeline_mode = #tpu.pipeline_mode<synchronous>, transform_indices = @transform_6, window_bounds = array<i64: 128, 128>}, {pipeline_mode = #tpu.pipeline_mode<synchronous>, transform_indices = @transform_7, window_bounds = array<i64: 1, 128>}, {pipeline_mode = #tpu.pipeline_mode<synchronous>, transform_indices = @transform_8, window_bounds = array<i64: 128, 1>}, {pipeline_mode = #tpu.pipeline_mode<synchronous>, transform_indices = @transform_9, window_bounds = array<i64: 1, 1>}, {pipeline_mode = #tpu.pipeline_mode<synchronous>, transform_indices = @transform_10, window_bounds = array<i64: 512, 1>}]} {
    %eq3A = arith.constant 0 : i32
    %eq3A_0 = arith.cmpi eq, %arg0, %eq3A : i32
    %convert_element_type3A = arith.extui %eq3A_0 : i1 to i32
    %cond3A = arith.constant 0 : i32
    %cond3A_1 = arith.cmpi ne, %convert_element_type3A, %cond3A : i32
    scf.if %cond3A_1 {
      %broadcast_in_dim3A = arith.constant 0.000000e+00 : f32
      %broadcast_in_dim3A_53 = vector.broadcast %broadcast_in_dim3A : f32 to vector<512x128xf32>
      %swap3A_54 = arith.constant 0 : index
      %swap3A_55 = arith.constant 0 : index
      %swap3A_56 = vector.load %arg12[%swap3A_54, %swap3A_55] : memref<512x128xf32, #tpu.memory_space<vmem>>, vector<512x128xf32>
      tpu.vector_store %arg12[%swap3A_54, %swap3A_55], %broadcast_in_dim3A_53 {strides = array<i32>} : memref<512x128xf32, #tpu.memory_space<vmem>>, vector<512x128xf32>,
      %broadcast_in_dim3A_57 = arith.constant 0.000000e+00 : f32
      %broadcast_in_dim3A_58 = vector.broadcast %broadcast_in_dim3A_57 : f32 to vector<512x128xf32>
      %swap3A_59 = arith.constant 0 : index
      %swap3A_60 = arith.constant 0 : index
      %swap3A_61 = vector.load %arg13[%swap3A_59, %swap3A_60] : memref<512x128xf32, #tpu.memory_space<vmem>>, vector<512x128xf32>
      tpu.vector_store %arg13[%swap3A_59, %swap3A_60], %broadcast_in_dim3A_58 {strides = array<i32>} : memref<512x128xf32, #tpu.memory_space<vmem>>, vector<512x128xf32>,
    } else {
    }
    %iota3A = tpu.iota {dimensions = array<i32: 0>} : vector<512x512xi32>
    %iota3A_2 = tpu.iota {dimensions = array<i32: 1>} : vector<512x512xi32>
    %lt3A = arith.cmpi slt, %iota3A_2, %iota3A : vector<512x512xi32>
    %convert_element_type3A_3 = arith.extui %lt3A : vector<512x512xi1> to vector<512x512xi32>
    %convert_element_type3A_4 = arith.sitofp %convert_element_type3A_3 : vector<512x512xi32> to vector<512x512xf32>
    %get3A = arith.constant 0 : index
    %get3A_5 = arith.constant 0 : index
    %get3A_6 = vector.load %arg1[%get3A, %get3A_5] : memref<512x1xf32, #tpu.memory_space<vmem>>, vector<512x1xf32>
    %dot_general3A = arith.constant dense<0.000000e+00> : vector<512x1xf32>
    %dot_general3A_7 = tpu.matmul %convert_element_type3A_4, %get3A_6, %dot_general3A {dimension_numbers = #tpu.dot_dimension_numbers<[1], [0], [0], [1], [0, 0, 1, 1], [], []>, precision = #tpu.contract_precision<fp32>, transpose_lhs_hint = false} : vector<512x512xf32>, vector<512x1xf32>, vector<512x1xf32> -> vector<512x1xf32>
    %convert_element_type3A_8 = arith.fptosi %dot_general3A_7 : vector<512x1xf32> to vector<512x1xi32>
    %min3A = arith.constant 9999 : i32
    %min3A_9 = vector.broadcast %min3A : i32 to vector<512x1xi32>
    %min3A_10 = arith.minsi %convert_element_type3A_8, %min3A_9 : vector<512x1xi32>
    %iota3A_11 = tpu.iota {dimensions = array<i32: 1>} : vector<512x1280xi32>
    %mul3A = arith.constant 1280 : i32
    %mul3A_12 = arith.muli %arg0, %mul3A : i32
    %add3A = vector.broadcast %mul3A_12 : i32 to vector<512x1280xi32>
    %add3A_13 = arith.addi %iota3A_11, %add3A : vector<512x1280xi32>
    %eq3A_14 = vector.broadcast %min3A_10 : vector<512x1xi32> to vector<512x1280xi32>
    %eq3A_15 = arith.cmpi eq, %add3A_13, %eq3A_14 : vector<512x1280xi32>
    %convert_element_type3A_16 = arith.extui %eq3A_15 : vector<512x1280xi1> to vector<512x1280xi32>
    %convert_element_type3A_17 = arith.sitofp %convert_element_type3A_16 : vector<512x1280xi32> to vector<512x1280xf32>
    %get3A_18 = arith.constant 0 : index
    %get3A_19 = arith.constant 0 : index
    %get3A_20 = arith.constant 0 : index
    %get3A_21 = vector.load %arg2[%get3A_18, %get3A_19, %get3A_20] : memref<1x1280x128xf32, #tpu.memory_space<vmem>>, vector<1x1280x128xf32>
    %reshape3A = vector.shape_cast %get3A_21 : vector<1x1280x128xf32> to vector<1280x128xf32>
    %get3A_22 = arith.constant 0 : index
    %get3A_23 = arith.constant 0 : index
    %get3A_24 = arith.constant 0 : index
    %get3A_25 = vector.load %arg3[%get3A_22, %get3A_23, %get3A_24] : memref<1x1280x128xf32, #tpu.memory_space<vmem>>, vector<1x1280x128xf32>
    %reshape3A_26 = vector.shape_cast %get3A_25 : vector<1x1280x128xf32> to vector<1280x128xf32>
    %add3A_27 = arith.addf %reshape3A, %reshape3A_26 : vector<1280x128xf32>
    %get3A_28 = arith.constant 0 : index
    %get3A_29 = arith.constant 0 : index
    %get3A_30 = vector.load %arg12[%get3A_28, %get3A_29] : memref<512x128xf32, #tpu.memory_space<vmem>>, vector<512x128xf32>
    %dot_general3A_31 = arith.constant dense<0.000000e+00> : vector<512x128xf32>
    %dot_general3A_32 = tpu.matmul %convert_element_type3A_17, %add3A_27, %dot_general3A_31 {dimension_numbers = #tpu.dot_dimension_numbers<[1], [0], [0], [1], [0, 0, 1, 1], [], []>, precision = #tpu.contract_precision<fp32>, transpose_lhs_hint = false} : vector<512x1280xf32>, vector<1280x128xf32>, vector<512x128xf32> -> vector<512x128xf32>
    %add3A_33 = arith.addf %get3A_30, %dot_general3A_32 : vector<512x128xf32>
    %swap3A = arith.constant 0 : index
    %swap3A_34 = arith.constant 0 : index
    %swap3A_35 = vector.load %arg12[%swap3A, %swap3A_34] : memref<512x128xf32, #tpu.memory_space<vmem>>, vector<512x128xf32>
    tpu.vector_store %arg12[%swap3A, %swap3A_34], %add3A_33 {strides = array<i32>} : memref<512x128xf32, #tpu.memory_space<vmem>>, vector<512x128xf32>,
    %get3A_36 = arith.constant 0 : index
    %get3A_37 = arith.constant 0 : index
    %get3A_38 = vector.load %arg13[%get3A_36, %get3A_37] : memref<512x128xf32, #tpu.memory_space<vmem>>, vector<512x128xf32>
    %get3A_39 = arith.constant 0 : index
    %get3A_40 = arith.constant 0 : index
    %get3A_41 = vector.load %arg4[%get3A_39, %get3A_40] : memref<1280x128xf32, #tpu.memory_space<vmem>>, vector<1280x128xf32>
    %dot_general3A_42 = arith.constant dense<0.000000e+00> : vector<512x128xf32>
    %dot_general3A_43 = tpu.matmul %convert_element_type3A_17, %get3A_41, %dot_general3A_42 {dimension_numbers = #tpu.dot_dimension_numbers<[1], [0], [0], [1], [0, 0, 1, 1], [], []>, precision = #tpu.contract_precision<fp32>, transpose_lhs_hint = false} : vector<512x1280xf32>, vector<1280x128xf32>, vector<512x128xf32> -> vector<512x128xf32>
    %add3A_44 = arith.addf %get3A_38, %dot_general3A_43 : vector<512x128xf32>
    %swap3A_45 = arith.constant 0 : index
    %swap3A_46 = arith.constant 0 : index
    %swap3A_47 = vector.load %arg13[%swap3A_45, %swap3A_46] : memref<512x128xf32, #tpu.memory_space<vmem>>, vector<512x128xf32>
    tpu.vector_store %arg13[%swap3A_45, %swap3A_46], %add3A_44 {strides = array<i32>} : memref<512x128xf32, #tpu.memory_space<vmem>>, vector<512x128xf32>,
    %eq3A_48 = arith.constant 7 : i32
    %eq3A_49 = arith.cmpi eq, %arg0, %eq3A_48 : i32
    %convert_element_type3A_50 = arith.extui %eq3A_49 : i1 to i32
    %cond3A_51 = arith.constant 0 : i32
    %cond3A_52 = arith.cmpi ne, %convert_element_type3A_50, %cond3A_51 : i32
    scf.if %cond3A_52 {
      %get3A_53 = arith.constant 0 : index
      %get3A_54 = arith.constant 0 : index
      %get3A_55 = vector.load %arg12[%get3A_53, %get3A_54] : memref<512x128xf32, #tpu.memory_space<vmem>>, vector<512x128xf32>
      %get3A_56 = arith.constant 0 : index
      %get3A_57 = arith.constant 0 : index
      %get3A_58 = vector.load %arg13[%get3A_56, %get3A_57] : memref<512x128xf32, #tpu.memory_space<vmem>>, vector<512x128xf32>
      %get3A_59 = arith.constant 0 : index
      %get3A_60 = arith.constant 0 : index
      %get3A_61 = vector.load %arg5[%get3A_59, %get3A_60] : memref<128x128xf32, #tpu.memory_space<vmem>>, vector<128x128xf32>
      %convert_element_type3A_62 = arith.truncf %get3A_58 : vector<512x128xf32> to vector<512x128xbf16>
      %convert_element_type3A_63 = arith.truncf %get3A_61 : vector<128x128xf32> to vector<128x128xbf16>
      %dot_general3A_64 = arith.constant dense<0.000000e+00> : vector<512x128xf32>
      %dot_general3A_65 = tpu.matmul %convert_element_type3A_62, %convert_element_type3A_63, %dot_general3A_64 {dimension_numbers = #tpu.dot_dimension_numbers<[1], [0], [0], [1], [0, 0, 1, 1], [], []>, transpose_lhs_hint = false} : vector<512x128xbf16>, vector<128x128xbf16>, vector<512x128xf32> -> vector<512x128xf32>
      %add3A_66 = arith.addf %get3A_55, %dot_general3A_65 : vector<512x128xf32>
      %get3A_67 = arith.constant 0 : index
      %get3A_68 = arith.constant 0 : index
      %get3A_69 = vector.load %arg6[%get3A_67, %get3A_68] : memref<1x128xf32, #tpu.memory_space<vmem>>, vector<1x128xf32>
      %add3A_70 = vector.broadcast %get3A_69 : vector<1x128xf32> to vector<512x128xf32>
      %add3A_71 = arith.addf %add3A_66, %add3A_70 : vector<512x128xf32>
      %get3A_72 = arith.constant 0 : index
      %get3A_73 = arith.constant 0 : index
      %get3A_74 = vector.load %arg7[%get3A_72, %get3A_73] : memref<128x128xf32, #tpu.memory_space<vmem>>, vector<128x128xf32>
      %convert_element_type3A_75 = arith.truncf %add3A_71 : vector<512x128xf32> to vector<512x128xbf16>
      %convert_element_type3A_76 = arith.truncf %get3A_74 : vector<128x128xf32> to vector<128x128xbf16>
      %dot_general3A_77 = arith.constant dense<0.000000e+00> : vector<512x128xf32>
      %dot_general3A_78 = tpu.matmul %convert_element_type3A_75, %convert_element_type3A_76, %dot_general3A_77 {dimension_numbers = #tpu.dot_dimension_numbers<[1], [0], [0], [1], [0, 0, 1, 1], [], []>, transpose_lhs_hint = false} : vector<512x128xbf16>, vector<128x128xbf16>, vector<512x128xf32> -> vector<512x128xf32>
      %get3A_79 = arith.constant 0 : index
      %get3A_80 = arith.constant 0 : index
      %get3A_81 = vector.load %arg8[%get3A_79, %get3A_80] : memref<1x128xf32, #tpu.memory_space<vmem>>, vector<1x128xf32>
      %add3A_82 = vector.broadcast %get3A_81 : vector<1x128xf32> to vector<512x128xf32>
      %add3A_83 = arith.addf %dot_general3A_78, %add3A_82 : vector<512x128xf32>
      %max3A = arith.constant 0.000000e+00 : f32
      %max3A_84 = vector.broadcast %max3A : f32 to vector<512x128xf32>
      %max3A_85 = arith.maximumf %add3A_83, %max3A_84 : vector<512x128xf32>
      %get3A_86 = arith.constant 0 : index
      %get3A_87 = arith.constant 0 : index
      %get3A_88 = vector.load %arg9[%get3A_86, %get3A_87] : memref<128x1xf32, #tpu.memory_space<vmem>>, vector<128x1xf32>
      %convert_element_type3A_89 = arith.truncf %max3A_85 : vector<512x128xf32> to vector<512x128xbf16>
      %convert_element_type3A_90 = arith.truncf %get3A_88 : vector<128x1xf32> to vector<128x1xbf16>
      %dot_general3A_91 = arith.constant dense<0.000000e+00> : vector<512x1xf32>
      %dot_general3A_92 = tpu.matmul %convert_element_type3A_89, %convert_element_type3A_90, %dot_general3A_91 {dimension_numbers = #tpu.dot_dimension_numbers<[1], [0], [0], [1], [0, 0, 1, 1], [], []>, transpose_lhs_hint = false} : vector<512x128xbf16>, vector<128x1xbf16>, vector<512x1xf32> -> vector<512x1xf32>
      %get3A_93 = arith.constant 0 : index
      %get3A_94 = arith.constant 0 : index
      %get3A_95 = vector.load %arg10[%get3A_93, %get3A_94] : memref<1x1xf32, #tpu.memory_space<vmem>>, vector<1x1xf32>
      %add3A_96 = vector.broadcast %get3A_95 : vector<1x1xf32> to vector<512x1xf32>
      %add3A_97 = arith.addf %dot_general3A_92, %add3A_96 : vector<512x1xf32>
      %swap3A_98 = arith.constant 0 : index
      %swap3A_99 = arith.constant 0 : index
      %swap3A_100 = vector.load %arg11[%swap3A_98, %swap3A_99] : memref<512x1xf32, #tpu.memory_space<vmem>>, vector<512x1xf32>
      tpu.vector_store %arg11[%swap3A_98, %swap3A_99], %add3A_97 {strides = array<i32>} : memref<512x1xf32, #tpu.memory_space<vmem>>, vector<512x1xf32>,
    } else {
    }
    return
  }
  func.func @transform_0(%arg0: i32) -> (i32, i32) {
    %c0_i32 = arith.constant 0 : i32
    %c0_i32_0 = arith.constant 0 : i32
    %c0_i32_1 = arith.constant 0 : i32
    return %c0_i32, %c0_i32_0 : i32, i32
  }
  func.func @transform_1(%arg0: i32) -> (i32, i32, i32) {
    %c0_i32 = arith.constant 0 : i32
    %c0_i32_0 = arith.constant 0 : i32
    %c0_i32_1 = arith.constant 0 : i32
    return %c0_i32, %arg0, %c0_i32_0 : i32, i32, i32
  }
  func.func @transform_2(%arg0: i32) -> (i32, i32, i32) {
    %c1_i32 = arith.constant 1 : i32
    %c0_i32 = arith.constant 0 : i32
    %c0_i32_0 = arith.constant 0 : i32
    return %c1_i32, %arg0, %c0_i32 : i32, i32, i32
  }
  func.func @transform_3(%arg0: i32) -> (i32, i32) {
    %c0_i32 = arith.constant 0 : i32
    %c0_i32_0 = arith.constant 0 : i32
    return %arg0, %c0_i32 : i32, i32
  }
  func.func @transform_4(%arg0: i32) -> (i32, i32) {
    %c0_i32 = arith.constant 0 : i32
    %c0_i32_0 = arith.constant 0 : i32
    %c0_i32_1 = arith.constant 0 : i32
    return %c0_i32, %c0_i32_0 : i32, i32
  }
  func.func @transform_5(%arg0: i32) -> (i32, i32) {
    %c0_i32 = arith.constant 0 : i32
    %c0_i32_0 = arith.constant 0 : i32
    %c0_i32_1 = arith.constant 0 : i32
    return %c0_i32, %c0_i32_0 : i32, i32
  }
  func.func @transform_6(%arg0: i32) -> (i32, i32) {
    %c0_i32 = arith.constant 0 : i32
    %c0_i32_0 = arith.constant 0 : i32
    %c0_i32_1 = arith.constant 0 : i32
    return %c0_i32, %c0_i32_0 : i32, i32
  }
  func.func @transform_7(%arg0: i32) -> (i32, i32) {
    %c0_i32 = arith.constant 0 : i32
    %c0_i32_0 = arith.constant 0 : i32
    %c0_i32_1 = arith.constant 0 : i32
    return %c0_i32, %c0_i32_0 : i32, i32
  }
  func.func @transform_8(%arg0: i32) -> (i32, i32) {
    %c0_i32 = arith.constant 0 : i32
    %c0_i32_0 = arith.constant 0 : i32
    %c0_i32_1 = arith.constant 0 : i32
    return %c0_i32, %c0_i32_0 : i32, i32
  }
  func.func @transform_9(%arg0: i32) -> (i32, i32) {
    %c0_i32 = arith.constant 0 : i32
    %c0_i32_0 = arith.constant 0 : i32
    %c0_i32_1 = arith.constant 0 : i32
    return %c0_i32, %c0_i32_0 : i32, i32
  }
  func.func @transform_10(%arg0: i32) -> (i32, i32) {
    %c0_i32 = arith.constant 0 : i32
    %c0_i32_0 = arith.constant 0 : i32
    %c0_i32_1 = arith.constant 0 : i32
    return %c0_i32, %c0_i32_0 : i32, i32
  }
}

</mosaic_0001>

<sc_bundles>
// kernel: kernel.11.cloned.1.call-start
scs
__scs_entry_jumppad:
0x0: {  	(pc) =	sbr.rel $0x88, $3  }
0x1: {  	(tag) =	ssettag $0x0;
	lr =	simm.s32 $0x1  }
0x2: {  	[smem:$0x3F8E] =	sst lr;
	_ =	strace $0xD0000000  }
0x3: {  	_ = 	snop  }
0x4: {  	_ = 	snop  }
0x5: {  	_ = 	snop  }
0x6: {  	_ = 	snop  }
0x7: {  	_ = 	snop  }
__scs_overlays_trampoline_lowered:
0x8: {  	[smem:$0x3F9D] =	sst s0  }
0x9: {  	[smem:$0x3F9E] =	sst s1  }
0xa: {  	[smem:$0x3F9F] =	sst s2  }
0xb: {  	[smem:$0x3FA0] =	sst s3  }
0xc: {  	[smem:$0x3FA1] =	sst s4  }
0xd: {  	[smem:$0x3FA2] =	sst s5  }
0xe: {  	[smem:$0x3FA3] =	sst s6  }
0xf: {  	[smem:$0x3FA4] =	sst s7  }
0x10: {  	[smem:$0x3FA5] =	sst s8  }
0x11: {  	[smem:$0x3FA6] =	sst s9;
	s0 =	simm.s32 @!p0 $0x0  }
0x12: {  	s1 =	sld [smem:$0x3F8C];
	s0 =	simm.s32 @p0 $0x1  }
0x13: {  	[smem:$0x3FA7] =	sst s0;
	s0 =	simm.s32 @!p1 $0x0  }
0x14: {  	s2 =	sld [smem:$0x3F8B];
	s0 =	simm.s32 @p1 $0x1  }
0x15: {  	[smem:$0x3FA8] =	sst s0;
	s0 =	simm.s32 @!p2 $0x0  }
0x16: {  	s3 =	sld [smem:$0x3FDB];
	s0 =	simm.s32 @p2 $0x1  }
0x17: {  	s4 =	simm.s32 $0x1BF5;
	[smem:$0x3FAA] =	sst s0  }
0x18: {  	s0 =	sld [smem:$0x3F8D];
	_ =	swait.ge [sflag:s4], $0x0  }
0x19: {  	s7 =	sld [smem:$0x3F8E]  }
0x1a: {  	s8 =	sadd.s32 $0xFFFFE003, lr  }
0x1b: {  	s9 =	sadd.s32 $0xFFFFFEF7, lr;
	s5 =	simm.s32 $0xFFFFFFFF;
	p2 =	slt.u32 s8, $0xFFFFF086  }
0x1c: {  	p1 =	slt.u32 s9, $0xF7A;
	s5 =	simm.s32 @!p2 $0x0  }
0x1d: {  	s5 =	simm.s32 @p1 $0x1;
	p0 =	seq.s32 s7, s2  }
0x1e: {  	s7 =	smul.u32 @!p0 $0xF7A, s2;
	p2 =	seq.s32 @!p0 s5, $0x0  }
0x1f: {  	s9 =	smul.u32 $0xF7A, s1;
	s8 =	simm.s32 @!p0 $0x1BF5;
	p2 =	por !p2, p0  }
0x20: {  	[sflag:s8] =	ssyncset.s32 @!p0 $0xFFFFF086;
	s6 =	sadd.s32 @!p0 s3, s7;
	s7 =	simm.s32 @!p0 $0x108  }
0x21: {  	s3 =	sadd.s32 s3, s9;
	s6 =	sadd.s32 @!p0 $0x88, s6;
	s7 =	simm.s32 @p2 $0x1082  }
0x22: {  	[simem:s7], [sflag:s8] =	dma.local @!p0 [hbm:s6], $0xF7A  }
0x23: {  	s9 =	sor.u32 $0xD0000000, s2;
	s6 =	simm.s32 $0x108;
	_ =	swait.ge @!p0 [sflag:s8], $0x0  }
0x24: {  	s3 =	sadd.s32 $0x88, s3;
	s6 =	simm.s32 @!p1 $0x1082;
	[sflag:s4] =	ssyncset.s32 $0xFFFFF086  }
0x25: {  	[simem:s6], [sflag:s4] =	dma.local [hbm:s3], $0xF7A  }
0x26: {  	[smem:$0x3F8E] =	sst s1;
	(tag) =	ssettag s2;
	_ =	strace s9  }
0x27: {  	s1 =	sld [smem:$0x3F9E]  }
0x28: {  	s2 =	sld [smem:$0x3F9F]  }
0x29: {  	s4 =	sld [smem:$0x3FA1]  }
0x2a: {  	p0 =	seq.s32 s5, $0x0;
	s5 =	sld [smem:$0x3FA2]  }
0x2b: {  	s6 =	sld [smem:$0x3FA3]  }
0x2c: {  	s7 =	sld [smem:$0x3FA4]  }
0x2d: {  	s3 =	simm.s32 $0x108;
	s8 =	sld [smem:$0x3FA5]  }
0x2e: {  	s3 =	simm.s32 @!p0 $0x1082;
	s9 =	sld [smem:$0x3FA6]  }
0x2f: {  	lr =	sadd.s32 s0, s3;
	s0 =	sld [smem:$0x3F9D]  }
0x30: {  	s3 =	sld [smem:$0x3FA0]  }
0x31: {  	[smem:$0x3FA9] =	sst s10  }
0x32: {  	s10 =	sld [smem:$0x3FA7];
	_ =	sdelay $0x3  }
0x33: {  	p0 =	seq.s32 s10, $0x1;
	s10 =	sld [smem:$0x3FA9];
	_ =	sdelay $0x3  }
0x34: {  	[smem:$0x3FA9] =	sst s10  }
0x35: {  	s10 =	sld [smem:$0x3FA8];
	_ =	sdelay $0x3  }
0x36: {  	p1 =	seq.s32 s10, $0x1;
	s10 =	sld [smem:$0x3FA9];
	_ =	sdelay $0x3  }
0x37: {  	[smem:$0x3FA9] =	sst s10  }
0x38: {  	s10 =	sld [smem:$0x3FAA]  }
0x39: {  	_ = 	snop;
	(pc) =	sbr.ind lr, $3  }
0x3a: {  	_ = 	snop  }
0x3b: {  	_ = 	snop  }
0x3c: {  	p2 =	seq.s32 s10, $0x1;
	s10 =	sld [smem:$0x3FA9]  }
0x3d: {  	_ =	shalt  }
0x3e: {  	_ =	shalt  }
0x3f: {  	_ =	shalt  }
0x40: {  	_ =	shalt  }
0x41: {  	_ =	shalt  }
0x42: {  	_ =	shalt  }
0x43: {  	_ =	shalt  }
0x44: {  	_ =	shalt  }
0x45: {  	_ =	shalt  }
0x46: {  	_ =	shalt  }
0x47: {  	_ =	shalt  }
0x48: {  	_ =	shalt  }
0x49: {  	_ =	shalt  }
0x4a: {  	_ =	shalt  }
0x4b: {  	_ =	shalt  }
0x4c: {  	_ =	shalt  }
0x4d: {  	_ =	shalt  }
0x4e: {  	_ =	shalt  }
0x4f: {  	_ =	shalt  }
0x50: {  	_ =	shalt  }
0x51: {  	_ =	shalt  }
0x52: {  	_ =	shalt  }
0x53: {  	_ =	shalt  }
0x54: {  	_ =	shalt  }
0x55: {  	_ =	shalt  }
0x56: {  	_ =	shalt  }
0x57: {  	_ =	shalt  }
0x58: {  	_ =	shalt  }
0x59: {  	_ =	shalt  }
0x5a: {  	_ =	shalt  }
0x5b: {  	_ =	shalt  }
0x5c: {  	_ =	shalt  }
0x5d: {  	_ =	shalt  }
0x5e: {  	_ =	shalt  }
0x5f: {  	_ =	shalt  }
0x60: {  	_ =	shalt  }
0x61: {  	_ =	shalt  }
0x62: {  	_ =	shalt  }
0x63: {  	_ =	shalt  }
0x64: {  	_ =	shalt  }
0x65: {  	_ =	shalt  }
0x66: {  	_ =	shalt  }
0x67: {  	_ =	shalt  }
0x68: {  	_ =	shalt  }
0x69: {  	_ =	shalt  }
0x6a: {  	_ =	shalt  }
0x6b: {  	_ =	shalt  }
0x6c: {  	_ =	shalt  }
0x6d: {  	_ =	shalt  }
0x6e: {  	_ =	shalt  }
0x6f: {  	_ =	shalt  }
0x70: {  	_ =	shalt  }
0x71: {  	_ =	shalt  }
0x72: {  	_ =	shalt  }
0x73: {  	_ =	shalt  }
0x74: {  	_ =	shalt  }
0x75: {  	_ =	shalt  }
0x76: {  	_ =	shalt  }
0x77: {  	_ =	shalt  }
0x78: {  	_ =	shalt  }
0x79: {  	_ =	shalt  }
0x7a: {  	_ =	shalt  }
0x7b: {  	_ =	shalt  }
0x7c: {  	_ =	shalt  }
0x7d: {  	_ =	shalt  }
0x7e: {  	_ =	shalt  }
0x7f: {  	_ =	shalt  }
0x80: {  	_ =	shalt  }
0x81: {  	_ =	shalt  }
0x82: {  	_ =	shalt  }
0x83: {  	_ =	shalt  }
0x84: {  	_ =	shalt  }
0x85: {  	_ =	shalt  }
0x86: {  	_ =	shalt  }
0x87: {  	_ =	shalt  }
.Lfunc_end0:
.L_simem_size_0:
called_computation.1_lowered:
.L_overlay_start_0:
0x88: {  	s2 =	sld [smem:$0x3FD9]  }
0x89: {  	s3 =	sld [smem:$0x3FFE];
	_ =	sdelay $0x1  }
0x8a: {  	s1 =	srdreg.scid  }
0x8b: {  	s0 =	sand.u32 $0x1, s1  }
0x8c: {  	s16 =	sshll.u32 s0, $0xA;
	s2 =	sadd.s32 s3, s2  }
0x8d: {  	s2 =	sadd.s32 s2, s16  }
0x8e: {  	[smem:$0x3FB5] =	sst s2  }
0x8f: {  	_ = 	snop  }
0x90: {  	(tm) =	ssettm $0x1  }
0x91: {  	s17 =	sld [smem:$0x3FFB];
	_ =	sdelay $0x3  }
0x92: {  	_ =	strace s17  }
0x93: {  	s2 =	sld [smem:$0x3FFC];
	_ =	sdelay $0x3  }
0x94: {  	_ =	strace s2  }
0x95: {  	s2 =	sld [smem:$0x3FFD];
	_ =	sdelay $0x3  }
0x96: {  	_ =	strace s2  }
0x97: {  	_ =	strace $0x8FFFFFFF  }
0x98: {  	s18 =	sld [smem:$0x3FDB];
	_ =	sdelay $0x1  }
0x99: {  	s19 =	simm.s32 $_scs_section_size  }
0x9a: {  	s4 =	simm.s32 $_size__tile_overlayer_lowered;
	s5 =	simm.s32 $_tile_overlayer_lowered  }
0x9b: {  	s22 =	simm.s32 $0x1BFF;
	s21 =	sshll.u32 s5, $0x1;
	s2 =	sadd.s32 s19, s18  }
0x9c: {  	s6 =	simm.s32 $0x0;
	s20 =	sshll.u32 s4, $0x1;
	s4 =	sadd.s32 s21, s2  }
0x9d: {  	[timem:s6], [sflag:s22] =	dma.local [hbm:s4], s20  }
0x9e: {  	_ =	swait.ge [sflag:s22], s20  }
0x9f: {  	s3 =	ssub.s32 $0x0, s20;
	[sflag:s22] =	ssyncset.done $0x0  }
0xa0: {  	[sflag:s22] =	ssyncadd.s32 s3;
	_ =	sdelay $0x1  }
0xa1: {  	s23 =	simm.s32 $0x1B8B  }
0xa2: {  	_ =	swait.ge [sflag:s23], $0x1  }
0xa3: {  	[sflag:s23] =	ssyncset.done $0x0  }
0xa4: {  	s25 =	simm.s32 $0x1B8E;
	s24 =	sld [smem:$0x3FFE];
	[sflag:s23] =	ssyncadd.s32 $0xFFFFFFFF  }
0xa5: {  	s26 =	simm.s32 $execute0_lowered;
	[smem:$0x3FD2] =	sst s25  }
0xa6: {  	s4 =	sshll.u32 s26, $0x1;
	_ =	strace $0x80000049;
	[dreg:$0x1] =	wrdreg $0xFFFFFFFF  }
0xa7: {  	s28 =	simm.s32 $_size_execute0_lowered;
	s2 =	sadd.s32 s2, s4;
	[dreg:$0x0] =	wrdreg $0x0  }
0xa8: {  	s4 =	sshll.u32 s28, $0x1;
	[dreg:$0x2] =	wrdreg s2  }
0xa9: {  	[dreg:$0x3] =	wrdreg s4  }
0xaa: {  	[dreg:$0x4] =	wrdreg $0xC0  }
0xab: {  	_ =	task [dreg:s6], $0x5FFFF  }
0xac: {  	[dreg:$0x1] =	wrdreg $0xFFFFFFFF  }
0xad: {  	[dreg:$0x0] =	wrdreg $0x60  }
0xae: {  	[dreg:$0x2] =	wrdreg s24  }
0xaf: {  	[dreg:$0x3] =	wrdreg $0x0  }
0xb0: {  	[dreg:$0x4] =	wrdreg $0x9  }
0xb1: {  	_ =	task.clear_ibuf [dreg:s6], $0x5FFFF;
	_ =	strace $0x90000049  }
0xb2: {  	s29 =	simm.s32 $0x9;
	_ =	strace $0x8000004B  }
0xb3: {  	_ =	swait.ge [sflag:s29], $0x1  }
0xb4: {  	[sflag:s29] =	ssyncadd.s32 $0xFFFFFFFF  }
0xb5: {  	_ =	strace $0x9000004B  }
0xb6: {  	_ =	sfence  }
0xb7: {  	s30 =	sld [smem:$0x0];
	_ =	sdelay $0x2  }
0xb8: {  	s31 =	sshll.u32 s1, $0xD;
	s1 =	sshrl.u32 s1, $0x2  }
0xb9: {  	s3 =	sand.u32 $0x4000, s31;
	s1 =	sadd.s32 s1, s30  }
0xba: {  	s0 =	sor.u32 s3, s0;
	s1 =	sshll.u32 s1, $0x11  }
0xbb: {  	s0 =	sor.u32 s1, s0  }
0xbc: {  	s0 =	sadd.s32 $0x8F2B, s0  }
0xbd: {  	[sflag:s0] =	ssyncadd.remote.s32 $0x1  }
0xbe: {  	_ =	sfence.sel $0xFFFF  }
0xbf: {  	[dreg:$0x0] =	wrdreg $0xFFFFFFFF;
	(pc) =	sbr.abs _section_cstart, $3  }
0xc0: {  	[dreg:$0x1] =	wrdreg $0xFFFFFFFF  }
0xc1: {  	_ =	task.clear_ibuf [dreg:s6], $0x2FFFF;
	_ =	strace $0x9FFFFFFF  }
0xc2: {  	(tm) =	ssettm $0x7FFFFFFF  }
0xc3: {  	_ =	shalt  }
tec
execute0_lowered:
.L_overlay_start_1:
0x0: {  	(tag) =	ssettag $0x1  }
0x1: {  	s7 =	rddreg [dreg:$0x0]  }
0x2: {  	s1 =	rddreg [dreg:$0x1]  }
0x3: {  	s2 =	simm.s32 $0x0;
	s6 =	srdreg.scid;
	s3 =	stileid.u32  }
0x4: {  	s23 =	simm.s32 $0x80;
	s24 =	simm.s32 $0x0;
	s8 =	smul.u32 $0x50000, s3  }
0x5: {  	[smem:$0x7FF] =	sst s2;
	s4 =	sadd.s32 $0x19600, s7;
	s12 =	smul.u32 $0x14000, s3  }
0x6: {  	s5 =	sadd.s32 $0x4A00, s7;
	s10 =	sand.u32 $0x1, s6;
	s21 =	smul.u32 $0x2800, s3  }
0x7: {  	s6 =	sadd.s32 $0xEA00, s7;
	s17 =	sadd.s32 $0x91600, s7;
	s14 =	smul.u32 $0x28000, s10  }
0x8: {  	_ =	strace $0x8000004A;
	s9 =	ssub.s32 $0x2, s10;
	s19 =	smul.u32 $0x140000, s10  }
0x9: {  	s29 =	sshrl.u32 s9, $0x1;
	s8 =	sshrl.u32 s8, $0x2;
	s13 =	sadd.s32 $0x4000, s12  }
0xa: {  	s15 =	sadd.s32 $0x8000, s12;
	s16 =	sadd.s32 $0xC000, s12;
	s20 =	sadd.s32 $0x10000, s12  }
0xb: {  	s18 =	ssub.s32 s9, s29;
	s7 =	sadd.s32 s8, s1;
	s8 =	sadd.s32 s13, s1  }
0xc: {  	s9 =	sadd.s32 s15, s1;
	s10 =	sadd.s32 s16, s1;
	s11 =	sadd.s32 s20, s1  }
0xd: {  	s22 =	sadd.s32 s12, s19;
	s13 =	sadd.s32 s19, s13;
	s12 =	sadd.s32 s21, s14  }
0xe: {  	s15 =	sadd.s32 s19, s15;
	s16 =	sadd.s32 s19, s16;
	s19 =	sadd.s32 s19, s20  }
0xf: {  	s20 =	simm.s32 $0x1;
	s21 =	simm.s32 $0x14000;
	s30 =	sshrl.u32 s22, $0x3  }
0x10: {  	s31 =	sshrl.u32 s13, $0x3;
	s15 =	sshrl.u32 s15, $0x3;
	s16 =	sshrl.u32 s16, $0x3  }
0x11: {  	s19 =	sshrl.u32 s19, $0x3;
	s18 =	smax.u32 s18, $0x1;
	s22 =	simm.s32 $0x14800  }
0x12: {  	s13 =	sadd.s32 s17, s30;
	s14 =	sadd.s32 s17, s31;
	s15 =	sadd.s32 s17, s15  }
0x13: {  	v0 =	vimm.f32 $0.0e+00;
	s16 =	sadd.s32 s17, s16;
	s17 =	sadd.s32 s17, s19;
	s19 =	simm.s32 $0x15000  }
.LBB2_1:
0x14: {  	s25 =	simm.s32 $0x0;
	s26 =	simm.s32 $0x200  }
.LBB2_2:
0x15: {  	p0 =	sne.s32 s26, $0xFE00;
	[tilespmem:s25+$0x15070] =	vst v0  }
0x16: {  	[tilespmem:s25+$0x15000] =	vst v0  }
0x17: {  	[tilespmem:s25+$0x15010] =	vst v0  }
.Ltmp0:
0x18: {  	[tilespmem:s25+$0x15020] =	vst v0;
	(pc) =	sbr.rel @p0 .LBB2_2-.Ltmp0, $4  }
0x19: {  	[tilespmem:s25+$0x15030] =	vst v0  }
0x1a: {  	[tilespmem:s25+$0x15040] =	vst v0  }
0x1b: {  	[tilespmem:s25+$0x15050] =	vst v0  }
0x1c: {  	[tilespmem:s25+$0x15060] =	vst v0;
	s25 =	sshra.s32 s26, $0x2;
	s26 =	sadd.s32 $0x200, s26  }
0x1d: {  	[tilespmem:s25+$0x15070] =	vst v0  }
0x1e: {  	[tilespmem:s25+$0x15000] =	vst v0  }
0x1f: {  	[tilespmem:s25+$0x15010] =	vst v0  }
0x20: {  	[tilespmem:s25+$0x15020] =	vst v0  }
0x21: {  	[tilespmem:s25+$0x15030] =	vst v0  }
0x22: {  	[tilespmem:s25+$0x15040] =	vst v0  }
0x23: {  	[tilespmem:s25+$0x15050] =	vst v0  }
0x24: {  	[tilespmem:s25+$0x15060] =	vst v0  }
0x25: {  	[spmem:s7] =	stream.linear.scatter [tilespmem:s19], [sflag:$0x1], $0x4000, $0x38;
	[tilespmem:$0x19000] =	vst v63  }
0x26: {  	_ =	swait.ge [sflag:s20], $0x4000  }
0x27: {  	[sflag:s20] =	ssyncset.done $0x0  }
0x28: {  	[sflag:s20] =	ssyncadd.s32 $0xFFFFC000  }
0x29: {  	[spmem:s8] =	stream.linear.scatter [tilespmem:s19], [sflag:$0x1], $0x4000, $0x38;
	[tilespmem:$0x19000] =	vst v63  }
0x2a: {  	_ =	swait.ge [sflag:s20], $0x4000  }
0x2b: {  	[sflag:s20] =	ssyncset.done $0x0  }
0x2c: {  	[sflag:s20] =	ssyncadd.s32 $0xFFFFC000  }
0x2d: {  	[spmem:s9] =	stream.linear.scatter [tilespmem:s19], [sflag:$0x1], $0x4000, $0x38;
	[tilespmem:$0x19000] =	vst v63  }
0x2e: {  	_ =	swait.ge [sflag:s20], $0x4000  }
0x2f: {  	[sflag:s20] =	ssyncset.done $0x0  }
0x30: {  	[sflag:s20] =	ssyncadd.s32 $0xFFFFC000  }
0x31: {  	[spmem:s10] =	stream.linear.scatter [tilespmem:s19], [sflag:$0x1], $0x4000, $0x38;
	[tilespmem:$0x19000] =	vst v63  }
0x32: {  	_ =	swait.ge [sflag:s20], $0x4000  }
0x33: {  	[sflag:s20] =	ssyncset.done $0x0  }
0x34: {  	[sflag:s20] =	ssyncadd.s32 $0xFFFFC000  }
0x35: {  	[spmem:s11] =	stream.linear.scatter [tilespmem:s19], [sflag:$0x1], $0x4000, $0x38;
	[tilespmem:$0x19000] =	vst v63  }
0x36: {  	_ =	swait.ge [sflag:s20], $0x4000  }
0x37: {  	[sflag:s20] =	ssyncset.done $0x0  }
0x38: {  	[sflag:s20] =	ssyncadd.s32 $0xFFFFC000  }
0x39: {  	s25 =	simm.s32 $0x0;
	s26 =	simm.s32 $0x0;
	[bflag:$0x0] =	sbarrier.arrive $0xFFFF  }
.LBB2_4:
0x3a: {  	s28 =	sshll.u32 s26, $0xB  }
0x3b: {  	s28 =	sadd.s32 s28, s12  }
0x3c: {  	s28 =	sshrl.u32 s28, $0x3  }
0x3d: {  	s29 =	sadd.s32 s5, s28  }
0x3e: {  	[tilespmem:s21], [sflag:$0x1] =	stream.linear.gather [hbm4b:s29+s25], $0x800, $0x38;
	[tilespmem:$0x19000] =	vst v63  }
0x3f: {  	_ =	swait.ge [sflag:s20], $0x800  }
0x40: {  	[sflag:s20] =	ssyncset.done $0x0  }
0x41: {  	s28 =	sadd.s32 s6, s28;
	[sflag:s20] =	ssyncadd.s32 $0xFFFFF800  }
0x42: {  	[tilespmem:s22], [sflag:$0x1] =	stream.linear.gather [hbm4b:s28+s25], $0x800, $0x38;
	[tilespmem:$0x19000] =	vst v63  }
0x43: {  	_ =	swait.ge [sflag:s20], $0x800  }
0x44: {  	[sflag:s20] =	ssyncset.done $0x0  }
0x45: {  	s28 =	simm.s32 $0x14000;
	[sflag:s20] =	ssyncadd.s32 $0xFFFFF800  }
0x46: {  	[tilespmem:s19], [sflag:$0x1] =	stream.indirect.gather [hbm4b:s4+s23], $0x80, s28, s23, $0xb8;
	[tilespmem:$0x19000] =	vst v63  }
0x47: {  	_ =	swait.ge [sflag:s20], $0x4000  }
0x48: {  	[sflag:s20] =	ssyncset.done $0x0  }
0x49: {  	s28 =	simm.s32 $0x14800;
	[sflag:s20] =	ssyncadd.s32 $0xFFFFC000  }
0x4a: {  	[spmem:s1] =	stream.indirect.scatter.add.f32 [tilespmem:s19], [sflag:$0x1], $0x80, s28, s23, $0xb8;
	[tilespmem:$0x19000] =	vst v63  }
0x4b: {  	_ =	swait.ge [sflag:s20], $0x4000  }
0x4c: {  	s29 =	simm.s32 $0x400;
	s28 =	simm.s32 $0x80;
	[sflag:s20] =	ssyncset.done $0x0  }
.LBB2_5:
0x4d: {  	s30 =	sadd.s32 $0x14000, s28  }
0x4e: {  	[sflag:s20] =	ssyncadd.s32 $0xFFFFC000;
	s31 =	smov.u32 s29;
	s0 =	sadd.s32 $0x200, s29  }
0x4f: {  	[tilespmem:s19], [sflag:$0x1] =	stream.indirect.gather [hbm4b:s4+s23], $0x80, s30, s23, $0xb8;
	[tilespmem:$0x19000] =	vst v63  }
0x50: {  	p0 =	sne.s32 s29, $0x1E00;
	_ =	swait.ge [sflag:s20], $0x4000  }
.Ltmp1:
0x51: {  	[sflag:s20] =	ssyncset.done $0x0;
	(pc) =	sbr.rel @p0 .LBB2_5-.Ltmp1, $4  }
0x52: {  	s28 =	sadd.s32 $0x14800, s28;
	[sflag:s20] =	ssyncadd.s32 $0xFFFFC000  }
0x53: {  	[spmem:s1] =	stream.indirect.scatter.add.f32 [tilespmem:s19], [sflag:$0x1], $0x80, s28, s23, $0xb8;
	[tilespmem:$0x19000] =	vst v63  }
0x54: {  	_ =	swait.ge [sflag:s20], $0x4000  }
0x55: {  	s29 =	smov.u32 s0;
	s28 =	sshra.s32 s31, $0x2;
	[sflag:s20] =	ssyncset.done $0x0  }
0x56: {  	s0 =	sadd.s32 $0x14000, s28;
	[sflag:s20] =	ssyncadd.s32 $0xFFFFC000  }
0x57: {  	[tilespmem:s19], [sflag:$0x1] =	stream.indirect.gather [hbm4b:s4+s23], $0x80, s0, s23, $0xb8;
	[tilespmem:$0x19000] =	vst v63  }
0x58: {  	s26 =	sadd.s32 $0x1, s26;
	_ =	swait.ge [sflag:s20], $0x4000  }
0x59: {  	p0 =	sne.s32 s26, $0x5;
	[sflag:s20] =	ssyncset.done $0x0  }
.Ltmp2:
0x5a: {  	s31 =	sadd.s32 $0x14800, s28;
	[sflag:s20] =	ssyncadd.s32 $0xFFFFC000;
	(pc) =	sbr.rel @p0 .LBB2_4-.Ltmp2, $4  }
0x5b: {  	[spmem:s1] =	stream.indirect.scatter.add.f32 [tilespmem:s19], [sflag:$0x1], $0x80, s31, s23, $0xb8;
	[tilespmem:$0x19000] =	vst v63  }
0x5c: {  	_ =	swait.ge [sflag:s20], $0x4000  }
0x5d: {  	[sflag:s20] =	ssyncset.done $0x0  }
0x5e: {  	[sflag:s20] =	ssyncadd.s32 $0xFFFFC000  }
0x5f: {  	[bflag:$0x0] =	sbarrier.arrive $0xFFFF  }
0x60: {  	[tilespmem:s19], [sflag:$0x1] =	stream.linear.gather [spmem:s7], $0x4000, $0x38;
	[tilespmem:$0x19000] =	vst v63  }
0x61: {  	_ =	swait.ge [sflag:s20], $0x4000  }
0x62: {  	[sflag:s20] =	ssyncset.done $0x0  }
0x63: {  	[sflag:s20] =	ssyncadd.s32 $0xFFFFC000  }
0x64: {  	[hbm4b:s13+s2] =	stream.linear.scatter [tilespmem:s19], [sflag:$0x1], $0x4000, $0x38;
	[tilespmem:$0x19000] =	vst v63  }
0x65: {  	_ =	swait.ge [sflag:s20], $0x4000  }
0x66: {  	[sflag:s20] =	ssyncset.done $0x0  }
0x67: {  	[sflag:s20] =	ssyncadd.s32 $0xFFFFC000  }
0x68: {  	[tilespmem:s19], [sflag:$0x1] =	stream.linear.gather [spmem:s8], $0x4000, $0x38;
	[tilespmem:$0x19000] =	vst v63  }
0x69: {  	_ =	swait.ge [sflag:s20], $0x4000  }
0x6a: {  	[sflag:s20] =	ssyncset.done $0x0  }
0x6b: {  	[sflag:s20] =	ssyncadd.s32 $0xFFFFC000  }
0x6c: {  	[hbm4b:s14+s2] =	stream.linear.scatter [tilespmem:s19], [sflag:$0x1], $0x4000, $0x38;
	[tilespmem:$0x19000] =	vst v63  }
0x6d: {  	_ =	swait.ge [sflag:s20], $0x4000  }
0x6e: {  	[sflag:s20] =	ssyncset.done $0x0  }
0x6f: {  	[sflag:s20] =	ssyncadd.s32 $0xFFFFC000  }
0x70: {  	[tilespmem:s19], [sflag:$0x1] =	stream.linear.gather [spmem:s9], $0x4000, $0x38;
	[tilespmem:$0x19000] =	vst v63  }
0x71: {  	_ =	swait.ge [sflag:s20], $0x4000  }
0x72: {  	[sflag:s20] =	ssyncset.done $0x0  }
0x73: {  	[sflag:s20] =	ssyncadd.s32 $0xFFFFC000  }
0x74: {  	[hbm4b:s15+s2] =	stream.linear.scatter [tilespmem:s19], [sflag:$0x1], $0x4000, $0x38;
	[tilespmem:$0x19000] =	vst v63  }
0x75: {  	_ =	swait.ge [sflag:s20], $0x4000  }
0x76: {  	[sflag:s20] =	ssyncset.done $0x0  }
0x77: {  	[sflag:s20] =	ssyncadd.s32 $0xFFFFC000  }
0x78: {  	[tilespmem:s19], [sflag:$0x1] =	stream.linear.gather [spmem:s10], $0x4000, $0x38;
	[tilespmem:$0x19000] =	vst v63  }
0x79: {  	_ =	swait.ge [sflag:s20], $0x4000  }
0x7a: {  	[sflag:s20] =	ssyncset.done $0x0  }
0x7b: {  	[sflag:s20] =	ssyncadd.s32 $0xFFFFC000  }
0x7c: {  	[hbm4b:s16+s2] =	stream.linear.scatter [tilespmem:s19], [sflag:$0x1], $0x4000, $0x38;
	[tilespmem:$0x19000] =	vst v63  }
0x7d: {  	_ =	swait.ge [sflag:s20], $0x4000  }
0x7e: {  	[sflag:s20] =	ssyncset.done $0x0  }
0x7f: {  	[sflag:s20] =	ssyncadd.s32 $0xFFFFC000  }
0x80: {  	[tilespmem:s19], [sflag:$0x1] =	stream.linear.gather [spmem:s11], $0x4000, $0x38;
	[tilespmem:$0x19000] =	vst v63  }
0x81: {  	s24 =	sadd.s32 $0x1, s24;
	_ =	swait.ge [sflag:s20], $0x4000  }
0x82: {  	p0 =	sne.s32 s24, s18;
	[sflag:s20] =	ssyncset.done $0x0  }
.Ltmp3:
0x83: {  	[sflag:s20] =	ssyncadd.s32 $0xFFFFC000;
	(pc) =	sbr.rel @p0 .LBB2_1-.Ltmp3, $4  }
0x84: {  	[hbm4b:s17+s2] =	stream.linear.scatter [tilespmem:s19], [sflag:$0x1], $0x4000, $0x38;
	[tilespmem:$0x19000] =	vst v63  }
0x85: {  	_ =	swait.ge [sflag:s20], $0x4000  }
0x86: {  	[sflag:s20] =	ssyncset.done $0x0  }
0x87: {  	[sflag:s20] =	ssyncadd.s32 $0xFFFFC000  }
0x88: {  	_ =	sfence.sel $0x180000  }
0x89: {  	[bflag:$0x0] =	sbarrier.arrive $0xFFFF  }
0x8a: {  	_ =	strace $0x9000004A  }
0x8b: {  	[bflag:$0x2] =	sbarrier.arrive $0xFFFF  }
0x8c: {  	p0 =	sne.s32 s3, $0x0;
	s0 =	rddreg [dreg:$0x2]  }
0x8d: {  	s0 =	sadd.s32 @!p0 $0x100000, s0  }
0x8e: {  	[sflag:s0] =	ssyncadd.tile.s32 @!p0 $0x1;
	_ =	shalt  }
.Lfunc_end2:
_tile_overlayer_lowered:
.L_overlay_start_2:
0x8f: {  	(tag) =	ssettag $0x2  }
0x90: {  	s0 =	rddreg [dreg:$0x0];
	s2 =	stileid.u32  }
0x91: {  	s1 =	rddreg [dreg:$0x1];
	p0 =	sne.s32 s2, $0x0  }
0x92: {  	s3 =	rddreg [dreg:$0x2];
	[bflag:$0x3] =	sbarrier.arrive $0xFFFF;
	s2 =	simm.s32 @!p0 $0x1C01  }
0x93: {  	[timem:s3], [sflag:s2] =	dma.local @!p0 [hbm:s0], s1  }
0x94: {  	s0 =	simm.s32 @!p0 $0x1  }
0x95: {  	_ =	swait.ge @!p0 [sflag:s0], s1  }
0x96: {  	s1 =	ssub.s32 @!p0 $0x0, s1;
	[sflag:s0] =	ssyncset.done @!p0 $0x0  }
0x97: {  	[sflag:s0] =	ssyncadd.s32 @!p0 s1  }
0x98: {  	[bflag:$0x3] =	sbarrier.arrive $0xFFFF  }
0x99: {  	_ =	shalt  }

// kernel: kernel.14.cloned.1.call-start
scs
__scs_entry_jumppad:
0x0: {  	(pc) =	sbr.rel $0x88, $3  }
0x1: {  	(tag) =	ssettag $0x0;
	lr =	simm.s32 $0x1  }
0x2: {  	[smem:$0x3F8E] =	sst lr;
	_ =	strace $0xD0000000  }
0x3: {  	_ = 	snop  }
0x4: {  	_ = 	snop  }
0x5: {  	_ = 	snop  }
0x6: {  	_ = 	snop  }
0x7: {  	_ = 	snop  }
__scs_overlays_trampoline_lowered:
0x8: {  	[smem:$0x3F9D] =	sst s0  }
0x9: {  	[smem:$0x3F9E] =	sst s1  }
0xa: {  	[smem:$0x3F9F] =	sst s2  }
0xb: {  	[smem:$0x3FA0] =	sst s3  }
0xc: {  	[smem:$0x3FA1] =	sst s4  }
0xd: {  	[smem:$0x3FA2] =	sst s5  }
0xe: {  	[smem:$0x3FA3] =	sst s6  }
0xf: {  	[smem:$0x3FA4] =	sst s7  }
0x10: {  	[smem:$0x3FA5] =	sst s8  }
0x11: {  	[smem:$0x3FA6] =	sst s9;
	s0 =	simm.s32 @!p0 $0x0  }
0x12: {  	s1 =	sld [smem:$0x3F8C];
	s0 =	simm.s32 @p0 $0x1  }
0x13: {  	[smem:$0x3FA7] =	sst s0;
	s0 =	simm.s32 @!p1 $0x0  }
0x14: {  	s2 =	sld [smem:$0x3F8B];
	s0 =	simm.s32 @p1 $0x1  }
0x15: {  	[smem:$0x3FA8] =	sst s0;
	s0 =	simm.s32 @!p2 $0x0  }
0x16: {  	s3 =	sld [smem:$0x3FDB];
	s0 =	simm.s32 @p2 $0x1  }
0x17: {  	s4 =	simm.s32 $0x1BF5;
	[smem:$0x3FAA] =	sst s0  }
0x18: {  	s0 =	sld [smem:$0x3F8D];
	_ =	swait.ge [sflag:s4], $0x0  }
0x19: {  	s7 =	sld [smem:$0x3F8E]  }
0x1a: {  	s8 =	sadd.s32 $0xFFFFE003, lr  }
0x1b: {  	s9 =	sadd.s32 $0xFFFFFEF7, lr;
	s5 =	simm.s32 $0xFFFFFFFF;
	p2 =	slt.u32 s8, $0xFFFFF086  }
0x1c: {  	p1 =	slt.u32 s9, $0xF7A;
	s5 =	simm.s32 @!p2 $0x0  }
0x1d: {  	s5 =	simm.s32 @p1 $0x1;
	p0 =	seq.s32 s7, s2  }
0x1e: {  	s7 =	smul.u32 @!p0 $0xF7A, s2;
	p2 =	seq.s32 @!p0 s5, $0x0  }
0x1f: {  	s9 =	smul.u32 $0xF7A, s1;
	s8 =	simm.s32 @!p0 $0x1BF5;
	p2 =	por !p2, p0  }
0x20: {  	[sflag:s8] =	ssyncset.s32 @!p0 $0xFFFFF086;
	s6 =	sadd.s32 @!p0 s3, s7;
	s7 =	simm.s32 @!p0 $0x108  }
0x21: {  	s3 =	sadd.s32 s3, s9;
	s6 =	sadd.s32 @!p0 $0x88, s6;
	s7 =	simm.s32 @p2 $0x1082  }
0x22: {  	[simem:s7], [sflag:s8] =	dma.local @!p0 [hbm:s6], $0xF7A  }
0x23: {  	s9 =	sor.u32 $0xD0000000, s2;
	s6 =	simm.s32 $0x108;
	_ =	swait.ge @!p0 [sflag:s8], $0x0  }
0x24: {  	s3 =	sadd.s32 $0x88, s3;
	s6 =	simm.s32 @!p1 $0x1082;
	[sflag:s4] =	ssyncset.s32 $0xFFFFF086  }
0x25: {  	[simem:s6], [sflag:s4] =	dma.local [hbm:s3], $0xF7A  }
0x26: {  	[smem:$0x3F8E] =	sst s1;
	(tag) =	ssettag s2;
	_ =	strace s9  }
0x27: {  	s1 =	sld [smem:$0x3F9E]  }
0x28: {  	s2 =	sld [smem:$0x3F9F]  }
0x29: {  	s4 =	sld [smem:$0x3FA1]  }
0x2a: {  	p0 =	seq.s32 s5, $0x0;
	s5 =	sld [smem:$0x3FA2]  }
0x2b: {  	s6 =	sld [smem:$0x3FA3]  }
0x2c: {  	s7 =	sld [smem:$0x3FA4]  }
0x2d: {  	s3 =	simm.s32 $0x108;
	s8 =	sld [smem:$0x3FA5]  }
0x2e: {  	s3 =	simm.s32 @!p0 $0x1082;
	s9 =	sld [smem:$0x3FA6]  }
0x2f: {  	lr =	sadd.s32 s0, s3;
	s0 =	sld [smem:$0x3F9D]  }
0x30: {  	s3 =	sld [smem:$0x3FA0]  }
0x31: {  	[smem:$0x3FA9] =	sst s10  }
0x32: {  	s10 =	sld [smem:$0x3FA7];
	_ =	sdelay $0x3  }
0x33: {  	p0 =	seq.s32 s10, $0x1;
	s10 =	sld [smem:$0x3FA9];
	_ =	sdelay $0x3  }
0x34: {  	[smem:$0x3FA9] =	sst s10  }
0x35: {  	s10 =	sld [smem:$0x3FA8];
	_ =	sdelay $0x3  }
0x36: {  	p1 =	seq.s32 s10, $0x1;
	s10 =	sld [smem:$0x3FA9];
	_ =	sdelay $0x3  }
0x37: {  	[smem:$0x3FA9] =	sst s10  }
0x38: {  	s10 =	sld [smem:$0x3FAA]  }
0x39: {  	_ = 	snop;
	(pc) =	sbr.ind lr, $3  }
0x3a: {  	_ = 	snop  }
0x3b: {  	_ = 	snop  }
0x3c: {  	p2 =	seq.s32 s10, $0x1;
	s10 =	sld [smem:$0x3FA9]  }
0x3d: {  	_ =	shalt  }
0x3e: {  	_ =	shalt  }
0x3f: {  	_ =	shalt  }
0x40: {  	_ =	shalt  }
0x41: {  	_ =	shalt  }
0x42: {  	_ =	shalt  }
0x43: {  	_ =	shalt  }
0x44: {  	_ =	shalt  }
0x45: {  	_ =	shalt  }
0x46: {  	_ =	shalt  }
0x47: {  	_ =	shalt  }
0x48: {  	_ =	shalt  }
0x49: {  	_ =	shalt  }
0x4a: {  	_ =	shalt  }
0x4b: {  	_ =	shalt  }
0x4c: {  	_ =	shalt  }
0x4d: {  	_ =	shalt  }
0x4e: {  	_ =	shalt  }
0x4f: {  	_ =	shalt  }
0x50: {  	_ =	shalt  }
0x51: {  	_ =	shalt  }
0x52: {  	_ =	shalt  }
0x53: {  	_ =	shalt  }
0x54: {  	_ =	shalt  }
0x55: {  	_ =	shalt  }
0x56: {  	_ =	shalt  }
0x57: {  	_ =	shalt  }
0x58: {  	_ =	shalt  }
0x59: {  	_ =	shalt  }
0x5a: {  	_ =	shalt  }
0x5b: {  	_ =	shalt  }
0x5c: {  	_ =	shalt  }
0x5d: {  	_ =	shalt  }
0x5e: {  	_ =	shalt  }
0x5f: {  	_ =	shalt  }
0x60: {  	_ =	shalt  }
0x61: {  	_ =	shalt  }
0x62: {  	_ =	shalt  }
0x63: {  	_ =	shalt  }
0x64: {  	_ =	shalt  }
0x65: {  	_ =	shalt  }
0x66: {  	_ =	shalt  }
0x67: {  	_ =	shalt  }
0x68: {  	_ =	shalt  }
0x69: {  	_ =	shalt  }
0x6a: {  	_ =	shalt  }
0x6b: {  	_ =	shalt  }
0x6c: {  	_ =	shalt  }
0x6d: {  	_ =	shalt  }
0x6e: {  	_ =	shalt  }
0x6f: {  	_ =	shalt  }
0x70: {  	_ =	shalt  }
0x71: {  	_ =	shalt  }
0x72: {  	_ =	shalt  }
0x73: {  	_ =	shalt  }
0x74: {  	_ =	shalt  }
0x75: {  	_ =	shalt  }
0x76: {  	_ =	shalt  }
0x77: {  	_ =	shalt  }
0x78: {  	_ =	shalt  }
0x79: {  	_ =	shalt  }
0x7a: {  	_ =	shalt  }
0x7b: {  	_ =	shalt  }
0x7c: {  	_ =	shalt  }
0x7d: {  	_ =	shalt  }
0x7e: {  	_ =	shalt  }
0x7f: {  	_ =	shalt  }
0x80: {  	_ =	shalt  }
0x81: {  	_ =	shalt  }
0x82: {  	_ =	shalt  }
0x83: {  	_ =	shalt  }
0x84: {  	_ =	shalt  }
0x85: {  	_ =	shalt  }
0x86: {  	_ =	shalt  }
0x87: {  	_ =	shalt  }
.Lfunc_end0:
.L_simem_size_0:
called_computation.2_lowered:
.L_overlay_start_0:
0x88: {  	s2 =	sld [smem:$0x3FD9]  }
0x89: {  	s3 =	sld [smem:$0x3FFE];
	_ =	sdelay $0x1  }
0x8a: {  	s1 =	srdreg.scid  }
0x8b: {  	s0 =	sand.u32 $0x1, s1  }
0x8c: {  	s16 =	sshll.u32 s0, $0xA;
	s2 =	sadd.s32 s3, s2  }
0x8d: {  	s2 =	sadd.s32 s2, s16  }
0x8e: {  	[smem:$0x3FB5] =	sst s2  }
0x8f: {  	_ = 	snop  }
0x90: {  	(tm) =	ssettm $0x1  }
0x91: {  	s17 =	sld [smem:$0x3FFB];
	_ =	sdelay $0x3  }
0x92: {  	_ =	strace s17  }
0x93: {  	s2 =	sld [smem:$0x3FFC];
	_ =	sdelay $0x3  }
0x94: {  	_ =	strace s2  }
0x95: {  	s2 =	sld [smem:$0x3FFD];
	_ =	sdelay $0x3  }
0x96: {  	_ =	strace s2  }
0x97: {  	_ =	strace $0x8FFFFFFF  }
0x98: {  	s18 =	sld [smem:$0x3FDB];
	_ =	sdelay $0x1  }
0x99: {  	s19 =	simm.s32 $_scs_section_size  }
0x9a: {  	s4 =	simm.s32 $_size__tile_overlayer_lowered;
	s5 =	simm.s32 $_tile_overlayer_lowered  }
0x9b: {  	s22 =	simm.s32 $0x1BFF;
	s21 =	sshll.u32 s5, $0x1;
	s2 =	sadd.s32 s19, s18  }
0x9c: {  	s6 =	simm.s32 $0x0;
	s20 =	sshll.u32 s4, $0x1;
	s4 =	sadd.s32 s21, s2  }
0x9d: {  	[timem:s6], [sflag:s22] =	dma.local [hbm:s4], s20  }
0x9e: {  	_ =	swait.ge [sflag:s22], s20  }
0x9f: {  	s3 =	ssub.s32 $0x0, s20;
	[sflag:s22] =	ssyncset.done $0x0  }
0xa0: {  	[sflag:s22] =	ssyncadd.s32 s3;
	_ =	sdelay $0x1  }
0xa1: {  	s23 =	simm.s32 $0x1B8B  }
0xa2: {  	_ =	swait.ge [sflag:s23], $0x1  }
0xa3: {  	[sflag:s23] =	ssyncset.done $0x0  }
0xa4: {  	s25 =	simm.s32 $0x1B8E;
	s24 =	sld [smem:$0x3FFE];
	[sflag:s23] =	ssyncadd.s32 $0xFFFFFFFF  }
0xa5: {  	s26 =	simm.s32 $execute0_lowered;
	[smem:$0x3FD2] =	sst s25  }
0xa6: {  	s4 =	sshll.u32 s26, $0x1;
	_ =	strace $0x8000004C;
	[dreg:$0x1] =	wrdreg $0xFFFFFFFF  }
0xa7: {  	s28 =	simm.s32 $_size_execute0_lowered;
	s2 =	sadd.s32 s2, s4;
	[dreg:$0x0] =	wrdreg $0x0  }
0xa8: {  	s4 =	sshll.u32 s28, $0x1;
	[dreg:$0x2] =	wrdreg s2  }
0xa9: {  	[dreg:$0x3] =	wrdreg s4  }
0xaa: {  	[dreg:$0x4] =	wrdreg $0xC0  }
0xab: {  	_ =	task [dreg:s6], $0x5FFFF  }
0xac: {  	[dreg:$0x1] =	wrdreg $0xFFFFFFFF  }
0xad: {  	[dreg:$0x0] =	wrdreg $0x60  }
0xae: {  	[dreg:$0x2] =	wrdreg s24  }
0xaf: {  	[dreg:$0x3] =	wrdreg $0x0  }
0xb0: {  	[dreg:$0x4] =	wrdreg $0x9  }
0xb1: {  	_ =	task.clear_ibuf [dreg:s6], $0x5FFFF;
	_ =	strace $0x9000004C  }
0xb2: {  	s29 =	simm.s32 $0x9;
	_ =	strace $0x8000004E  }
0xb3: {  	_ =	swait.ge [sflag:s29], $0x1  }
0xb4: {  	[sflag:s29] =	ssyncadd.s32 $0xFFFFFFFF  }
0xb5: {  	_ =	strace $0x9000004E  }
0xb6: {  	_ =	sfence  }
0xb7: {  	s30 =	sld [smem:$0x0];
	_ =	sdelay $0x2  }
0xb8: {  	s31 =	sshll.u32 s1, $0xD;
	s1 =	sshrl.u32 s1, $0x2  }
0xb9: {  	s3 =	sand.u32 $0x4000, s31;
	s1 =	sadd.s32 s1, s30  }
0xba: {  	s0 =	sor.u32 s3, s0;
	s1 =	sshll.u32 s1, $0x11  }
0xbb: {  	s0 =	sor.u32 s1, s0  }
0xbc: {  	s0 =	sadd.s32 $0x8F2B, s0  }
0xbd: {  	[sflag:s0] =	ssyncadd.remote.s32 $0x1  }
0xbe: {  	_ =	sfence.sel $0xFFFF  }
0xbf: {  	[dreg:$0x0] =	wrdreg $0xFFFFFFFF;
	(pc) =	sbr.abs _section_cstart, $3  }
0xc0: {  	[dreg:$0x1] =	wrdreg $0xFFFFFFFF  }
0xc1: {  	_ =	task.clear_ibuf [dreg:s6], $0x2FFFF;
	_ =	strace $0x9FFFFFFF  }
0xc2: {  	(tm) =	ssettm $0x7FFFFFFF  }
0xc3: {  	_ =	shalt  }
tec
execute0_lowered:
.L_overlay_start_1:
0x0: {  	(tag) =	ssettag $0x1  }
0x1: {  	s4 =	rddreg [dreg:$0x0]  }
0x2: {  	s0 =	srdreg.scid;
	s15 =	stileid.u32  }
0x3: {  	s1 =	rddreg [dreg:$0x1];
	s5 =	smul.u32 $0x14000, s15  }
0x4: {  	s2 =	simm.s32 $0x0;
	s3 =	sand.u32 $0x1, s0;
	s25 =	smul.u32 $0x5000, s15  }
0x5: {  	[smem:$0x7FF] =	sst s2;
	s0 =	ssub.s32 $0x2, s3;
	s10 =	smul.u32 $0x50000, s3  }
0x6: {  	s7 =	sadd.s32 $0x91600, s4;
	s13 =	smul.u32 $0x140000, s3;
	s6 =	sshrl.u32 s0, $0x1  }
0x7: {  	s8 =	sadd.s32 $0x4000, s5;
	s9 =	sadd.s32 $0x6000, s5;
	s11 =	sadd.s32 $0x8000, s5  }
0x8: {  	s12 =	sadd.s32 $0xA000, s5;
	s14 =	sadd.s32 $0xC000, s5;
	s20 =	sadd.s32 $0xE000, s5  }
0x9: {  	s21 =	sadd.s32 $0x10000, s5;
	s22 =	sadd.s32 $0x12000, s5;
	s0 =	ssub.s32 s0, s6  }
0xa: {  	s6 =	sor.u32 $0x2000, s5;
	s5 =	sadd.s32 s5, s13;
	s3 =	sadd.s32 s25, s10  }
0xb: {  	s17 =	sadd.s32 s13, s8;
	s19 =	sadd.s32 s13, s9;
	s24 =	sadd.s32 s13, s11  }
0xc: {  	s28 =	sadd.s32 s20, s1;
	s29 =	sadd.s32 s21, s1;
	s30 =	sadd.s32 s22, s1  }
0xd: {  	s5 =	sshrl.u32 s5, $0x3;
	s26 =	sadd.s32 s13, s6;
	s18 =	sshrl.u32 s17, $0x3  }
0xe: {  	s23 =	sshrl.u32 s19, $0x3;
	s25 =	sshrl.u32 s24, $0x3;
	s17 =	sadd.s32 s13, s14  }
0xf: {  	s19 =	sadd.s32 s13, s20;
	s24 =	sadd.s32 s13, s21;
	s31 =	sadd.s32 s6, s1  }
0x10: {  	s0 =	smax.u32 s0, $0x1;
	s6 =	simm.s32 $0x40;
	s5 =	sadd.s32 s7, s5  }
0x11: {  	s16 =	sshrl.u32 s26, $0x3;
	s26 =	sadd.s32 s13, s12;
	[dreg:$0x3] =	wrdreg s5  }
0x12: {  	s5 =	sadd.s32 s7, s16;
	s16 =	sshrl.u32 s26, $0x3;
	s26 =	sadd.s32 s13, s22  }
0x13: {  	s13 =	smul.u32 $0x50000, s15;
	s15 =	sadd.s32 $0x19600, s4;
	[dreg:$0x4] =	wrdreg s5  }
0x14: {  	s5 =	sadd.s32 s7, s18;
	s18 =	sshrl.u32 s17, $0x3;
	s10 =	sshrl.u32 s26, $0x3  }
0x15: {  	s17 =	sadd.s32 $0x69600, s4;
	s26 =	sadd.s32 s11, s1;
	s11 =	simm.s32 $0x15000  }
0x16: {  	[dreg:$0x5] =	wrdreg s5;
	s5 =	sadd.s32 s7, s23;
	s23 =	sshrl.u32 s19, $0x3  }
0x17: {  	s19 =	sadd.s32 $0xF5600, s4;
	[dreg:$0x6] =	wrdreg s5;
	s5 =	sadd.s32 s7, s25  }
0x18: {  	s25 =	sshrl.u32 s24, $0x3;
	[dreg:$0x7] =	wrdreg s5;
	s5 =	sadd.s32 s7, s16  }
0x19: {  	s24 =	sadd.s32 s8, s1;
	[dreg:$0x8] =	wrdreg s5;
	s5 =	sadd.s32 s7, s18  }
0x1a: {  	s8 =	simm.s32 $0x0;
	[dreg:$0x9] =	wrdreg s5;
	s5 =	sadd.s32 s7, s23  }
0x1b: {  	s16 =	sadd.s32 $0x41600, s4;
	[dreg:$0xa] =	wrdreg s5;
	s5 =	sadd.s32 s7, s25  }
0x1c: {  	s18 =	sadd.s32 $0xE1600, s4;
	[dreg:$0xb] =	wrdreg s5;
	s5 =	sadd.s32 s7, s10  }
0x1d: {  	s4 =	simm.s32 $0x14000;
	s23 =	sshrl.u32 s13, $0x2;
	[dreg:$0xc] =	wrdreg s5  }
0x1e: {  	s25 =	sadd.s32 s9, s1;
	_ =	strace $0x8000004D;
	[dreg:$0xd] =	wrdreg s24  }
0x1f: {  	s13 =	sadd.s32 s23, s1;
	s7 =	simm.s32 $0x17000;
	[dreg:$0xe] =	wrdreg s25  }
0x20: {  	s5 =	simm.s32 $0x14800;
	[dreg:$0xf] =	wrdreg s26;
	s25 =	sadd.s32 s12, s1  }
0x21: {  	v0 =	vimm.f32 $0.0e+00;
	s26 =	sadd.s32 s14, s1;
	[dreg:$0x10] =	wrdreg s0;
	s0 =	simm.s32 $0x1  }
.LBB2_1:
0x22: {  	s9 =	simm.s32 $0x0;
	s10 =	simm.s32 $0x200  }
.LBB2_2:
0x23: {  	p0 =	sne.s32 s10, $0x7E00;
	[tilespmem:s9+$0x15070] =	vst v0  }
0x24: {  	[tilespmem:s9+$0x15000] =	vst v0  }
0x25: {  	[tilespmem:s9+$0x15010] =	vst v0  }
.Ltmp0:
0x26: {  	[tilespmem:s9+$0x15020] =	vst v0;
	(pc) =	sbr.rel @p0 .LBB2_2-.Ltmp0, $4  }
0x27: {  	[tilespmem:s9+$0x15030] =	vst v0  }
0x28: {  	[tilespmem:s9+$0x15040] =	vst v0  }
0x29: {  	[tilespmem:s9+$0x15050] =	vst v0  }
0x2a: {  	[tilespmem:s9+$0x15060] =	vst v0;
	s9 =	sshra.s32 s10, $0x2;
	s10 =	sadd.s32 $0x200, s10  }
0x2b: {  	[tilespmem:s9+$0x15070] =	vst v0  }
0x2c: {  	[tilespmem:s9+$0x15000] =	vst v0  }
0x2d: {  	[tilespmem:s9+$0x15010] =	vst v0  }
0x2e: {  	[tilespmem:s9+$0x15020] =	vst v0  }
0x2f: {  	[tilespmem:s9+$0x15030] =	vst v0  }
0x30: {  	[tilespmem:s9+$0x15040] =	vst v0  }
0x31: {  	[tilespmem:s9+$0x15050] =	vst v0  }
0x32: {  	[tilespmem:s9+$0x15060] =	vst v0  }
0x33: {  	[spmem:s13] =	stream.linear.scatter [tilespmem:s11], [sflag:$0x1], $0x2000, $0x38;
	[tilespmem:$0x19000] =	vst v63  }
0x34: {  	_ =	swait.ge [sflag:s0], $0x2000  }
0x35: {  	[sflag:s0] =	ssyncset.done $0x0  }
0x36: {  	[sflag:s0] =	ssyncadd.s32 $0xFFFFE000  }
0x37: {  	[spmem:s31] =	stream.linear.scatter [tilespmem:s11], [sflag:$0x1], $0x2000, $0x38;
	[tilespmem:$0x19000] =	vst v63  }
0x38: {  	_ =	swait.ge [sflag:s0], $0x2000  }
0x39: {  	[sflag:s0] =	ssyncset.done $0x0  }
0x3a: {  	s21 =	rddreg [dreg:$0xd];
	[sflag:s0] =	ssyncadd.s32 $0xFFFFE000  }
0x3b: {  	[spmem:s21] =	stream.linear.scatter [tilespmem:s11], [sflag:$0x1], $0x2000, $0x38;
	[tilespmem:$0x19000] =	vst v63  }
0x3c: {  	_ =	swait.ge [sflag:s0], $0x2000  }
0x3d: {  	[sflag:s0] =	ssyncset.done $0x0  }
0x3e: {  	s22 =	rddreg [dreg:$0xe];
	[sflag:s0] =	ssyncadd.s32 $0xFFFFE000  }
0x3f: {  	[spmem:s22] =	stream.linear.scatter [tilespmem:s11], [sflag:$0x1], $0x2000, $0x38;
	[tilespmem:$0x19000] =	vst v63  }
0x40: {  	_ =	swait.ge [sflag:s0], $0x2000  }
0x41: {  	[sflag:s0] =	ssyncset.done $0x0  }
0x42: {  	s24 =	smov.u32 s31;
	s31 =	rddreg [dreg:$0xf];
	[sflag:s0] =	ssyncadd.s32 $0xFFFFE000  }
0x43: {  	[spmem:s31] =	stream.linear.scatter [tilespmem:s11], [sflag:$0x1], $0x2000, $0x38;
	[tilespmem:$0x19000] =	vst v63  }
0x44: {  	_ =	swait.ge [sflag:s0], $0x2000  }
0x45: {  	[sflag:s0] =	ssyncset.done $0x0  }
0x46: {  	[sflag:s0] =	ssyncadd.s32 $0xFFFFE000  }
0x47: {  	[spmem:s25] =	stream.linear.scatter [tilespmem:s11], [sflag:$0x1], $0x2000, $0x38;
	[tilespmem:$0x19000] =	vst v63  }
0x48: {  	_ =	swait.ge [sflag:s0], $0x2000  }
0x49: {  	[sflag:s0] =	ssyncset.done $0x0  }
0x4a: {  	[sflag:s0] =	ssyncadd.s32 $0xFFFFE000  }
0x4b: {  	[spmem:s26] =	stream.linear.scatter [tilespmem:s11], [sflag:$0x1], $0x2000, $0x38;
	[tilespmem:$0x19000] =	vst v63  }
0x4c: {  	_ =	swait.ge [sflag:s0], $0x2000  }
0x4d: {  	[sflag:s0] =	ssyncset.done $0x0  }
0x4e: {  	[sflag:s0] =	ssyncadd.s32 $0xFFFFE000  }
0x4f: {  	[spmem:s28] =	stream.linear.scatter [tilespmem:s11], [sflag:$0x1], $0x2000, $0x38;
	[tilespmem:$0x19000] =	vst v63  }
0x50: {  	_ =	swait.ge [sflag:s0], $0x2000  }
0x51: {  	[sflag:s0] =	ssyncset.done $0x0  }
0x52: {  	[sflag:s0] =	ssyncadd.s32 $0xFFFFE000  }
0x53: {  	[spmem:s29] =	stream.linear.scatter [tilespmem:s11], [sflag:$0x1], $0x2000, $0x38;
	[tilespmem:$0x19000] =	vst v63  }
0x54: {  	_ =	swait.ge [sflag:s0], $0x2000  }
0x55: {  	[sflag:s0] =	ssyncset.done $0x0  }
0x56: {  	[sflag:s0] =	ssyncadd.s32 $0xFFFFE000  }
0x57: {  	[spmem:s30] =	stream.linear.scatter [tilespmem:s11], [sflag:$0x1], $0x2000, $0x38;
	[tilespmem:$0x19000] =	vst v63  }
0x58: {  	_ =	swait.ge [sflag:s0], $0x2000  }
0x59: {  	[sflag:s0] =	ssyncset.done $0x0  }
0x5a: {  	s23 =	smov.u32 s13;
	[sflag:s0] =	ssyncadd.s32 $0xFFFFE000  }
0x5b: {  	s9 =	simm.s32 $0x0;
	s10 =	simm.s32 $0x0;
	[bflag:$0x0] =	sbarrier.arrive $0xFFFF  }
.LBB2_4:
0x5c: {  	s12 =	sshll.u32 s10, $0xB  }
0x5d: {  	s12 =	sadd.s32 s12, s3  }
0x5e: {  	s12 =	sshrl.u32 s12, $0x3  }
0x5f: {  	s13 =	sadd.s32 s18, s12  }
0x60: {  	[tilespmem:s4], [sflag:$0x1] =	stream.linear.gather [hbm4b:s13+s9], $0x800, $0x38;
	[tilespmem:$0x19000] =	vst v63  }
0x61: {  	_ =	swait.ge [sflag:s0], $0x800  }
0x62: {  	[sflag:s0] =	ssyncset.done $0x0  }
0x63: {  	s12 =	sadd.s32 s19, s12;
	[sflag:s0] =	ssyncadd.s32 $0xFFFFF800  }
0x64: {  	[tilespmem:s5], [sflag:$0x1] =	stream.linear.gather [hbm4b:s12+s9], $0x800, $0x38;
	[tilespmem:$0x19000] =	vst v63  }
0x65: {  	_ =	swait.ge [sflag:s0], $0x800  }
0x66: {  	[sflag:s0] =	ssyncset.done $0x0  }
0x67: {  	s12 =	simm.s32 $0x0;
	[sflag:s0] =	ssyncadd.s32 $0xFFFFF800  }
.LBB2_5:
0x68: {  	s14 =	sshll.u32 s12, $0x7  }
0x69: {  	s13 =	sadd.s32 $0x14800, s14  }
0x6a: {  	[tilespmem:s11], [sflag:$0x1] =	stream.indirect.gather [hbm4b:s15+s6], $0x80, s13, s6, $0xb8;
	[tilespmem:$0x19000] =	vst v63  }
0x6b: {  	_ =	swait.ge [sflag:s0], $0x2000  }
0x6c: {  	[sflag:s0] =	ssyncset.done $0x0  }
0x6d: {  	s14 =	sadd.s32 $0x14000, s14;
	[sflag:s0] =	ssyncadd.s32 $0xFFFFE000  }
0x6e: {  	[tilespmem:s7], [sflag:$0x1] =	stream.indirect.gather [hbm4b:s16+s6], $0x80, s14, s6, $0xb8;
	[tilespmem:$0x19000] =	vst v63  }
0x6f: {  	_ =	swait.ge [sflag:s0], $0x2000  }
0x70: {  	[sflag:s0] =	ssyncset.done $0x0  }
0x71: {  	s31 =	simm.s32 $0x0;
	[sflag:s0] =	ssyncadd.s32 $0xFFFFE000  }
0x72: {  	v1 =	vld [tilespmem:s31+$0x17020]  }
0x73: {  	v2 =	vld [tilespmem:s31+$0x17030]  }
0x74: {  	v3 =	vld [tilespmem:s31+$0x17050]  }
0x75: {  	v5 =	vld [tilespmem:s31+$0x17070]  }
0x76: {  	v6 =	vld [tilespmem:s31+$0x15050]  }
0x77: {  	v7 =	vld [tilespmem:s31+$0x17040]  }
0x78: {  	v8 =	vld [tilespmem:s31+$0x15070]  }
0x79: {  	v9 =	vld [tilespmem:s31+$0x15040]  }
0x7a: {  	v10 =	vld [tilespmem:s31+$0x15020]  }
0x7b: {  	v4 =	vld [tilespmem:s31+$0x17010]  }
0x7c: {  	v11 =	vld [tilespmem:s31+$0x15030];
	v3 =	vadd.f32 v3, v6  }
0x7d: {  	v59 =	vld [tilespmem:s31+$0x15010];
	v5 =	vadd.f32 v5, v8  }
0x7e: {  	v7 =	vadd.f32 v7, v9;
	v3 =	vsub.f32 $0.0e+00, v3  }
0x7f: {  	v60 =	vld [tilespmem:s31+$0x17000];
	v1 =	vadd.f32 v1, v10;
	v5 =	vsub.f32 $0.0e+00, v5  }
0x80: {  	v61 =	vld [tilespmem:s31+$0x15000];
	v7 =	vsub.f32 $0.0e+00, v7;
	v3 =	vmul.f32 $1.442695020e+00, v3  }
0x81: {  	v62 =	vld [tilespmem:s31+$0x17060];
	v2 =	vadd.f32 v2, v11;
	v1 =	vsub.f32 $0.0e+00, v1;
	v5 =	vmul.f32 $1.442695020e+00, v5  }
0x82: {  	v63 =	vld [tilespmem:s31+$0x15060];
	v4 =	vadd.f32 v4, v59;
	(erf) = vpow2.f32 v3;
	v3 =	vmul.f32 $1.442695020e+00, v7  }
0x83: {  	v2 =	vsub.f32 $0.0e+00, v2;
	v1 =	vmul.f32 $1.442695020e+00, v1;
	(erf) = vpow2.f32 v5  }
0x84: {  	v4 =	vsub.f32 $0.0e+00, v4;
	(erf) = vpow2.f32 v3  }
0x85: {  	v2 =	vmul.f32 $1.442695020e+00, v2;
	(erf) = vpow2.f32 v1;
	v1 =	vadd.f32 v60, v61  }
0x86: {  	v3 =	vmul.f32 $1.442695020e+00, v4  }
0x87: {  	(erf) = vpow2.f32 v2;
	v2 =	vadd.f32 v62, v63;
	v1 =	vsub.f32 $0.0e+00, v1;
	_ =	sdelay $0x1  }
0x88: {  	(erf) = vpow2.f32 v3;
	v2 =	vsub.f32 $0.0e+00, v2;
	v1 =	vmul.f32 $1.442695020e+00, v1;
	_ =	sdelay $0x1  }
0x89: {  	v2 =	vmul.f32 $1.442695020e+00, v2;
	(erf) = vpow2.f32 v1  }
0x8a: {  	v3 =	vpop (erf)  }
0x8b: {  	v1 =	vadd.f32 $1.000000000e+00, v3;
	(erf) = vpow2.f32 v2  }
0x8c: {  	v3 =	vpop (erf)  }
0x8d: {  	v2 =	vadd.f32 $1.000000000e+00, v3;
	v3 =	vpop (erf);
	(erf) = vrcp.f32 v1  }
0x8e: {  	v1 =	vadd.f32 $1.000000000e+00, v3;
	v3 =	vpop (erf)  }
0x8f: {  	(erf) = vrcp.f32 v2;
	v4 =	vpop (erf)  }
0x90: {  	s21 =	simm.s32 $0x200;
	s20 =	simm.s32 $0x400;
	v2 =	vadd.f32 $1.000000000e+00, v3;
	(erf) = vrcp.f32 v1;
	v1 =	vadd.f32 $1.000000000e+00, v4;
	v3 =	vpop (erf)  }
.LBB2_6:
0x91: {  	p0 =	sne.s32 s20, $0x7E00  }
0x92: {  	s22 =	sshra.s32 s21, $0x2;
	v5 =	vadd.f32 $1.000000000e+00, v3;
	v4 =	vpop (erf);
	(erf) = vrcp.f32 v2;
	s21 =	smov.u32 s20;
	s20 =	sadd.s32 $0x200, s20  }
0x93: {  	v2 =	vld [tilespmem:s22+$0x17020];
	v4 =	vadd.f32 $1.000000000e+00, v4;
	(erf) = vrcp.f32 v1  }
0x94: {  	v1 =	vld [tilespmem:s22+$0x17030];
	(erf) = vrcp.f32 v5;
	v3 =	vpop (erf)  }
0x95: {  	v5 =	vld [tilespmem:s22+$0x17050];
	v3 =	vadd.f32 $1.000000000e+00, v3;
	(erf) = vrcp.f32 v4  }
0x96: {  	v4 =	vld [tilespmem:s22+$0x17010];
	v6 =	vpop (erf)  }
0x97: {  	v7 =	vld [tilespmem:s22+$0x17070];
	[tilespmem:s31+$0x15050] =	vst v6;
	(erf) = vrcp.f32 v3  }
0x98: {  	v3 =	vld [tilespmem:s22+$0x15050];
	v6 =	vpop (erf)  }
0x99: {  	v8 =	vld [tilespmem:s22+$0x17040];
	[tilespmem:s31+$0x15070] =	vst v6;
	v6 =	vpop (erf)  }
0x9a: {  	v9 =	vld [tilespmem:s22+$0x15070];
	[tilespmem:s31+$0x15040] =	vst v6  }
0x9b: {  	v6 =	vld [tilespmem:s22+$0x15040];
	v10 =	vpop (erf)  }
0x9c: {  	v11 =	vld [tilespmem:s22+$0x17000];
	[tilespmem:s31+$0x15020] =	vst v10;
	v10 =	vpop (erf)  }
0x9d: {  	v12 =	vld [tilespmem:s22+$0x15020];
	v3 =	vadd.f32 v5, v3;
	[tilespmem:s31+$0x15030] =	vst v10;
	v5 =	vpop (erf)  }
0x9e: {  	v10 =	vld [tilespmem:s22+$0x15030];
	[tilespmem:s31+$0x15010] =	vst v5;
	v5 =	vpop (erf)  }
0x9f: {  	v13 =	vld [tilespmem:s22+$0x15010];
	v3 =	vsub.f32 $0.0e+00, v3;
	v7 =	vadd.f32 v7, v9;
	[tilespmem:s31+$0x15000] =	vst v5  }
0xa0: {  	v5 =	vld [tilespmem:s22+$0x15000];
	v6 =	vadd.f32 v8, v6;
	v8 =	vpop (erf)  }
0xa1: {  	v3 =	vmul.f32 $1.442695020e+00, v3;
	v9 =	vld [tilespmem:s22+$0x17060];
	v7 =	vsub.f32 $0.0e+00, v7;
	[tilespmem:s31+$0x15060] =	vst v8;
	s31 =	smov.u32 s22  }
0xa2: {  	v2 =	vadd.f32 v2, v12;
	v6 =	vsub.f32 $0.0e+00, v6;
	v8 =	vld [tilespmem:s31+$0x15060]  }
0xa3: {  	v1 =	vadd.f32 v1, v10;
	v7 =	vmul.f32 $1.442695020e+00, v7;
	(erf) = vpow2.f32 v3  }
0xa4: {  	v3 =	vadd.f32 v4, v13;
	v2 =	vsub.f32 $0.0e+00, v2;
	v4 =	vmul.f32 $1.442695020e+00, v6  }
0xa5: {  	v5 =	vadd.f32 v11, v5;
	v1 =	vsub.f32 $0.0e+00, v1;
	(erf) = vpow2.f32 v7  }
0xa6: {  	v3 =	vsub.f32 $0.0e+00, v3;
	v2 =	vmul.f32 $1.442695020e+00, v2;
	(erf) = vpow2.f32 v4  }
0xa7: {  	v4 =	vsub.f32 $0.0e+00, v5;
	v1 =	vmul.f32 $1.442695020e+00, v1;
	v5 =	vadd.f32 v9, v8  }
0xa8: {  	v3 =	vmul.f32 $1.442695020e+00, v3;
	(erf) = vpow2.f32 v2  }
0xa9: {  	v6 =	vmul.f32 $1.442695020e+00, v4;
	v4 =	vsub.f32 $0.0e+00, v5;
	(erf) = vpow2.f32 v1  }
0xaa: {  	(erf) = vpow2.f32 v3  }
0xab: {  	v3 =	vmul.f32 $1.442695020e+00, v4;
	(erf) = vpow2.f32 v6  }
0xac: {  	v2 =	vpop (erf)  }
0xad: {  	v2 =	vadd.f32 $1.000000000e+00, v2;
	(erf) = vpow2.f32 v3  }
0xae: {  	v1 =	vpop (erf)  }
.Ltmp1:
0xaf: {  	v4 =	vadd.f32 $1.000000000e+00, v1;
	v3 =	vpop (erf);
	(erf) = vrcp.f32 v2;
	(pc) =	sbr.rel @p0 .LBB2_6-.Ltmp1, $4  }
0xb0: {  	v5 =	vadd.f32 $1.000000000e+00, v3  }
0xb1: {  	v2 =	vpop (erf);
	(erf) = vrcp.f32 v4  }
0xb2: {  	v2 =	vadd.f32 $1.000000000e+00, v2;
	v1 =	vpop (erf);
	(erf) = vrcp.f32 v5  }
0xb3: {  	v1 =	vadd.f32 $1.000000000e+00, v1;
	v3 =	vpop (erf)  }
0xb4: {  	_ =	sdelay $0x1  }
0xb5: {  	v6 =	vpop (erf)  }
0xb6: {  	s20 =	sshra.s32 s21, $0x2;
	(erf) = vrcp.f32 v2;
	v3 =	vadd.f32 $1.000000000e+00, v3;
	v2 =	vpop (erf)  }
0xb7: {  	v4 =	vld [tilespmem:s20+$0x17020];
	v6 =	vadd.f32 $1.000000000e+00, v6;
	v9 =	vpop (erf);
	(erf) = vrcp.f32 v1  }
0xb8: {  	v5 =	vld [tilespmem:s20+$0x17030];
	(erf) = vrcp.f32 v3  }
0xb9: {  	v7 =	vld [tilespmem:s20+$0x17050];
	v2 =	vadd.f32 $1.000000000e+00, v2;
	(erf) = vrcp.f32 v6  }
0xba: {  	v8 =	vld [tilespmem:s20+$0x17010]  }
0xbb: {  	v10 =	vld [tilespmem:s20+$0x17070];
	[tilespmem:s31+$0x15050] =	vst v9;
	(erf) = vrcp.f32 v2  }
0xbc: {  	v1 =	vld [tilespmem:s20+$0x15050];
	v3 =	vpop (erf)  }
0xbd: {  	v9 =	vld [tilespmem:s20+$0x17040];
	[tilespmem:s31+$0x15070] =	vst v3;
	v3 =	vpop (erf)  }
0xbe: {  	v6 =	vld [tilespmem:s20+$0x15070];
	[tilespmem:s31+$0x15040] =	vst v3  }
0xbf: {  	v3 =	vld [tilespmem:s20+$0x15040];
	v2 =	vpop (erf)  }
0xc0: {  	v11 =	vld [tilespmem:s20+$0x17000];
	[tilespmem:s31+$0x15020] =	vst v2;
	v2 =	vpop (erf)  }
0xc1: {  	v12 =	vld [tilespmem:s20+$0x15020];
	[tilespmem:s31+$0x15030] =	vst v2;
	v2 =	vpop (erf)  }
0xc2: {  	v13 =	vld [tilespmem:s20+$0x15030];
	[tilespmem:s31+$0x15010] =	vst v2;
	v2 =	vpop (erf)  }
0xc3: {  	v1 =	vadd.f32 v7, v1;
	v14 =	vld [tilespmem:s20+$0x15010];
	[tilespmem:s31+$0x15000] =	vst v2  }
0xc4: {  	v6 =	vadd.f32 v10, v6;
	v7 =	vpop (erf);
	v2 =	vld [tilespmem:s20+$0x15000]  }
0xc5: {  	v1 =	vsub.f32 $0.0e+00, v1;
	v10 =	vld [tilespmem:s20+$0x17060];
	[tilespmem:s31+$0x15060] =	vst v7  }
0xc6: {  	v3 =	vadd.f32 v9, v3;
	v6 =	vsub.f32 $0.0e+00, v6;
	v7 =	vld [tilespmem:s20+$0x15060]  }
0xc7: {  	v1 =	vmul.f32 $1.442695020e+00, v1;
	v4 =	vadd.f32 v4, v12  }
0xc8: {  	v3 =	vsub.f32 $0.0e+00, v3;
	v6 =	vmul.f32 $1.442695020e+00, v6;
	v5 =	vadd.f32 v5, v13  }
0xc9: {  	(erf) = vpow2.f32 v1;
	v4 =	vsub.f32 $0.0e+00, v4;
	v1 =	vadd.f32 v8, v14  }
0xca: {  	v3 =	vmul.f32 $1.442695020e+00, v3;
	(erf) = vpow2.f32 v6;
	v5 =	vsub.f32 $0.0e+00, v5  }
0xcb: {  	v4 =	vmul.f32 $1.442695020e+00, v4;
	v1 =	vsub.f32 $0.0e+00, v1;
	v6 =	vadd.f32 v10, v7  }
0xcc: {  	(erf) = vpow2.f32 v3;
	v2 =	vadd.f32 v11, v2;
	v3 =	vmul.f32 $1.442695020e+00, v5  }
0xcd: {  	(erf) = vpow2.f32 v4;
	v1 =	vmul.f32 $1.442695020e+00, v1;
	v4 =	vsub.f32 $0.0e+00, v6  }
0xce: {  	v2 =	vsub.f32 $0.0e+00, v2;
	(erf) = vpow2.f32 v3  }
0xcf: {  	(erf) = vpow2.f32 v1;
	v1 =	vmul.f32 $1.442695020e+00, v4  }
0xd0: {  	v2 =	vmul.f32 $1.442695020e+00, v2;
	_ =	sdelay $0x1  }
0xd1: {  	(erf) = vpow2.f32 v2  }
0xd2: {  	(erf) = vpow2.f32 v1;
	v1 =	vpop (erf)  }
0xd3: {  	v1 =	vadd.f32 $1.000000000e+00, v1;
	v2 =	vpop (erf)  }
0xd4: {  	v2 =	vadd.f32 $1.000000000e+00, v2;
	v3 =	vpop (erf)  }
0xd5: {  	(erf) = vrcp.f32 v1;
	v1 =	vadd.f32 $1.000000000e+00, v3;
	v3 =	vpop (erf)  }
0xd6: {  	(erf) = vrcp.f32 v2;
	v2 =	vadd.f32 $1.000000000e+00, v3;
	v3 =	vpop (erf)  }
0xd7: {  	(erf) = vrcp.f32 v1;
	v1 =	vadd.f32 $1.000000000e+00, v3;
	_ =	sdelay $0x1  }
0xd8: {  	v3 =	vpop (erf)  }
0xd9: {  	v3 =	vadd.f32 $1.000000000e+00, v3;
	v4 =	vpop (erf);
	(erf) = vrcp.f32 v2  }
0xda: {  	v2 =	vadd.f32 $1.000000000e+00, v4;
	(erf) = vrcp.f32 v1;
	v1 =	vpop (erf)  }
0xdb: {  	(erf) = vrcp.f32 v3;
	v1 =	vadd.f32 $1.000000000e+00, v1  }
0xdc: {  	(erf) = vrcp.f32 v2  }
0xdd: {  	(erf) = vrcp.f32 v1;
	_ =	sdelay $0x1  }
0xde: {  	v1 =	vpop (erf)  }
0xdf: {  	[tilespmem:s20+$0x15050] =	vst v1;
	v1 =	vpop (erf)  }
0xe0: {  	[tilespmem:s20+$0x15070] =	vst v1;
	v1 =	vpop (erf)  }
0xe1: {  	[tilespmem:s20+$0x15040] =	vst v1;
	v1 =	vpop (erf)  }
0xe2: {  	[tilespmem:s20+$0x15020] =	vst v1;
	v1 =	vpop (erf)  }
0xe3: {  	[tilespmem:s20+$0x15030] =	vst v1;
	v1 =	vpop (erf)  }
0xe4: {  	[tilespmem:s20+$0x15010] =	vst v1;
	v1 =	vpop (erf)  }
0xe5: {  	[tilespmem:s20+$0x15000] =	vst v1;
	v1 =	vpop (erf)  }
0xe6: {  	[tilespmem:s20+$0x15060] =	vst v1  }
0xe7: {  	[tilespmem:s7], [sflag:$0x1] =	stream.indirect.gather [hbm4b:s17+s6], $0x80, s14, s6, $0xb8;
	[tilespmem:$0x19000] =	vst v63  }
0xe8: {  	_ =	swait.ge [sflag:s0], $0x2000  }
0xe9: {  	[sflag:s0] =	ssyncset.done $0x0  }
0xea: {  	s14 =	simm.s32 $0x0;
	[sflag:s0] =	ssyncadd.s32 $0xFFFFE000  }
0xeb: {  	v8 =	vld [tilespmem:s14+$0x17000]  }
0xec: {  	v12 =	vld [tilespmem:s14+$0x17010]  }
0xed: {  	v6 =	vld [tilespmem:s14+$0x17020]  }
0xee: {  	v5 =	vld [tilespmem:s14+$0x17030]  }
0xef: {  	v4 =	vld [tilespmem:s14+$0x17040]  }
0xf0: {  	v3 =	vld [tilespmem:s14+$0x17050]  }
0xf1: {  	v2 =	vld [tilespmem:s14+$0x17060]  }
0xf2: {  	v1 =	vld [tilespmem:s14+$0x17070]  }
0xf3: {  	v13 =	vld [tilespmem:s14+$0x15000]  }
0xf4: {  	v14 =	vld [tilespmem:s14+$0x15010]  }
0xf5: {  	v11 =	vld [tilespmem:s14+$0x15020]  }
0xf6: {  	v10 =	vld [tilespmem:s14+$0x15030]  }
0xf7: {  	v9 =	vld [tilespmem:s14+$0x15040]  }
0xf8: {  	v7 =	vld [tilespmem:s14+$0x15050];
	v13 =	vmul.f32 v8, v13  }
0xf9: {  	s20 =	simm.s32 $0x200;
	v12 =	vmul.f32 v12, v14;
	v8 =	vld [tilespmem:s14+$0x15060]  }
.LBB2_8:
0xfa: {  	s21 =	sshra.s32 s20, $0x2;
	p0 =	sne.s32 s20, $0x7E00;
	[tilespmem:s14+$0x15000] =	vst v13;
	v6 =	vmul.f32 v6, v11;
	v11 =	vld [tilespmem:s14+$0x15070]  }
0xfb: {  	v13 =	vld [tilespmem:s21+$0x17000];
	[tilespmem:s14+$0x15010] =	vst v12;
	v5 =	vmul.f32 v5, v10  }
0xfc: {  	v12 =	vld [tilespmem:s21+$0x17010];
	[tilespmem:s14+$0x15020] =	vst v6;
	v4 =	vmul.f32 v4, v9  }
0xfd: {  	v6 =	vld [tilespmem:s21+$0x17020];
	[tilespmem:s14+$0x15030] =	vst v5;
	v3 =	vmul.f32 v3, v7  }
0xfe: {  	v5 =	vld [tilespmem:s21+$0x17030];
	[tilespmem:s14+$0x15040] =	vst v4;
	v2 =	vmul.f32 v2, v8  }
0xff: {  	v4 =	vld [tilespmem:s21+$0x17040];
	[tilespmem:s14+$0x15050] =	vst v3;
	v1 =	vmul.f32 v1, v11  }
0x100: {  	v3 =	vld [tilespmem:s21+$0x17050];
	[tilespmem:s14+$0x15060] =	vst v2  }
0x101: {  	v2 =	vld [tilespmem:s21+$0x17060];
	[tilespmem:s14+$0x15070] =	vst v1;
	s14 =	smov.u32 s21  }
0x102: {  	v1 =	vld [tilespmem:s14+$0x17070]  }
0x103: {  	v7 =	vld [tilespmem:s14+$0x15000]  }
0x104: {  	v8 =	vld [tilespmem:s14+$0x15010]  }
.Ltmp2:
0x105: {  	v11 =	vld [tilespmem:s14+$0x15020];
	(pc) =	sbr.rel @p0 .LBB2_8-.Ltmp2, $4  }
0x106: {  	v10 =	vld [tilespmem:s14+$0x15030]  }
0x107: {  	v9 =	vld [tilespmem:s14+$0x15040]  }
0x108: {  	v13 =	vmul.f32 v13, v7;
	v7 =	vld [tilespmem:s14+$0x15050]  }
0x109: {  	s20 =	sadd.s32 $0x200, s20;
	v12 =	vmul.f32 v12, v8;
	v8 =	vld [tilespmem:s14+$0x15060]  }
0x10a: {  	[tilespmem:s14+$0x15000] =	vst v13;
	v6 =	vmul.f32 v6, v11;
	v63 =	vld [tilespmem:s14+$0x15070]  }
0x10b: {  	[tilespmem:s14+$0x15010] =	vst v12;
	v5 =	vmul.f32 v5, v10  }
0x10c: {  	[tilespmem:s14+$0x15020] =	vst v6;
	v4 =	vmul.f32 v4, v9  }
0x10d: {  	[tilespmem:s14+$0x15030] =	vst v5;
	v3 =	vmul.f32 v3, v7  }
0x10e: {  	[tilespmem:s14+$0x15040] =	vst v4;
	v2 =	vmul.f32 v2, v8  }
0x10f: {  	s12 =	sadd.s32 $0x1, s12;
	[tilespmem:s14+$0x15050] =	vst v3;
	v1 =	vmul.f32 v1, v63  }
0x110: {  	p0 =	sne.s32 s12, $0x10;
	[tilespmem:s14+$0x15060] =	vst v2  }
.Ltmp3:
0x111: {  	[tilespmem:s14+$0x15070] =	vst v1;
	(pc) =	sbr.rel @p0 .LBB2_5-.Ltmp3, $4  }
0x112: {  	[spmem:s1] =	stream.indirect.scatter.add.f32 [tilespmem:s11], [sflag:$0x1], $0x80, s13, s6, $0xb8;
	[tilespmem:$0x19000] =	vst v63  }
0x113: {  	_ =	swait.ge [sflag:s0], $0x2000  }
0x114: {  	[sflag:s0] =	ssyncset.done $0x0  }
0x115: {  	[sflag:s0] =	ssyncadd.s32 $0xFFFFE000  }
0x116: {  	s10 =	sadd.s32 $0x1, s10  }
0x117: {  	p0 =	sne.s32 s10, $0xA  }
.Ltmp4:
0x118: {  	_ = 	snop;
	(pc) =	sbr.rel @p0 .LBB2_4-.Ltmp4, $1  }
0x119: {  	_ =	sdelay $0x3  }
0x11a: {  	[bflag:$0x0] =	sbarrier.arrive $0xFFFF  }
0x11b: {  	[tilespmem:s11], [sflag:$0x1] =	stream.linear.gather [spmem:s23], $0x2000, $0x38;
	[tilespmem:$0x19000] =	vst v63  }
0x11c: {  	_ =	swait.ge [sflag:s0], $0x2000  }
0x11d: {  	[sflag:s0] =	ssyncset.done $0x0  }
0x11e: {  	s9 =	rddreg [dreg:$0x3];
	[sflag:s0] =	ssyncadd.s32 $0xFFFFE000  }
0x11f: {  	[hbm4b:s9+s2] =	stream.linear.scatter [tilespmem:s11], [sflag:$0x1], $0x2000, $0x38;
	[tilespmem:$0x19000] =	vst v63  }
0x120: {  	_ =	swait.ge [sflag:s0], $0x2000  }
0x121: {  	[sflag:s0] =	ssyncset.done $0x0  }
0x122: {  	[sflag:s0] =	ssyncadd.s32 $0xFFFFE000  }
0x123: {  	[tilespmem:s11], [sflag:$0x1] =	stream.linear.gather [spmem:s24], $0x2000, $0x38;
	[tilespmem:$0x19000] =	vst v63  }
0x124: {  	_ =	swait.ge [sflag:s0], $0x2000  }
0x125: {  	[sflag:s0] =	ssyncset.done $0x0  }
0x126: {  	s20 =	rddreg [dreg:$0x4];
	[sflag:s0] =	ssyncadd.s32 $0xFFFFE000  }
0x127: {  	[hbm4b:s20+s2] =	stream.linear.scatter [tilespmem:s11], [sflag:$0x1], $0x2000, $0x38;
	[tilespmem:$0x19000] =	vst v63  }
0x128: {  	_ =	swait.ge [sflag:s0], $0x2000  }
0x129: {  	[sflag:s0] =	ssyncset.done $0x0  }
0x12a: {  	s21 =	rddreg [dreg:$0xd];
	[sflag:s0] =	ssyncadd.s32 $0xFFFFE000  }
0x12b: {  	[tilespmem:s11], [sflag:$0x1] =	stream.linear.gather [spmem:s21], $0x2000, $0x38;
	[tilespmem:$0x19000] =	vst v63  }
0x12c: {  	_ =	swait.ge [sflag:s0], $0x2000  }
0x12d: {  	[sflag:s0] =	ssyncset.done $0x0  }
0x12e: {  	s22 =	rddreg [dreg:$0x5];
	[sflag:s0] =	ssyncadd.s32 $0xFFFFE000  }
0x12f: {  	[hbm4b:s22+s2] =	stream.linear.scatter [tilespmem:s11], [sflag:$0x1], $0x2000, $0x38;
	[tilespmem:$0x19000] =	vst v63  }
0x130: {  	_ =	swait.ge [sflag:s0], $0x2000  }
0x131: {  	[sflag:s0] =	ssyncset.done $0x0  }
0x132: {  	s13 =	smov.u32 s23;
	s23 =	rddreg [dreg:$0xe];
	[sflag:s0] =	ssyncadd.s32 $0xFFFFE000  }
0x133: {  	[tilespmem:s11], [sflag:$0x1] =	stream.linear.gather [spmem:s23], $0x2000, $0x38;
	[tilespmem:$0x19000] =	vst v63  }
0x134: {  	_ =	swait.ge [sflag:s0], $0x2000  }
0x135: {  	[sflag:s0] =	ssyncset.done $0x0  }
0x136: {  	s31 =	smov.u32 s24;
	s24 =	rddreg [dreg:$0x6];
	[sflag:s0] =	ssyncadd.s32 $0xFFFFE000  }
0x137: {  	[hbm4b:s24+s2] =	stream.linear.scatter [tilespmem:s11], [sflag:$0x1], $0x2000, $0x38;
	[tilespmem:$0x19000] =	vst v63  }
0x138: {  	_ =	swait.ge [sflag:s0], $0x2000  }
0x139: {  	[sflag:s0] =	ssyncset.done $0x0  }
0x13a: {  	s10 =	rddreg [dreg:$0xf];
	[sflag:s0] =	ssyncadd.s32 $0xFFFFE000  }
0x13b: {  	[tilespmem:s11], [sflag:$0x1] =	stream.linear.gather [spmem:s10], $0x2000, $0x38;
	[tilespmem:$0x19000] =	vst v63  }
0x13c: {  	_ =	swait.ge [sflag:s0], $0x2000  }
0x13d: {  	[sflag:s0] =	ssyncset.done $0x0  }
0x13e: {  	s12 =	rddreg [dreg:$0x7];
	[sflag:s0] =	ssyncadd.s32 $0xFFFFE000  }
0x13f: {  	[hbm4b:s12+s2] =	stream.linear.scatter [tilespmem:s11], [sflag:$0x1], $0x2000, $0x38;
	[tilespmem:$0x19000] =	vst v63  }
0x140: {  	_ =	swait.ge [sflag:s0], $0x2000  }
0x141: {  	[sflag:s0] =	ssyncset.done $0x0  }
0x142: {  	[sflag:s0] =	ssyncadd.s32 $0xFFFFE000  }
0x143: {  	[tilespmem:s11], [sflag:$0x1] =	stream.linear.gather [spmem:s25], $0x2000, $0x38;
	[tilespmem:$0x19000] =	vst v63  }
0x144: {  	_ =	swait.ge [sflag:s0], $0x2000  }
0x145: {  	[sflag:s0] =	ssyncset.done $0x0  }
0x146: {  	s14 =	rddreg [dreg:$0x8];
	[sflag:s0] =	ssyncadd.s32 $0xFFFFE000  }
0x147: {  	[hbm4b:s14+s2] =	stream.linear.scatter [tilespmem:s11], [sflag:$0x1], $0x2000, $0x38;
	[tilespmem:$0x19000] =	vst v63  }
0x148: {  	_ =	swait.ge [sflag:s0], $0x2000  }
0x149: {  	[sflag:s0] =	ssyncset.done $0x0  }
0x14a: {  	[sflag:s0] =	ssyncadd.s32 $0xFFFFE000  }
0x14b: {  	[tilespmem:s11], [sflag:$0x1] =	stream.linear.gather [spmem:s26], $0x2000, $0x38;
	[tilespmem:$0x19000] =	vst v63  }
0x14c: {  	_ =	swait.ge [sflag:s0], $0x2000  }
0x14d: {  	[sflag:s0] =	ssyncset.done $0x0  }
0x14e: {  	s20 =	rddreg [dreg:$0x9];
	[sflag:s0] =	ssyncadd.s32 $0xFFFFE000  }
0x14f: {  	[hbm4b:s20+s2] =	stream.linear.scatter [tilespmem:s11], [sflag:$0x1], $0x2000, $0x38;
	[tilespmem:$0x19000] =	vst v63  }
0x150: {  	_ =	swait.ge [sflag:s0], $0x2000  }
0x151: {  	[sflag:s0] =	ssyncset.done $0x0  }
0x152: {  	[sflag:s0] =	ssyncadd.s32 $0xFFFFE000  }
0x153: {  	[tilespmem:s11], [sflag:$0x1] =	stream.linear.gather [spmem:s28], $0x2000, $0x38;
	[tilespmem:$0x19000] =	vst v63  }
0x154: {  	_ =	swait.ge [sflag:s0], $0x2000  }
0x155: {  	[sflag:s0] =	ssyncset.done $0x0  }
0x156: {  	s21 =	rddreg [dreg:$0xa];
	[sflag:s0] =	ssyncadd.s32 $0xFFFFE000  }
0x157: {  	[hbm4b:s21+s2] =	stream.linear.scatter [tilespmem:s11], [sflag:$0x1], $0x2000, $0x38;
	[tilespmem:$0x19000] =	vst v63  }
0x158: {  	_ =	swait.ge [sflag:s0], $0x2000  }
0x159: {  	[sflag:s0] =	ssyncset.done $0x0  }
0x15a: {  	[sflag:s0] =	ssyncadd.s32 $0xFFFFE000  }
0x15b: {  	[tilespmem:s11], [sflag:$0x1] =	stream.linear.gather [spmem:s29], $0x2000, $0x38;
	[tilespmem:$0x19000] =	vst v63  }
0x15c: {  	_ =	swait.ge [sflag:s0], $0x2000  }
0x15d: {  	[sflag:s0] =	ssyncset.done $0x0  }
0x15e: {  	s22 =	rddreg [dreg:$0xb];
	[sflag:s0] =	ssyncadd.s32 $0xFFFFE000  }
0x15f: {  	[hbm4b:s22+s2] =	stream.linear.scatter [tilespmem:s11], [sflag:$0x1], $0x2000, $0x38;
	[tilespmem:$0x19000] =	vst v63  }
0x160: {  	_ =	swait.ge [sflag:s0], $0x2000  }
0x161: {  	[sflag:s0] =	ssyncset.done $0x0  }
0x162: {  	[sflag:s0] =	ssyncadd.s32 $0xFFFFE000  }
0x163: {  	[tilespmem:s11], [sflag:$0x1] =	stream.linear.gather [spmem:s30], $0x2000, $0x38;
	[tilespmem:$0x19000] =	vst v63  }
0x164: {  	_ =	swait.ge [sflag:s0], $0x2000  }
0x165: {  	[sflag:s0] =	ssyncset.done $0x0  }
0x166: {  	s23 =	rddreg [dreg:$0xc];
	[sflag:s0] =	ssyncadd.s32 $0xFFFFE000  }
0x167: {  	[hbm4b:s23+s2] =	stream.linear.scatter [tilespmem:s11], [sflag:$0x1], $0x2000, $0x38;
	[tilespmem:$0x19000] =	vst v63  }
0x168: {  	_ =	swait.ge [sflag:s0], $0x2000  }
0x169: {  	s8 =	sadd.s32 $0x1, s8;
	s24 =	rddreg [dreg:$0x10]  }
0x16a: {  	p0 =	sne.s32 s8, s24  }
.Ltmp5:
0x16b: {  	_ = 	snop;
	(pc) =	sbr.rel @p0 .LBB2_1-.Ltmp5, $3  }
0x16c: {  	_ =	sdelay $0x1  }
0x16d: {  	[sflag:s0] =	ssyncset.done $0x0  }
0x16e: {  	[sflag:s0] =	ssyncadd.s32 $0xFFFFE000  }
0x16f: {  	_ =	sfence.sel $0x180000  }
0x170: {  	[bflag:$0x0] =	sbarrier.arrive $0xFFFF  }
0x171: {  	_ =	strace $0x9000004D  }
0x172: {  	s0 =	stileid.u32;
	[bflag:$0x2] =	sbarrier.arrive $0xFFFF  }
0x173: {  	p0 =	sne.s32 s0, $0x0;
	s0 =	rddreg [dreg:$0x2]  }
0x174: {  	s0 =	sadd.s32 @!p0 $0x100000, s0  }
0x175: {  	[sflag:s0] =	ssyncadd.tile.s32 @!p0 $0x1;
	_ =	shalt  }
.Lfunc_end2:
_tile_overlayer_lowered:
.L_overlay_start_2:
0x176: {  	(tag) =	ssettag $0x2  }
0x177: {  	s0 =	rddreg [dreg:$0x0];
	s2 =	stileid.u32  }
0x178: {  	s1 =	rddreg [dreg:$0x1];
	p0 =	sne.s32 s2, $0x0  }
0x179: {  	s3 =	rddreg [dreg:$0x2];
	[bflag:$0x3] =	sbarrier.arrive $0xFFFF;
	s2 =	simm.s32 @!p0 $0x1C01  }
0x17a: {  	[timem:s3], [sflag:s2] =	dma.local @!p0 [hbm:s0], s1  }
0x17b: {  	s0 =	simm.s32 @!p0 $0x1  }
0x17c: {  	_ =	swait.ge @!p0 [sflag:s0], s1  }
0x17d: {  	s1 =	ssub.s32 @!p0 $0x0, s1;
	[sflag:s0] =	ssyncset.done @!p0 $0x0  }
0x17e: {  	[sflag:s0] =	ssyncadd.s32 @!p0 s1  }
0x17f: {  	[bflag:$0x3] =	sbarrier.arrive $0xFFFF  }
0x180: {  	_ =	shalt  }

// kernel: kernel.8.cloned.1.call-start
scs
__scs_entry_jumppad:
0x0: {  	(pc) =	sbr.rel $0x88, $3  }
0x1: {  	(tag) =	ssettag $0x0;
	lr =	simm.s32 $0x1  }
0x2: {  	[smem:$0x3F8E] =	sst lr;
	_ =	strace $0xD0000000  }
0x3: {  	_ = 	snop  }
0x4: {  	_ = 	snop  }
0x5: {  	_ = 	snop  }
0x6: {  	_ = 	snop  }
0x7: {  	_ = 	snop  }
__scs_overlays_trampoline_lowered:
0x8: {  	[smem:$0x3F9D] =	sst s0  }
0x9: {  	[smem:$0x3F9E] =	sst s1  }
0xa: {  	[smem:$0x3F9F] =	sst s2  }
0xb: {  	[smem:$0x3FA0] =	sst s3  }
0xc: {  	[smem:$0x3FA1] =	sst s4  }
0xd: {  	[smem:$0x3FA2] =	sst s5  }
0xe: {  	[smem:$0x3FA3] =	sst s6  }
0xf: {  	[smem:$0x3FA4] =	sst s7  }
0x10: {  	[smem:$0x3FA5] =	sst s8  }
0x11: {  	[smem:$0x3FA6] =	sst s9;
	s0 =	simm.s32 @!p0 $0x0  }
0x12: {  	s1 =	sld [smem:$0x3F8C];
	s0 =	simm.s32 @p0 $0x1  }
0x13: {  	[smem:$0x3FA7] =	sst s0;
	s0 =	simm.s32 @!p1 $0x0  }
0x14: {  	s2 =	sld [smem:$0x3F8B];
	s0 =	simm.s32 @p1 $0x1  }
0x15: {  	[smem:$0x3FA8] =	sst s0;
	s0 =	simm.s32 @!p2 $0x0  }
0x16: {  	s3 =	sld [smem:$0x3FDB];
	s0 =	simm.s32 @p2 $0x1  }
0x17: {  	s4 =	simm.s32 $0x1BF5;
	[smem:$0x3FAA] =	sst s0  }
0x18: {  	s0 =	sld [smem:$0x3F8D];
	_ =	swait.ge [sflag:s4], $0x0  }
0x19: {  	s7 =	sld [smem:$0x3F8E]  }
0x1a: {  	s8 =	sadd.s32 $0xFFFFE003, lr  }
0x1b: {  	s9 =	sadd.s32 $0xFFFFFEF7, lr;
	s5 =	simm.s32 $0xFFFFFFFF;
	p2 =	slt.u32 s8, $0xFFFFF086  }
0x1c: {  	p1 =	slt.u32 s9, $0xF7A;
	s5 =	simm.s32 @!p2 $0x0  }
0x1d: {  	s5 =	simm.s32 @p1 $0x1;
	p0 =	seq.s32 s7, s2  }
0x1e: {  	s7 =	smul.u32 @!p0 $0xF7A, s2;
	p2 =	seq.s32 @!p0 s5, $0x0  }
0x1f: {  	s9 =	smul.u32 $0xF7A, s1;
	s8 =	simm.s32 @!p0 $0x1BF5;
	p2 =	por !p2, p0  }
0x20: {  	[sflag:s8] =	ssyncset.s32 @!p0 $0xFFFFF086;
	s6 =	sadd.s32 @!p0 s3, s7;
	s7 =	simm.s32 @!p0 $0x108  }
0x21: {  	s3 =	sadd.s32 s3, s9;
	s6 =	sadd.s32 @!p0 $0x88, s6;
	s7 =	simm.s32 @p2 $0x1082  }
0x22: {  	[simem:s7], [sflag:s8] =	dma.local @!p0 [hbm:s6], $0xF7A  }
0x23: {  	s9 =	sor.u32 $0xD0000000, s2;
	s6 =	simm.s32 $0x108;
	_ =	swait.ge @!p0 [sflag:s8], $0x0  }
0x24: {  	s3 =	sadd.s32 $0x88, s3;
	s6 =	simm.s32 @!p1 $0x1082;
	[sflag:s4] =	ssyncset.s32 $0xFFFFF086  }
0x25: {  	[simem:s6], [sflag:s4] =	dma.local [hbm:s3], $0xF7A  }
0x26: {  	[smem:$0x3F8E] =	sst s1;
	(tag) =	ssettag s2;
	_ =	strace s9  }
0x27: {  	s1 =	sld [smem:$0x3F9E]  }
0x28: {  	s2 =	sld [smem:$0x3F9F]  }
0x29: {  	s4 =	sld [smem:$0x3FA1]  }
0x2a: {  	p0 =	seq.s32 s5, $0x0;
	s5 =	sld [smem:$0x3FA2]  }
0x2b: {  	s6 =	sld [smem:$0x3FA3]  }
0x2c: {  	s7 =	sld [smem:$0x3FA4]  }
0x2d: {  	s3 =	simm.s32 $0x108;
	s8 =	sld [smem:$0x3FA5]  }
0x2e: {  	s3 =	simm.s32 @!p0 $0x1082;
	s9 =	sld [smem:$0x3FA6]  }
0x2f: {  	lr =	sadd.s32 s0, s3;
	s0 =	sld [smem:$0x3F9D]  }
0x30: {  	s3 =	sld [smem:$0x3FA0]  }
0x31: {  	[smem:$0x3FA9] =	sst s10  }
0x32: {  	s10 =	sld [smem:$0x3FA7];
	_ =	sdelay $0x3  }
0x33: {  	p0 =	seq.s32 s10, $0x1;
	s10 =	sld [smem:$0x3FA9];
	_ =	sdelay $0x3  }
0x34: {  	[smem:$0x3FA9] =	sst s10  }
0x35: {  	s10 =	sld [smem:$0x3FA8];
	_ =	sdelay $0x3  }
0x36: {  	p1 =	seq.s32 s10, $0x1;
	s10 =	sld [smem:$0x3FA9];
	_ =	sdelay $0x3  }
0x37: {  	[smem:$0x3FA9] =	sst s10  }
0x38: {  	s10 =	sld [smem:$0x3FAA]  }
0x39: {  	_ = 	snop;
	(pc) =	sbr.ind lr, $3  }
0x3a: {  	_ = 	snop  }
0x3b: {  	_ = 	snop  }
0x3c: {  	p2 =	seq.s32 s10, $0x1;
	s10 =	sld [smem:$0x3FA9]  }
0x3d: {  	_ =	shalt  }
0x3e: {  	_ =	shalt  }
0x3f: {  	_ =	shalt  }
0x40: {  	_ =	shalt  }
0x41: {  	_ =	shalt  }
0x42: {  	_ =	shalt  }
0x43: {  	_ =	shalt  }
0x44: {  	_ =	shalt  }
0x45: {  	_ =	shalt  }
0x46: {  	_ =	shalt  }
0x47: {  	_ =	shalt  }
0x48: {  	_ =	shalt  }
0x49: {  	_ =	shalt  }
0x4a: {  	_ =	shalt  }
0x4b: {  	_ =	shalt  }
0x4c: {  	_ =	shalt  }
0x4d: {  	_ =	shalt  }
0x4e: {  	_ =	shalt  }
0x4f: {  	_ =	shalt  }
0x50: {  	_ =	shalt  }
0x51: {  	_ =	shalt  }
0x52: {  	_ =	shalt  }
0x53: {  	_ =	shalt  }
0x54: {  	_ =	shalt  }
0x55: {  	_ =	shalt  }
0x56: {  	_ =	shalt  }
0x57: {  	_ =	shalt  }
0x58: {  	_ =	shalt  }
0x59: {  	_ =	shalt  }
0x5a: {  	_ =	shalt  }
0x5b: {  	_ =	shalt  }
0x5c: {  	_ =	shalt  }
0x5d: {  	_ =	shalt  }
0x5e: {  	_ =	shalt  }
0x5f: {  	_ =	shalt  }
0x60: {  	_ =	shalt  }
0x61: {  	_ =	shalt  }
0x62: {  	_ =	shalt  }
0x63: {  	_ =	shalt  }
0x64: {  	_ =	shalt  }
0x65: {  	_ =	shalt  }
0x66: {  	_ =	shalt  }
0x67: {  	_ =	shalt  }
0x68: {  	_ =	shalt  }
0x69: {  	_ =	shalt  }
0x6a: {  	_ =	shalt  }
0x6b: {  	_ =	shalt  }
0x6c: {  	_ =	shalt  }
0x6d: {  	_ =	shalt  }
0x6e: {  	_ =	shalt  }
0x6f: {  	_ =	shalt  }
0x70: {  	_ =	shalt  }
0x71: {  	_ =	shalt  }
0x72: {  	_ =	shalt  }
0x73: {  	_ =	shalt  }
0x74: {  	_ =	shalt  }
0x75: {  	_ =	shalt  }
0x76: {  	_ =	shalt  }
0x77: {  	_ =	shalt  }
0x78: {  	_ =	shalt  }
0x79: {  	_ =	shalt  }
0x7a: {  	_ =	shalt  }
0x7b: {  	_ =	shalt  }
0x7c: {  	_ =	shalt  }
0x7d: {  	_ =	shalt  }
0x7e: {  	_ =	shalt  }
0x7f: {  	_ =	shalt  }
0x80: {  	_ =	shalt  }
0x81: {  	_ =	shalt  }
0x82: {  	_ =	shalt  }
0x83: {  	_ =	shalt  }
0x84: {  	_ =	shalt  }
0x85: {  	_ =	shalt  }
0x86: {  	_ =	shalt  }
0x87: {  	_ =	shalt  }
.Lfunc_end0:
.L_simem_size_0:
called_computation_lowered:
.L_overlay_start_0:
0x88: {  	s2 =	sld [smem:$0x3FD9]  }
0x89: {  	s3 =	sld [smem:$0x3FFE];
	_ =	sdelay $0x1  }
0x8a: {  	s1 =	srdreg.scid  }
0x8b: {  	s0 =	sand.u32 $0x1, s1  }
0x8c: {  	s16 =	sshll.u32 s0, $0xA;
	s2 =	sadd.s32 s3, s2  }
0x8d: {  	s2 =	sadd.s32 s2, s16  }
0x8e: {  	[smem:$0x3FB5] =	sst s2  }
0x8f: {  	_ = 	snop  }
0x90: {  	(tm) =	ssettm $0x1  }
0x91: {  	s17 =	sld [smem:$0x3FFB];
	_ =	sdelay $0x3  }
0x92: {  	_ =	strace s17  }
0x93: {  	s2 =	sld [smem:$0x3FFC];
	_ =	sdelay $0x3  }
0x94: {  	_ =	strace s2  }
0x95: {  	s2 =	sld [smem:$0x3FFD];
	_ =	sdelay $0x3  }
0x96: {  	_ =	strace s2  }
0x97: {  	_ =	strace $0x8FFFFFFF  }
0x98: {  	s18 =	sld [smem:$0x3FDB];
	_ =	sdelay $0x1  }
0x99: {  	s19 =	simm.s32 $_scs_section_size  }
0x9a: {  	s4 =	simm.s32 $_size__tile_overlayer_lowered;
	s5 =	simm.s32 $_tile_overlayer_lowered  }
0x9b: {  	s22 =	simm.s32 $0x1BFF;
	s21 =	sshll.u32 s5, $0x1;
	s2 =	sadd.s32 s19, s18  }
0x9c: {  	s6 =	simm.s32 $0x0;
	s20 =	sshll.u32 s4, $0x1;
	s4 =	sadd.s32 s21, s2  }
0x9d: {  	[timem:s6], [sflag:s22] =	dma.local [hbm:s4], s20  }
0x9e: {  	_ =	swait.ge [sflag:s22], s20  }
0x9f: {  	s3 =	ssub.s32 $0x0, s20;
	[sflag:s22] =	ssyncset.done $0x0  }
0xa0: {  	[sflag:s22] =	ssyncadd.s32 s3;
	_ =	sdelay $0x1  }
0xa1: {  	s23 =	simm.s32 $0x1B8B  }
0xa2: {  	_ =	swait.ge [sflag:s23], $0x1  }
0xa3: {  	[sflag:s23] =	ssyncset.done $0x0  }
0xa4: {  	s25 =	simm.s32 $0x1B8E;
	s24 =	sld [smem:$0x3FFE];
	[sflag:s23] =	ssyncadd.s32 $0xFFFFFFFF  }
0xa5: {  	s26 =	simm.s32 $execute0_lowered;
	[smem:$0x3FD2] =	sst s25  }
0xa6: {  	s4 =	sshll.u32 s26, $0x1;
	_ =	strace $0x80000046;
	[dreg:$0x1] =	wrdreg $0xFFFFFFFF  }
0xa7: {  	s28 =	simm.s32 $_size_execute0_lowered;
	s2 =	sadd.s32 s2, s4;
	[dreg:$0x0] =	wrdreg $0x0  }
0xa8: {  	s4 =	sshll.u32 s28, $0x1;
	[dreg:$0x2] =	wrdreg s2  }
0xa9: {  	[dreg:$0x3] =	wrdreg s4  }
0xaa: {  	[dreg:$0x4] =	wrdreg $0xC0  }
0xab: {  	_ =	task [dreg:s6], $0x5FFFF  }
0xac: {  	[dreg:$0x1] =	wrdreg $0xFFFFFFFF  }
0xad: {  	[dreg:$0x0] =	wrdreg $0x60  }
0xae: {  	[dreg:$0x2] =	wrdreg s24  }
0xaf: {  	[dreg:$0x3] =	wrdreg $0x0  }
0xb0: {  	[dreg:$0x4] =	wrdreg $0x2800  }
0xb1: {  	[dreg:$0x5] =	wrdreg $0x9  }
0xb2: {  	_ =	task.clear_ibuf [dreg:s6], $0x6FFFF;
	_ =	strace $0x90000046  }
0xb3: {  	s29 =	simm.s32 $0x9;
	_ =	strace $0x80000048  }
0xb4: {  	_ =	swait.ge [sflag:s29], $0x1  }
0xb5: {  	[sflag:s29] =	ssyncadd.s32 $0xFFFFFFFF  }
0xb6: {  	_ =	strace $0x90000048  }
0xb7: {  	_ =	sfence  }
0xb8: {  	s30 =	sld [smem:$0x0];
	_ =	sdelay $0x2  }
0xb9: {  	s31 =	sshll.u32 s1, $0xD;
	s1 =	sshrl.u32 s1, $0x2  }
0xba: {  	s3 =	sand.u32 $0x4000, s31;
	s1 =	sadd.s32 s1, s30  }
0xbb: {  	s0 =	sor.u32 s3, s0;
	s1 =	sshll.u32 s1, $0x11  }
0xbc: {  	s0 =	sor.u32 s1, s0  }
0xbd: {  	s0 =	sadd.s32 $0x8F2B, s0  }
0xbe: {  	[sflag:s0] =	ssyncadd.remote.s32 $0x1  }
0xbf: {  	_ =	sfence.sel $0xFFFF  }
0xc0: {  	[dreg:$0x0] =	wrdreg $0xFFFFFFFF;
	(pc) =	sbr.abs _section_cstart, $3  }
0xc1: {  	[dreg:$0x1] =	wrdreg $0xFFFFFFFF  }
0xc2: {  	_ =	task.clear_ibuf [dreg:s6], $0x2FFFF;
	_ =	strace $0x9FFFFFFF  }
0xc3: {  	(tm) =	ssettm $0x7FFFFFFF  }
tec
execute0_lowered:
.L_overlay_start_1:
0x0: {  	(tag) =	ssettag $0x1  }
0x1: {  	s4 =	rddreg [dreg:$0x0]  }
0x2: {  	s0 =	rddreg [dreg:$0x1];
	s1 =	srdreg.scid  }
0x3: {  	s2 =	rddreg [dreg:$0x2];
	s10 =	stileid.u32;
	s3 =	simm.s32 $0x0  }
0x4: {  	s13 =	simm.s32 $0x2AA8;
	s14 =	simm.s32 $0x80;
	s15 =	simm.s32 $0x2CA8  }
0x5: {  	s16 =	simm.s32 $0x2B28;
	s17 =	simm.s32 $0x2BA8;
	s18 =	simm.s32 $0x100  }
0x6: {  	s5 =	sand.u32 $0x1, s1;
	s1 =	rddreg [dreg:$0x3];
	s7 =	smul.u32 $0x2800, s10  }
0x7: {  	s19 =	simm.s32 $0x0;
	[smem:$0x7FF] =	sst s3;
	s8 =	smul.u32 $0x500, s10  }
0x8: {  	s9 =	sshll.u32 s10, $0x6;
	s12 =	smul.u32 $0xA00, s10;
	p0 =	sne.s32 s10, $0x0  }
0x9: {  	s10 =	simm.s32 $0x2D28;
	s6 =	smul.u32 $0x28000, s5;
	_ =	strace $0x80000047  }
0xa: {  	s24 =	sshll.u32 s5, $0x7;
	s25 =	sadd.s32 s9, s4;
	s26 =	sshll.u32 s5, $0x4  }
0xb: {  	s11 =	ssub.s32 $0x2, s5;
	s30 =	sshll.u32 s5, $0xA;
	s9 =	sadd.s32 s26, s4  }
0xc: {  	s28 =	sshrl.u32 s11, $0x1;
	s29 =	sshrl.u32 s12, $0x2;
	s31 =	sadd.s32 s30, s25  }
0xd: {  	s12 =	simm.s32 $0x2A8;
	s6 =	sadd.s32 s7, s6;
	s7 =	sor.u32 s24, s8  }
0xe: {  	s11 =	ssub.s32 s11, s28;
	s8 =	sadd.s32 $0x19400, s9;
	s6 =	sshrl.u32 s6, $0x3  }
0xf: {  	s7 =	sshrl.u32 s7, $0x3;
	s9 =	smax.u32 s11, $0x1;
	s11 =	simm.s32 $0x1  }
0x10: {  	s6 =	sadd.s32 s6, s4;
	s7 =	sadd.s32 s7, s4;
	s4 =	sadd.s32 s29, s0  }
0x11: {  	v0 =	vimm.f32 $0.0e+00;
	v1 =	vimm.f32 $1.000000000e+00;
	s5 =	sadd.s32 $0xEA00, s6;
	s6 =	sadd.s32 $0x4200, s31;
	s7 =	sadd.s32 $0x18A00, s7  }
.LBB2_1:
0x12: {  	[tilespmem:$0x2D28] =	vst v0  }
0x13: {  	[tilespmem:$0x2D38] =	vst v0  }
0x14: {  	[tilespmem:$0x2D48] =	vst v0  }
0x15: {  	[tilespmem:$0x2D58] =	vst v0  }
0x16: {  	[tilespmem:$0x2D68] =	vst v0  }
0x17: {  	[tilespmem:$0x2D78] =	vst v0  }
0x18: {  	[tilespmem:$0x2D88] =	vst v0  }
0x19: {  	[tilespmem:$0x2D98] =	vst v0  }
0x1a: {  	[tilespmem:$0x2DA8] =	vst v0  }
0x1b: {  	[tilespmem:$0x2DB8] =	vst v0  }
0x1c: {  	[tilespmem:$0x2DC8] =	vst v0  }
0x1d: {  	[tilespmem:$0x2DD8] =	vst v0  }
0x1e: {  	[tilespmem:$0x2DE8] =	vst v0  }
0x1f: {  	[tilespmem:$0x2DF8] =	vst v0  }
0x20: {  	[tilespmem:$0x2E08] =	vst v0  }
0x21: {  	[tilespmem:$0x2E18] =	vst v0  }
0x22: {  	[tilespmem:$0x2E28] =	vst v0  }
0x23: {  	[tilespmem:$0x2E38] =	vst v0  }
0x24: {  	[tilespmem:$0x2E48] =	vst v0  }
0x25: {  	[tilespmem:$0x2E58] =	vst v0  }
0x26: {  	[tilespmem:$0x2E68] =	vst v0  }
0x27: {  	[tilespmem:$0x2E78] =	vst v0  }
0x28: {  	[tilespmem:$0x2E88] =	vst v0  }
0x29: {  	[tilespmem:$0x2E98] =	vst v0  }
0x2a: {  	[tilespmem:$0x2EA8] =	vst v0  }
0x2b: {  	[tilespmem:$0x2EB8] =	vst v0  }
0x2c: {  	[tilespmem:$0x2EC8] =	vst v0  }
0x2d: {  	[tilespmem:$0x2ED8] =	vst v0  }
0x2e: {  	[tilespmem:$0x2EE8] =	vst v0  }
0x2f: {  	[tilespmem:$0x2EF8] =	vst v0  }
0x30: {  	[tilespmem:$0x2F08] =	vst v0  }
0x31: {  	[tilespmem:$0x2F18] =	vst v0  }
0x32: {  	[tilespmem:$0x2F28] =	vst v0  }
0x33: {  	[tilespmem:$0x2F38] =	vst v0  }
0x34: {  	[tilespmem:$0x2F48] =	vst v0  }
0x35: {  	[tilespmem:$0x2F58] =	vst v0  }
0x36: {  	[tilespmem:$0x2F68] =	vst v0  }
0x37: {  	[tilespmem:$0x2F78] =	vst v0  }
0x38: {  	[tilespmem:$0x2F88] =	vst v0  }
0x39: {  	[tilespmem:$0x2F98] =	vst v0  }
0x3a: {  	[tilespmem:$0x2CA8] =	vst v1  }
0x3b: {  	[tilespmem:$0x2CB8] =	vst v1  }
0x3c: {  	[tilespmem:$0x2CC8] =	vst v1  }
0x3d: {  	[tilespmem:$0x2CD8] =	vst v1  }
0x3e: {  	[tilespmem:$0x2CE8] =	vst v1  }
0x3f: {  	[tilespmem:$0x2CF8] =	vst v1  }
0x40: {  	[tilespmem:$0x2D08] =	vst v1  }
0x41: {  	[tilespmem:$0x2D18] =	vst v1  }
0x42: {  	[spmem:s4] =	stream.linear.scatter [tilespmem:s10], [sflag:$0x1], $0x280, $0x38;
	[tilespmem:$0x2FA8] =	vst v63  }
0x43: {  	_ =	swait.ge [sflag:s11], $0x280  }
0x44: {  	[sflag:s11] =	ssyncset.done $0x0  }
0x45: {  	s20 =	simm.s32 @!p0 $0x2D28;
	[sflag:s11] =	ssyncadd.s32 $0xFFFFFD80  }
0x46: {  	[spmem:s2] =	stream.linear.scatter @!p0 [tilespmem:s20], [sflag:$0x1], $0x280, $0x38;
	[tilespmem:$0x2FA8] =	vst v63  }
0x47: {  	s20 =	simm.s32 @!p0 $0x1  }
0x48: {  	_ =	swait.ge @!p0 [sflag:s20], $0x280  }
0x49: {  	[sflag:s20] =	ssyncset.done @!p0 $0x0  }
0x4a: {  	[sflag:s20] =	ssyncadd.s32 @!p0 $0xFFFFFD80  }
0x4b: {  	[tilespmem:s12], [sflag:$0x1] =	stream.linear.gather [hbm4b:s5+s3], $0x2800, $0x38;
	[tilespmem:$0x2FA8] =	vst v63  }
0x4c: {  	_ =	swait.ge [sflag:s11], $0x2800  }
0x4d: {  	[sflag:s11] =	ssyncset.done $0x0  }
0x4e: {  	[sflag:s11] =	ssyncadd.s32 $0xFFFFD800  }
0x4f: {  	[tilespmem:s13], [sflag:$0x1] =	stream.linear.gather [hbm4b:s6+s3], $0x180, $0x38;
	[tilespmem:$0x2FA8] =	vst v63  }
0x50: {  	_ =	swait.ge [sflag:s11], $0x180  }
0x51: {  	[sflag:s11] =	ssyncset.done $0x0  }
0x52: {  	[sflag:s11] =	ssyncadd.s32 $0xFFFFFE80  }
0x53: {  	s31 =	simm.s32 $0x2A8;
	[bflag:$0x0] =	sbarrier.arrive $0xFFFF  }
0x54: {  	[spmem:s0] =	stream.indirect.scatter.add.f32 [tilespmem:s15], [sflag:$0x1], $0x1, s31, s14, $0xb8;
	[tilespmem:$0x2FA8] =	vst v63  }
0x55: {  	s20 =	simm.s32 $0x200;
	_ =	swait.ge [sflag:s11], $0x80  }
.LBB2_2:
0x56: {  	s21 =	sshra.s32 s20, $0x2;
	[sflag:s11] =	ssyncset.done $0x0;
	p1 =	sne.s32 s20, $0x9E00  }
.Ltmp0:
0x57: {  	s21 =	sadd.s32 $0x2A8, s21;
	[sflag:s11] =	ssyncadd.s32 $0xFFFFFF80;
	(pc) =	sbr.rel @p1 .LBB2_2-.Ltmp0, $3  }
0x58: {  	[spmem:s0] =	stream.indirect.scatter.add.f32 [tilespmem:s15], [sflag:$0x1], $0x1, s21, s14, $0xb8;
	[tilespmem:$0x2FA8] =	vst v63  }
0x59: {  	s20 =	sadd.s32 $0x200, s20;
	_ =	sdelay $0x1  }
0x5a: {  	_ =	swait.ge [sflag:s11], $0x80  }
0x5b: {  	[sflag:s11] =	ssyncset.done $0x0  }
0x5c: {  	[sflag:s11] =	ssyncadd.s32 $0xFFFFFF80  }
0x5d: {  	[spmem:s2] =	stream.indirect.scatter.add.f32 [tilespmem:s15], [sflag:$0x1], $0x1, s13, s14, $0xb8;
	[tilespmem:$0x2FA8] =	vst v63  }
0x5e: {  	_ =	swait.ge [sflag:s11], $0x80  }
0x5f: {  	[sflag:s11] =	ssyncset.done $0x0  }
0x60: {  	[sflag:s11] =	ssyncadd.s32 $0xFFFFFF80  }
0x61: {  	[spmem:s2] =	stream.indirect.scatter.add.f32 [tilespmem:s15], [sflag:$0x1], $0x1, s16, s14, $0xb8;
	[tilespmem:$0x2FA8] =	vst v63  }
0x62: {  	_ =	swait.ge [sflag:s11], $0x80  }
0x63: {  	[sflag:s11] =	ssyncset.done $0x0  }
0x64: {  	[sflag:s11] =	ssyncadd.s32 $0xFFFFFF80  }
0x65: {  	[spmem:s2] =	stream.indirect.scatter.add.f32 [tilespmem:s15], [sflag:$0x1], $0x1, s17, s14, $0xb8;
	[tilespmem:$0x2FA8] =	vst v63  }
0x66: {  	_ =	swait.ge [sflag:s11], $0x80  }
0x67: {  	[sflag:s11] =	ssyncset.done $0x0  }
0x68: {  	[sflag:s11] =	ssyncadd.s32 $0xFFFFFF80  }
0x69: {  	[bflag:$0x0] =	sbarrier.arrive $0xFFFF  }
0x6a: {  	[tilespmem:s10], [sflag:$0x1] =	stream.linear.gather [spmem:s4], $0x280, $0x38;
	[tilespmem:$0x2FA8] =	vst v63  }
0x6b: {  	_ =	swait.ge [sflag:s11], $0x280  }
0x6c: {  	[sflag:s11] =	ssyncset.done $0x0  }
0x6d: {  	[sflag:s11] =	ssyncadd.s32 $0xFFFFFD80  }
0x6e: {  	[hbm4b:s7+s14] =	stream.strided.scatter [tilespmem:s10], [sflag:$0x1], $0x280, s18, s14, $0x38;
	[tilespmem:$0x2FA8] =	vst v63  }
0x6f: {  	_ =	swait.ge [sflag:s11], $0x280  }
0x70: {  	[sflag:s11] =	ssyncset.done $0x0  }
0x71: {  	s20 =	simm.s32 @!p0 $0x2D28;
	s21 =	simm.s32 @!p0 $0x1;
	[sflag:s11] =	ssyncadd.s32 $0xFFFFFD80  }
0x72: {  	[tilespmem:s20], [sflag:$0x1] =	stream.linear.gather @!p0 [spmem:s2], $0x280, $0x38;
	[tilespmem:$0x2FA8] =	vst v63  }
0x73: {  	s19 =	sadd.s32 $0x1, s19;
	_ =	swait.ge @!p0 [sflag:s21], $0x280  }
0x74: {  	s22 =	simm.s32 @!p0 $0x80;
	p1 =	sne.s32 s19, s9;
	[sflag:s21] =	ssyncset.done @!p0 $0x0  }
.Ltmp1:
0x75: {  	s23 =	simm.s32 @!p0 $0x100;
	[sflag:s21] =	ssyncadd.s32 @!p0 $0xFFFFFD80;
	(pc) =	sbr.rel @p1 .LBB2_1-.Ltmp1, $4  }
0x76: {  	[hbm4b:s8+s22] =	stream.strided.scatter @!p0 [tilespmem:s20], [sflag:$0x1], $0x280, s23, s22, $0x38;
	[tilespmem:$0x2FA8] =	vst v63  }
0x77: {  	_ =	swait.ge @!p0 [sflag:s21], $0x280  }
0x78: {  	[sflag:s21] =	ssyncset.done @!p0 $0x0  }
0x79: {  	[sflag:s21] =	ssyncadd.s32 @!p0 $0xFFFFFD80  }
0x7a: {  	_ =	sfence.sel $0x180000  }
0x7b: {  	[bflag:$0x0] =	sbarrier.arrive $0xFFFF  }
0x7c: {  	_ =	strace $0x90000047  }
0x7d: {  	s0 =	sadd.s32 @!p0 $0x100000, s1;
	[bflag:$0x2] =	sbarrier.arrive $0xFFFF  }
0x7e: {  	[sflag:s0] =	ssyncadd.tile.s32 @!p0 $0x1;
	_ =	shalt  }
.Lfunc_end2:
_tile_overlayer_lowered:
.L_overlay_start_2:
0x7f: {  	(tag) =	ssettag $0x2  }
0x80: {  	s0 =	rddreg [dreg:$0x0];
	s2 =	stileid.u32  }
0x81: {  	s1 =	rddreg [dreg:$0x1];
	p0 =	sne.s32 s2, $0x0  }
0x82: {  	s3 =	rddreg [dreg:$0x2];
	[bflag:$0x3] =	sbarrier.arrive $0xFFFF;
	s2 =	simm.s32 @!p0 $0x1C01  }
0x83: {  	[timem:s3], [sflag:s2] =	dma.local @!p0 [hbm:s0], s1  }
0x84: {  	s0 =	simm.s32 @!p0 $0x1  }
0x85: {  	_ =	swait.ge @!p0 [sflag:s0], s1  }
0x86: {  	s1 =	ssub.s32 @!p0 $0x0, s1;
	[sflag:s0] =	ssyncset.done @!p0 $0x0  }
0x87: {  	[sflag:s0] =	ssyncadd.s32 @!p0 s1  }
0x88: {  	[bflag:$0x3] =	sbarrier.arrive $0xFFFF  }
0x89: {  	_ =	shalt  }

</sc_bundles>
